<compile_context>
chip_gen: v7x
topology: tpu7x:2x2x1
jax: 0.10.2.dev20260603
libtpu: 0.0.44.dev20260713+nightly
codegen_flags: <defaults>
</compile_context>

<pallas_src>
import functools

import jax
import jax.numpy as jnp
from jax import lax
from jax.experimental import pallas as pl
from jax.experimental.pallas import tpu as pltpu
from jax.experimental.pallas import tpu_sc as plsc

_NC = 2
_NS = 16
_NW = _NC * _NS
_LANES = 16


def _softplus(y):
    u = jnp.exp(-jnp.abs(y))
    z = u / (u + 2.0)
    z2 = z * z
    p = 2.0 * z * (1.0 + z2 * (1.0 / 3.0 + z2 * (1.0 / 5.0 + z2 * (1.0 / 7.0 + z2 * (1.0 / 9.0)))))
    return jnp.maximum(y, 0.0) + p


def _make_sc_kernel(V, D, B, L, C, NEG):
    NB = B // _NW
    PB = NB * C
    NC4 = D // _LANES
    NH = (C * NEG) // 2
    CIDX_ROWS = (NB * L) // 128

    mesh = plsc.VectorSubcoreMesh(
        core_axis_name="c", subcore_axis_name="s",
        num_cores=_NC, num_subcores=_NS)

    @functools.partial(
        pl.kernel,
        out_type=(
            jax.ShapeDtypeStruct((_NW, _LANES), jnp.float32),
            jax.ShapeDtypeStruct((_NW, _LANES), jnp.float32),
        ),
        mesh=mesh,
        scratch_types=[
            pltpu.VMEM((CIDX_ROWS, 128), jnp.int32),
            pltpu.VMEM((NB,), jnp.int32),
            pltpu.VMEM((NB, D), jnp.float32),
            pltpu.VMEM((NB, D), jnp.float32),
            pltpu.VMEM((NB, C), jnp.int32),
            pltpu.VMEM((PB,), jnp.int32),
            pltpu.VMEM((NB * 2, NH), jnp.int32),
            pltpu.VMEM((C, D), jnp.float32),
            pltpu.VMEM((C, D), jnp.float32),
            pltpu.VMEM((C * NEG, D), jnp.float32),
            pltpu.VMEM((C * NEG, D), jnp.float32),
            pltpu.VMEM((NEG + 1, _LANES, 17), jnp.float32),
            pltpu.VMEM((_LANES,), jnp.float32),
            pltpu.SemaphoreType.DMA,
            pltpu.SemaphoreType.DMA,
            pltpu.SemaphoreType.DMA,
        ],
        compiler_params=pltpu.CompilerParams(
            needs_layout_passes=False, use_tc_tiling_on_sc=False),
    )
    def sc_kernel(ctr_tab, ctx_tab, cw_h, lens_h, oidx_h, oflat_h, nidx_h,
                  loss_out, cnt_out,
                  cidx_v, lens_v, crows, mwe_v, oidx_v, oflat_v, nidx_v,
                  orow0, orow1, nrow0, nrow1, stage, res_v, sem0, sem1, sema):
        wid = lax.axis_index("s") * _NC + lax.axis_index("c")
        iota = lax.iota(jnp.int32, _LANES)

        pltpu.sync_copy(cw_h.at[wid], cidx_v)
        pltpu.sync_copy(lens_h.at[wid], lens_v)
        pltpu.sync_copy(oidx_h.at[wid], oidx_v)
        pltpu.sync_copy(oflat_h.at[wid], oflat_v)
        pltpu.sync_copy(nidx_h.at[wid], nidx_v)

        def issue(t, orow, nrow, sem):
            pltpu.async_copy(ctx_tab.at[oidx_v.at[t]], orow, sem)
            pltpu.async_copy(ctx_tab.at[nidx_v.at[2 * t]],
                             nrow.at[pl.ds(0, NH)], sem)
            pltpu.async_copy(ctx_tab.at[nidx_v.at[2 * t + 1]],
                             nrow.at[pl.ds(NH, NH)], sem)

        issue(0, orow0, nrow0, sem0)
        issue(1, orow1, nrow1, sem1)

        for j in range(CIDX_ROWS):
            pltpu.async_copy(ctr_tab.at[cidx_v.at[j]], crows, sema).wait()
            for g in range(2):
                lb32 = iota + g * _LANES
                lb = lb32 + j * 32
                lenv = lens_v[pl.ds(j * 32 + g * _LANES, _LANES)]
                recip = 1.0 / jnp.maximum(lenv.astype(jnp.float32), 1.0)
                row0 = lb32 * L

                def a_body(d, _, row0=row0, lenv=lenv, recip=recip, lb=lb):
                    dd = jnp.full((_LANES,), 0, jnp.int32) + d
                    acc = jnp.zeros((_LANES,), jnp.float32)
                    for l in range(L):
                        e = plsc.load_gather(crows, [row0 + l, dd])
                        acc = acc + jnp.where(lenv > l, e, 0.0)
                    plsc.store_scatter(mwe_v, [lb, dd], acc * recip)
                    return 0

                lax.fori_loop(0, D, a_body, 0)

        def drain(orow, nrow, sem):
            pltpu.make_async_copy(ctx_tab.at[pl.ds(0, C)], orow, sem).wait()
            pltpu.make_async_copy(ctx_tab.at[pl.ds(0, C * NEG)], nrow, sem).wait()

        def fold(p_hi, carry):
            lacc, cacc = carry
            scores = []
            for s in range(NEG + 1):
                srow = stage.at[s]
                acc = srow.at[0][pl.ds(0, _LANES)]
                for r in range(1, _LANES):
                    acc = acc + srow.at[r][pl.ds(0, _LANES)]
                scores.append(acc)
            ow16 = oflat_v[pl.ds(p_hi - (_LANES - 1), _LANES)]
            maskf = (ow16 != 0).astype(jnp.float32)
            ploss = _softplus(-scores[0])
            for k in range(NEG):
                ploss = ploss + _softplus(scores[k + 1])
            return (lacc + ploss * maskf, cacc + maskf)

        def compute(t, orow, nrow, carry):
            m = [mwe_v.at[t][pl.ds(c * _LANES, _LANES)] for c in range(NC4)]

            def p_body(j, carry, m=m, orow=orow, nrow=nrow):
                jm = (t * C + j) & (_LANES - 1)
                jmv = jnp.full((_LANES,), 0, jnp.int32) + jm
                orowj = orow.at[j]
                prod = m[0] * orowj[pl.ds(0, _LANES)]
                for c in range(1, NC4):
                    prod = prod + m[c] * orowj[pl.ds(c * _LANES, _LANES)]
                plsc.store_scatter(stage.at[0], [iota, jmv], prod)
                for k in range(NEG):
                    nrowk = nrow.at[j * NEG + k]
                    prod = m[0] * nrowk[pl.ds(0, _LANES)]
                    for c in range(1, NC4):
                        prod = prod + m[c] * nrowk[pl.ds(c * _LANES, _LANES)]
                    plsc.store_scatter(stage.at[k + 1], [iota, jmv], prod)

                def do_fold(carry=carry):
                    return fold(t * C + j, carry)

                def no_fold(carry=carry):
                    return carry

                return lax.cond(jm == _LANES - 1, do_fold, no_fold)

            return lax.fori_loop(0, C, p_body, carry)

        zero = jnp.zeros((_LANES,), jnp.float32)

        def chunk_body(i, carry):
            t0 = 2 * i
            drain(orow0, nrow0, sem0)
            carry = compute(t0, orow0, nrow0, carry)

            @pl.when(t0 + 2 < NB)
            def _():
                issue(t0 + 2, orow0, nrow0, sem0)

            drain(orow1, nrow1, sem1)
            carry = compute(t0 + 1, orow1, nrow1, carry)

            @pl.when(t0 + 3 < NB)
            def _():
                issue(t0 + 3, orow1, nrow1, sem1)

            return carry

        lacc, cacc = lax.fori_loop(0, NB // 2, chunk_body, (zero, zero))

        res_v[...] = lacc
        pltpu.sync_copy(res_v, loss_out.at[wid])
        res_v[...] = cacc
        pltpu.sync_copy(res_v, cnt_out.at[wid])

    return sc_kernel


def kernel(center_words, center_words_len, outside_words, negative_samples,
           center_table, context_table):
    B, L = center_words.shape
    _, C = outside_words.shape
    BC, NEG = negative_samples.shape
    V, D = center_table.shape
    NB = B // _NW
    PB = NB * C

    cw = center_words.astype(jnp.int32).reshape(_NW, (NB * L) // 128, 128)
    lens = center_words_len.astype(jnp.int32).reshape(_NW, NB)
    oidx = outside_words.astype(jnp.int32).reshape(_NW, NB, C)
    oflat = outside_words.astype(jnp.int32).reshape(_NW, PB)
    nidx = negative_samples.astype(jnp.int32).reshape(_NW, NB * 2, (C * NEG) // 2)

    f = _make_sc_kernel(V, D, B, L, C, NEG)
    loss_p, cnt_p = f(center_table, context_table, cw, lens, oidx, oflat, nidx)
    return jnp.sum(loss_p) / jnp.maximum(jnp.sum(cnt_p), 1.0)

# --- scband reference (transcript-rebuilt; emitter-appended) ---
"""Pipeline reference for scband-mweskip-gram-task-model-15401752723630 (READ-ONLY COPY).

The authoritative reference and input builder live on the scoring server;
editing this copy changes nothing except your own understanding.
"""

import jax, jax.numpy as jnp
import numpy as np

VOCAB = 100000
DIM = 64
B = 4096
MAX_ENT_LEN = 4
CTX = 50
NEG = 5


def setup_inputs(seed: int = 0) -> dict:
    key = jax.random.key(seed)
    ks = jax.random.split(key, 6)
    # indices generated in [1, VOCAB) so index 0 (padding) never appears,
    # matching the alignment assumption of the original module between
    # outside_words and negative_samples rows.
    center_words = jax.random.randint(ks[0], (B, MAX_ENT_LEN), 1, VOCAB)
    center_words_len = jax.random.randint(ks[1], (B,), 1, MAX_ENT_LEN + 1)
    outside_words = jax.random.randint(ks[2], (B, CTX), 1, VOCAB)
    negative_samples = jax.random.randint(ks[3], (B * CTX, NEG), 1, VOCAB)
    center_table = jax.random.normal(ks[4], (VOCAB, DIM), dtype=jnp.float32) * 0.02
    context_table = jax.random.normal(ks[5], (VOCAB, DIM), dtype=jnp.float32) * 0.02
    return {
        "center_words": center_words,
        "center_words_len": center_words_len,
        "outside_words": outside_words,
        "negative_samples": negative_samples,
        "center_table": center_table,
        "context_table": context_table,
    }


def _mwe_f(emb, lens):
    # mean-pool the multi-word entity embeddings over the valid positions
    L = emb.shape[1]
    mask = (jnp.arange(L)[None, :] < lens[:, None]).astype(emb.dtype)
    summed = jnp.sum(emb * mask[:, :, None], axis=1)
    denom = jnp.maximum(lens.astype(emb.dtype), 1.0)[:, None]
    return summed / denom


def reference(center_words, center_words_len, outside_words, negative_samples, center_table, context_table):
    b, c = outside_words.shape
    pad_mask = (outside_words.reshape(-1) != 0).astype(jnp.float32)
    # center (entity) embedding lookup -> mwe composition function
    center_emb = jnp.take(center_table, center_words, axis=0)  # (B, L, D)
    mwe = _mwe_f(center_emb, center_words_len)  # (B, D)
    d = mwe.shape[1]
    mwe_exp = jnp.broadcast_to(mwe[:, None, :], (b, c, d)).reshape(-1, d)  # (B*C, D)
    # context embedding lookups
    outside_emb = jnp.take(context_table, outside_words, axis=0).reshape(-1, d)  # (B*C, D)
    neg_emb = jnp.take(context_table, negative_samples, axis=0)  # (B*C, NEG, D)
    # skip-gram negative sampling loss (Mikolov 2013)
    positive_loss = -jax.nn.log_sigmoid(jnp.sum(outside_emb * mwe_exp, axis=1))
    neg_scores = jnp.einsum("bnd,bd->bn", -neg_emb, mwe_exp)
    negative_loss = jnp.sum(-jax.nn.log_sigmoid(neg_scores), axis=1)
    loss = (positive_loss + negative_loss) * pad_mask
    return jnp.sum(loss) / jnp.maximum(jnp.sum(pad_mask), 1.0)

if __name__ == "__main__":
    import jax
    _d = setup_inputs()
    print(jax.jit(kernel)(*tuple(_d.values())))

</pallas_src>

<mosaic_0001>
#map = affine_map<(d0, d1) -> (0, 0)>
#map1 = affine_map<(d0, d1) -> (0, 0, 0)>
module attributes {stable_mosaic.version = 14 : i64} {
  func.func @sc_kernel(%arg0: i32, %arg1: i32, %arg2: memref<100000x64xf32, #tpu.memory_space<hbm>>, %arg3: memref<100000x64xf32, #tpu.memory_space<hbm>>, %arg4: memref<32x4x128xi32, #tpu.memory_space<hbm>>, %arg5: memref<32x128xi32, #tpu.memory_space<hbm>>, %arg6: memref<32x128x50xi32, #tpu.memory_space<hbm>>, %arg7: memref<32x6400xi32, #tpu.memory_space<hbm>>, %arg8: memref<32x256x125xi32, #tpu.memory_space<hbm>>, %arg9: memref<32x16xf32, #tpu.memory_space<hbm>>, %arg10: memref<32x16xf32, #tpu.memory_space<hbm>>, %arg11: memref<4x128xi32, #tpu.memory_space<vmem>>, %arg12: memref<128xi32, #tpu.memory_space<vmem>>, %arg13: memref<128x64xf32, #tpu.memory_space<vmem>>, %arg14: memref<128x64xf32, #tpu.memory_space<vmem>>, %arg15: memref<128x50xi32, #tpu.memory_space<vmem>>, %arg16: memref<6400xi32, #tpu.memory_space<vmem>>, %arg17: memref<256x125xi32, #tpu.memory_space<vmem>>, %arg18: memref<50x64xf32, #tpu.memory_space<vmem>>, %arg19: memref<50x64xf32, #tpu.memory_space<vmem>>, %arg20: memref<250x64xf32, #tpu.memory_space<vmem>>, %arg21: memref<250x64xf32, #tpu.memory_space<vmem>>, %arg22: memref<6x16x17xf32, #tpu.memory_space<vmem>>, %arg23: memref<16xf32, #tpu.memory_space<vmem>>, %arg24: memref<!tpu.dma_semaphore, #tpu.memory_space<semaphore_mem>>, %arg25: memref<!tpu.dma_semaphore, #tpu.memory_space<semaphore_mem>>, %arg26: memref<!tpu.dma_semaphore, #tpu.memory_space<semaphore_mem>>) attributes {dimension_semantics = [#tpu.dimension_semantics<core_parallel>, #tpu.dimension_semantics<subcore_parallel>], iteration_bounds = array<i64: 2, 16>, scalar_prefetch = 0 : i64, scratch_operands = 16 : i64, tpu.core_type = #tpu.core_type<sc_vector_subcore>, window_params = [{transform_indices = #map}, {transform_indices = #map}, {transform_indices = #map1}, {transform_indices = #map}, {transform_indices = #map1}, {transform_indices = #map}, {transform_indices = #map1}, {transform_indices = #map}, {transform_indices = #map}]} {
    %mul3A = arith.constant 2 : i32
    %mul3A_0 = arith.muli %arg1, %mul3A : i32
    %add3A = arith.addi %mul3A_0, %arg0 : i32
    %iota3A = tpu.iota {dimensions = array<i32: 0>} : vector<16xi32>
    "tpu.region"() ({
      %run_scoped3A = tpu.sem_alloc : memref<!tpu.dma_semaphore, #tpu.memory_space<semaphore_mem>>
      %dma_start3A_314 = arith.constant 0 : i32
      %dma_start3A_315 = arith.constant 0 : i32
      %dma_start3A_316 = tpu.memref_slice %arg4[%add3A, %dma_start3A_314, %dma_start3A_315] : memref<32x4x128xi32, #tpu.memory_space<hbm>> -> memref<1x4x128xi32, #tpu.memory_space<hbm>>
      %dma_start3A_317 = tpu.memref_squeeze %dma_start3A_316 : memref<1x4x128xi32, #tpu.memory_space<hbm>> -> memref<4x128xi32, #tpu.memory_space<hbm>>
      %dma_start3A_318 = arith.constant 0 : i32
      %dma_start3A_319 = arith.constant 0 : i32
      %dma_start3A_320 = tpu.memref_slice %arg4[%add3A, %dma_start3A_318, %dma_start3A_319] : memref<32x4x128xi32, #tpu.memory_space<hbm>> -> memref<1x4x128xi32, #tpu.memory_space<hbm>>
      %dma_start3A_321 = tpu.memref_squeeze %dma_start3A_320 : memref<1x4x128xi32, #tpu.memory_space<hbm>> -> memref<4x128xi32, #tpu.memory_space<hbm>>
      tpu.enqueue_dma source(%dma_start3A_321 : memref<4x128xi32, #tpu.memory_space<hbm>>) target(%arg11 : memref<4x128xi32, #tpu.memory_space<vmem>>) target_semaphore(%run_scoped3A : memref<!tpu.dma_semaphore, #tpu.memory_space<semaphore_mem>>)
      %dma_wait3A_322 = arith.constant 0 : i32
      %dma_wait3A_323 = arith.constant 0 : i32
      %dma_wait3A_324 = tpu.memref_slice %arg4[%add3A, %dma_wait3A_322, %dma_wait3A_323] : memref<32x4x128xi32, #tpu.memory_space<hbm>> -> memref<1x4x128xi32, #tpu.memory_space<hbm>>
      %dma_wait3A_325 = tpu.memref_squeeze %dma_wait3A_324 : memref<1x4x128xi32, #tpu.memory_space<hbm>> -> memref<4x128xi32, #tpu.memory_space<hbm>>
      %dma_wait3A_326 = arith.constant 0 : i32
      %dma_wait3A_327 = arith.constant 0 : i32
      %dma_wait3A_328 = tpu.memref_slice %arg4[%add3A, %dma_wait3A_326, %dma_wait3A_327] : memref<32x4x128xi32, #tpu.memory_space<hbm>> -> memref<1x4x128xi32, #tpu.memory_space<hbm>>
      %dma_wait3A_329 = tpu.memref_squeeze %dma_wait3A_328 : memref<1x4x128xi32, #tpu.memory_space<hbm>> -> memref<4x128xi32, #tpu.memory_space<hbm>>
      tpu.wait_dma2 semaphore(%run_scoped3A : memref<!tpu.dma_semaphore, #tpu.memory_space<semaphore_mem>>) src(%dma_wait3A_329 : memref<4x128xi32, #tpu.memory_space<hbm>>) dst(%arg11 : memref<4x128xi32, #tpu.memory_space<vmem>>)
      tpu.yield
    }) : () -> ()
    "tpu.region"() ({
      %run_scoped3A = tpu.sem_alloc : memref<!tpu.dma_semaphore, #tpu.memory_space<semaphore_mem>>
      %dma_start3A_314 = arith.constant 0 : i32
      %dma_start3A_315 = tpu.memref_slice %arg5[%add3A, %dma_start3A_314] : memref<32x128xi32, #tpu.memory_space<hbm>> -> memref<1x128xi32, #tpu.memory_space<hbm>>
      %dma_start3A_316 = tpu.memref_squeeze %dma_start3A_315 : memref<1x128xi32, #tpu.memory_space<hbm>> -> memref<128xi32, #tpu.memory_space<hbm>>
      %dma_start3A_317 = arith.constant 0 : i32
      %dma_start3A_318 = tpu.memref_slice %arg5[%add3A, %dma_start3A_317] : memref<32x128xi32, #tpu.memory_space<hbm>> -> memref<1x128xi32, #tpu.memory_space<hbm>>
      %dma_start3A_319 = tpu.memref_squeeze %dma_start3A_318 : memref<1x128xi32, #tpu.memory_space<hbm>> -> memref<128xi32, #tpu.memory_space<hbm>>
      tpu.enqueue_dma source(%dma_start3A_319 : memref<128xi32, #tpu.memory_space<hbm>>) target(%arg12 : memref<128xi32, #tpu.memory_space<vmem>>) target_semaphore(%run_scoped3A : memref<!tpu.dma_semaphore, #tpu.memory_space<semaphore_mem>>)
      %dma_wait3A_320 = arith.constant 0 : i32
      %dma_wait3A_321 = tpu.memref_slice %arg5[%add3A, %dma_wait3A_320] : memref<32x128xi32, #tpu.memory_space<hbm>> -> memref<1x128xi32, #tpu.memory_space<hbm>>
      %dma_wait3A_322 = tpu.memref_squeeze %dma_wait3A_321 : memref<1x128xi32, #tpu.memory_space<hbm>> -> memref<128xi32, #tpu.memory_space<hbm>>
      %dma_wait3A_323 = arith.constant 0 : i32
      %dma_wait3A_324 = tpu.memref_slice %arg5[%add3A, %dma_wait3A_323] : memref<32x128xi32, #tpu.memory_space<hbm>> -> memref<1x128xi32, #tpu.memory_space<hbm>>
      %dma_wait3A_325 = tpu.memref_squeeze %dma_wait3A_324 : memref<1x128xi32, #tpu.memory_space<hbm>> -> memref<128xi32, #tpu.memory_space<hbm>>
      tpu.wait_dma2 semaphore(%run_scoped3A : memref<!tpu.dma_semaphore, #tpu.memory_space<semaphore_mem>>) src(%dma_wait3A_325 : memref<128xi32, #tpu.memory_space<hbm>>) dst(%arg12 : memref<128xi32, #tpu.memory_space<vmem>>)
      tpu.yield
    }) : () -> ()
    "tpu.region"() ({
      %run_scoped3A = tpu.sem_alloc : memref<!tpu.dma_semaphore, #tpu.memory_space<semaphore_mem>>
      %dma_start3A_314 = arith.constant 0 : i32
      %dma_start3A_315 = arith.constant 0 : i32
      %dma_start3A_316 = tpu.memref_slice %arg6[%add3A, %dma_start3A_314, %dma_start3A_315] : memref<32x128x50xi32, #tpu.memory_space<hbm>> -> memref<1x128x50xi32, #tpu.memory_space<hbm>>
      %dma_start3A_317 = tpu.memref_squeeze %dma_start3A_316 : memref<1x128x50xi32, #tpu.memory_space<hbm>> -> memref<128x50xi32, #tpu.memory_space<hbm>>
      %dma_start3A_318 = arith.constant 0 : i32
      %dma_start3A_319 = arith.constant 0 : i32
      %dma_start3A_320 = tpu.memref_slice %arg6[%add3A, %dma_start3A_318, %dma_start3A_319] : memref<32x128x50xi32, #tpu.memory_space<hbm>> -> memref<1x128x50xi32, #tpu.memory_space<hbm>>
      %dma_start3A_321 = tpu.memref_squeeze %dma_start3A_320 : memref<1x128x50xi32, #tpu.memory_space<hbm>> -> memref<128x50xi32, #tpu.memory_space<hbm>>
      tpu.enqueue_dma source(%dma_start3A_321 : memref<128x50xi32, #tpu.memory_space<hbm>>) target(%arg15 : memref<128x50xi32, #tpu.memory_space<vmem>>) target_semaphore(%run_scoped3A : memref<!tpu.dma_semaphore, #tpu.memory_space<semaphore_mem>>)
      %dma_wait3A_322 = arith.constant 0 : i32
      %dma_wait3A_323 = arith.constant 0 : i32
      %dma_wait3A_324 = tpu.memref_slice %arg6[%add3A, %dma_wait3A_322, %dma_wait3A_323] : memref<32x128x50xi32, #tpu.memory_space<hbm>> -> memref<1x128x50xi32, #tpu.memory_space<hbm>>
      %dma_wait3A_325 = tpu.memref_squeeze %dma_wait3A_324 : memref<1x128x50xi32, #tpu.memory_space<hbm>> -> memref<128x50xi32, #tpu.memory_space<hbm>>
      %dma_wait3A_326 = arith.constant 0 : i32
      %dma_wait3A_327 = arith.constant 0 : i32
      %dma_wait3A_328 = tpu.memref_slice %arg6[%add3A, %dma_wait3A_326, %dma_wait3A_327] : memref<32x128x50xi32, #tpu.memory_space<hbm>> -> memref<1x128x50xi32, #tpu.memory_space<hbm>>
      %dma_wait3A_329 = tpu.memref_squeeze %dma_wait3A_328 : memref<1x128x50xi32, #tpu.memory_space<hbm>> -> memref<128x50xi32, #tpu.memory_space<hbm>>
      tpu.wait_dma2 semaphore(%run_scoped3A : memref<!tpu.dma_semaphore, #tpu.memory_space<semaphore_mem>>) src(%dma_wait3A_329 : memref<128x50xi32, #tpu.memory_space<hbm>>) dst(%arg15 : memref<128x50xi32, #tpu.memory_space<vmem>>)
      tpu.yield
    }) : () -> ()
    "tpu.region"() ({
      %run_scoped3A = tpu.sem_alloc : memref<!tpu.dma_semaphore, #tpu.memory_space<semaphore_mem>>
      %dma_start3A_314 = arith.constant 0 : i32
      %dma_start3A_315 = tpu.memref_slice %arg7[%add3A, %dma_start3A_314] : memref<32x6400xi32, #tpu.memory_space<hbm>> -> memref<1x6400xi32, #tpu.memory_space<hbm>>
      %dma_start3A_316 = tpu.memref_squeeze %dma_start3A_315 : memref<1x6400xi32, #tpu.memory_space<hbm>> -> memref<6400xi32, #tpu.memory_space<hbm>>
      %dma_start3A_317 = arith.constant 0 : i32
      %dma_start3A_318 = tpu.memref_slice %arg7[%add3A, %dma_start3A_317] : memref<32x6400xi32, #tpu.memory_space<hbm>> -> memref<1x6400xi32, #tpu.memory_space<hbm>>
      %dma_start3A_319 = tpu.memref_squeeze %dma_start3A_318 : memref<1x6400xi32, #tpu.memory_space<hbm>> -> memref<6400xi32, #tpu.memory_space<hbm>>
      tpu.enqueue_dma source(%dma_start3A_319 : memref<6400xi32, #tpu.memory_space<hbm>>) target(%arg16 : memref<6400xi32, #tpu.memory_space<vmem>>) target_semaphore(%run_scoped3A : memref<!tpu.dma_semaphore, #tpu.memory_space<semaphore_mem>>)
      %dma_wait3A_320 = arith.constant 0 : i32
      %dma_wait3A_321 = tpu.memref_slice %arg7[%add3A, %dma_wait3A_320] : memref<32x6400xi32, #tpu.memory_space<hbm>> -> memref<1x6400xi32, #tpu.memory_space<hbm>>
      %dma_wait3A_322 = tpu.memref_squeeze %dma_wait3A_321 : memref<1x6400xi32, #tpu.memory_space<hbm>> -> memref<6400xi32, #tpu.memory_space<hbm>>
      %dma_wait3A_323 = arith.constant 0 : i32
      %dma_wait3A_324 = tpu.memref_slice %arg7[%add3A, %dma_wait3A_323] : memref<32x6400xi32, #tpu.memory_space<hbm>> -> memref<1x6400xi32, #tpu.memory_space<hbm>>
      %dma_wait3A_325 = tpu.memref_squeeze %dma_wait3A_324 : memref<1x6400xi32, #tpu.memory_space<hbm>> -> memref<6400xi32, #tpu.memory_space<hbm>>
      tpu.wait_dma2 semaphore(%run_scoped3A : memref<!tpu.dma_semaphore, #tpu.memory_space<semaphore_mem>>) src(%dma_wait3A_325 : memref<6400xi32, #tpu.memory_space<hbm>>) dst(%arg16 : memref<6400xi32, #tpu.memory_space<vmem>>)
      tpu.yield
    }) : () -> ()
    "tpu.region"() ({
      %run_scoped3A = tpu.sem_alloc : memref<!tpu.dma_semaphore, #tpu.memory_space<semaphore_mem>>
      %dma_start3A_314 = arith.constant 0 : i32
      %dma_start3A_315 = arith.constant 0 : i32
      %dma_start3A_316 = tpu.memref_slice %arg8[%add3A, %dma_start3A_314, %dma_start3A_315] : memref<32x256x125xi32, #tpu.memory_space<hbm>> -> memref<1x256x125xi32, #tpu.memory_space<hbm>>
      %dma_start3A_317 = tpu.memref_squeeze %dma_start3A_316 : memref<1x256x125xi32, #tpu.memory_space<hbm>> -> memref<256x125xi32, #tpu.memory_space<hbm>>
      %dma_start3A_318 = arith.constant 0 : i32
      %dma_start3A_319 = arith.constant 0 : i32
      %dma_start3A_320 = tpu.memref_slice %arg8[%add3A, %dma_start3A_318, %dma_start3A_319] : memref<32x256x125xi32, #tpu.memory_space<hbm>> -> memref<1x256x125xi32, #tpu.memory_space<hbm>>
      %dma_start3A_321 = tpu.memref_squeeze %dma_start3A_320 : memref<1x256x125xi32, #tpu.memory_space<hbm>> -> memref<256x125xi32, #tpu.memory_space<hbm>>
      tpu.enqueue_dma source(%dma_start3A_321 : memref<256x125xi32, #tpu.memory_space<hbm>>) target(%arg17 : memref<256x125xi32, #tpu.memory_space<vmem>>) target_semaphore(%run_scoped3A : memref<!tpu.dma_semaphore, #tpu.memory_space<semaphore_mem>>)
      %dma_wait3A_322 = arith.constant 0 : i32
      %dma_wait3A_323 = arith.constant 0 : i32
      %dma_wait3A_324 = tpu.memref_slice %arg8[%add3A, %dma_wait3A_322, %dma_wait3A_323] : memref<32x256x125xi32, #tpu.memory_space<hbm>> -> memref<1x256x125xi32, #tpu.memory_space<hbm>>
      %dma_wait3A_325 = tpu.memref_squeeze %dma_wait3A_324 : memref<1x256x125xi32, #tpu.memory_space<hbm>> -> memref<256x125xi32, #tpu.memory_space<hbm>>
      %dma_wait3A_326 = arith.constant 0 : i32
      %dma_wait3A_327 = arith.constant 0 : i32
      %dma_wait3A_328 = tpu.memref_slice %arg8[%add3A, %dma_wait3A_326, %dma_wait3A_327] : memref<32x256x125xi32, #tpu.memory_space<hbm>> -> memref<1x256x125xi32, #tpu.memory_space<hbm>>
      %dma_wait3A_329 = tpu.memref_squeeze %dma_wait3A_328 : memref<1x256x125xi32, #tpu.memory_space<hbm>> -> memref<256x125xi32, #tpu.memory_space<hbm>>
      tpu.wait_dma2 semaphore(%run_scoped3A : memref<!tpu.dma_semaphore, #tpu.memory_space<semaphore_mem>>) src(%dma_wait3A_329 : memref<256x125xi32, #tpu.memory_space<hbm>>) dst(%arg17 : memref<256x125xi32, #tpu.memory_space<vmem>>)
      tpu.yield
    }) : () -> ()
    %dma_start3A = arith.constant 0 : i32
    %dma_start3A_1 = arith.constant 0 : i32
    %dma_start3A_2 = tpu.memref_slice %arg15[%dma_start3A, %dma_start3A_1] : memref<128x50xi32, #tpu.memory_space<vmem>> -> memref<1x50xi32, #tpu.memory_space<vmem>>
    %dma_start3A_3 = tpu.memref_squeeze %dma_start3A_2 : memref<1x50xi32, #tpu.memory_space<vmem>> -> memref<50xi32, #tpu.memory_space<vmem>>
    %dma_start3A_4 = arith.constant 0 : i32
    %dma_start3A_5 = arith.constant 0 : i32
    %dma_start3A_6 = tpu.memref_slice %arg3[%dma_start3A_4, %dma_start3A_5] : memref<100000x64xf32, #tpu.memory_space<hbm>> -> memref<100000x64xf32, #tpu.memory_space<hbm>>
    tpu.enqueue_indirect_dma source(%dma_start3A_6 : memref<100000x64xf32, #tpu.memory_space<hbm>>) target(%arg18 : memref<50x64xf32, #tpu.memory_space<vmem>>) offsets(%dma_start3A_3 : memref<50xi32, #tpu.memory_space<vmem>>) semaphore(%arg24 : memref<!tpu.dma_semaphore, #tpu.memory_space<semaphore_mem>>)
    %dma_start3A_7 = arith.constant 0 : i32
    %dma_start3A_8 = arith.constant 0 : i32
    %dma_start3A_9 = arith.constant 0 : i32
    %dma_start3A_10 = tpu.memref_slice %arg20[%dma_start3A_8, %dma_start3A_9] : memref<250x64xf32, #tpu.memory_space<vmem>> -> memref<125x64xf32, #tpu.memory_space<vmem>>
    %dma_start3A_11 = arith.constant 0 : i32
    %dma_start3A_12 = tpu.memref_slice %arg17[%dma_start3A_7, %dma_start3A_11] : memref<256x125xi32, #tpu.memory_space<vmem>> -> memref<1x125xi32, #tpu.memory_space<vmem>>
    %dma_start3A_13 = tpu.memref_squeeze %dma_start3A_12 : memref<1x125xi32, #tpu.memory_space<vmem>> -> memref<125xi32, #tpu.memory_space<vmem>>
    %dma_start3A_14 = arith.constant 0 : i32
    %dma_start3A_15 = arith.constant 0 : i32
    %dma_start3A_16 = tpu.memref_slice %arg3[%dma_start3A_14, %dma_start3A_15] : memref<100000x64xf32, #tpu.memory_space<hbm>> -> memref<100000x64xf32, #tpu.memory_space<hbm>>
    tpu.enqueue_indirect_dma source(%dma_start3A_16 : memref<100000x64xf32, #tpu.memory_space<hbm>>) target(%dma_start3A_10 : memref<125x64xf32, #tpu.memory_space<vmem>>) offsets(%dma_start3A_13 : memref<125xi32, #tpu.memory_space<vmem>>) semaphore(%arg24 : memref<!tpu.dma_semaphore, #tpu.memory_space<semaphore_mem>>)
    %dma_start3A_17 = arith.constant 1 : i32
    %dma_start3A_18 = arith.constant 125 : i32
    %dma_start3A_19 = arith.constant 0 : i32
    %dma_start3A_20 = tpu.memref_slice %arg20[%dma_start3A_18, %dma_start3A_19] : memref<250x64xf32, #tpu.memory_space<vmem>> -> memref<125x64xf32, #tpu.memory_space<vmem>>
    %dma_start3A_21 = arith.constant 0 : i32
    %dma_start3A_22 = tpu.memref_slice %arg17[%dma_start3A_17, %dma_start3A_21] : memref<256x125xi32, #tpu.memory_space<vmem>> -> memref<1x125xi32, #tpu.memory_space<vmem>>
    %dma_start3A_23 = tpu.memref_squeeze %dma_start3A_22 : memref<1x125xi32, #tpu.memory_space<vmem>> -> memref<125xi32, #tpu.memory_space<vmem>>
    %dma_start3A_24 = arith.constant 0 : i32
    %dma_start3A_25 = arith.constant 0 : i32
    %dma_start3A_26 = tpu.memref_slice %arg3[%dma_start3A_24, %dma_start3A_25] : memref<100000x64xf32, #tpu.memory_space<hbm>> -> memref<100000x64xf32, #tpu.memory_space<hbm>>
    tpu.enqueue_indirect_dma source(%dma_start3A_26 : memref<100000x64xf32, #tpu.memory_space<hbm>>) target(%dma_start3A_20 : memref<125x64xf32, #tpu.memory_space<vmem>>) offsets(%dma_start3A_23 : memref<125xi32, #tpu.memory_space<vmem>>) semaphore(%arg24 : memref<!tpu.dma_semaphore, #tpu.memory_space<semaphore_mem>>)
    %dma_start3A_27 = arith.constant 1 : i32
    %dma_start3A_28 = arith.constant 0 : i32
    %dma_start3A_29 = tpu.memref_slice %arg15[%dma_start3A_27, %dma_start3A_28] : memref<128x50xi32, #tpu.memory_space<vmem>> -> memref<1x50xi32, #tpu.memory_space<vmem>>
    %dma_start3A_30 = tpu.memref_squeeze %dma_start3A_29 : memref<1x50xi32, #tpu.memory_space<vmem>> -> memref<50xi32, #tpu.memory_space<vmem>>
    %dma_start3A_31 = arith.constant 0 : i32
    %dma_start3A_32 = arith.constant 0 : i32
    %dma_start3A_33 = tpu.memref_slice %arg3[%dma_start3A_31, %dma_start3A_32] : memref<100000x64xf32, #tpu.memory_space<hbm>> -> memref<100000x64xf32, #tpu.memory_space<hbm>>
    tpu.enqueue_indirect_dma source(%dma_start3A_33 : memref<100000x64xf32, #tpu.memory_space<hbm>>) target(%arg19 : memref<50x64xf32, #tpu.memory_space<vmem>>) offsets(%dma_start3A_30 : memref<50xi32, #tpu.memory_space<vmem>>) semaphore(%arg25 : memref<!tpu.dma_semaphore, #tpu.memory_space<semaphore_mem>>)
    %dma_start3A_34 = arith.constant 2 : i32
    %dma_start3A_35 = arith.constant 0 : i32
    %dma_start3A_36 = arith.constant 0 : i32
    %dma_start3A_37 = tpu.memref_slice %arg21[%dma_start3A_35, %dma_start3A_36] : memref<250x64xf32, #tpu.memory_space<vmem>> -> memref<125x64xf32, #tpu.memory_space<vmem>>
    %dma_start3A_38 = arith.constant 0 : i32
    %dma_start3A_39 = tpu.memref_slice %arg17[%dma_start3A_34, %dma_start3A_38] : memref<256x125xi32, #tpu.memory_space<vmem>> -> memref<1x125xi32, #tpu.memory_space<vmem>>
    %dma_start3A_40 = tpu.memref_squeeze %dma_start3A_39 : memref<1x125xi32, #tpu.memory_space<vmem>> -> memref<125xi32, #tpu.memory_space<vmem>>
    %dma_start3A_41 = arith.constant 0 : i32
    %dma_start3A_42 = arith.constant 0 : i32
    %dma_start3A_43 = tpu.memref_slice %arg3[%dma_start3A_41, %dma_start3A_42] : memref<100000x64xf32, #tpu.memory_space<hbm>> -> memref<100000x64xf32, #tpu.memory_space<hbm>>
    tpu.enqueue_indirect_dma source(%dma_start3A_43 : memref<100000x64xf32, #tpu.memory_space<hbm>>) target(%dma_start3A_37 : memref<125x64xf32, #tpu.memory_space<vmem>>) offsets(%dma_start3A_40 : memref<125xi32, #tpu.memory_space<vmem>>) semaphore(%arg25 : memref<!tpu.dma_semaphore, #tpu.memory_space<semaphore_mem>>)
    %dma_start3A_44 = arith.constant 3 : i32
    %dma_start3A_45 = arith.constant 125 : i32
    %dma_start3A_46 = arith.constant 0 : i32
    %dma_start3A_47 = tpu.memref_slice %arg21[%dma_start3A_45, %dma_start3A_46] : memref<250x64xf32, #tpu.memory_space<vmem>> -> memref<125x64xf32, #tpu.memory_space<vmem>>
    %dma_start3A_48 = arith.constant 0 : i32
    %dma_start3A_49 = tpu.memref_slice %arg17[%dma_start3A_44, %dma_start3A_48] : memref<256x125xi32, #tpu.memory_space<vmem>> -> memref<1x125xi32, #tpu.memory_space<vmem>>
    %dma_start3A_50 = tpu.memref_squeeze %dma_start3A_49 : memref<1x125xi32, #tpu.memory_space<vmem>> -> memref<125xi32, #tpu.memory_space<vmem>>
    %dma_start3A_51 = arith.constant 0 : i32
    %dma_start3A_52 = arith.constant 0 : i32
    %dma_start3A_53 = tpu.memref_slice %arg3[%dma_start3A_51, %dma_start3A_52] : memref<100000x64xf32, #tpu.memory_space<hbm>> -> memref<100000x64xf32, #tpu.memory_space<hbm>>
    tpu.enqueue_indirect_dma source(%dma_start3A_53 : memref<100000x64xf32, #tpu.memory_space<hbm>>) target(%dma_start3A_47 : memref<125x64xf32, #tpu.memory_space<vmem>>) offsets(%dma_start3A_50 : memref<125xi32, #tpu.memory_space<vmem>>) semaphore(%arg25 : memref<!tpu.dma_semaphore, #tpu.memory_space<semaphore_mem>>)
    %dma_start3A_54 = arith.constant 0 : i32
    %dma_start3A_55 = arith.constant 0 : i32
    %dma_start3A_56 = tpu.memref_slice %arg11[%dma_start3A_54, %dma_start3A_55] : memref<4x128xi32, #tpu.memory_space<vmem>> -> memref<1x128xi32, #tpu.memory_space<vmem>>
    %dma_start3A_57 = tpu.memref_squeeze %dma_start3A_56 : memref<1x128xi32, #tpu.memory_space<vmem>> -> memref<128xi32, #tpu.memory_space<vmem>>
    %dma_start3A_58 = arith.constant 0 : i32
    %dma_start3A_59 = arith.constant 0 : i32
    %dma_start3A_60 = tpu.memref_slice %arg2[%dma_start3A_58, %dma_start3A_59] : memref<100000x64xf32, #tpu.memory_space<hbm>> -> memref<100000x64xf32, #tpu.memory_space<hbm>>
    tpu.enqueue_indirect_dma source(%dma_start3A_60 : memref<100000x64xf32, #tpu.memory_space<hbm>>) target(%arg13 : memref<128x64xf32, #tpu.memory_space<vmem>>) offsets(%dma_start3A_57 : memref<128xi32, #tpu.memory_space<vmem>>) semaphore(%arg26 : memref<!tpu.dma_semaphore, #tpu.memory_space<semaphore_mem>>)
    %dma_wait3A = arith.constant 0 : i32
    %dma_wait3A_61 = arith.constant 0 : i32
    %dma_wait3A_62 = tpu.memref_slice %arg11[%dma_wait3A, %dma_wait3A_61] : memref<4x128xi32, #tpu.memory_space<vmem>> -> memref<1x128xi32, #tpu.memory_space<vmem>>
    %dma_wait3A_63 = tpu.memref_squeeze %dma_wait3A_62 : memref<1x128xi32, #tpu.memory_space<vmem>> -> memref<128xi32, #tpu.memory_space<vmem>>
    %dma_wait3A_64 = arith.constant 0 : i32
    %dma_wait3A_65 = arith.constant 0 : i32
    %dma_wait3A_66 = tpu.memref_slice %arg2[%dma_wait3A_64, %dma_wait3A_65] : memref<100000x64xf32, #tpu.memory_space<hbm>> -> memref<100000x64xf32, #tpu.memory_space<hbm>>
    tpu.wait_indirect_dma semaphore(%arg26 : memref<!tpu.dma_semaphore, #tpu.memory_space<semaphore_mem>>) src(%dma_wait3A_66 : memref<100000x64xf32, #tpu.memory_space<hbm>>) dst(%arg13 : memref<128x64xf32, #tpu.memory_space<vmem>>)
    %add3A_67 = arith.constant 0 : i32
    %add3A_68 = vector.broadcast %add3A_67 : i32 to vector<16xi32>
    %add3A_69 = arith.addi %iota3A, %add3A_68 : vector<16xi32>
    %add3A_70 = arith.constant 0 : i32
    %add3A_71 = vector.broadcast %add3A_70 : i32 to vector<16xi32>
    %add3A_72 = arith.addi %add3A_69, %add3A_71 : vector<16xi32>
    %get3A = arith.constant 0 : index
    %get3A_73 = tpu.vector_load %arg12[%get3A] {strides = array<i32>} : memref<128xi32, #tpu.memory_space<vmem>>, vector<16xi32>,
    %convert_element_type3A = arith.sitofp %get3A_73 : vector<16xi32> to vector<16xf32>
    %max3A = arith.constant 1.000000e+00 : f32
    %max3A_74 = vector.broadcast %max3A : f32 to vector<16xf32>
    %max3A_75 = arith.maximumf %convert_element_type3A, %max3A_74 : vector<16xf32>
    %div3A = arith.constant 1.000000e+00 : f32
    %div3A_76 = vector.broadcast %div3A : f32 to vector<16xf32>
    %div3A_77 = arith.divf %div3A_76, %max3A_75 : vector<16xf32>
    %mul3A_78 = arith.constant 4 : i32
    %mul3A_79 = vector.broadcast %mul3A_78 : i32 to vector<16xi32>
    %mul3A_80 = arith.muli %add3A_69, %mul3A_79 : vector<16xi32>
    %scan3A = arith.constant 0 : i32
    %scan3A_81 = arith.constant 0 : i32
    %scan3A_82 = arith.constant 64 : i32
    %scan3A_83 = arith.addi %scan3A_81, %scan3A_82 : i32
    %scan3A_84 = arith.constant 1 : i32
    %scan3A_85 = scf.for %scan3A_314 = %scan3A_81 to %scan3A_83 step %scan3A_84 iter_args(%scan3A_315 = %scan3A) -> (i32)  : i32 {
      %broadcast_in_dim3A_316 = arith.constant 0 : i32
      %broadcast_in_dim3A_317 = vector.broadcast %broadcast_in_dim3A_316 : i32 to vector<16xi32>
      %add3A_318 = vector.broadcast %scan3A_314 : i32 to vector<16xi32>
      %add3A_319 = arith.addi %broadcast_in_dim3A_317, %add3A_318 : vector<16xi32>
      %broadcast_in_dim3A_320 = arith.constant 0.000000e+00 : f32
      %broadcast_in_dim3A_321 = vector.broadcast %broadcast_in_dim3A_320 : f32 to vector<16xf32>
      %add3A_322 = arith.constant 0 : i32
      %add3A_323 = vector.broadcast %add3A_322 : i32 to vector<16xi32>
      %add3A_324 = arith.addi %mul3A_80, %add3A_323 : vector<16xi32>
      %gather3A = tpu.vector_load_idx %arg13[%add3A_324, %add3A_319] : memref<128x64xf32, #tpu.memory_space<vmem>>[vector<16xi32>, vector<16xi32>], vector<16xf32>,
      %gt3A = arith.constant 0 : i32
      %gt3A_325 = vector.broadcast %gt3A : i32 to vector<16xi32>
      %gt3A_326 = arith.cmpi sgt, %get3A_73, %gt3A_325 : vector<16xi32>
      %jit3A = arith.constant 0.000000e+00 : f32
      %broadcast_in_dim3A_327 = vector.broadcast %jit3A : f32 to vector<16xf32>
      %select_n3A = arith.select %gt3A_326, %gather3A, %broadcast_in_dim3A_327 : vector<16xi1>, vector<16xf32>
      %add3A_328 = arith.addf %broadcast_in_dim3A_321, %select_n3A : vector<16xf32>
      %add3A_329 = arith.constant 1 : i32
      %add3A_330 = vector.broadcast %add3A_329 : i32 to vector<16xi32>
      %add3A_331 = arith.addi %mul3A_80, %add3A_330 : vector<16xi32>
      %gather3A_332 = tpu.vector_load_idx %arg13[%add3A_331, %add3A_319] : memref<128x64xf32, #tpu.memory_space<vmem>>[vector<16xi32>, vector<16xi32>], vector<16xf32>,
      %gt3A_333 = arith.constant 1 : i32
      %gt3A_334 = vector.broadcast %gt3A_333 : i32 to vector<16xi32>
      %gt3A_335 = arith.cmpi sgt, %get3A_73, %gt3A_334 : vector<16xi32>
      %jit3A_336 = arith.constant 0.000000e+00 : f32
      %broadcast_in_dim3A_337 = vector.broadcast %jit3A_336 : f32 to vector<16xf32>
      %select_n3A_338 = arith.select %gt3A_335, %gather3A_332, %broadcast_in_dim3A_337 : vector<16xi1>, vector<16xf32>
      %add3A_339 = arith.addf %add3A_328, %select_n3A_338 : vector<16xf32>
      %add3A_340 = arith.constant 2 : i32
      %add3A_341 = vector.broadcast %add3A_340 : i32 to vector<16xi32>
      %add3A_342 = arith.addi %mul3A_80, %add3A_341 : vector<16xi32>
      %gather3A_343 = tpu.vector_load_idx %arg13[%add3A_342, %add3A_319] : memref<128x64xf32, #tpu.memory_space<vmem>>[vector<16xi32>, vector<16xi32>], vector<16xf32>,
      %gt3A_344 = arith.constant 2 : i32
      %gt3A_345 = vector.broadcast %gt3A_344 : i32 to vector<16xi32>
      %gt3A_346 = arith.cmpi sgt, %get3A_73, %gt3A_345 : vector<16xi32>
      %jit3A_347 = arith.constant 0.000000e+00 : f32
      %broadcast_in_dim3A_348 = vector.broadcast %jit3A_347 : f32 to vector<16xf32>
      %select_n3A_349 = arith.select %gt3A_346, %gather3A_343, %broadcast_in_dim3A_348 : vector<16xi1>, vector<16xf32>
      %add3A_350 = arith.addf %add3A_339, %select_n3A_349 : vector<16xf32>
      %add3A_351 = arith.constant 3 : i32
      %add3A_352 = vector.broadcast %add3A_351 : i32 to vector<16xi32>
      %add3A_353 = arith.addi %mul3A_80, %add3A_352 : vector<16xi32>
      %gather3A_354 = tpu.vector_load_idx %arg13[%add3A_353, %add3A_319] : memref<128x64xf32, #tpu.memory_space<vmem>>[vector<16xi32>, vector<16xi32>], vector<16xf32>,
      %gt3A_355 = arith.constant 3 : i32
      %gt3A_356 = vector.broadcast %gt3A_355 : i32 to vector<16xi32>
      %gt3A_357 = arith.cmpi sgt, %get3A_73, %gt3A_356 : vector<16xi32>
      %jit3A_358 = arith.constant 0.000000e+00 : f32
      %broadcast_in_dim3A_359 = vector.broadcast %jit3A_358 : f32 to vector<16xf32>
      %select_n3A_360 = arith.select %gt3A_357, %gather3A_354, %broadcast_in_dim3A_359 : vector<16xi1>, vector<16xf32>
      %add3A_361 = arith.addf %add3A_350, %select_n3A_360 : vector<16xf32>
      %mul3A_362 = arith.mulf %add3A_361, %div3A_77 : vector<16xf32>
      tpu.vector_store_idx %arg14[%add3A_72, %add3A_319], %mul3A_362 : memref<128x64xf32, #tpu.memory_space<vmem>>[vector<16xi32>, vector<16xi32>], vector<16xf32>,
      %scan3A_363 = arith.constant 0 : i32
      scf.yield %scan3A_363 : i32
    }
    %scan3A_86 = arith.constant 64 : i32
    %add3A_87 = arith.constant 16 : i32
    %add3A_88 = vector.broadcast %add3A_87 : i32 to vector<16xi32>
    %add3A_89 = arith.addi %iota3A, %add3A_88 : vector<16xi32>
    %add3A_90 = arith.constant 0 : i32
    %add3A_91 = vector.broadcast %add3A_90 : i32 to vector<16xi32>
    %add3A_92 = arith.addi %add3A_89, %add3A_91 : vector<16xi32>
    %get3A_93 = arith.constant 16 : index
    %get3A_94 = tpu.vector_load %arg12[%get3A_93] {strides = array<i32>} : memref<128xi32, #tpu.memory_space<vmem>>, vector<16xi32>,
    %convert_element_type3A_95 = arith.sitofp %get3A_94 : vector<16xi32> to vector<16xf32>
    %max3A_96 = arith.constant 1.000000e+00 : f32
    %max3A_97 = vector.broadcast %max3A_96 : f32 to vector<16xf32>
    %max3A_98 = arith.maximumf %convert_element_type3A_95, %max3A_97 : vector<16xf32>
    %div3A_99 = arith.constant 1.000000e+00 : f32
    %div3A_100 = vector.broadcast %div3A_99 : f32 to vector<16xf32>
    %div3A_101 = arith.divf %div3A_100, %max3A_98 : vector<16xf32>
    %mul3A_102 = arith.constant 4 : i32
    %mul3A_103 = vector.broadcast %mul3A_102 : i32 to vector<16xi32>
    %mul3A_104 = arith.muli %add3A_89, %mul3A_103 : vector<16xi32>
    %scan3A_105 = arith.constant 0 : i32
    %scan3A_106 = arith.constant 0 : i32
    %scan3A_107 = arith.constant 64 : i32
    %scan3A_108 = arith.addi %scan3A_106, %scan3A_107 : i32
    %scan3A_109 = arith.constant 1 : i32
    %scan3A_110 = scf.for %scan3A_314 = %scan3A_106 to %scan3A_108 step %scan3A_109 iter_args(%scan3A_315 = %scan3A_105) -> (i32)  : i32 {
      %broadcast_in_dim3A_316 = arith.constant 0 : i32
      %broadcast_in_dim3A_317 = vector.broadcast %broadcast_in_dim3A_316 : i32 to vector<16xi32>
      %add3A_318 = vector.broadcast %scan3A_314 : i32 to vector<16xi32>
      %add3A_319 = arith.addi %broadcast_in_dim3A_317, %add3A_318 : vector<16xi32>
      %broadcast_in_dim3A_320 = arith.constant 0.000000e+00 : f32
      %broadcast_in_dim3A_321 = vector.broadcast %broadcast_in_dim3A_320 : f32 to vector<16xf32>
      %add3A_322 = arith.constant 0 : i32
      %add3A_323 = vector.broadcast %add3A_322 : i32 to vector<16xi32>
      %add3A_324 = arith.addi %mul3A_104, %add3A_323 : vector<16xi32>
      %gather3A = tpu.vector_load_idx %arg13[%add3A_324, %add3A_319] : memref<128x64xf32, #tpu.memory_space<vmem>>[vector<16xi32>, vector<16xi32>], vector<16xf32>,
      %gt3A = arith.constant 0 : i32
      %gt3A_325 = vector.broadcast %gt3A : i32 to vector<16xi32>
      %gt3A_326 = arith.cmpi sgt, %get3A_94, %gt3A_325 : vector<16xi32>
      %jit3A = arith.constant 0.000000e+00 : f32
      %broadcast_in_dim3A_327 = vector.broadcast %jit3A : f32 to vector<16xf32>
      %select_n3A = arith.select %gt3A_326, %gather3A, %broadcast_in_dim3A_327 : vector<16xi1>, vector<16xf32>
      %add3A_328 = arith.addf %broadcast_in_dim3A_321, %select_n3A : vector<16xf32>
      %add3A_329 = arith.constant 1 : i32
      %add3A_330 = vector.broadcast %add3A_329 : i32 to vector<16xi32>
      %add3A_331 = arith.addi %mul3A_104, %add3A_330 : vector<16xi32>
      %gather3A_332 = tpu.vector_load_idx %arg13[%add3A_331, %add3A_319] : memref<128x64xf32, #tpu.memory_space<vmem>>[vector<16xi32>, vector<16xi32>], vector<16xf32>,
      %gt3A_333 = arith.constant 1 : i32
      %gt3A_334 = vector.broadcast %gt3A_333 : i32 to vector<16xi32>
      %gt3A_335 = arith.cmpi sgt, %get3A_94, %gt3A_334 : vector<16xi32>
      %jit3A_336 = arith.constant 0.000000e+00 : f32
      %broadcast_in_dim3A_337 = vector.broadcast %jit3A_336 : f32 to vector<16xf32>
      %select_n3A_338 = arith.select %gt3A_335, %gather3A_332, %broadcast_in_dim3A_337 : vector<16xi1>, vector<16xf32>
      %add3A_339 = arith.addf %add3A_328, %select_n3A_338 : vector<16xf32>
      %add3A_340 = arith.constant 2 : i32
      %add3A_341 = vector.broadcast %add3A_340 : i32 to vector<16xi32>
      %add3A_342 = arith.addi %mul3A_104, %add3A_341 : vector<16xi32>
      %gather3A_343 = tpu.vector_load_idx %arg13[%add3A_342, %add3A_319] : memref<128x64xf32, #tpu.memory_space<vmem>>[vector<16xi32>, vector<16xi32>], vector<16xf32>,
      %gt3A_344 = arith.constant 2 : i32
      %gt3A_345 = vector.broadcast %gt3A_344 : i32 to vector<16xi32>
      %gt3A_346 = arith.cmpi sgt, %get3A_94, %gt3A_345 : vector<16xi32>
      %jit3A_347 = arith.constant 0.000000e+00 : f32
      %broadcast_in_dim3A_348 = vector.broadcast %jit3A_347 : f32 to vector<16xf32>
      %select_n3A_349 = arith.select %gt3A_346, %gather3A_343, %broadcast_in_dim3A_348 : vector<16xi1>, vector<16xf32>
      %add3A_350 = arith.addf %add3A_339, %select_n3A_349 : vector<16xf32>
      %add3A_351 = arith.constant 3 : i32
      %add3A_352 = vector.broadcast %add3A_351 : i32 to vector<16xi32>
      %add3A_353 = arith.addi %mul3A_104, %add3A_352 : vector<16xi32>
      %gather3A_354 = tpu.vector_load_idx %arg13[%add3A_353, %add3A_319] : memref<128x64xf32, #tpu.memory_space<vmem>>[vector<16xi32>, vector<16xi32>], vector<16xf32>,
      %gt3A_355 = arith.constant 3 : i32
      %gt3A_356 = vector.broadcast %gt3A_355 : i32 to vector<16xi32>
      %gt3A_357 = arith.cmpi sgt, %get3A_94, %gt3A_356 : vector<16xi32>
      %jit3A_358 = arith.constant 0.000000e+00 : f32
      %broadcast_in_dim3A_359 = vector.broadcast %jit3A_358 : f32 to vector<16xf32>
      %select_n3A_360 = arith.select %gt3A_357, %gather3A_354, %broadcast_in_dim3A_359 : vector<16xi1>, vector<16xf32>
      %add3A_361 = arith.addf %add3A_350, %select_n3A_360 : vector<16xf32>
      %mul3A_362 = arith.mulf %add3A_361, %div3A_101 : vector<16xf32>
      tpu.vector_store_idx %arg14[%add3A_92, %add3A_319], %mul3A_362 : memref<128x64xf32, #tpu.memory_space<vmem>>[vector<16xi32>, vector<16xi32>], vector<16xf32>,
      %scan3A_363 = arith.constant 0 : i32
      scf.yield %scan3A_363 : i32
    }
    %scan3A_111 = arith.constant 64 : i32
    %dma_start3A_112 = arith.constant 1 : i32
    %dma_start3A_113 = arith.constant 0 : i32
    %dma_start3A_114 = tpu.memref_slice %arg11[%dma_start3A_112, %dma_start3A_113] : memref<4x128xi32, #tpu.memory_space<vmem>> -> memref<1x128xi32, #tpu.memory_space<vmem>>
    %dma_start3A_115 = tpu.memref_squeeze %dma_start3A_114 : memref<1x128xi32, #tpu.memory_space<vmem>> -> memref<128xi32, #tpu.memory_space<vmem>>
    %dma_start3A_116 = arith.constant 0 : i32
    %dma_start3A_117 = arith.constant 0 : i32
    %dma_start3A_118 = tpu.memref_slice %arg2[%dma_start3A_116, %dma_start3A_117] : memref<100000x64xf32, #tpu.memory_space<hbm>> -> memref<100000x64xf32, #tpu.memory_space<hbm>>
    tpu.enqueue_indirect_dma source(%dma_start3A_118 : memref<100000x64xf32, #tpu.memory_space<hbm>>) target(%arg13 : memref<128x64xf32, #tpu.memory_space<vmem>>) offsets(%dma_start3A_115 : memref<128xi32, #tpu.memory_space<vmem>>) semaphore(%arg26 : memref<!tpu.dma_semaphore, #tpu.memory_space<semaphore_mem>>)
    %dma_wait3A_119 = arith.constant 1 : i32
    %dma_wait3A_120 = arith.constant 0 : i32
    %dma_wait3A_121 = tpu.memref_slice %arg11[%dma_wait3A_119, %dma_wait3A_120] : memref<4x128xi32, #tpu.memory_space<vmem>> -> memref<1x128xi32, #tpu.memory_space<vmem>>
    %dma_wait3A_122 = tpu.memref_squeeze %dma_wait3A_121 : memref<1x128xi32, #tpu.memory_space<vmem>> -> memref<128xi32, #tpu.memory_space<vmem>>
    %dma_wait3A_123 = arith.constant 0 : i32
    %dma_wait3A_124 = arith.constant 0 : i32
    %dma_wait3A_125 = tpu.memref_slice %arg2[%dma_wait3A_123, %dma_wait3A_124] : memref<100000x64xf32, #tpu.memory_space<hbm>> -> memref<100000x64xf32, #tpu.memory_space<hbm>>
    tpu.wait_indirect_dma semaphore(%arg26 : memref<!tpu.dma_semaphore, #tpu.memory_space<semaphore_mem>>) src(%dma_wait3A_125 : memref<100000x64xf32, #tpu.memory_space<hbm>>) dst(%arg13 : memref<128x64xf32, #tpu.memory_space<vmem>>)
    %add3A_126 = arith.constant 0 : i32
    %add3A_127 = vector.broadcast %add3A_126 : i32 to vector<16xi32>
    %add3A_128 = arith.addi %iota3A, %add3A_127 : vector<16xi32>
    %add3A_129 = arith.constant 32 : i32
    %add3A_130 = vector.broadcast %add3A_129 : i32 to vector<16xi32>
    %add3A_131 = arith.addi %add3A_128, %add3A_130 : vector<16xi32>
    %get3A_132 = arith.constant 32 : index
    %get3A_133 = tpu.vector_load %arg12[%get3A_132] {strides = array<i32>} : memref<128xi32, #tpu.memory_space<vmem>>, vector<16xi32>,
    %convert_element_type3A_134 = arith.sitofp %get3A_133 : vector<16xi32> to vector<16xf32>
    %max3A_135 = arith.constant 1.000000e+00 : f32
    %max3A_136 = vector.broadcast %max3A_135 : f32 to vector<16xf32>
    %max3A_137 = arith.maximumf %convert_element_type3A_134, %max3A_136 : vector<16xf32>
    %div3A_138 = arith.constant 1.000000e+00 : f32
    %div3A_139 = vector.broadcast %div3A_138 : f32 to vector<16xf32>
    %div3A_140 = arith.divf %div3A_139, %max3A_137 : vector<16xf32>
    %mul3A_141 = arith.constant 4 : i32
    %mul3A_142 = vector.broadcast %mul3A_141 : i32 to vector<16xi32>
    %mul3A_143 = arith.muli %add3A_128, %mul3A_142 : vector<16xi32>
    %scan3A_144 = arith.constant 0 : i32
    %scan3A_145 = arith.constant 0 : i32
    %scan3A_146 = arith.constant 64 : i32
    %scan3A_147 = arith.addi %scan3A_145, %scan3A_146 : i32
    %scan3A_148 = arith.constant 1 : i32
    %scan3A_149 = scf.for %scan3A_314 = %scan3A_145 to %scan3A_147 step %scan3A_148 iter_args(%scan3A_315 = %scan3A_144) -> (i32)  : i32 {
      %broadcast_in_dim3A_316 = arith.constant 0 : i32
      %broadcast_in_dim3A_317 = vector.broadcast %broadcast_in_dim3A_316 : i32 to vector<16xi32>
      %add3A_318 = vector.broadcast %scan3A_314 : i32 to vector<16xi32>
      %add3A_319 = arith.addi %broadcast_in_dim3A_317, %add3A_318 : vector<16xi32>
      %broadcast_in_dim3A_320 = arith.constant 0.000000e+00 : f32
      %broadcast_in_dim3A_321 = vector.broadcast %broadcast_in_dim3A_320 : f32 to vector<16xf32>
      %add3A_322 = arith.constant 0 : i32
      %add3A_323 = vector.broadcast %add3A_322 : i32 to vector<16xi32>
      %add3A_324 = arith.addi %mul3A_143, %add3A_323 : vector<16xi32>
      %gather3A = tpu.vector_load_idx %arg13[%add3A_324, %add3A_319] : memref<128x64xf32, #tpu.memory_space<vmem>>[vector<16xi32>, vector<16xi32>], vector<16xf32>,
      %gt3A = arith.constant 0 : i32
      %gt3A_325 = vector.broadcast %gt3A : i32 to vector<16xi32>
      %gt3A_326 = arith.cmpi sgt, %get3A_133, %gt3A_325 : vector<16xi32>
      %jit3A = arith.constant 0.000000e+00 : f32
      %broadcast_in_dim3A_327 = vector.broadcast %jit3A : f32 to vector<16xf32>
      %select_n3A = arith.select %gt3A_326, %gather3A, %broadcast_in_dim3A_327 : vector<16xi1>, vector<16xf32>
      %add3A_328 = arith.addf %broadcast_in_dim3A_321, %select_n3A : vector<16xf32>
      %add3A_329 = arith.constant 1 : i32
      %add3A_330 = vector.broadcast %add3A_329 : i32 to vector<16xi32>
      %add3A_331 = arith.addi %mul3A_143, %add3A_330 : vector<16xi32>
      %gather3A_332 = tpu.vector_load_idx %arg13[%add3A_331, %add3A_319] : memref<128x64xf32, #tpu.memory_space<vmem>>[vector<16xi32>, vector<16xi32>], vector<16xf32>,
      %gt3A_333 = arith.constant 1 : i32
      %gt3A_334 = vector.broadcast %gt3A_333 : i32 to vector<16xi32>
      %gt3A_335 = arith.cmpi sgt, %get3A_133, %gt3A_334 : vector<16xi32>
      %jit3A_336 = arith.constant 0.000000e+00 : f32
      %broadcast_in_dim3A_337 = vector.broadcast %jit3A_336 : f32 to vector<16xf32>
      %select_n3A_338 = arith.select %gt3A_335, %gather3A_332, %broadcast_in_dim3A_337 : vector<16xi1>, vector<16xf32>
      %add3A_339 = arith.addf %add3A_328, %select_n3A_338 : vector<16xf32>
      %add3A_340 = arith.constant 2 : i32
      %add3A_341 = vector.broadcast %add3A_340 : i32 to vector<16xi32>
      %add3A_342 = arith.addi %mul3A_143, %add3A_341 : vector<16xi32>
      %gather3A_343 = tpu.vector_load_idx %arg13[%add3A_342, %add3A_319] : memref<128x64xf32, #tpu.memory_space<vmem>>[vector<16xi32>, vector<16xi32>], vector<16xf32>,
      %gt3A_344 = arith.constant 2 : i32
      %gt3A_345 = vector.broadcast %gt3A_344 : i32 to vector<16xi32>
      %gt3A_346 = arith.cmpi sgt, %get3A_133, %gt3A_345 : vector<16xi32>
      %jit3A_347 = arith.constant 0.000000e+00 : f32
      %broadcast_in_dim3A_348 = vector.broadcast %jit3A_347 : f32 to vector<16xf32>
      %select_n3A_349 = arith.select %gt3A_346, %gather3A_343, %broadcast_in_dim3A_348 : vector<16xi1>, vector<16xf32>
      %add3A_350 = arith.addf %add3A_339, %select_n3A_349 : vector<16xf32>
      %add3A_351 = arith.constant 3 : i32
      %add3A_352 = vector.broadcast %add3A_351 : i32 to vector<16xi32>
      %add3A_353 = arith.addi %mul3A_143, %add3A_352 : vector<16xi32>
      %gather3A_354 = tpu.vector_load_idx %arg13[%add3A_353, %add3A_319] : memref<128x64xf32, #tpu.memory_space<vmem>>[vector<16xi32>, vector<16xi32>], vector<16xf32>,
      %gt3A_355 = arith.constant 3 : i32
      %gt3A_356 = vector.broadcast %gt3A_355 : i32 to vector<16xi32>
      %gt3A_357 = arith.cmpi sgt, %get3A_133, %gt3A_356 : vector<16xi32>
      %jit3A_358 = arith.constant 0.000000e+00 : f32
      %broadcast_in_dim3A_359 = vector.broadcast %jit3A_358 : f32 to vector<16xf32>
      %select_n3A_360 = arith.select %gt3A_357, %gather3A_354, %broadcast_in_dim3A_359 : vector<16xi1>, vector<16xf32>
      %add3A_361 = arith.addf %add3A_350, %select_n3A_360 : vector<16xf32>
      %mul3A_362 = arith.mulf %add3A_361, %div3A_140 : vector<16xf32>
      tpu.vector_store_idx %arg14[%add3A_131, %add3A_319], %mul3A_362 : memref<128x64xf32, #tpu.memory_space<vmem>>[vector<16xi32>, vector<16xi32>], vector<16xf32>,
      %scan3A_363 = arith.constant 0 : i32
      scf.yield %scan3A_363 : i32
    }
    %scan3A_150 = arith.constant 64 : i32
    %add3A_151 = arith.constant 16 : i32
    %add3A_152 = vector.broadcast %add3A_151 : i32 to vector<16xi32>
    %add3A_153 = arith.addi %iota3A, %add3A_152 : vector<16xi32>
    %add3A_154 = arith.constant 32 : i32
    %add3A_155 = vector.broadcast %add3A_154 : i32 to vector<16xi32>
    %add3A_156 = arith.addi %add3A_153, %add3A_155 : vector<16xi32>
    %get3A_157 = arith.constant 48 : index
    %get3A_158 = tpu.vector_load %arg12[%get3A_157] {strides = array<i32>} : memref<128xi32, #tpu.memory_space<vmem>>, vector<16xi32>,
    %convert_element_type3A_159 = arith.sitofp %get3A_158 : vector<16xi32> to vector<16xf32>
    %max3A_160 = arith.constant 1.000000e+00 : f32
    %max3A_161 = vector.broadcast %max3A_160 : f32 to vector<16xf32>
    %max3A_162 = arith.maximumf %convert_element_type3A_159, %max3A_161 : vector<16xf32>
    %div3A_163 = arith.constant 1.000000e+00 : f32
    %div3A_164 = vector.broadcast %div3A_163 : f32 to vector<16xf32>
    %div3A_165 = arith.divf %div3A_164, %max3A_162 : vector<16xf32>
    %mul3A_166 = arith.constant 4 : i32
    %mul3A_167 = vector.broadcast %mul3A_166 : i32 to vector<16xi32>
    %mul3A_168 = arith.muli %add3A_153, %mul3A_167 : vector<16xi32>
    %scan3A_169 = arith.constant 0 : i32
    %scan3A_170 = arith.constant 0 : i32
    %scan3A_171 = arith.constant 64 : i32
    %scan3A_172 = arith.addi %scan3A_170, %scan3A_171 : i32
    %scan3A_173 = arith.constant 1 : i32
    %scan3A_174 = scf.for %scan3A_314 = %scan3A_170 to %scan3A_172 step %scan3A_173 iter_args(%scan3A_315 = %scan3A_169) -> (i32)  : i32 {
      %broadcast_in_dim3A_316 = arith.constant 0 : i32
      %broadcast_in_dim3A_317 = vector.broadcast %broadcast_in_dim3A_316 : i32 to vector<16xi32>
      %add3A_318 = vector.broadcast %scan3A_314 : i32 to vector<16xi32>
      %add3A_319 = arith.addi %broadcast_in_dim3A_317, %add3A_318 : vector<16xi32>
      %broadcast_in_dim3A_320 = arith.constant 0.000000e+00 : f32
      %broadcast_in_dim3A_321 = vector.broadcast %broadcast_in_dim3A_320 : f32 to vector<16xf32>
      %add3A_322 = arith.constant 0 : i32
      %add3A_323 = vector.broadcast %add3A_322 : i32 to vector<16xi32>
      %add3A_324 = arith.addi %mul3A_168, %add3A_323 : vector<16xi32>
      %gather3A = tpu.vector_load_idx %arg13[%add3A_324, %add3A_319] : memref<128x64xf32, #tpu.memory_space<vmem>>[vector<16xi32>, vector<16xi32>], vector<16xf32>,
      %gt3A = arith.constant 0 : i32
      %gt3A_325 = vector.broadcast %gt3A : i32 to vector<16xi32>
      %gt3A_326 = arith.cmpi sgt, %get3A_158, %gt3A_325 : vector<16xi32>
      %jit3A = arith.constant 0.000000e+00 : f32
      %broadcast_in_dim3A_327 = vector.broadcast %jit3A : f32 to vector<16xf32>
      %select_n3A = arith.select %gt3A_326, %gather3A, %broadcast_in_dim3A_327 : vector<16xi1>, vector<16xf32>
      %add3A_328 = arith.addf %broadcast_in_dim3A_321, %select_n3A : vector<16xf32>
      %add3A_329 = arith.constant 1 : i32
      %add3A_330 = vector.broadcast %add3A_329 : i32 to vector<16xi32>
      %add3A_331 = arith.addi %mul3A_168, %add3A_330 : vector<16xi32>
      %gather3A_332 = tpu.vector_load_idx %arg13[%add3A_331, %add3A_319] : memref<128x64xf32, #tpu.memory_space<vmem>>[vector<16xi32>, vector<16xi32>], vector<16xf32>,
      %gt3A_333 = arith.constant 1 : i32
      %gt3A_334 = vector.broadcast %gt3A_333 : i32 to vector<16xi32>
      %gt3A_335 = arith.cmpi sgt, %get3A_158, %gt3A_334 : vector<16xi32>
      %jit3A_336 = arith.constant 0.000000e+00 : f32
      %broadcast_in_dim3A_337 = vector.broadcast %jit3A_336 : f32 to vector<16xf32>
      %select_n3A_338 = arith.select %gt3A_335, %gather3A_332, %broadcast_in_dim3A_337 : vector<16xi1>, vector<16xf32>
      %add3A_339 = arith.addf %add3A_328, %select_n3A_338 : vector<16xf32>
      %add3A_340 = arith.constant 2 : i32
      %add3A_341 = vector.broadcast %add3A_340 : i32 to vector<16xi32>
      %add3A_342 = arith.addi %mul3A_168, %add3A_341 : vector<16xi32>
      %gather3A_343 = tpu.vector_load_idx %arg13[%add3A_342, %add3A_319] : memref<128x64xf32, #tpu.memory_space<vmem>>[vector<16xi32>, vector<16xi32>], vector<16xf32>,
      %gt3A_344 = arith.constant 2 : i32
      %gt3A_345 = vector.broadcast %gt3A_344 : i32 to vector<16xi32>
      %gt3A_346 = arith.cmpi sgt, %get3A_158, %gt3A_345 : vector<16xi32>
      %jit3A_347 = arith.constant 0.000000e+00 : f32
      %broadcast_in_dim3A_348 = vector.broadcast %jit3A_347 : f32 to vector<16xf32>
      %select_n3A_349 = arith.select %gt3A_346, %gather3A_343, %broadcast_in_dim3A_348 : vector<16xi1>, vector<16xf32>
      %add3A_350 = arith.addf %add3A_339, %select_n3A_349 : vector<16xf32>
      %add3A_351 = arith.constant 3 : i32
      %add3A_352 = vector.broadcast %add3A_351 : i32 to vector<16xi32>
      %add3A_353 = arith.addi %mul3A_168, %add3A_352 : vector<16xi32>
      %gather3A_354 = tpu.vector_load_idx %arg13[%add3A_353, %add3A_319] : memref<128x64xf32, #tpu.memory_space<vmem>>[vector<16xi32>, vector<16xi32>], vector<16xf32>,
      %gt3A_355 = arith.constant 3 : i32
      %gt3A_356 = vector.broadcast %gt3A_355 : i32 to vector<16xi32>
      %gt3A_357 = arith.cmpi sgt, %get3A_158, %gt3A_356 : vector<16xi32>
      %jit3A_358 = arith.constant 0.000000e+00 : f32
      %broadcast_in_dim3A_359 = vector.broadcast %jit3A_358 : f32 to vector<16xf32>
      %select_n3A_360 = arith.select %gt3A_357, %gather3A_354, %broadcast_in_dim3A_359 : vector<16xi1>, vector<16xf32>
      %add3A_361 = arith.addf %add3A_350, %select_n3A_360 : vector<16xf32>
      %mul3A_362 = arith.mulf %add3A_361, %div3A_165 : vector<16xf32>
      tpu.vector_store_idx %arg14[%add3A_156, %add3A_319], %mul3A_362 : memref<128x64xf32, #tpu.memory_space<vmem>>[vector<16xi32>, vector<16xi32>], vector<16xf32>,
      %scan3A_363 = arith.constant 0 : i32
      scf.yield %scan3A_363 : i32
    }
    %scan3A_175 = arith.constant 64 : i32
    %dma_start3A_176 = arith.constant 2 : i32
    %dma_start3A_177 = arith.constant 0 : i32
    %dma_start3A_178 = tpu.memref_slice %arg11[%dma_start3A_176, %dma_start3A_177] : memref<4x128xi32, #tpu.memory_space<vmem>> -> memref<1x128xi32, #tpu.memory_space<vmem>>
    %dma_start3A_179 = tpu.memref_squeeze %dma_start3A_178 : memref<1x128xi32, #tpu.memory_space<vmem>> -> memref<128xi32, #tpu.memory_space<vmem>>
    %dma_start3A_180 = arith.constant 0 : i32
    %dma_start3A_181 = arith.constant 0 : i32
    %dma_start3A_182 = tpu.memref_slice %arg2[%dma_start3A_180, %dma_start3A_181] : memref<100000x64xf32, #tpu.memory_space<hbm>> -> memref<100000x64xf32, #tpu.memory_space<hbm>>
    tpu.enqueue_indirect_dma source(%dma_start3A_182 : memref<100000x64xf32, #tpu.memory_space<hbm>>) target(%arg13 : memref<128x64xf32, #tpu.memory_space<vmem>>) offsets(%dma_start3A_179 : memref<128xi32, #tpu.memory_space<vmem>>) semaphore(%arg26 : memref<!tpu.dma_semaphore, #tpu.memory_space<semaphore_mem>>)
    %dma_wait3A_183 = arith.constant 2 : i32
    %dma_wait3A_184 = arith.constant 0 : i32
    %dma_wait3A_185 = tpu.memref_slice %arg11[%dma_wait3A_183, %dma_wait3A_184] : memref<4x128xi32, #tpu.memory_space<vmem>> -> memref<1x128xi32, #tpu.memory_space<vmem>>
    %dma_wait3A_186 = tpu.memref_squeeze %dma_wait3A_185 : memref<1x128xi32, #tpu.memory_space<vmem>> -> memref<128xi32, #tpu.memory_space<vmem>>
    %dma_wait3A_187 = arith.constant 0 : i32
    %dma_wait3A_188 = arith.constant 0 : i32
    %dma_wait3A_189 = tpu.memref_slice %arg2[%dma_wait3A_187, %dma_wait3A_188] : memref<100000x64xf32, #tpu.memory_space<hbm>> -> memref<100000x64xf32, #tpu.memory_space<hbm>>
    tpu.wait_indirect_dma semaphore(%arg26 : memref<!tpu.dma_semaphore, #tpu.memory_space<semaphore_mem>>) src(%dma_wait3A_189 : memref<100000x64xf32, #tpu.memory_space<hbm>>) dst(%arg13 : memref<128x64xf32, #tpu.memory_space<vmem>>)
    %add3A_190 = arith.constant 0 : i32
    %add3A_191 = vector.broadcast %add3A_190 : i32 to vector<16xi32>
    %add3A_192 = arith.addi %iota3A, %add3A_191 : vector<16xi32>
    %add3A_193 = arith.constant 64 : i32
    %add3A_194 = vector.broadcast %add3A_193 : i32 to vector<16xi32>
    %add3A_195 = arith.addi %add3A_192, %add3A_194 : vector<16xi32>
    %get3A_196 = arith.constant 64 : index
    %get3A_197 = tpu.vector_load %arg12[%get3A_196] {strides = array<i32>} : memref<128xi32, #tpu.memory_space<vmem>>, vector<16xi32>,
    %convert_element_type3A_198 = arith.sitofp %get3A_197 : vector<16xi32> to vector<16xf32>
    %max3A_199 = arith.constant 1.000000e+00 : f32
    %max3A_200 = vector.broadcast %max3A_199 : f32 to vector<16xf32>
    %max3A_201 = arith.maximumf %convert_element_type3A_198, %max3A_200 : vector<16xf32>
    %div3A_202 = arith.constant 1.000000e+00 : f32
    %div3A_203 = vector.broadcast %div3A_202 : f32 to vector<16xf32>
    %div3A_204 = arith.divf %div3A_203, %max3A_201 : vector<16xf32>
    %mul3A_205 = arith.constant 4 : i32
    %mul3A_206 = vector.broadcast %mul3A_205 : i32 to vector<16xi32>
    %mul3A_207 = arith.muli %add3A_192, %mul3A_206 : vector<16xi32>
    %scan3A_208 = arith.constant 0 : i32
    %scan3A_209 = arith.constant 0 : i32
    %scan3A_210 = arith.constant 64 : i32
    %scan3A_211 = arith.addi %scan3A_209, %scan3A_210 : i32
    %scan3A_212 = arith.constant 1 : i32
    %scan3A_213 = scf.for %scan3A_314 = %scan3A_209 to %scan3A_211 step %scan3A_212 iter_args(%scan3A_315 = %scan3A_208) -> (i32)  : i32 {
      %broadcast_in_dim3A_316 = arith.constant 0 : i32
      %broadcast_in_dim3A_317 = vector.broadcast %broadcast_in_dim3A_316 : i32 to vector<16xi32>
      %add3A_318 = vector.broadcast %scan3A_314 : i32 to vector<16xi32>
      %add3A_319 = arith.addi %broadcast_in_dim3A_317, %add3A_318 : vector<16xi32>
      %broadcast_in_dim3A_320 = arith.constant 0.000000e+00 : f32
      %broadcast_in_dim3A_321 = vector.broadcast %broadcast_in_dim3A_320 : f32 to vector<16xf32>
      %add3A_322 = arith.constant 0 : i32
      %add3A_323 = vector.broadcast %add3A_322 : i32 to vector<16xi32>
      %add3A_324 = arith.addi %mul3A_207, %add3A_323 : vector<16xi32>
      %gather3A = tpu.vector_load_idx %arg13[%add3A_324, %add3A_319] : memref<128x64xf32, #tpu.memory_space<vmem>>[vector<16xi32>, vector<16xi32>], vector<16xf32>,
      %gt3A = arith.constant 0 : i32
      %gt3A_325 = vector.broadcast %gt3A : i32 to vector<16xi32>
      %gt3A_326 = arith.cmpi sgt, %get3A_197, %gt3A_325 : vector<16xi32>
      %jit3A = arith.constant 0.000000e+00 : f32
      %broadcast_in_dim3A_327 = vector.broadcast %jit3A : f32 to vector<16xf32>
      %select_n3A = arith.select %gt3A_326, %gather3A, %broadcast_in_dim3A_327 : vector<16xi1>, vector<16xf32>
      %add3A_328 = arith.addf %broadcast_in_dim3A_321, %select_n3A : vector<16xf32>
      %add3A_329 = arith.constant 1 : i32
      %add3A_330 = vector.broadcast %add3A_329 : i32 to vector<16xi32>
      %add3A_331 = arith.addi %mul3A_207, %add3A_330 : vector<16xi32>
      %gather3A_332 = tpu.vector_load_idx %arg13[%add3A_331, %add3A_319] : memref<128x64xf32, #tpu.memory_space<vmem>>[vector<16xi32>, vector<16xi32>], vector<16xf32>,
      %gt3A_333 = arith.constant 1 : i32
      %gt3A_334 = vector.broadcast %gt3A_333 : i32 to vector<16xi32>
      %gt3A_335 = arith.cmpi sgt, %get3A_197, %gt3A_334 : vector<16xi32>
      %jit3A_336 = arith.constant 0.000000e+00 : f32
      %broadcast_in_dim3A_337 = vector.broadcast %jit3A_336 : f32 to vector<16xf32>
      %select_n3A_338 = arith.select %gt3A_335, %gather3A_332, %broadcast_in_dim3A_337 : vector<16xi1>, vector<16xf32>
      %add3A_339 = arith.addf %add3A_328, %select_n3A_338 : vector<16xf32>
      %add3A_340 = arith.constant 2 : i32
      %add3A_341 = vector.broadcast %add3A_340 : i32 to vector<16xi32>
      %add3A_342 = arith.addi %mul3A_207, %add3A_341 : vector<16xi32>
      %gather3A_343 = tpu.vector_load_idx %arg13[%add3A_342, %add3A_319] : memref<128x64xf32, #tpu.memory_space<vmem>>[vector<16xi32>, vector<16xi32>], vector<16xf32>,
      %gt3A_344 = arith.constant 2 : i32
      %gt3A_345 = vector.broadcast %gt3A_344 : i32 to vector<16xi32>
      %gt3A_346 = arith.cmpi sgt, %get3A_197, %gt3A_345 : vector<16xi32>
      %jit3A_347 = arith.constant 0.000000e+00 : f32
      %broadcast_in_dim3A_348 = vector.broadcast %jit3A_347 : f32 to vector<16xf32>
      %select_n3A_349 = arith.select %gt3A_346, %gather3A_343, %broadcast_in_dim3A_348 : vector<16xi1>, vector<16xf32>
      %add3A_350 = arith.addf %add3A_339, %select_n3A_349 : vector<16xf32>
      %add3A_351 = arith.constant 3 : i32
      %add3A_352 = vector.broadcast %add3A_351 : i32 to vector<16xi32>
      %add3A_353 = arith.addi %mul3A_207, %add3A_352 : vector<16xi32>
      %gather3A_354 = tpu.vector_load_idx %arg13[%add3A_353, %add3A_319] : memref<128x64xf32, #tpu.memory_space<vmem>>[vector<16xi32>, vector<16xi32>], vector<16xf32>,
      %gt3A_355 = arith.constant 3 : i32
      %gt3A_356 = vector.broadcast %gt3A_355 : i32 to vector<16xi32>
      %gt3A_357 = arith.cmpi sgt, %get3A_197, %gt3A_356 : vector<16xi32>
      %jit3A_358 = arith.constant 0.000000e+00 : f32
      %broadcast_in_dim3A_359 = vector.broadcast %jit3A_358 : f32 to vector<16xf32>
      %select_n3A_360 = arith.select %gt3A_357, %gather3A_354, %broadcast_in_dim3A_359 : vector<16xi1>, vector<16xf32>
      %add3A_361 = arith.addf %add3A_350, %select_n3A_360 : vector<16xf32>
      %mul3A_362 = arith.mulf %add3A_361, %div3A_204 : vector<16xf32>
      tpu.vector_store_idx %arg14[%add3A_195, %add3A_319], %mul3A_362 : memref<128x64xf32, #tpu.memory_space<vmem>>[vector<16xi32>, vector<16xi32>], vector<16xf32>,
      %scan3A_363 = arith.constant 0 : i32
      scf.yield %scan3A_363 : i32
    }
    %scan3A_214 = arith.constant 64 : i32
    %add3A_215 = arith.constant 16 : i32
    %add3A_216 = vector.broadcast %add3A_215 : i32 to vector<16xi32>
    %add3A_217 = arith.addi %iota3A, %add3A_216 : vector<16xi32>
    %add3A_218 = arith.constant 64 : i32
    %add3A_219 = vector.broadcast %add3A_218 : i32 to vector<16xi32>
    %add3A_220 = arith.addi %add3A_217, %add3A_219 : vector<16xi32>
    %get3A_221 = arith.constant 80 : index
    %get3A_222 = tpu.vector_load %arg12[%get3A_221] {strides = array<i32>} : memref<128xi32, #tpu.memory_space<vmem>>, vector<16xi32>,
    %convert_element_type3A_223 = arith.sitofp %get3A_222 : vector<16xi32> to vector<16xf32>
    %max3A_224 = arith.constant 1.000000e+00 : f32
    %max3A_225 = vector.broadcast %max3A_224 : f32 to vector<16xf32>
    %max3A_226 = arith.maximumf %convert_element_type3A_223, %max3A_225 : vector<16xf32>
    %div3A_227 = arith.constant 1.000000e+00 : f32
    %div3A_228 = vector.broadcast %div3A_227 : f32 to vector<16xf32>
    %div3A_229 = arith.divf %div3A_228, %max3A_226 : vector<16xf32>
    %mul3A_230 = arith.constant 4 : i32
    %mul3A_231 = vector.broadcast %mul3A_230 : i32 to vector<16xi32>
    %mul3A_232 = arith.muli %add3A_217, %mul3A_231 : vector<16xi32>
    %scan3A_233 = arith.constant 0 : i32
    %scan3A_234 = arith.constant 0 : i32
    %scan3A_235 = arith.constant 64 : i32
    %scan3A_236 = arith.addi %scan3A_234, %scan3A_235 : i32
    %scan3A_237 = arith.constant 1 : i32
    %scan3A_238 = scf.for %scan3A_314 = %scan3A_234 to %scan3A_236 step %scan3A_237 iter_args(%scan3A_315 = %scan3A_233) -> (i32)  : i32 {
      %broadcast_in_dim3A_316 = arith.constant 0 : i32
      %broadcast_in_dim3A_317 = vector.broadcast %broadcast_in_dim3A_316 : i32 to vector<16xi32>
      %add3A_318 = vector.broadcast %scan3A_314 : i32 to vector<16xi32>
      %add3A_319 = arith.addi %broadcast_in_dim3A_317, %add3A_318 : vector<16xi32>
      %broadcast_in_dim3A_320 = arith.constant 0.000000e+00 : f32
      %broadcast_in_dim3A_321 = vector.broadcast %broadcast_in_dim3A_320 : f32 to vector<16xf32>
      %add3A_322 = arith.constant 0 : i32
      %add3A_323 = vector.broadcast %add3A_322 : i32 to vector<16xi32>
      %add3A_324 = arith.addi %mul3A_232, %add3A_323 : vector<16xi32>
      %gather3A = tpu.vector_load_idx %arg13[%add3A_324, %add3A_319] : memref<128x64xf32, #tpu.memory_space<vmem>>[vector<16xi32>, vector<16xi32>], vector<16xf32>,
      %gt3A = arith.constant 0 : i32
      %gt3A_325 = vector.broadcast %gt3A : i32 to vector<16xi32>
      %gt3A_326 = arith.cmpi sgt, %get3A_222, %gt3A_325 : vector<16xi32>
      %jit3A = arith.constant 0.000000e+00 : f32
      %broadcast_in_dim3A_327 = vector.broadcast %jit3A : f32 to vector<16xf32>
      %select_n3A = arith.select %gt3A_326, %gather3A, %broadcast_in_dim3A_327 : vector<16xi1>, vector<16xf32>
      %add3A_328 = arith.addf %broadcast_in_dim3A_321, %select_n3A : vector<16xf32>
      %add3A_329 = arith.constant 1 : i32
      %add3A_330 = vector.broadcast %add3A_329 : i32 to vector<16xi32>
      %add3A_331 = arith.addi %mul3A_232, %add3A_330 : vector<16xi32>
      %gather3A_332 = tpu.vector_load_idx %arg13[%add3A_331, %add3A_319] : memref<128x64xf32, #tpu.memory_space<vmem>>[vector<16xi32>, vector<16xi32>], vector<16xf32>,
      %gt3A_333 = arith.constant 1 : i32
      %gt3A_334 = vector.broadcast %gt3A_333 : i32 to vector<16xi32>
      %gt3A_335 = arith.cmpi sgt, %get3A_222, %gt3A_334 : vector<16xi32>
      %jit3A_336 = arith.constant 0.000000e+00 : f32
      %broadcast_in_dim3A_337 = vector.broadcast %jit3A_336 : f32 to vector<16xf32>
      %select_n3A_338 = arith.select %gt3A_335, %gather3A_332, %broadcast_in_dim3A_337 : vector<16xi1>, vector<16xf32>
      %add3A_339 = arith.addf %add3A_328, %select_n3A_338 : vector<16xf32>
      %add3A_340 = arith.constant 2 : i32
      %add3A_341 = vector.broadcast %add3A_340 : i32 to vector<16xi32>
      %add3A_342 = arith.addi %mul3A_232, %add3A_341 : vector<16xi32>
      %gather3A_343 = tpu.vector_load_idx %arg13[%add3A_342, %add3A_319] : memref<128x64xf32, #tpu.memory_space<vmem>>[vector<16xi32>, vector<16xi32>], vector<16xf32>,
      %gt3A_344 = arith.constant 2 : i32
      %gt3A_345 = vector.broadcast %gt3A_344 : i32 to vector<16xi32>
      %gt3A_346 = arith.cmpi sgt, %get3A_222, %gt3A_345 : vector<16xi32>
      %jit3A_347 = arith.constant 0.000000e+00 : f32
      %broadcast_in_dim3A_348 = vector.broadcast %jit3A_347 : f32 to vector<16xf32>
      %select_n3A_349 = arith.select %gt3A_346, %gather3A_343, %broadcast_in_dim3A_348 : vector<16xi1>, vector<16xf32>
      %add3A_350 = arith.addf %add3A_339, %select_n3A_349 : vector<16xf32>
      %add3A_351 = arith.constant 3 : i32
      %add3A_352 = vector.broadcast %add3A_351 : i32 to vector<16xi32>
      %add3A_353 = arith.addi %mul3A_232, %add3A_352 : vector<16xi32>
      %gather3A_354 = tpu.vector_load_idx %arg13[%add3A_353, %add3A_319] : memref<128x64xf32, #tpu.memory_space<vmem>>[vector<16xi32>, vector<16xi32>], vector<16xf32>,
      %gt3A_355 = arith.constant 3 : i32
      %gt3A_356 = vector.broadcast %gt3A_355 : i32 to vector<16xi32>
      %gt3A_357 = arith.cmpi sgt, %get3A_222, %gt3A_356 : vector<16xi32>
      %jit3A_358 = arith.constant 0.000000e+00 : f32
      %broadcast_in_dim3A_359 = vector.broadcast %jit3A_358 : f32 to vector<16xf32>
      %select_n3A_360 = arith.select %gt3A_357, %gather3A_354, %broadcast_in_dim3A_359 : vector<16xi1>, vector<16xf32>
      %add3A_361 = arith.addf %add3A_350, %select_n3A_360 : vector<16xf32>
      %mul3A_362 = arith.mulf %add3A_361, %div3A_229 : vector<16xf32>
      tpu.vector_store_idx %arg14[%add3A_220, %add3A_319], %mul3A_362 : memref<128x64xf32, #tpu.memory_space<vmem>>[vector<16xi32>, vector<16xi32>], vector<16xf32>,
      %scan3A_363 = arith.constant 0 : i32
      scf.yield %scan3A_363 : i32
    }
    %scan3A_239 = arith.constant 64 : i32
    %dma_start3A_240 = arith.constant 3 : i32
    %dma_start3A_241 = arith.constant 0 : i32
    %dma_start3A_242 = tpu.memref_slice %arg11[%dma_start3A_240, %dma_start3A_241] : memref<4x128xi32, #tpu.memory_space<vmem>> -> memref<1x128xi32, #tpu.memory_space<vmem>>
    %dma_start3A_243 = tpu.memref_squeeze %dma_start3A_242 : memref<1x128xi32, #tpu.memory_space<vmem>> -> memref<128xi32, #tpu.memory_space<vmem>>
    %dma_start3A_244 = arith.constant 0 : i32
    %dma_start3A_245 = arith.constant 0 : i32
    %dma_start3A_246 = tpu.memref_slice %arg2[%dma_start3A_244, %dma_start3A_245] : memref<100000x64xf32, #tpu.memory_space<hbm>> -> memref<100000x64xf32, #tpu.memory_space<hbm>>
    tpu.enqueue_indirect_dma source(%dma_start3A_246 : memref<100000x64xf32, #tpu.memory_space<hbm>>) target(%arg13 : memref<128x64xf32, #tpu.memory_space<vmem>>) offsets(%dma_start3A_243 : memref<128xi32, #tpu.memory_space<vmem>>) semaphore(%arg26 : memref<!tpu.dma_semaphore, #tpu.memory_space<semaphore_mem>>)
    %dma_wait3A_247 = arith.constant 3 : i32
    %dma_wait3A_248 = arith.constant 0 : i32
    %dma_wait3A_249 = tpu.memref_slice %arg11[%dma_wait3A_247, %dma_wait3A_248] : memref<4x128xi32, #tpu.memory_space<vmem>> -> memref<1x128xi32, #tpu.memory_space<vmem>>
    %dma_wait3A_250 = tpu.memref_squeeze %dma_wait3A_249 : memref<1x128xi32, #tpu.memory_space<vmem>> -> memref<128xi32, #tpu.memory_space<vmem>>
    %dma_wait3A_251 = arith.constant 0 : i32
    %dma_wait3A_252 = arith.constant 0 : i32
    %dma_wait3A_253 = tpu.memref_slice %arg2[%dma_wait3A_251, %dma_wait3A_252] : memref<100000x64xf32, #tpu.memory_space<hbm>> -> memref<100000x64xf32, #tpu.memory_space<hbm>>
    tpu.wait_indirect_dma semaphore(%arg26 : memref<!tpu.dma_semaphore, #tpu.memory_space<semaphore_mem>>) src(%dma_wait3A_253 : memref<100000x64xf32, #tpu.memory_space<hbm>>) dst(%arg13 : memref<128x64xf32, #tpu.memory_space<vmem>>)
    %add3A_254 = arith.constant 0 : i32
    %add3A_255 = vector.broadcast %add3A_254 : i32 to vector<16xi32>
    %add3A_256 = arith.addi %iota3A, %add3A_255 : vector<16xi32>
    %add3A_257 = arith.constant 96 : i32
    %add3A_258 = vector.broadcast %add3A_257 : i32 to vector<16xi32>
    %add3A_259 = arith.addi %add3A_256, %add3A_258 : vector<16xi32>
    %get3A_260 = arith.constant 96 : index
    %get3A_261 = tpu.vector_load %arg12[%get3A_260] {strides = array<i32>} : memref<128xi32, #tpu.memory_space<vmem>>, vector<16xi32>,
    %convert_element_type3A_262 = arith.sitofp %get3A_261 : vector<16xi32> to vector<16xf32>
    %max3A_263 = arith.constant 1.000000e+00 : f32
    %max3A_264 = vector.broadcast %max3A_263 : f32 to vector<16xf32>
    %max3A_265 = arith.maximumf %convert_element_type3A_262, %max3A_264 : vector<16xf32>
    %div3A_266 = arith.constant 1.000000e+00 : f32
    %div3A_267 = vector.broadcast %div3A_266 : f32 to vector<16xf32>
    %div3A_268 = arith.divf %div3A_267, %max3A_265 : vector<16xf32>
    %mul3A_269 = arith.constant 4 : i32
    %mul3A_270 = vector.broadcast %mul3A_269 : i32 to vector<16xi32>
    %mul3A_271 = arith.muli %add3A_256, %mul3A_270 : vector<16xi32>
    %scan3A_272 = arith.constant 0 : i32
    %scan3A_273 = arith.constant 0 : i32
    %scan3A_274 = arith.constant 64 : i32
    %scan3A_275 = arith.addi %scan3A_273, %scan3A_274 : i32
    %scan3A_276 = arith.constant 1 : i32
    %scan3A_277 = scf.for %scan3A_314 = %scan3A_273 to %scan3A_275 step %scan3A_276 iter_args(%scan3A_315 = %scan3A_272) -> (i32)  : i32 {
      %broadcast_in_dim3A_316 = arith.constant 0 : i32
      %broadcast_in_dim3A_317 = vector.broadcast %broadcast_in_dim3A_316 : i32 to vector<16xi32>
      %add3A_318 = vector.broadcast %scan3A_314 : i32 to vector<16xi32>
      %add3A_319 = arith.addi %broadcast_in_dim3A_317, %add3A_318 : vector<16xi32>
      %broadcast_in_dim3A_320 = arith.constant 0.000000e+00 : f32
      %broadcast_in_dim3A_321 = vector.broadcast %broadcast_in_dim3A_320 : f32 to vector<16xf32>
      %add3A_322 = arith.constant 0 : i32
      %add3A_323 = vector.broadcast %add3A_322 : i32 to vector<16xi32>
      %add3A_324 = arith.addi %mul3A_271, %add3A_323 : vector<16xi32>
      %gather3A = tpu.vector_load_idx %arg13[%add3A_324, %add3A_319] : memref<128x64xf32, #tpu.memory_space<vmem>>[vector<16xi32>, vector<16xi32>], vector<16xf32>,
      %gt3A = arith.constant 0 : i32
      %gt3A_325 = vector.broadcast %gt3A : i32 to vector<16xi32>
      %gt3A_326 = arith.cmpi sgt, %get3A_261, %gt3A_325 : vector<16xi32>
      %jit3A = arith.constant 0.000000e+00 : f32
      %broadcast_in_dim3A_327 = vector.broadcast %jit3A : f32 to vector<16xf32>
      %select_n3A = arith.select %gt3A_326, %gather3A, %broadcast_in_dim3A_327 : vector<16xi1>, vector<16xf32>
      %add3A_328 = arith.addf %broadcast_in_dim3A_321, %select_n3A : vector<16xf32>
      %add3A_329 = arith.constant 1 : i32
      %add3A_330 = vector.broadcast %add3A_329 : i32 to vector<16xi32>
      %add3A_331 = arith.addi %mul3A_271, %add3A_330 : vector<16xi32>
      %gather3A_332 = tpu.vector_load_idx %arg13[%add3A_331, %add3A_319] : memref<128x64xf32, #tpu.memory_space<vmem>>[vector<16xi32>, vector<16xi32>], vector<16xf32>,
      %gt3A_333 = arith.constant 1 : i32
      %gt3A_334 = vector.broadcast %gt3A_333 : i32 to vector<16xi32>
      %gt3A_335 = arith.cmpi sgt, %get3A_261, %gt3A_334 : vector<16xi32>
      %jit3A_336 = arith.constant 0.000000e+00 : f32
      %broadcast_in_dim3A_337 = vector.broadcast %jit3A_336 : f32 to vector<16xf32>
      %select_n3A_338 = arith.select %gt3A_335, %gather3A_332, %broadcast_in_dim3A_337 : vector<16xi1>, vector<16xf32>
      %add3A_339 = arith.addf %add3A_328, %select_n3A_338 : vector<16xf32>
      %add3A_340 = arith.constant 2 : i32
      %add3A_341 = vector.broadcast %add3A_340 : i32 to vector<16xi32>
      %add3A_342 = arith.addi %mul3A_271, %add3A_341 : vector<16xi32>
      %gather3A_343 = tpu.vector_load_idx %arg13[%add3A_342, %add3A_319] : memref<128x64xf32, #tpu.memory_space<vmem>>[vector<16xi32>, vector<16xi32>], vector<16xf32>,
      %gt3A_344 = arith.constant 2 : i32
      %gt3A_345 = vector.broadcast %gt3A_344 : i32 to vector<16xi32>
      %gt3A_346 = arith.cmpi sgt, %get3A_261, %gt3A_345 : vector<16xi32>
      %jit3A_347 = arith.constant 0.000000e+00 : f32
      %broadcast_in_dim3A_348 = vector.broadcast %jit3A_347 : f32 to vector<16xf32>
      %select_n3A_349 = arith.select %gt3A_346, %gather3A_343, %broadcast_in_dim3A_348 : vector<16xi1>, vector<16xf32>
      %add3A_350 = arith.addf %add3A_339, %select_n3A_349 : vector<16xf32>
      %add3A_351 = arith.constant 3 : i32
      %add3A_352 = vector.broadcast %add3A_351 : i32 to vector<16xi32>
      %add3A_353 = arith.addi %mul3A_271, %add3A_352 : vector<16xi32>
      %gather3A_354 = tpu.vector_load_idx %arg13[%add3A_353, %add3A_319] : memref<128x64xf32, #tpu.memory_space<vmem>>[vector<16xi32>, vector<16xi32>], vector<16xf32>,
      %gt3A_355 = arith.constant 3 : i32
      %gt3A_356 = vector.broadcast %gt3A_355 : i32 to vector<16xi32>
      %gt3A_357 = arith.cmpi sgt, %get3A_261, %gt3A_356 : vector<16xi32>
      %jit3A_358 = arith.constant 0.000000e+00 : f32
      %broadcast_in_dim3A_359 = vector.broadcast %jit3A_358 : f32 to vector<16xf32>
      %select_n3A_360 = arith.select %gt3A_357, %gather3A_354, %broadcast_in_dim3A_359 : vector<16xi1>, vector<16xf32>
      %add3A_361 = arith.addf %add3A_350, %select_n3A_360 : vector<16xf32>
      %mul3A_362 = arith.mulf %add3A_361, %div3A_268 : vector<16xf32>
      tpu.vector_store_idx %arg14[%add3A_259, %add3A_319], %mul3A_362 : memref<128x64xf32, #tpu.memory_space<vmem>>[vector<16xi32>, vector<16xi32>], vector<16xf32>,
      %scan3A_363 = arith.constant 0 : i32
      scf.yield %scan3A_363 : i32
    }
    %scan3A_278 = arith.constant 64 : i32
    %add3A_279 = arith.constant 16 : i32
    %add3A_280 = vector.broadcast %add3A_279 : i32 to vector<16xi32>
    %add3A_281 = arith.addi %iota3A, %add3A_280 : vector<16xi32>
    %add3A_282 = arith.constant 96 : i32
    %add3A_283 = vector.broadcast %add3A_282 : i32 to vector<16xi32>
    %add3A_284 = arith.addi %add3A_281, %add3A_283 : vector<16xi32>
    %get3A_285 = arith.constant 112 : index
    %get3A_286 = tpu.vector_load %arg12[%get3A_285] {strides = array<i32>} : memref<128xi32, #tpu.memory_space<vmem>>, vector<16xi32>,
    %convert_element_type3A_287 = arith.sitofp %get3A_286 : vector<16xi32> to vector<16xf32>
    %max3A_288 = arith.constant 1.000000e+00 : f32
    %max3A_289 = vector.broadcast %max3A_288 : f32 to vector<16xf32>
    %max3A_290 = arith.maximumf %convert_element_type3A_287, %max3A_289 : vector<16xf32>
    %div3A_291 = arith.constant 1.000000e+00 : f32
    %div3A_292 = vector.broadcast %div3A_291 : f32 to vector<16xf32>
    %div3A_293 = arith.divf %div3A_292, %max3A_290 : vector<16xf32>
    %mul3A_294 = arith.constant 4 : i32
    %mul3A_295 = vector.broadcast %mul3A_294 : i32 to vector<16xi32>
    %mul3A_296 = arith.muli %add3A_281, %mul3A_295 : vector<16xi32>
    %scan3A_297 = arith.constant 0 : i32
    %scan3A_298 = arith.constant 0 : i32
    %scan3A_299 = arith.constant 64 : i32
    %scan3A_300 = arith.addi %scan3A_298, %scan3A_299 : i32
    %scan3A_301 = arith.constant 1 : i32
    %scan3A_302 = scf.for %scan3A_314 = %scan3A_298 to %scan3A_300 step %scan3A_301 iter_args(%scan3A_315 = %scan3A_297) -> (i32)  : i32 {
      %broadcast_in_dim3A_316 = arith.constant 0 : i32
      %broadcast_in_dim3A_317 = vector.broadcast %broadcast_in_dim3A_316 : i32 to vector<16xi32>
      %add3A_318 = vector.broadcast %scan3A_314 : i32 to vector<16xi32>
      %add3A_319 = arith.addi %broadcast_in_dim3A_317, %add3A_318 : vector<16xi32>
      %broadcast_in_dim3A_320 = arith.constant 0.000000e+00 : f32
      %broadcast_in_dim3A_321 = vector.broadcast %broadcast_in_dim3A_320 : f32 to vector<16xf32>
      %add3A_322 = arith.constant 0 : i32
      %add3A_323 = vector.broadcast %add3A_322 : i32 to vector<16xi32>
      %add3A_324 = arith.addi %mul3A_296, %add3A_323 : vector<16xi32>
      %gather3A = tpu.vector_load_idx %arg13[%add3A_324, %add3A_319] : memref<128x64xf32, #tpu.memory_space<vmem>>[vector<16xi32>, vector<16xi32>], vector<16xf32>,
      %gt3A = arith.constant 0 : i32
      %gt3A_325 = vector.broadcast %gt3A : i32 to vector<16xi32>
      %gt3A_326 = arith.cmpi sgt, %get3A_286, %gt3A_325 : vector<16xi32>
      %jit3A = arith.constant 0.000000e+00 : f32
      %broadcast_in_dim3A_327 = vector.broadcast %jit3A : f32 to vector<16xf32>
      %select_n3A = arith.select %gt3A_326, %gather3A, %broadcast_in_dim3A_327 : vector<16xi1>, vector<16xf32>
      %add3A_328 = arith.addf %broadcast_in_dim3A_321, %select_n3A : vector<16xf32>
      %add3A_329 = arith.constant 1 : i32
      %add3A_330 = vector.broadcast %add3A_329 : i32 to vector<16xi32>
      %add3A_331 = arith.addi %mul3A_296, %add3A_330 : vector<16xi32>
      %gather3A_332 = tpu.vector_load_idx %arg13[%add3A_331, %add3A_319] : memref<128x64xf32, #tpu.memory_space<vmem>>[vector<16xi32>, vector<16xi32>], vector<16xf32>,
      %gt3A_333 = arith.constant 1 : i32
      %gt3A_334 = vector.broadcast %gt3A_333 : i32 to vector<16xi32>
      %gt3A_335 = arith.cmpi sgt, %get3A_286, %gt3A_334 : vector<16xi32>
      %jit3A_336 = arith.constant 0.000000e+00 : f32
      %broadcast_in_dim3A_337 = vector.broadcast %jit3A_336 : f32 to vector<16xf32>
      %select_n3A_338 = arith.select %gt3A_335, %gather3A_332, %broadcast_in_dim3A_337 : vector<16xi1>, vector<16xf32>
      %add3A_339 = arith.addf %add3A_328, %select_n3A_338 : vector<16xf32>
      %add3A_340 = arith.constant 2 : i32
      %add3A_341 = vector.broadcast %add3A_340 : i32 to vector<16xi32>
      %add3A_342 = arith.addi %mul3A_296, %add3A_341 : vector<16xi32>
      %gather3A_343 = tpu.vector_load_idx %arg13[%add3A_342, %add3A_319] : memref<128x64xf32, #tpu.memory_space<vmem>>[vector<16xi32>, vector<16xi32>], vector<16xf32>,
      %gt3A_344 = arith.constant 2 : i32
      %gt3A_345 = vector.broadcast %gt3A_344 : i32 to vector<16xi32>
      %gt3A_346 = arith.cmpi sgt, %get3A_286, %gt3A_345 : vector<16xi32>
      %jit3A_347 = arith.constant 0.000000e+00 : f32
      %broadcast_in_dim3A_348 = vector.broadcast %jit3A_347 : f32 to vector<16xf32>
      %select_n3A_349 = arith.select %gt3A_346, %gather3A_343, %broadcast_in_dim3A_348 : vector<16xi1>, vector<16xf32>
      %add3A_350 = arith.addf %add3A_339, %select_n3A_349 : vector<16xf32>
      %add3A_351 = arith.constant 3 : i32
      %add3A_352 = vector.broadcast %add3A_351 : i32 to vector<16xi32>
      %add3A_353 = arith.addi %mul3A_296, %add3A_352 : vector<16xi32>
      %gather3A_354 = tpu.vector_load_idx %arg13[%add3A_353, %add3A_319] : memref<128x64xf32, #tpu.memory_space<vmem>>[vector<16xi32>, vector<16xi32>], vector<16xf32>,
      %gt3A_355 = arith.constant 3 : i32
      %gt3A_356 = vector.broadcast %gt3A_355 : i32 to vector<16xi32>
      %gt3A_357 = arith.cmpi sgt, %get3A_286, %gt3A_356 : vector<16xi32>
      %jit3A_358 = arith.constant 0.000000e+00 : f32
      %broadcast_in_dim3A_359 = vector.broadcast %jit3A_358 : f32 to vector<16xf32>
      %select_n3A_360 = arith.select %gt3A_357, %gather3A_354, %broadcast_in_dim3A_359 : vector<16xi1>, vector<16xf32>
      %add3A_361 = arith.addf %add3A_350, %select_n3A_360 : vector<16xf32>
      %mul3A_362 = arith.mulf %add3A_361, %div3A_293 : vector<16xf32>
      tpu.vector_store_idx %arg14[%add3A_284, %add3A_319], %mul3A_362 : memref<128x64xf32, #tpu.memory_space<vmem>>[vector<16xi32>, vector<16xi32>], vector<16xf32>,
      %scan3A_363 = arith.constant 0 : i32
      scf.yield %scan3A_363 : i32
    }
    %scan3A_303 = arith.constant 64 : i32
    %broadcast_in_dim3A = arith.constant 0.000000e+00 : f32
    %broadcast_in_dim3A_304 = vector.broadcast %broadcast_in_dim3A : f32 to vector<16xf32>
    %scan3A_305 = arith.constant 0 : i32
    %scan3A_306 = arith.constant 64 : i32
    %scan3A_307 = arith.addi %scan3A_305, %scan3A_306 : i32
    %scan3A_308 = arith.constant 1 : i32
    %scan3A_309:2 = scf.for %scan3A_314 = %scan3A_305 to %scan3A_307 step %scan3A_308 iter_args(%scan3A_315 = %broadcast_in_dim3A_304, %scan3A_316 = %broadcast_in_dim3A_304) -> (vector<16xf32>, vector<16xf32>)  : i32 {
      %mul3A_317 = arith.constant 2 : i32
      %mul3A_318 = arith.muli %mul3A_317, %scan3A_314 : i32
      %dma_wait3A_319 = arith.constant 0 : i32
      %dma_wait3A_320 = arith.constant 0 : i32
      %dma_wait3A_321 = tpu.memref_slice %arg3[%dma_wait3A_319, %dma_wait3A_320] : memref<100000x64xf32, #tpu.memory_space<hbm>> -> memref<50x64xf32, #tpu.memory_space<hbm>>
      %dma_wait3A_322 = arith.constant 0 : i32
      %dma_wait3A_323 = arith.constant 0 : i32
      %dma_wait3A_324 = tpu.memref_slice %arg3[%dma_wait3A_322, %dma_wait3A_323] : memref<100000x64xf32, #tpu.memory_space<hbm>> -> memref<50x64xf32, #tpu.memory_space<hbm>>
      tpu.wait_dma2 semaphore(%arg24 : memref<!tpu.dma_semaphore, #tpu.memory_space<semaphore_mem>>) src(%dma_wait3A_324 : memref<50x64xf32, #tpu.memory_space<hbm>>) dst(%arg18 : memref<50x64xf32, #tpu.memory_space<vmem>>)
      %dma_wait3A_325 = arith.constant 0 : i32
      %dma_wait3A_326 = arith.constant 0 : i32
      %dma_wait3A_327 = tpu.memref_slice %arg3[%dma_wait3A_325, %dma_wait3A_326] : memref<100000x64xf32, #tpu.memory_space<hbm>> -> memref<250x64xf32, #tpu.memory_space<hbm>>
      %dma_wait3A_328 = arith.constant 0 : i32
      %dma_wait3A_329 = arith.constant 0 : i32
      %dma_wait3A_330 = tpu.memref_slice %arg3[%dma_wait3A_328, %dma_wait3A_329] : memref<100000x64xf32, #tpu.memory_space<hbm>> -> memref<250x64xf32, #tpu.memory_space<hbm>>
      tpu.wait_dma2 semaphore(%arg24 : memref<!tpu.dma_semaphore, #tpu.memory_space<semaphore_mem>>) src(%dma_wait3A_330 : memref<250x64xf32, #tpu.memory_space<hbm>>) dst(%arg20 : memref<250x64xf32, #tpu.memory_space<vmem>>)
      %get3A_331 = arith.constant 0 : i32
      %get3A_332 = tpu.memref_slice %arg14[%mul3A_318, %get3A_331] : memref<128x64xf32, #tpu.memory_space<vmem>> -> memref<1x64xf32, #tpu.memory_space<vmem>>
      %get3A_333 = tpu.memref_squeeze %get3A_332 : memref<1x64xf32, #tpu.memory_space<vmem>> -> memref<64xf32, #tpu.memory_space<vmem>>
      %get3A_334 = arith.constant 0 : index
      %get3A_335 = tpu.vector_load %get3A_333[%get3A_334] {strides = array<i32>} : memref<64xf32, #tpu.memory_space<vmem>>, vector<16xf32>,
      %get3A_336 = arith.constant 0 : i32
      %get3A_337 = tpu.memref_slice %arg14[%mul3A_318, %get3A_336] : memref<128x64xf32, #tpu.memory_space<vmem>> -> memref<1x64xf32, #tpu.memory_space<vmem>>
      %get3A_338 = tpu.memref_squeeze %get3A_337 : memref<1x64xf32, #tpu.memory_space<vmem>> -> memref<64xf32, #tpu.memory_space<vmem>>
      %get3A_339 = arith.constant 16 : index
      %get3A_340 = tpu.vector_load %get3A_338[%get3A_339] {strides = array<i32>} : memref<64xf32, #tpu.memory_space<vmem>>, vector<16xf32>,
      %get3A_341 = arith.constant 0 : i32
      %get3A_342 = tpu.memref_slice %arg14[%mul3A_318, %get3A_341] : memref<128x64xf32, #tpu.memory_space<vmem>> -> memref<1x64xf32, #tpu.memory_space<vmem>>
      %get3A_343 = tpu.memref_squeeze %get3A_342 : memref<1x64xf32, #tpu.memory_space<vmem>> -> memref<64xf32, #tpu.memory_space<vmem>>
      %get3A_344 = arith.constant 32 : index
      %get3A_345 = tpu.vector_load %get3A_343[%get3A_344] {strides = array<i32>} : memref<64xf32, #tpu.memory_space<vmem>>, vector<16xf32>,
      %get3A_346 = arith.constant 0 : i32
      %get3A_347 = tpu.memref_slice %arg14[%mul3A_318, %get3A_346] : memref<128x64xf32, #tpu.memory_space<vmem>> -> memref<1x64xf32, #tpu.memory_space<vmem>>
      %get3A_348 = tpu.memref_squeeze %get3A_347 : memref<1x64xf32, #tpu.memory_space<vmem>> -> memref<64xf32, #tpu.memory_space<vmem>>
      %get3A_349 = arith.constant 48 : index
      %get3A_350 = tpu.vector_load %get3A_348[%get3A_349] {strides = array<i32>} : memref<64xf32, #tpu.memory_space<vmem>>, vector<16xf32>,
      %scan3A_351 = arith.constant 0 : i32
      %scan3A_352 = arith.constant 50 : i32
      %scan3A_353 = arith.addi %scan3A_351, %scan3A_352 : i32
      %scan3A_354 = arith.constant 1 : i32
      %scan3A_355:2 = scf.for %scan3A_409 = %scan3A_351 to %scan3A_353 step %scan3A_354 iter_args(%scan3A_410 = %scan3A_315, %scan3A_411 = %scan3A_316) -> (vector<16xf32>, vector<16xf32>)  : i32 {
        %mul3A_412 = arith.constant 50 : i32
        %mul3A_413 = arith.muli %mul3A_318, %mul3A_412 : i32
        %add3A_414 = arith.addi %mul3A_413, %scan3A_409 : i32
        %and3A = arith.constant 15 : i32
        %and3A_415 = arith.andi %add3A_414, %and3A : i32
        %broadcast_in_dim3A_416 = arith.constant 0 : i32
        %broadcast_in_dim3A_417 = vector.broadcast %broadcast_in_dim3A_416 : i32 to vector<16xi32>
        %add3A_418 = vector.broadcast %and3A_415 : i32 to vector<16xi32>
        %add3A_419 = arith.addi %broadcast_in_dim3A_417, %add3A_418 : vector<16xi32>
        %get3A_420 = arith.constant 0 : i32
        %get3A_421 = tpu.memref_slice %arg18[%scan3A_409, %get3A_420] : memref<50x64xf32, #tpu.memory_space<vmem>> -> memref<1x64xf32, #tpu.memory_space<vmem>>
        %get3A_422 = tpu.memref_squeeze %get3A_421 : memref<1x64xf32, #tpu.memory_space<vmem>> -> memref<64xf32, #tpu.memory_space<vmem>>
        %get3A_423 = arith.constant 0 : index
        %get3A_424 = tpu.vector_load %get3A_422[%get3A_423] {strides = array<i32>} : memref<64xf32, #tpu.memory_space<vmem>>, vector<16xf32>,
        %mul3A_425 = arith.mulf %get3A_335, %get3A_424 : vector<16xf32>
        %get3A_426 = arith.constant 0 : i32
        %get3A_427 = tpu.memref_slice %arg18[%scan3A_409, %get3A_426] : memref<50x64xf32, #tpu.memory_space<vmem>> -> memref<1x64xf32, #tpu.memory_space<vmem>>
        %get3A_428 = tpu.memref_squeeze %get3A_427 : memref<1x64xf32, #tpu.memory_space<vmem>> -> memref<64xf32, #tpu.memory_space<vmem>>
        %get3A_429 = arith.constant 16 : index
        %get3A_430 = tpu.vector_load %get3A_428[%get3A_429] {strides = array<i32>} : memref<64xf32, #tpu.memory_space<vmem>>, vector<16xf32>,
        %mul3A_431 = arith.mulf %get3A_340, %get3A_430 : vector<16xf32>
        %add3A_432 = arith.addf %mul3A_425, %mul3A_431 : vector<16xf32>
        %get3A_433 = arith.constant 0 : i32
        %get3A_434 = tpu.memref_slice %arg18[%scan3A_409, %get3A_433] : memref<50x64xf32, #tpu.memory_space<vmem>> -> memref<1x64xf32, #tpu.memory_space<vmem>>
        %get3A_435 = tpu.memref_squeeze %get3A_434 : memref<1x64xf32, #tpu.memory_space<vmem>> -> memref<64xf32, #tpu.memory_space<vmem>>
        %get3A_436 = arith.constant 32 : index
        %get3A_437 = tpu.vector_load %get3A_435[%get3A_436] {strides = array<i32>} : memref<64xf32, #tpu.memory_space<vmem>>, vector<16xf32>,
        %mul3A_438 = arith.mulf %get3A_345, %get3A_437 : vector<16xf32>
        %add3A_439 = arith.addf %add3A_432, %mul3A_438 : vector<16xf32>
        %get3A_440 = arith.constant 0 : i32
        %get3A_441 = tpu.memref_slice %arg18[%scan3A_409, %get3A_440] : memref<50x64xf32, #tpu.memory_space<vmem>> -> memref<1x64xf32, #tpu.memory_space<vmem>>
        %get3A_442 = tpu.memref_squeeze %get3A_441 : memref<1x64xf32, #tpu.memory_space<vmem>> -> memref<64xf32, #tpu.memory_space<vmem>>
        %get3A_443 = arith.constant 48 : index
        %get3A_444 = tpu.vector_load %get3A_442[%get3A_443] {strides = array<i32>} : memref<64xf32, #tpu.memory_space<vmem>>, vector<16xf32>,
        %mul3A_445 = arith.mulf %get3A_350, %get3A_444 : vector<16xf32>
        %add3A_446 = arith.addf %add3A_439, %mul3A_445 : vector<16xf32>
        %scatter3A = arith.constant 0 : i32
        %scatter3A_447 = arith.constant 0 : i32
        %scatter3A_448 = arith.constant 0 : i32
        %scatter3A_449 = tpu.memref_slice %arg22[%scatter3A, %scatter3A_447, %scatter3A_448] : memref<6x16x17xf32, #tpu.memory_space<vmem>> -> memref<1x16x17xf32, #tpu.memory_space<vmem>>
        %scatter3A_450 = tpu.memref_squeeze %scatter3A_449 : memref<1x16x17xf32, #tpu.memory_space<vmem>> -> memref<16x17xf32, #tpu.memory_space<vmem>>
        tpu.vector_store_idx %scatter3A_450[%iota3A, %add3A_419], %add3A_446 : memref<16x17xf32, #tpu.memory_space<vmem>>[vector<16xi32>, vector<16xi32>], vector<16xf32>,
        %mul3A_451 = arith.constant 5 : i32
        %mul3A_452 = arith.muli %scan3A_409, %mul3A_451 : i32
        %add3A_453 = arith.constant 0 : i32
        %add3A_454 = arith.addi %mul3A_452, %add3A_453 : i32
        %get3A_455 = arith.constant 0 : i32
        %get3A_456 = tpu.memref_slice %arg20[%add3A_454, %get3A_455] : memref<250x64xf32, #tpu.memory_space<vmem>> -> memref<1x64xf32, #tpu.memory_space<vmem>>
        %get3A_457 = tpu.memref_squeeze %get3A_456 : memref<1x64xf32, #tpu.memory_space<vmem>> -> memref<64xf32, #tpu.memory_space<vmem>>
        %get3A_458 = arith.constant 0 : index
        %get3A_459 = tpu.vector_load %get3A_457[%get3A_458] {strides = array<i32>} : memref<64xf32, #tpu.memory_space<vmem>>, vector<16xf32>,
        %mul3A_460 = arith.mulf %get3A_335, %get3A_459 : vector<16xf32>
        %get3A_461 = arith.constant 0 : i32
        %get3A_462 = tpu.memref_slice %arg20[%add3A_454, %get3A_461] : memref<250x64xf32, #tpu.memory_space<vmem>> -> memref<1x64xf32, #tpu.memory_space<vmem>>
        %get3A_463 = tpu.memref_squeeze %get3A_462 : memref<1x64xf32, #tpu.memory_space<vmem>> -> memref<64xf32, #tpu.memory_space<vmem>>
        %get3A_464 = arith.constant 16 : index
        %get3A_465 = tpu.vector_load %get3A_463[%get3A_464] {strides = array<i32>} : memref<64xf32, #tpu.memory_space<vmem>>, vector<16xf32>,
        %mul3A_466 = arith.mulf %get3A_340, %get3A_465 : vector<16xf32>
        %add3A_467 = arith.addf %mul3A_460, %mul3A_466 : vector<16xf32>
        %get3A_468 = arith.constant 0 : i32
        %get3A_469 = tpu.memref_slice %arg20[%add3A_454, %get3A_468] : memref<250x64xf32, #tpu.memory_space<vmem>> -> memref<1x64xf32, #tpu.memory_space<vmem>>
        %get3A_470 = tpu.memref_squeeze %get3A_469 : memref<1x64xf32, #tpu.memory_space<vmem>> -> memref<64xf32, #tpu.memory_space<vmem>>
        %get3A_471 = arith.constant 32 : index
        %get3A_472 = tpu.vector_load %get3A_470[%get3A_471] {strides = array<i32>} : memref<64xf32, #tpu.memory_space<vmem>>, vector<16xf32>,
        %mul3A_473 = arith.mulf %get3A_345, %get3A_472 : vector<16xf32>
        %add3A_474 = arith.addf %add3A_467, %mul3A_473 : vector<16xf32>
        %get3A_475 = arith.constant 0 : i32
        %get3A_476 = tpu.memref_slice %arg20[%add3A_454, %get3A_475] : memref<250x64xf32, #tpu.memory_space<vmem>> -> memref<1x64xf32, #tpu.memory_space<vmem>>
        %get3A_477 = tpu.memref_squeeze %get3A_476 : memref<1x64xf32, #tpu.memory_space<vmem>> -> memref<64xf32, #tpu.memory_space<vmem>>
        %get3A_478 = arith.constant 48 : index
        %get3A_479 = tpu.vector_load %get3A_477[%get3A_478] {strides = array<i32>} : memref<64xf32, #tpu.memory_space<vmem>>, vector<16xf32>,
        %mul3A_480 = arith.mulf %get3A_350, %get3A_479 : vector<16xf32>
        %add3A_481 = arith.addf %add3A_474, %mul3A_480 : vector<16xf32>
        %scatter3A_482 = arith.constant 1 : i32
        %scatter3A_483 = arith.constant 0 : i32
        %scatter3A_484 = arith.constant 0 : i32
        %scatter3A_485 = tpu.memref_slice %arg22[%scatter3A_482, %scatter3A_483, %scatter3A_484] : memref<6x16x17xf32, #tpu.memory_space<vmem>> -> memref<1x16x17xf32, #tpu.memory_space<vmem>>
        %scatter3A_486 = tpu.memref_squeeze %scatter3A_485 : memref<1x16x17xf32, #tpu.memory_space<vmem>> -> memref<16x17xf32, #tpu.memory_space<vmem>>
        tpu.vector_store_idx %scatter3A_486[%iota3A, %add3A_419], %add3A_481 : memref<16x17xf32, #tpu.memory_space<vmem>>[vector<16xi32>, vector<16xi32>], vector<16xf32>,
        %mul3A_487 = arith.constant 5 : i32
        %mul3A_488 = arith.muli %scan3A_409, %mul3A_487 : i32
        %add3A_489 = arith.constant 1 : i32
        %add3A_490 = arith.addi %mul3A_488, %add3A_489 : i32
        %get3A_491 = arith.constant 0 : i32
        %get3A_492 = tpu.memref_slice %arg20[%add3A_490, %get3A_491] : memref<250x64xf32, #tpu.memory_space<vmem>> -> memref<1x64xf32, #tpu.memory_space<vmem>>
        %get3A_493 = tpu.memref_squeeze %get3A_492 : memref<1x64xf32, #tpu.memory_space<vmem>> -> memref<64xf32, #tpu.memory_space<vmem>>
        %get3A_494 = arith.constant 0 : index
        %get3A_495 = tpu.vector_load %get3A_493[%get3A_494] {strides = array<i32>} : memref<64xf32, #tpu.memory_space<vmem>>, vector<16xf32>,
        %mul3A_496 = arith.mulf %get3A_335, %get3A_495 : vector<16xf32>
        %get3A_497 = arith.constant 0 : i32
        %get3A_498 = tpu.memref_slice %arg20[%add3A_490, %get3A_497] : memref<250x64xf32, #tpu.memory_space<vmem>> -> memref<1x64xf32, #tpu.memory_space<vmem>>
        %get3A_499 = tpu.memref_squeeze %get3A_498 : memref<1x64xf32, #tpu.memory_space<vmem>> -> memref<64xf32, #tpu.memory_space<vmem>>
        %get3A_500 = arith.constant 16 : index
        %get3A_501 = tpu.vector_load %get3A_499[%get3A_500] {strides = array<i32>} : memref<64xf32, #tpu.memory_space<vmem>>, vector<16xf32>,
        %mul3A_502 = arith.mulf %get3A_340, %get3A_501 : vector<16xf32>
        %add3A_503 = arith.addf %mul3A_496, %mul3A_502 : vector<16xf32>
        %get3A_504 = arith.constant 0 : i32
        %get3A_505 = tpu.memref_slice %arg20[%add3A_490, %get3A_504] : memref<250x64xf32, #tpu.memory_space<vmem>> -> memref<1x64xf32, #tpu.memory_space<vmem>>
        %get3A_506 = tpu.memref_squeeze %get3A_505 : memref<1x64xf32, #tpu.memory_space<vmem>> -> memref<64xf32, #tpu.memory_space<vmem>>
        %get3A_507 = arith.constant 32 : index
        %get3A_508 = tpu.vector_load %get3A_506[%get3A_507] {strides = array<i32>} : memref<64xf32, #tpu.memory_space<vmem>>, vector<16xf32>,
        %mul3A_509 = arith.mulf %get3A_345, %get3A_508 : vector<16xf32>
        %add3A_510 = arith.addf %add3A_503, %mul3A_509 : vector<16xf32>
        %get3A_511 = arith.constant 0 : i32
        %get3A_512 = tpu.memref_slice %arg20[%add3A_490, %get3A_511] : memref<250x64xf32, #tpu.memory_space<vmem>> -> memref<1x64xf32, #tpu.memory_space<vmem>>
        %get3A_513 = tpu.memref_squeeze %get3A_512 : memref<1x64xf32, #tpu.memory_space<vmem>> -> memref<64xf32, #tpu.memory_space<vmem>>
        %get3A_514 = arith.constant 48 : index
        %get3A_515 = tpu.vector_load %get3A_513[%get3A_514] {strides = array<i32>} : memref<64xf32, #tpu.memory_space<vmem>>, vector<16xf32>,
        %mul3A_516 = arith.mulf %get3A_350, %get3A_515 : vector<16xf32>
        %add3A_517 = arith.addf %add3A_510, %mul3A_516 : vector<16xf32>
        %scatter3A_518 = arith.constant 2 : i32
        %scatter3A_519 = arith.constant 0 : i32
        %scatter3A_520 = arith.constant 0 : i32
        %scatter3A_521 = tpu.memref_slice %arg22[%scatter3A_518, %scatter3A_519, %scatter3A_520] : memref<6x16x17xf32, #tpu.memory_space<vmem>> -> memref<1x16x17xf32, #tpu.memory_space<vmem>>
        %scatter3A_522 = tpu.memref_squeeze %scatter3A_521 : memref<1x16x17xf32, #tpu.memory_space<vmem>> -> memref<16x17xf32, #tpu.memory_space<vmem>>
        tpu.vector_store_idx %scatter3A_522[%iota3A, %add3A_419], %add3A_517 : memref<16x17xf32, #tpu.memory_space<vmem>>[vector<16xi32>, vector<16xi32>], vector<16xf32>,
        %mul3A_523 = arith.constant 5 : i32
        %mul3A_524 = arith.muli %scan3A_409, %mul3A_523 : i32
        %add3A_525 = arith.constant 2 : i32
        %add3A_526 = arith.addi %mul3A_524, %add3A_525 : i32
        %get3A_527 = arith.constant 0 : i32
        %get3A_528 = tpu.memref_slice %arg20[%add3A_526, %get3A_527] : memref<250x64xf32, #tpu.memory_space<vmem>> -> memref<1x64xf32, #tpu.memory_space<vmem>>
        %get3A_529 = tpu.memref_squeeze %get3A_528 : memref<1x64xf32, #tpu.memory_space<vmem>> -> memref<64xf32, #tpu.memory_space<vmem>>
        %get3A_530 = arith.constant 0 : index
        %get3A_531 = tpu.vector_load %get3A_529[%get3A_530] {strides = array<i32>} : memref<64xf32, #tpu.memory_space<vmem>>, vector<16xf32>,
        %mul3A_532 = arith.mulf %get3A_335, %get3A_531 : vector<16xf32>
        %get3A_533 = arith.constant 0 : i32
        %get3A_534 = tpu.memref_slice %arg20[%add3A_526, %get3A_533] : memref<250x64xf32, #tpu.memory_space<vmem>> -> memref<1x64xf32, #tpu.memory_space<vmem>>
        %get3A_535 = tpu.memref_squeeze %get3A_534 : memref<1x64xf32, #tpu.memory_space<vmem>> -> memref<64xf32, #tpu.memory_space<vmem>>
        %get3A_536 = arith.constant 16 : index
        %get3A_537 = tpu.vector_load %get3A_535[%get3A_536] {strides = array<i32>} : memref<64xf32, #tpu.memory_space<vmem>>, vector<16xf32>,
        %mul3A_538 = arith.mulf %get3A_340, %get3A_537 : vector<16xf32>
        %add3A_539 = arith.addf %mul3A_532, %mul3A_538 : vector<16xf32>
        %get3A_540 = arith.constant 0 : i32
        %get3A_541 = tpu.memref_slice %arg20[%add3A_526, %get3A_540] : memref<250x64xf32, #tpu.memory_space<vmem>> -> memref<1x64xf32, #tpu.memory_space<vmem>>
        %get3A_542 = tpu.memref_squeeze %get3A_541 : memref<1x64xf32, #tpu.memory_space<vmem>> -> memref<64xf32, #tpu.memory_space<vmem>>
        %get3A_543 = arith.constant 32 : index
        %get3A_544 = tpu.vector_load %get3A_542[%get3A_543] {strides = array<i32>} : memref<64xf32, #tpu.memory_space<vmem>>, vector<16xf32>,
        %mul3A_545 = arith.mulf %get3A_345, %get3A_544 : vector<16xf32>
        %add3A_546 = arith.addf %add3A_539, %mul3A_545 : vector<16xf32>
        %get3A_547 = arith.constant 0 : i32
        %get3A_548 = tpu.memref_slice %arg20[%add3A_526, %get3A_547] : memref<250x64xf32, #tpu.memory_space<vmem>> -> memref<1x64xf32, #tpu.memory_space<vmem>>
        %get3A_549 = tpu.memref_squeeze %get3A_548 : memref<1x64xf32, #tpu.memory_space<vmem>> -> memref<64xf32, #tpu.memory_space<vmem>>
        %get3A_550 = arith.constant 48 : index
        %get3A_551 = tpu.vector_load %get3A_549[%get3A_550] {strides = array<i32>} : memref<64xf32, #tpu.memory_space<vmem>>, vector<16xf32>,
        %mul3A_552 = arith.mulf %get3A_350, %get3A_551 : vector<16xf32>
        %add3A_553 = arith.addf %add3A_546, %mul3A_552 : vector<16xf32>
        %scatter3A_554 = arith.constant 3 : i32
        %scatter3A_555 = arith.constant 0 : i32
        %scatter3A_556 = arith.constant 0 : i32
        %scatter3A_557 = tpu.memref_slice %arg22[%scatter3A_554, %scatter3A_555, %scatter3A_556] : memref<6x16x17xf32, #tpu.memory_space<vmem>> -> memref<1x16x17xf32, #tpu.memory_space<vmem>>
        %scatter3A_558 = tpu.memref_squeeze %scatter3A_557 : memref<1x16x17xf32, #tpu.memory_space<vmem>> -> memref<16x17xf32, #tpu.memory_space<vmem>>
        tpu.vector_store_idx %scatter3A_558[%iota3A, %add3A_419], %add3A_553 : memref<16x17xf32, #tpu.memory_space<vmem>>[vector<16xi32>, vector<16xi32>], vector<16xf32>,
        %mul3A_559 = arith.constant 5 : i32
        %mul3A_560 = arith.muli %scan3A_409, %mul3A_559 : i32
        %add3A_561 = arith.constant 3 : i32
        %add3A_562 = arith.addi %mul3A_560, %add3A_561 : i32
        %get3A_563 = arith.constant 0 : i32
        %get3A_564 = tpu.memref_slice %arg20[%add3A_562, %get3A_563] : memref<250x64xf32, #tpu.memory_space<vmem>> -> memref<1x64xf32, #tpu.memory_space<vmem>>
        %get3A_565 = tpu.memref_squeeze %get3A_564 : memref<1x64xf32, #tpu.memory_space<vmem>> -> memref<64xf32, #tpu.memory_space<vmem>>
        %get3A_566 = arith.constant 0 : index
        %get3A_567 = tpu.vector_load %get3A_565[%get3A_566] {strides = array<i32>} : memref<64xf32, #tpu.memory_space<vmem>>, vector<16xf32>,
        %mul3A_568 = arith.mulf %get3A_335, %get3A_567 : vector<16xf32>
        %get3A_569 = arith.constant 0 : i32
        %get3A_570 = tpu.memref_slice %arg20[%add3A_562, %get3A_569] : memref<250x64xf32, #tpu.memory_space<vmem>> -> memref<1x64xf32, #tpu.memory_space<vmem>>
        %get3A_571 = tpu.memref_squeeze %get3A_570 : memref<1x64xf32, #tpu.memory_space<vmem>> -> memref<64xf32, #tpu.memory_space<vmem>>
        %get3A_572 = arith.constant 16 : index
        %get3A_573 = tpu.vector_load %get3A_571[%get3A_572] {strides = array<i32>} : memref<64xf32, #tpu.memory_space<vmem>>, vector<16xf32>,
        %mul3A_574 = arith.mulf %get3A_340, %get3A_573 : vector<16xf32>
        %add3A_575 = arith.addf %mul3A_568, %mul3A_574 : vector<16xf32>
        %get3A_576 = arith.constant 0 : i32
        %get3A_577 = tpu.memref_slice %arg20[%add3A_562, %get3A_576] : memref<250x64xf32, #tpu.memory_space<vmem>> -> memref<1x64xf32, #tpu.memory_space<vmem>>
        %get3A_578 = tpu.memref_squeeze %get3A_577 : memref<1x64xf32, #tpu.memory_space<vmem>> -> memref<64xf32, #tpu.memory_space<vmem>>
        %get3A_579 = arith.constant 32 : index
        %get3A_580 = tpu.vector_load %get3A_578[%get3A_579] {strides = array<i32>} : memref<64xf32, #tpu.memory_space<vmem>>, vector<16xf32>,
        %mul3A_581 = arith.mulf %get3A_345, %get3A_580 : vector<16xf32>
        %add3A_582 = arith.addf %add3A_575, %mul3A_581 : vector<16xf32>
        %get3A_583 = arith.constant 0 : i32
        %get3A_584 = tpu.memref_slice %arg20[%add3A_562, %get3A_583] : memref<250x64xf32, #tpu.memory_space<vmem>> -> memref<1x64xf32, #tpu.memory_space<vmem>>
        %get3A_585 = tpu.memref_squeeze %get3A_584 : memref<1x64xf32, #tpu.memory_space<vmem>> -> memref<64xf32, #tpu.memory_space<vmem>>
        %get3A_586 = arith.constant 48 : index
        %get3A_587 = tpu.vector_load %get3A_585[%get3A_586] {strides = array<i32>} : memref<64xf32, #tpu.memory_space<vmem>>, vector<16xf32>,
        %mul3A_588 = arith.mulf %get3A_350, %get3A_587 : vector<16xf32>
        %add3A_589 = arith.addf %add3A_582, %mul3A_588 : vector<16xf32>
        %scatter3A_590 = arith.constant 4 : i32
        %scatter3A_591 = arith.constant 0 : i32
        %scatter3A_592 = arith.constant 0 : i32
        %scatter3A_593 = tpu.memref_slice %arg22[%scatter3A_590, %scatter3A_591, %scatter3A_592] : memref<6x16x17xf32, #tpu.memory_space<vmem>> -> memref<1x16x17xf32, #tpu.memory_space<vmem>>
        %scatter3A_594 = tpu.memref_squeeze %scatter3A_593 : memref<1x16x17xf32, #tpu.memory_space<vmem>> -> memref<16x17xf32, #tpu.memory_space<vmem>>
        tpu.vector_store_idx %scatter3A_594[%iota3A, %add3A_419], %add3A_589 : memref<16x17xf32, #tpu.memory_space<vmem>>[vector<16xi32>, vector<16xi32>], vector<16xf32>,
        %mul3A_595 = arith.constant 5 : i32
        %mul3A_596 = arith.muli %scan3A_409, %mul3A_595 : i32
        %add3A_597 = arith.constant 4 : i32
        %add3A_598 = arith.addi %mul3A_596, %add3A_597 : i32
        %get3A_599 = arith.constant 0 : i32
        %get3A_600 = tpu.memref_slice %arg20[%add3A_598, %get3A_599] : memref<250x64xf32, #tpu.memory_space<vmem>> -> memref<1x64xf32, #tpu.memory_space<vmem>>
        %get3A_601 = tpu.memref_squeeze %get3A_600 : memref<1x64xf32, #tpu.memory_space<vmem>> -> memref<64xf32, #tpu.memory_space<vmem>>
        %get3A_602 = arith.constant 0 : index
        %get3A_603 = tpu.vector_load %get3A_601[%get3A_602] {strides = array<i32>} : memref<64xf32, #tpu.memory_space<vmem>>, vector<16xf32>,
        %mul3A_604 = arith.mulf %get3A_335, %get3A_603 : vector<16xf32>
        %get3A_605 = arith.constant 0 : i32
        %get3A_606 = tpu.memref_slice %arg20[%add3A_598, %get3A_605] : memref<250x64xf32, #tpu.memory_space<vmem>> -> memref<1x64xf32, #tpu.memory_space<vmem>>
        %get3A_607 = tpu.memref_squeeze %get3A_606 : memref<1x64xf32, #tpu.memory_space<vmem>> -> memref<64xf32, #tpu.memory_space<vmem>>
        %get3A_608 = arith.constant 16 : index
        %get3A_609 = tpu.vector_load %get3A_607[%get3A_608] {strides = array<i32>} : memref<64xf32, #tpu.memory_space<vmem>>, vector<16xf32>,
        %mul3A_610 = arith.mulf %get3A_340, %get3A_609 : vector<16xf32>
        %add3A_611 = arith.addf %mul3A_604, %mul3A_610 : vector<16xf32>
        %get3A_612 = arith.constant 0 : i32
        %get3A_613 = tpu.memref_slice %arg20[%add3A_598, %get3A_612] : memref<250x64xf32, #tpu.memory_space<vmem>> -> memref<1x64xf32, #tpu.memory_space<vmem>>
        %get3A_614 = tpu.memref_squeeze %get3A_613 : memref<1x64xf32, #tpu.memory_space<vmem>> -> memref<64xf32, #tpu.memory_space<vmem>>
        %get3A_615 = arith.constant 32 : index
        %get3A_616 = tpu.vector_load %get3A_614[%get3A_615] {strides = array<i32>} : memref<64xf32, #tpu.memory_space<vmem>>, vector<16xf32>,
        %mul3A_617 = arith.mulf %get3A_345, %get3A_616 : vector<16xf32>
        %add3A_618 = arith.addf %add3A_611, %mul3A_617 : vector<16xf32>
        %get3A_619 = arith.constant 0 : i32
        %get3A_620 = tpu.memref_slice %arg20[%add3A_598, %get3A_619] : memref<250x64xf32, #tpu.memory_space<vmem>> -> memref<1x64xf32, #tpu.memory_space<vmem>>
        %get3A_621 = tpu.memref_squeeze %get3A_620 : memref<1x64xf32, #tpu.memory_space<vmem>> -> memref<64xf32, #tpu.memory_space<vmem>>
        %get3A_622 = arith.constant 48 : index
        %get3A_623 = tpu.vector_load %get3A_621[%get3A_622] {strides = array<i32>} : memref<64xf32, #tpu.memory_space<vmem>>, vector<16xf32>,
        %mul3A_624 = arith.mulf %get3A_350, %get3A_623 : vector<16xf32>
        %add3A_625 = arith.addf %add3A_618, %mul3A_624 : vector<16xf32>
        %scatter3A_626 = arith.constant 5 : i32
        %scatter3A_627 = arith.constant 0 : i32
        %scatter3A_628 = arith.constant 0 : i32
        %scatter3A_629 = tpu.memref_slice %arg22[%scatter3A_626, %scatter3A_627, %scatter3A_628] : memref<6x16x17xf32, #tpu.memory_space<vmem>> -> memref<1x16x17xf32, #tpu.memory_space<vmem>>
        %scatter3A_630 = tpu.memref_squeeze %scatter3A_629 : memref<1x16x17xf32, #tpu.memory_space<vmem>> -> memref<16x17xf32, #tpu.memory_space<vmem>>
        tpu.vector_store_idx %scatter3A_630[%iota3A, %add3A_419], %add3A_625 : memref<16x17xf32, #tpu.memory_space<vmem>>[vector<16xi32>, vector<16xi32>], vector<16xf32>,
        %eq3A = arith.constant 15 : i32
        %eq3A_631 = arith.cmpi eq, %and3A_415, %eq3A : i32
        %convert_element_type3A_632 = arith.extui %eq3A_631 : i1 to i32
        %cond3A_633 = arith.constant 0 : i32
        %cond3A_634 = arith.cmpi ne, %convert_element_type3A_632, %cond3A_633 : i32
        %cond3A_635:2 = scf.if %cond3A_634 -> (vector<16xf32>, vector<16xf32>) {
          %mul3A_636 = arith.constant 50 : i32
          %mul3A_637 = arith.muli %mul3A_318, %mul3A_636 : i32
          %add3A_638 = arith.addi %mul3A_637, %scan3A_409 : i32
          %get3A_639 = arith.constant 0 : i32
          %get3A_640 = arith.constant 0 : i32
          %get3A_641 = arith.constant 0 : i32
          %get3A_642 = arith.constant 0 : i32
          %get3A_643 = tpu.memref_slice %arg22[%get3A_639, %get3A_641, %get3A_642] : memref<6x16x17xf32, #tpu.memory_space<vmem>> -> memref<1x16x17xf32, #tpu.memory_space<vmem>>
          %get3A_644 = tpu.memref_squeeze %get3A_643 : memref<1x16x17xf32, #tpu.memory_space<vmem>> -> memref<16x17xf32, #tpu.memory_space<vmem>>
          %get3A_645 = arith.constant 0 : i32
          %get3A_646 = tpu.memref_slice %get3A_644[%get3A_640, %get3A_645] : memref<16x17xf32, #tpu.memory_space<vmem>> -> memref<1x17xf32, #tpu.memory_space<vmem>>
          %get3A_647 = tpu.memref_squeeze %get3A_646 : memref<1x17xf32, #tpu.memory_space<vmem>> -> memref<17xf32, #tpu.memory_space<vmem>>
          %get3A_648 = arith.constant 0 : index
          %get3A_649 = tpu.vector_load %get3A_647[%get3A_648] {strides = array<i32>} : memref<17xf32, #tpu.memory_space<vmem>>, vector<16xf32>,
          %get3A_650 = arith.constant 0 : i32
          %get3A_651 = arith.constant 1 : i32
          %get3A_652 = arith.constant 0 : i32
          %get3A_653 = arith.constant 0 : i32
          %get3A_654 = tpu.memref_slice %arg22[%get3A_650, %get3A_652, %get3A_653] : memref<6x16x17xf32, #tpu.memory_space<vmem>> -> memref<1x16x17xf32, #tpu.memory_space<vmem>>
          %get3A_655 = tpu.memref_squeeze %get3A_654 : memref<1x16x17xf32, #tpu.memory_space<vmem>> -> memref<16x17xf32, #tpu.memory_space<vmem>>
          %get3A_656 = arith.constant 0 : i32
          %get3A_657 = tpu.memref_slice %get3A_655[%get3A_651, %get3A_656] : memref<16x17xf32, #tpu.memory_space<vmem>> -> memref<1x17xf32, #tpu.memory_space<vmem>>
          %get3A_658 = tpu.memref_squeeze %get3A_657 : memref<1x17xf32, #tpu.memory_space<vmem>> -> memref<17xf32, #tpu.memory_space<vmem>>
          %get3A_659 = arith.constant 0 : index
          %get3A_660 = tpu.vector_load %get3A_658[%get3A_659] {strides = array<i32>} : memref<17xf32, #tpu.memory_space<vmem>>, vector<16xf32>,
          %add3A_661 = arith.addf %get3A_649, %get3A_660 : vector<16xf32>
          %get3A_662 = arith.constant 0 : i32
          %get3A_663 = arith.constant 2 : i32
          %get3A_664 = arith.constant 0 : i32
          %get3A_665 = arith.constant 0 : i32
          %get3A_666 = tpu.memref_slice %arg22[%get3A_662, %get3A_664, %get3A_665] : memref<6x16x17xf32, #tpu.memory_space<vmem>> -> memref<1x16x17xf32, #tpu.memory_space<vmem>>
          %get3A_667 = tpu.memref_squeeze %get3A_666 : memref<1x16x17xf32, #tpu.memory_space<vmem>> -> memref<16x17xf32, #tpu.memory_space<vmem>>
          %get3A_668 = arith.constant 0 : i32
          %get3A_669 = tpu.memref_slice %get3A_667[%get3A_663, %get3A_668] : memref<16x17xf32, #tpu.memory_space<vmem>> -> memref<1x17xf32, #tpu.memory_space<vmem>>
          %get3A_670 = tpu.memref_squeeze %get3A_669 : memref<1x17xf32, #tpu.memory_space<vmem>> -> memref<17xf32, #tpu.memory_space<vmem>>
          %get3A_671 = arith.constant 0 : index
          %get3A_672 = tpu.vector_load %get3A_670[%get3A_671] {strides = array<i32>} : memref<17xf32, #tpu.memory_space<vmem>>, vector<16xf32>,
          %add3A_673 = arith.addf %add3A_661, %get3A_672 : vector<16xf32>
          %get3A_674 = arith.constant 0 : i32
          %get3A_675 = arith.constant 3 : i32
          %get3A_676 = arith.constant 0 : i32
          %get3A_677 = arith.constant 0 : i32
          %get3A_678 = tpu.memref_slice %arg22[%get3A_674, %get3A_676, %get3A_677] : memref<6x16x17xf32, #tpu.memory_space<vmem>> -> memref<1x16x17xf32, #tpu.memory_space<vmem>>
          %get3A_679 = tpu.memref_squeeze %get3A_678 : memref<1x16x17xf32, #tpu.memory_space<vmem>> -> memref<16x17xf32, #tpu.memory_space<vmem>>
          %get3A_680 = arith.constant 0 : i32
          %get3A_681 = tpu.memref_slice %get3A_679[%get3A_675, %get3A_680] : memref<16x17xf32, #tpu.memory_space<vmem>> -> memref<1x17xf32, #tpu.memory_space<vmem>>
          %get3A_682 = tpu.memref_squeeze %get3A_681 : memref<1x17xf32, #tpu.memory_space<vmem>> -> memref<17xf32, #tpu.memory_space<vmem>>
          %get3A_683 = arith.constant 0 : index
          %get3A_684 = tpu.vector_load %get3A_682[%get3A_683] {strides = array<i32>} : memref<17xf32, #tpu.memory_space<vmem>>, vector<16xf32>,
          %add3A_685 = arith.addf %add3A_673, %get3A_684 : vector<16xf32>
          %get3A_686 = arith.constant 0 : i32
          %get3A_687 = arith.constant 4 : i32
          %get3A_688 = arith.constant 0 : i32
          %get3A_689 = arith.constant 0 : i32
          %get3A_690 = tpu.memref_slice %arg22[%get3A_686, %get3A_688, %get3A_689] : memref<6x16x17xf32, #tpu.memory_space<vmem>> -> memref<1x16x17xf32, #tpu.memory_space<vmem>>
          %get3A_691 = tpu.memref_squeeze %get3A_690 : memref<1x16x17xf32, #tpu.memory_space<vmem>> -> memref<16x17xf32, #tpu.memory_space<vmem>>
          %get3A_692 = arith.constant 0 : i32
          %get3A_693 = tpu.memref_slice %get3A_691[%get3A_687, %get3A_692] : memref<16x17xf32, #tpu.memory_space<vmem>> -> memref<1x17xf32, #tpu.memory_space<vmem>>
          %get3A_694 = tpu.memref_squeeze %get3A_693 : memref<1x17xf32, #tpu.memory_space<vmem>> -> memref<17xf32, #tpu.memory_space<vmem>>
          %get3A_695 = arith.constant 0 : index
          %get3A_696 = tpu.vector_load %get3A_694[%get3A_695] {strides = array<i32>} : memref<17xf32, #tpu.memory_space<vmem>>, vector<16xf32>,
          %add3A_697 = arith.addf %add3A_685, %get3A_696 : vector<16xf32>
          %get3A_698 = arith.constant 0 : i32
          %get3A_699 = arith.constant 5 : i32
          %get3A_700 = arith.constant 0 : i32
          %get3A_701 = arith.constant 0 : i32
          %get3A_702 = tpu.memref_slice %arg22[%get3A_698, %get3A_700, %get3A_701] : memref<6x16x17xf32, #tpu.memory_space<vmem>> -> memref<1x16x17xf32, #tpu.memory_space<vmem>>
          %get3A_703 = tpu.memref_squeeze %get3A_702 : memref<1x16x17xf32, #tpu.memory_space<vmem>> -> memref<16x17xf32, #tpu.memory_space<vmem>>
          %get3A_704 = arith.constant 0 : i32
          %get3A_705 = tpu.memref_slice %get3A_703[%get3A_699, %get3A_704] : memref<16x17xf32, #tpu.memory_space<vmem>> -> memref<1x17xf32, #tpu.memory_space<vmem>>
          %get3A_706 = tpu.memref_squeeze %get3A_705 : memref<1x17xf32, #tpu.memory_space<vmem>> -> memref<17xf32, #tpu.memory_space<vmem>>
          %get3A_707 = arith.constant 0 : index
          %get3A_708 = tpu.vector_load %get3A_706[%get3A_707] {strides = array<i32>} : memref<17xf32, #tpu.memory_space<vmem>>, vector<16xf32>,
          %add3A_709 = arith.addf %add3A_697, %get3A_708 : vector<16xf32>
          %get3A_710 = arith.constant 0 : i32
          %get3A_711 = arith.constant 6 : i32
          %get3A_712 = arith.constant 0 : i32
          %get3A_713 = arith.constant 0 : i32
          %get3A_714 = tpu.memref_slice %arg22[%get3A_710, %get3A_712, %get3A_713] : memref<6x16x17xf32, #tpu.memory_space<vmem>> -> memref<1x16x17xf32, #tpu.memory_space<vmem>>
          %get3A_715 = tpu.memref_squeeze %get3A_714 : memref<1x16x17xf32, #tpu.memory_space<vmem>> -> memref<16x17xf32, #tpu.memory_space<vmem>>
          %get3A_716 = arith.constant 0 : i32
          %get3A_717 = tpu.memref_slice %get3A_715[%get3A_711, %get3A_716] : memref<16x17xf32, #tpu.memory_space<vmem>> -> memref<1x17xf32, #tpu.memory_space<vmem>>
          %get3A_718 = tpu.memref_squeeze %get3A_717 : memref<1x17xf32, #tpu.memory_space<vmem>> -> memref<17xf32, #tpu.memory_space<vmem>>
          %get3A_719 = arith.constant 0 : index
          %get3A_720 = tpu.vector_load %get3A_718[%get3A_719] {strides = array<i32>} : memref<17xf32, #tpu.memory_space<vmem>>, vector<16xf32>,
          %add3A_721 = arith.addf %add3A_709, %get3A_720 : vector<16xf32>
          %get3A_722 = arith.constant 0 : i32
          %get3A_723 = arith.constant 7 : i32
          %get3A_724 = arith.constant 0 : i32
          %get3A_725 = arith.constant 0 : i32
          %get3A_726 = tpu.memref_slice %arg22[%get3A_722, %get3A_724, %get3A_725] : memref<6x16x17xf32, #tpu.memory_space<vmem>> -> memref<1x16x17xf32, #tpu.memory_space<vmem>>
          %get3A_727 = tpu.memref_squeeze %get3A_726 : memref<1x16x17xf32, #tpu.memory_space<vmem>> -> memref<16x17xf32, #tpu.memory_space<vmem>>
          %get3A_728 = arith.constant 0 : i32
          %get3A_729 = tpu.memref_slice %get3A_727[%get3A_723, %get3A_728] : memref<16x17xf32, #tpu.memory_space<vmem>> -> memref<1x17xf32, #tpu.memory_space<vmem>>
          %get3A_730 = tpu.memref_squeeze %get3A_729 : memref<1x17xf32, #tpu.memory_space<vmem>> -> memref<17xf32, #tpu.memory_space<vmem>>
          %get3A_731 = arith.constant 0 : index
          %get3A_732 = tpu.vector_load %get3A_730[%get3A_731] {strides = array<i32>} : memref<17xf32, #tpu.memory_space<vmem>>, vector<16xf32>,
          %add3A_733 = arith.addf %add3A_721, %get3A_732 : vector<16xf32>
          %get3A_734 = arith.constant 0 : i32
          %get3A_735 = arith.constant 8 : i32
          %get3A_736 = arith.constant 0 : i32
          %get3A_737 = arith.constant 0 : i32
          %get3A_738 = tpu.memref_slice %arg22[%get3A_734, %get3A_736, %get3A_737] : memref<6x16x17xf32, #tpu.memory_space<vmem>> -> memref<1x16x17xf32, #tpu.memory_space<vmem>>
          %get3A_739 = tpu.memref_squeeze %get3A_738 : memref<1x16x17xf32, #tpu.memory_space<vmem>> -> memref<16x17xf32, #tpu.memory_space<vmem>>
          %get3A_740 = arith.constant 0 : i32
          %get3A_741 = tpu.memref_slice %get3A_739[%get3A_735, %get3A_740] : memref<16x17xf32, #tpu.memory_space<vmem>> -> memref<1x17xf32, #tpu.memory_space<vmem>>
          %get3A_742 = tpu.memref_squeeze %get3A_741 : memref<1x17xf32, #tpu.memory_space<vmem>> -> memref<17xf32, #tpu.memory_space<vmem>>
          %get3A_743 = arith.constant 0 : index
          %get3A_744 = tpu.vector_load %get3A_742[%get3A_743] {strides = array<i32>} : memref<17xf32, #tpu.memory_space<vmem>>, vector<16xf32>,
          %add3A_745 = arith.addf %add3A_733, %get3A_744 : vector<16xf32>
          %get3A_746 = arith.constant 0 : i32
          %get3A_747 = arith.constant 9 : i32
          %get3A_748 = arith.constant 0 : i32
          %get3A_749 = arith.constant 0 : i32
          %get3A_750 = tpu.memref_slice %arg22[%get3A_746, %get3A_748, %get3A_749] : memref<6x16x17xf32, #tpu.memory_space<vmem>> -> memref<1x16x17xf32, #tpu.memory_space<vmem>>
          %get3A_751 = tpu.memref_squeeze %get3A_750 : memref<1x16x17xf32, #tpu.memory_space<vmem>> -> memref<16x17xf32, #tpu.memory_space<vmem>>
          %get3A_752 = arith.constant 0 : i32
          %get3A_753 = tpu.memref_slice %get3A_751[%get3A_747, %get3A_752] : memref<16x17xf32, #tpu.memory_space<vmem>> -> memref<1x17xf32, #tpu.memory_space<vmem>>
          %get3A_754 = tpu.memref_squeeze %get3A_753 : memref<1x17xf32, #tpu.memory_space<vmem>> -> memref<17xf32, #tpu.memory_space<vmem>>
          %get3A_755 = arith.constant 0 : index
          %get3A_756 = tpu.vector_load %get3A_754[%get3A_755] {strides = array<i32>} : memref<17xf32, #tpu.memory_space<vmem>>, vector<16xf32>,
          %add3A_757 = arith.addf %add3A_745, %get3A_756 : vector<16xf32>
          %get3A_758 = arith.constant 0 : i32
          %get3A_759 = arith.constant 10 : i32
          %get3A_760 = arith.constant 0 : i32
          %get3A_761 = arith.constant 0 : i32
          %get3A_762 = tpu.memref_slice %arg22[%get3A_758, %get3A_760, %get3A_761] : memref<6x16x17xf32, #tpu.memory_space<vmem>> -> memref<1x16x17xf32, #tpu.memory_space<vmem>>
          %get3A_763 = tpu.memref_squeeze %get3A_762 : memref<1x16x17xf32, #tpu.memory_space<vmem>> -> memref<16x17xf32, #tpu.memory_space<vmem>>
          %get3A_764 = arith.constant 0 : i32
          %get3A_765 = tpu.memref_slice %get3A_763[%get3A_759, %get3A_764] : memref<16x17xf32, #tpu.memory_space<vmem>> -> memref<1x17xf32, #tpu.memory_space<vmem>>
          %get3A_766 = tpu.memref_squeeze %get3A_765 : memref<1x17xf32, #tpu.memory_space<vmem>> -> memref<17xf32, #tpu.memory_space<vmem>>
          %get3A_767 = arith.constant 0 : index
          %get3A_768 = tpu.vector_load %get3A_766[%get3A_767] {strides = array<i32>} : memref<17xf32, #tpu.memory_space<vmem>>, vector<16xf32>,
          %add3A_769 = arith.addf %add3A_757, %get3A_768 : vector<16xf32>
          %get3A_770 = arith.constant 0 : i32
          %get3A_771 = arith.constant 11 : i32
          %get3A_772 = arith.constant 0 : i32
          %get3A_773 = arith.constant 0 : i32
          %get3A_774 = tpu.memref_slice %arg22[%get3A_770, %get3A_772, %get3A_773] : memref<6x16x17xf32, #tpu.memory_space<vmem>> -> memref<1x16x17xf32, #tpu.memory_space<vmem>>
          %get3A_775 = tpu.memref_squeeze %get3A_774 : memref<1x16x17xf32, #tpu.memory_space<vmem>> -> memref<16x17xf32, #tpu.memory_space<vmem>>
          %get3A_776 = arith.constant 0 : i32
          %get3A_777 = tpu.memref_slice %get3A_775[%get3A_771, %get3A_776] : memref<16x17xf32, #tpu.memory_space<vmem>> -> memref<1x17xf32, #tpu.memory_space<vmem>>
          %get3A_778 = tpu.memref_squeeze %get3A_777 : memref<1x17xf32, #tpu.memory_space<vmem>> -> memref<17xf32, #tpu.memory_space<vmem>>
          %get3A_779 = arith.constant 0 : index
          %get3A_780 = tpu.vector_load %get3A_778[%get3A_779] {strides = array<i32>} : memref<17xf32, #tpu.memory_space<vmem>>, vector<16xf32>,
          %add3A_781 = arith.addf %add3A_769, %get3A_780 : vector<16xf32>
          %get3A_782 = arith.constant 0 : i32
          %get3A_783 = arith.constant 12 : i32
          %get3A_784 = arith.constant 0 : i32
          %get3A_785 = arith.constant 0 : i32
          %get3A_786 = tpu.memref_slice %arg22[%get3A_782, %get3A_784, %get3A_785] : memref<6x16x17xf32, #tpu.memory_space<vmem>> -> memref<1x16x17xf32, #tpu.memory_space<vmem>>
          %get3A_787 = tpu.memref_squeeze %get3A_786 : memref<1x16x17xf32, #tpu.memory_space<vmem>> -> memref<16x17xf32, #tpu.memory_space<vmem>>
          %get3A_788 = arith.constant 0 : i32
          %get3A_789 = tpu.memref_slice %get3A_787[%get3A_783, %get3A_788] : memref<16x17xf32, #tpu.memory_space<vmem>> -> memref<1x17xf32, #tpu.memory_space<vmem>>
          %get3A_790 = tpu.memref_squeeze %get3A_789 : memref<1x17xf32, #tpu.memory_space<vmem>> -> memref<17xf32, #tpu.memory_space<vmem>>
          %get3A_791 = arith.constant 0 : index
          %get3A_792 = tpu.vector_load %get3A_790[%get3A_791] {strides = array<i32>} : memref<17xf32, #tpu.memory_space<vmem>>, vector<16xf32>,
          %add3A_793 = arith.addf %add3A_781, %get3A_792 : vector<16xf32>
          %get3A_794 = arith.constant 0 : i32
          %get3A_795 = arith.constant 13 : i32
          %get3A_796 = arith.constant 0 : i32
          %get3A_797 = arith.constant 0 : i32
          %get3A_798 = tpu.memref_slice %arg22[%get3A_794, %get3A_796, %get3A_797] : memref<6x16x17xf32, #tpu.memory_space<vmem>> -> memref<1x16x17xf32, #tpu.memory_space<vmem>>
          %get3A_799 = tpu.memref_squeeze %get3A_798 : memref<1x16x17xf32, #tpu.memory_space<vmem>> -> memref<16x17xf32, #tpu.memory_space<vmem>>
          %get3A_800 = arith.constant 0 : i32
          %get3A_801 = tpu.memref_slice %get3A_799[%get3A_795, %get3A_800] : memref<16x17xf32, #tpu.memory_space<vmem>> -> memref<1x17xf32, #tpu.memory_space<vmem>>
          %get3A_802 = tpu.memref_squeeze %get3A_801 : memref<1x17xf32, #tpu.memory_space<vmem>> -> memref<17xf32, #tpu.memory_space<vmem>>
          %get3A_803 = arith.constant 0 : index
          %get3A_804 = tpu.vector_load %get3A_802[%get3A_803] {strides = array<i32>} : memref<17xf32, #tpu.memory_space<vmem>>, vector<16xf32>,
          %add3A_805 = arith.addf %add3A_793, %get3A_804 : vector<16xf32>
          %get3A_806 = arith.constant 0 : i32
          %get3A_807 = arith.constant 14 : i32
          %get3A_808 = arith.constant 0 : i32
          %get3A_809 = arith.constant 0 : i32
          %get3A_810 = tpu.memref_slice %arg22[%get3A_806, %get3A_808, %get3A_809] : memref<6x16x17xf32, #tpu.memory_space<vmem>> -> memref<1x16x17xf32, #tpu.memory_space<vmem>>
          %get3A_811 = tpu.memref_squeeze %get3A_810 : memref<1x16x17xf32, #tpu.memory_space<vmem>> -> memref<16x17xf32, #tpu.memory_space<vmem>>
          %get3A_812 = arith.constant 0 : i32
          %get3A_813 = tpu.memref_slice %get3A_811[%get3A_807, %get3A_812] : memref<16x17xf32, #tpu.memory_space<vmem>> -> memref<1x17xf32, #tpu.memory_space<vmem>>
          %get3A_814 = tpu.memref_squeeze %get3A_813 : memref<1x17xf32, #tpu.memory_space<vmem>> -> memref<17xf32, #tpu.memory_space<vmem>>
          %get3A_815 = arith.constant 0 : index
          %get3A_816 = tpu.vector_load %get3A_814[%get3A_815] {strides = array<i32>} : memref<17xf32, #tpu.memory_space<vmem>>, vector<16xf32>,
          %add3A_817 = arith.addf %add3A_805, %get3A_816 : vector<16xf32>
          %get3A_818 = arith.constant 0 : i32
          %get3A_819 = arith.constant 15 : i32
          %get3A_820 = arith.constant 0 : i32
          %get3A_821 = arith.constant 0 : i32
          %get3A_822 = tpu.memref_slice %arg22[%get3A_818, %get3A_820, %get3A_821] : memref<6x16x17xf32, #tpu.memory_space<vmem>> -> memref<1x16x17xf32, #tpu.memory_space<vmem>>
          %get3A_823 = tpu.memref_squeeze %get3A_822 : memref<1x16x17xf32, #tpu.memory_space<vmem>> -> memref<16x17xf32, #tpu.memory_space<vmem>>
          %get3A_824 = arith.constant 0 : i32
          %get3A_825 = tpu.memref_slice %get3A_823[%get3A_819, %get3A_824] : memref<16x17xf32, #tpu.memory_space<vmem>> -> memref<1x17xf32, #tpu.memory_space<vmem>>
          %get3A_826 = tpu.memref_squeeze %get3A_825 : memref<1x17xf32, #tpu.memory_space<vmem>> -> memref<17xf32, #tpu.memory_space<vmem>>
          %get3A_827 = arith.constant 0 : index
          %get3A_828 = tpu.vector_load %get3A_826[%get3A_827] {strides = array<i32>} : memref<17xf32, #tpu.memory_space<vmem>>, vector<16xf32>,
          %add3A_829 = arith.addf %add3A_817, %get3A_828 : vector<16xf32>
          %get3A_830 = arith.constant 1 : i32
          %get3A_831 = arith.constant 0 : i32
          %get3A_832 = arith.constant 0 : i32
          %get3A_833 = arith.constant 0 : i32
          %get3A_834 = tpu.memref_slice %arg22[%get3A_830, %get3A_832, %get3A_833] : memref<6x16x17xf32, #tpu.memory_space<vmem>> -> memref<1x16x17xf32, #tpu.memory_space<vmem>>
          %get3A_835 = tpu.memref_squeeze %get3A_834 : memref<1x16x17xf32, #tpu.memory_space<vmem>> -> memref<16x17xf32, #tpu.memory_space<vmem>>
          %get3A_836 = arith.constant 0 : i32
          %get3A_837 = tpu.memref_slice %get3A_835[%get3A_831, %get3A_836] : memref<16x17xf32, #tpu.memory_space<vmem>> -> memref<1x17xf32, #tpu.memory_space<vmem>>
          %get3A_838 = tpu.memref_squeeze %get3A_837 : memref<1x17xf32, #tpu.memory_space<vmem>> -> memref<17xf32, #tpu.memory_space<vmem>>
          %get3A_839 = arith.constant 0 : index
          %get3A_840 = tpu.vector_load %get3A_838[%get3A_839] {strides = array<i32>} : memref<17xf32, #tpu.memory_space<vmem>>, vector<16xf32>,
          %get3A_841 = arith.constant 1 : i32
          %get3A_842 = arith.constant 1 : i32
          %get3A_843 = arith.constant 0 : i32
          %get3A_844 = arith.constant 0 : i32
          %get3A_845 = tpu.memref_slice %arg22[%get3A_841, %get3A_843, %get3A_844] : memref<6x16x17xf32, #tpu.memory_space<vmem>> -> memref<1x16x17xf32, #tpu.memory_space<vmem>>
          %get3A_846 = tpu.memref_squeeze %get3A_845 : memref<1x16x17xf32, #tpu.memory_space<vmem>> -> memref<16x17xf32, #tpu.memory_space<vmem>>
          %get3A_847 = arith.constant 0 : i32
          %get3A_848 = tpu.memref_slice %get3A_846[%get3A_842, %get3A_847] : memref<16x17xf32, #tpu.memory_space<vmem>> -> memref<1x17xf32, #tpu.memory_space<vmem>>
          %get3A_849 = tpu.memref_squeeze %get3A_848 : memref<1x17xf32, #tpu.memory_space<vmem>> -> memref<17xf32, #tpu.memory_space<vmem>>
          %get3A_850 = arith.constant 0 : index
          %get3A_851 = tpu.vector_load %get3A_849[%get3A_850] {strides = array<i32>} : memref<17xf32, #tpu.memory_space<vmem>>, vector<16xf32>,
          %add3A_852 = arith.addf %get3A_840, %get3A_851 : vector<16xf32>
          %get3A_853 = arith.constant 1 : i32
          %get3A_854 = arith.constant 2 : i32
          %get3A_855 = arith.constant 0 : i32
          %get3A_856 = arith.constant 0 : i32
          %get3A_857 = tpu.memref_slice %arg22[%get3A_853, %get3A_855, %get3A_856] : memref<6x16x17xf32, #tpu.memory_space<vmem>> -> memref<1x16x17xf32, #tpu.memory_space<vmem>>
          %get3A_858 = tpu.memref_squeeze %get3A_857 : memref<1x16x17xf32, #tpu.memory_space<vmem>> -> memref<16x17xf32, #tpu.memory_space<vmem>>
          %get3A_859 = arith.constant 0 : i32
          %get3A_860 = tpu.memref_slice %get3A_858[%get3A_854, %get3A_859] : memref<16x17xf32, #tpu.memory_space<vmem>> -> memref<1x17xf32, #tpu.memory_space<vmem>>
          %get3A_861 = tpu.memref_squeeze %get3A_860 : memref<1x17xf32, #tpu.memory_space<vmem>> -> memref<17xf32, #tpu.memory_space<vmem>>
          %get3A_862 = arith.constant 0 : index
          %get3A_863 = tpu.vector_load %get3A_861[%get3A_862] {strides = array<i32>} : memref<17xf32, #tpu.memory_space<vmem>>, vector<16xf32>,
          %add3A_864 = arith.addf %add3A_852, %get3A_863 : vector<16xf32>
          %get3A_865 = arith.constant 1 : i32
          %get3A_866 = arith.constant 3 : i32
          %get3A_867 = arith.constant 0 : i32
          %get3A_868 = arith.constant 0 : i32
          %get3A_869 = tpu.memref_slice %arg22[%get3A_865, %get3A_867, %get3A_868] : memref<6x16x17xf32, #tpu.memory_space<vmem>> -> memref<1x16x17xf32, #tpu.memory_space<vmem>>
          %get3A_870 = tpu.memref_squeeze %get3A_869 : memref<1x16x17xf32, #tpu.memory_space<vmem>> -> memref<16x17xf32, #tpu.memory_space<vmem>>
          %get3A_871 = arith.constant 0 : i32
          %get3A_872 = tpu.memref_slice %get3A_870[%get3A_866, %get3A_871] : memref<16x17xf32, #tpu.memory_space<vmem>> -> memref<1x17xf32, #tpu.memory_space<vmem>>
          %get3A_873 = tpu.memref_squeeze %get3A_872 : memref<1x17xf32, #tpu.memory_space<vmem>> -> memref<17xf32, #tpu.memory_space<vmem>>
          %get3A_874 = arith.constant 0 : index
          %get3A_875 = tpu.vector_load %get3A_873[%get3A_874] {strides = array<i32>} : memref<17xf32, #tpu.memory_space<vmem>>, vector<16xf32>,
          %add3A_876 = arith.addf %add3A_864, %get3A_875 : vector<16xf32>
          %get3A_877 = arith.constant 1 : i32
          %get3A_878 = arith.constant 4 : i32
          %get3A_879 = arith.constant 0 : i32
          %get3A_880 = arith.constant 0 : i32
          %get3A_881 = tpu.memref_slice %arg22[%get3A_877, %get3A_879, %get3A_880] : memref<6x16x17xf32, #tpu.memory_space<vmem>> -> memref<1x16x17xf32, #tpu.memory_space<vmem>>
          %get3A_882 = tpu.memref_squeeze %get3A_881 : memref<1x16x17xf32, #tpu.memory_space<vmem>> -> memref<16x17xf32, #tpu.memory_space<vmem>>
          %get3A_883 = arith.constant 0 : i32
          %get3A_884 = tpu.memref_slice %get3A_882[%get3A_878, %get3A_883] : memref<16x17xf32, #tpu.memory_space<vmem>> -> memref<1x17xf32, #tpu.memory_space<vmem>>
          %get3A_885 = tpu.memref_squeeze %get3A_884 : memref<1x17xf32, #tpu.memory_space<vmem>> -> memref<17xf32, #tpu.memory_space<vmem>>
          %get3A_886 = arith.constant 0 : index
          %get3A_887 = tpu.vector_load %get3A_885[%get3A_886] {strides = array<i32>} : memref<17xf32, #tpu.memory_space<vmem>>, vector<16xf32>,
          %add3A_888 = arith.addf %add3A_876, %get3A_887 : vector<16xf32>
          %get3A_889 = arith.constant 1 : i32
          %get3A_890 = arith.constant 5 : i32
          %get3A_891 = arith.constant 0 : i32
          %get3A_892 = arith.constant 0 : i32
          %get3A_893 = tpu.memref_slice %arg22[%get3A_889, %get3A_891, %get3A_892] : memref<6x16x17xf32, #tpu.memory_space<vmem>> -> memref<1x16x17xf32, #tpu.memory_space<vmem>>
          %get3A_894 = tpu.memref_squeeze %get3A_893 : memref<1x16x17xf32, #tpu.memory_space<vmem>> -> memref<16x17xf32, #tpu.memory_space<vmem>>
          %get3A_895 = arith.constant 0 : i32
          %get3A_896 = tpu.memref_slice %get3A_894[%get3A_890, %get3A_895] : memref<16x17xf32, #tpu.memory_space<vmem>> -> memref<1x17xf32, #tpu.memory_space<vmem>>
          %get3A_897 = tpu.memref_squeeze %get3A_896 : memref<1x17xf32, #tpu.memory_space<vmem>> -> memref<17xf32, #tpu.memory_space<vmem>>
          %get3A_898 = arith.constant 0 : index
          %get3A_899 = tpu.vector_load %get3A_897[%get3A_898] {strides = array<i32>} : memref<17xf32, #tpu.memory_space<vmem>>, vector<16xf32>,
          %add3A_900 = arith.addf %add3A_888, %get3A_899 : vector<16xf32>
          %get3A_901 = arith.constant 1 : i32
          %get3A_902 = arith.constant 6 : i32
          %get3A_903 = arith.constant 0 : i32
          %get3A_904 = arith.constant 0 : i32
          %get3A_905 = tpu.memref_slice %arg22[%get3A_901, %get3A_903, %get3A_904] : memref<6x16x17xf32, #tpu.memory_space<vmem>> -> memref<1x16x17xf32, #tpu.memory_space<vmem>>
          %get3A_906 = tpu.memref_squeeze %get3A_905 : memref<1x16x17xf32, #tpu.memory_space<vmem>> -> memref<16x17xf32, #tpu.memory_space<vmem>>
          %get3A_907 = arith.constant 0 : i32
          %get3A_908 = tpu.memref_slice %get3A_906[%get3A_902, %get3A_907] : memref<16x17xf32, #tpu.memory_space<vmem>> -> memref<1x17xf32, #tpu.memory_space<vmem>>
          %get3A_909 = tpu.memref_squeeze %get3A_908 : memref<1x17xf32, #tpu.memory_space<vmem>> -> memref<17xf32, #tpu.memory_space<vmem>>
          %get3A_910 = arith.constant 0 : index
          %get3A_911 = tpu.vector_load %get3A_909[%get3A_910] {strides = array<i32>} : memref<17xf32, #tpu.memory_space<vmem>>, vector<16xf32>,
          %add3A_912 = arith.addf %add3A_900, %get3A_911 : vector<16xf32>
          %get3A_913 = arith.constant 1 : i32
          %get3A_914 = arith.constant 7 : i32
          %get3A_915 = arith.constant 0 : i32
          %get3A_916 = arith.constant 0 : i32
          %get3A_917 = tpu.memref_slice %arg22[%get3A_913, %get3A_915, %get3A_916] : memref<6x16x17xf32, #tpu.memory_space<vmem>> -> memref<1x16x17xf32, #tpu.memory_space<vmem>>
          %get3A_918 = tpu.memref_squeeze %get3A_917 : memref<1x16x17xf32, #tpu.memory_space<vmem>> -> memref<16x17xf32, #tpu.memory_space<vmem>>
          %get3A_919 = arith.constant 0 : i32
          %get3A_920 = tpu.memref_slice %get3A_918[%get3A_914, %get3A_919] : memref<16x17xf32, #tpu.memory_space<vmem>> -> memref<1x17xf32, #tpu.memory_space<vmem>>
          %get3A_921 = tpu.memref_squeeze %get3A_920 : memref<1x17xf32, #tpu.memory_space<vmem>> -> memref<17xf32, #tpu.memory_space<vmem>>
          %get3A_922 = arith.constant 0 : index
          %get3A_923 = tpu.vector_load %get3A_921[%get3A_922] {strides = array<i32>} : memref<17xf32, #tpu.memory_space<vmem>>, vector<16xf32>,
          %add3A_924 = arith.addf %add3A_912, %get3A_923 : vector<16xf32>
          %get3A_925 = arith.constant 1 : i32
          %get3A_926 = arith.constant 8 : i32
          %get3A_927 = arith.constant 0 : i32
          %get3A_928 = arith.constant 0 : i32
          %get3A_929 = tpu.memref_slice %arg22[%get3A_925, %get3A_927, %get3A_928] : memref<6x16x17xf32, #tpu.memory_space<vmem>> -> memref<1x16x17xf32, #tpu.memory_space<vmem>>
          %get3A_930 = tpu.memref_squeeze %get3A_929 : memref<1x16x17xf32, #tpu.memory_space<vmem>> -> memref<16x17xf32, #tpu.memory_space<vmem>>
          %get3A_931 = arith.constant 0 : i32
          %get3A_932 = tpu.memref_slice %get3A_930[%get3A_926, %get3A_931] : memref<16x17xf32, #tpu.memory_space<vmem>> -> memref<1x17xf32, #tpu.memory_space<vmem>>
          %get3A_933 = tpu.memref_squeeze %get3A_932 : memref<1x17xf32, #tpu.memory_space<vmem>> -> memref<17xf32, #tpu.memory_space<vmem>>
          %get3A_934 = arith.constant 0 : index
          %get3A_935 = tpu.vector_load %get3A_933[%get3A_934] {strides = array<i32>} : memref<17xf32, #tpu.memory_space<vmem>>, vector<16xf32>,
          %add3A_936 = arith.addf %add3A_924, %get3A_935 : vector<16xf32>
          %get3A_937 = arith.constant 1 : i32
          %get3A_938 = arith.constant 9 : i32
          %get3A_939 = arith.constant 0 : i32
          %get3A_940 = arith.constant 0 : i32
          %get3A_941 = tpu.memref_slice %arg22[%get3A_937, %get3A_939, %get3A_940] : memref<6x16x17xf32, #tpu.memory_space<vmem>> -> memref<1x16x17xf32, #tpu.memory_space<vmem>>
          %get3A_942 = tpu.memref_squeeze %get3A_941 : memref<1x16x17xf32, #tpu.memory_space<vmem>> -> memref<16x17xf32, #tpu.memory_space<vmem>>
          %get3A_943 = arith.constant 0 : i32
          %get3A_944 = tpu.memref_slice %get3A_942[%get3A_938, %get3A_943] : memref<16x17xf32, #tpu.memory_space<vmem>> -> memref<1x17xf32, #tpu.memory_space<vmem>>
          %get3A_945 = tpu.memref_squeeze %get3A_944 : memref<1x17xf32, #tpu.memory_space<vmem>> -> memref<17xf32, #tpu.memory_space<vmem>>
          %get3A_946 = arith.constant 0 : index
          %get3A_947 = tpu.vector_load %get3A_945[%get3A_946] {strides = array<i32>} : memref<17xf32, #tpu.memory_space<vmem>>, vector<16xf32>,
          %add3A_948 = arith.addf %add3A_936, %get3A_947 : vector<16xf32>
          %get3A_949 = arith.constant 1 : i32
          %get3A_950 = arith.constant 10 : i32
          %get3A_951 = arith.constant 0 : i32
          %get3A_952 = arith.constant 0 : i32
          %get3A_953 = tpu.memref_slice %arg22[%get3A_949, %get3A_951, %get3A_952] : memref<6x16x17xf32, #tpu.memory_space<vmem>> -> memref<1x16x17xf32, #tpu.memory_space<vmem>>
          %get3A_954 = tpu.memref_squeeze %get3A_953 : memref<1x16x17xf32, #tpu.memory_space<vmem>> -> memref<16x17xf32, #tpu.memory_space<vmem>>
          %get3A_955 = arith.constant 0 : i32
          %get3A_956 = tpu.memref_slice %get3A_954[%get3A_950, %get3A_955] : memref<16x17xf32, #tpu.memory_space<vmem>> -> memref<1x17xf32, #tpu.memory_space<vmem>>
          %get3A_957 = tpu.memref_squeeze %get3A_956 : memref<1x17xf32, #tpu.memory_space<vmem>> -> memref<17xf32, #tpu.memory_space<vmem>>
          %get3A_958 = arith.constant 0 : index
          %get3A_959 = tpu.vector_load %get3A_957[%get3A_958] {strides = array<i32>} : memref<17xf32, #tpu.memory_space<vmem>>, vector<16xf32>,
          %add3A_960 = arith.addf %add3A_948, %get3A_959 : vector<16xf32>
          %get3A_961 = arith.constant 1 : i32
          %get3A_962 = arith.constant 11 : i32
          %get3A_963 = arith.constant 0 : i32
          %get3A_964 = arith.constant 0 : i32
          %get3A_965 = tpu.memref_slice %arg22[%get3A_961, %get3A_963, %get3A_964] : memref<6x16x17xf32, #tpu.memory_space<vmem>> -> memref<1x16x17xf32, #tpu.memory_space<vmem>>
          %get3A_966 = tpu.memref_squeeze %get3A_965 : memref<1x16x17xf32, #tpu.memory_space<vmem>> -> memref<16x17xf32, #tpu.memory_space<vmem>>
          %get3A_967 = arith.constant 0 : i32
          %get3A_968 = tpu.memref_slice %get3A_966[%get3A_962, %get3A_967] : memref<16x17xf32, #tpu.memory_space<vmem>> -> memref<1x17xf32, #tpu.memory_space<vmem>>
          %get3A_969 = tpu.memref_squeeze %get3A_968 : memref<1x17xf32, #tpu.memory_space<vmem>> -> memref<17xf32, #tpu.memory_space<vmem>>
          %get3A_970 = arith.constant 0 : index
          %get3A_971 = tpu.vector_load %get3A_969[%get3A_970] {strides = array<i32>} : memref<17xf32, #tpu.memory_space<vmem>>, vector<16xf32>,
          %add3A_972 = arith.addf %add3A_960, %get3A_971 : vector<16xf32>
          %get3A_973 = arith.constant 1 : i32
          %get3A_974 = arith.constant 12 : i32
          %get3A_975 = arith.constant 0 : i32
          %get3A_976 = arith.constant 0 : i32
          %get3A_977 = tpu.memref_slice %arg22[%get3A_973, %get3A_975, %get3A_976] : memref<6x16x17xf32, #tpu.memory_space<vmem>> -> memref<1x16x17xf32, #tpu.memory_space<vmem>>
          %get3A_978 = tpu.memref_squeeze %get3A_977 : memref<1x16x17xf32, #tpu.memory_space<vmem>> -> memref<16x17xf32, #tpu.memory_space<vmem>>
          %get3A_979 = arith.constant 0 : i32
          %get3A_980 = tpu.memref_slice %get3A_978[%get3A_974, %get3A_979] : memref<16x17xf32, #tpu.memory_space<vmem>> -> memref<1x17xf32, #tpu.memory_space<vmem>>
          %get3A_981 = tpu.memref_squeeze %get3A_980 : memref<1x17xf32, #tpu.memory_space<vmem>> -> memref<17xf32, #tpu.memory_space<vmem>>
          %get3A_982 = arith.constant 0 : index
          %get3A_983 = tpu.vector_load %get3A_981[%get3A_982] {strides = array<i32>} : memref<17xf32, #tpu.memory_space<vmem>>, vector<16xf32>,
          %add3A_984 = arith.addf %add3A_972, %get3A_983 : vector<16xf32>
          %get3A_985 = arith.constant 1 : i32
          %get3A_986 = arith.constant 13 : i32
          %get3A_987 = arith.constant 0 : i32
          %get3A_988 = arith.constant 0 : i32
          %get3A_989 = tpu.memref_slice %arg22[%get3A_985, %get3A_987, %get3A_988] : memref<6x16x17xf32, #tpu.memory_space<vmem>> -> memref<1x16x17xf32, #tpu.memory_space<vmem>>
          %get3A_990 = tpu.memref_squeeze %get3A_989 : memref<1x16x17xf32, #tpu.memory_space<vmem>> -> memref<16x17xf32, #tpu.memory_space<vmem>>
          %get3A_991 = arith.constant 0 : i32
          %get3A_992 = tpu.memref_slice %get3A_990[%get3A_986, %get3A_991] : memref<16x17xf32, #tpu.memory_space<vmem>> -> memref<1x17xf32, #tpu.memory_space<vmem>>
          %get3A_993 = tpu.memref_squeeze %get3A_992 : memref<1x17xf32, #tpu.memory_space<vmem>> -> memref<17xf32, #tpu.memory_space<vmem>>
          %get3A_994 = arith.constant 0 : index
          %get3A_995 = tpu.vector_load %get3A_993[%get3A_994] {strides = array<i32>} : memref<17xf32, #tpu.memory_space<vmem>>, vector<16xf32>,
          %add3A_996 = arith.addf %add3A_984, %get3A_995 : vector<16xf32>
          %get3A_997 = arith.constant 1 : i32
          %get3A_998 = arith.constant 14 : i32
          %get3A_999 = arith.constant 0 : i32
          %get3A_1000 = arith.constant 0 : i32
          %get3A_1001 = tpu.memref_slice %arg22[%get3A_997, %get3A_999, %get3A_1000] : memref<6x16x17xf32, #tpu.memory_space<vmem>> -> memref<1x16x17xf32, #tpu.memory_space<vmem>>
          %get3A_1002 = tpu.memref_squeeze %get3A_1001 : memref<1x16x17xf32, #tpu.memory_space<vmem>> -> memref<16x17xf32, #tpu.memory_space<vmem>>
          %get3A_1003 = arith.constant 0 : i32
          %get3A_1004 = tpu.memref_slice %get3A_1002[%get3A_998, %get3A_1003] : memref<16x17xf32, #tpu.memory_space<vmem>> -> memref<1x17xf32, #tpu.memory_space<vmem>>
          %get3A_1005 = tpu.memref_squeeze %get3A_1004 : memref<1x17xf32, #tpu.memory_space<vmem>> -> memref<17xf32, #tpu.memory_space<vmem>>
          %get3A_1006 = arith.constant 0 : index
          %get3A_1007 = tpu.vector_load %get3A_1005[%get3A_1006] {strides = array<i32>} : memref<17xf32, #tpu.memory_space<vmem>>, vector<16xf32>,
          %add3A_1008 = arith.addf %add3A_996, %get3A_1007 : vector<16xf32>
          %get3A_1009 = arith.constant 1 : i32
          %get3A_1010 = arith.constant 15 : i32
          %get3A_1011 = arith.constant 0 : i32
          %get3A_1012 = arith.constant 0 : i32
          %get3A_1013 = tpu.memref_slice %arg22[%get3A_1009, %get3A_1011, %get3A_1012] : memref<6x16x17xf32, #tpu.memory_space<vmem>> -> memref<1x16x17xf32, #tpu.memory_space<vmem>>
          %get3A_1014 = tpu.memref_squeeze %get3A_1013 : memref<1x16x17xf32, #tpu.memory_space<vmem>> -> memref<16x17xf32, #tpu.memory_space<vmem>>
          %get3A_1015 = arith.constant 0 : i32
          %get3A_1016 = tpu.memref_slice %get3A_1014[%get3A_1010, %get3A_1015] : memref<16x17xf32, #tpu.memory_space<vmem>> -> memref<1x17xf32, #tpu.memory_space<vmem>>
          %get3A_1017 = tpu.memref_squeeze %get3A_1016 : memref<1x17xf32, #tpu.memory_space<vmem>> -> memref<17xf32, #tpu.memory_space<vmem>>
          %get3A_1018 = arith.constant 0 : index
          %get3A_1019 = tpu.vector_load %get3A_1017[%get3A_1018] {strides = array<i32>} : memref<17xf32, #tpu.memory_space<vmem>>, vector<16xf32>,
          %add3A_1020 = arith.addf %add3A_1008, %get3A_1019 : vector<16xf32>
          %get3A_1021 = arith.constant 2 : i32
          %get3A_1022 = arith.constant 0 : i32
          %get3A_1023 = arith.constant 0 : i32
          %get3A_1024 = arith.constant 0 : i32
          %get3A_1025 = tpu.memref_slice %arg22[%get3A_1021, %get3A_1023, %get3A_1024] : memref<6x16x17xf32, #tpu.memory_space<vmem>> -> memref<1x16x17xf32, #tpu.memory_space<vmem>>
          %get3A_1026 = tpu.memref_squeeze %get3A_1025 : memref<1x16x17xf32, #tpu.memory_space<vmem>> -> memref<16x17xf32, #tpu.memory_space<vmem>>
          %get3A_1027 = arith.constant 0 : i32
          %get3A_1028 = tpu.memref_slice %get3A_1026[%get3A_1022, %get3A_1027] : memref<16x17xf32, #tpu.memory_space<vmem>> -> memref<1x17xf32, #tpu.memory_space<vmem>>
          %get3A_1029 = tpu.memref_squeeze %get3A_1028 : memref<1x17xf32, #tpu.memory_space<vmem>> -> memref<17xf32, #tpu.memory_space<vmem>>
          %get3A_1030 = arith.constant 0 : index
          %get3A_1031 = tpu.vector_load %get3A_1029[%get3A_1030] {strides = array<i32>} : memref<17xf32, #tpu.memory_space<vmem>>, vector<16xf32>,
          %get3A_1032 = arith.constant 2 : i32
          %get3A_1033 = arith.constant 1 : i32
          %get3A_1034 = arith.constant 0 : i32
          %get3A_1035 = arith.constant 0 : i32
          %get3A_1036 = tpu.memref_slice %arg22[%get3A_1032, %get3A_1034, %get3A_1035] : memref<6x16x17xf32, #tpu.memory_space<vmem>> -> memref<1x16x17xf32, #tpu.memory_space<vmem>>
          %get3A_1037 = tpu.memref_squeeze %get3A_1036 : memref<1x16x17xf32, #tpu.memory_space<vmem>> -> memref<16x17xf32, #tpu.memory_space<vmem>>
          %get3A_1038 = arith.constant 0 : i32
          %get3A_1039 = tpu.memref_slice %get3A_1037[%get3A_1033, %get3A_1038] : memref<16x17xf32, #tpu.memory_space<vmem>> -> memref<1x17xf32, #tpu.memory_space<vmem>>
          %get3A_1040 = tpu.memref_squeeze %get3A_1039 : memref<1x17xf32, #tpu.memory_space<vmem>> -> memref<17xf32, #tpu.memory_space<vmem>>
          %get3A_1041 = arith.constant 0 : index
          %get3A_1042 = tpu.vector_load %get3A_1040[%get3A_1041] {strides = array<i32>} : memref<17xf32, #tpu.memory_space<vmem>>, vector<16xf32>,
          %add3A_1043 = arith.addf %get3A_1031, %get3A_1042 : vector<16xf32>
          %get3A_1044 = arith.constant 2 : i32
          %get3A_1045 = arith.constant 2 : i32
          %get3A_1046 = arith.constant 0 : i32
          %get3A_1047 = arith.constant 0 : i32
          %get3A_1048 = tpu.memref_slice %arg22[%get3A_1044, %get3A_1046, %get3A_1047] : memref<6x16x17xf32, #tpu.memory_space<vmem>> -> memref<1x16x17xf32, #tpu.memory_space<vmem>>
          %get3A_1049 = tpu.memref_squeeze %get3A_1048 : memref<1x16x17xf32, #tpu.memory_space<vmem>> -> memref<16x17xf32, #tpu.memory_space<vmem>>
          %get3A_1050 = arith.constant 0 : i32
          %get3A_1051 = tpu.memref_slice %get3A_1049[%get3A_1045, %get3A_1050] : memref<16x17xf32, #tpu.memory_space<vmem>> -> memref<1x17xf32, #tpu.memory_space<vmem>>
          %get3A_1052 = tpu.memref_squeeze %get3A_1051 : memref<1x17xf32, #tpu.memory_space<vmem>> -> memref<17xf32, #tpu.memory_space<vmem>>
          %get3A_1053 = arith.constant 0 : index
          %get3A_1054 = tpu.vector_load %get3A_1052[%get3A_1053] {strides = array<i32>} : memref<17xf32, #tpu.memory_space<vmem>>, vector<16xf32>,
          %add3A_1055 = arith.addf %add3A_1043, %get3A_1054 : vector<16xf32>
          %get3A_1056 = arith.constant 2 : i32
          %get3A_1057 = arith.constant 3 : i32
          %get3A_1058 = arith.constant 0 : i32
          %get3A_1059 = arith.constant 0 : i32
          %get3A_1060 = tpu.memref_slice %arg22[%get3A_1056, %get3A_1058, %get3A_1059] : memref<6x16x17xf32, #tpu.memory_space<vmem>> -> memref<1x16x17xf32, #tpu.memory_space<vmem>>
          %get3A_1061 = tpu.memref_squeeze %get3A_1060 : memref<1x16x17xf32, #tpu.memory_space<vmem>> -> memref<16x17xf32, #tpu.memory_space<vmem>>
          %get3A_1062 = arith.constant 0 : i32
          %get3A_1063 = tpu.memref_slice %get3A_1061[%get3A_1057, %get3A_1062] : memref<16x17xf32, #tpu.memory_space<vmem>> -> memref<1x17xf32, #tpu.memory_space<vmem>>
          %get3A_1064 = tpu.memref_squeeze %get3A_1063 : memref<1x17xf32, #tpu.memory_space<vmem>> -> memref<17xf32, #tpu.memory_space<vmem>>
          %get3A_1065 = arith.constant 0 : index
          %get3A_1066 = tpu.vector_load %get3A_1064[%get3A_1065] {strides = array<i32>} : memref<17xf32, #tpu.memory_space<vmem>>, vector<16xf32>,
          %add3A_1067 = arith.addf %add3A_1055, %get3A_1066 : vector<16xf32>
          %get3A_1068 = arith.constant 2 : i32
          %get3A_1069 = arith.constant 4 : i32
          %get3A_1070 = arith.constant 0 : i32
          %get3A_1071 = arith.constant 0 : i32
          %get3A_1072 = tpu.memref_slice %arg22[%get3A_1068, %get3A_1070, %get3A_1071] : memref<6x16x17xf32, #tpu.memory_space<vmem>> -> memref<1x16x17xf32, #tpu.memory_space<vmem>>
          %get3A_1073 = tpu.memref_squeeze %get3A_1072 : memref<1x16x17xf32, #tpu.memory_space<vmem>> -> memref<16x17xf32, #tpu.memory_space<vmem>>
          %get3A_1074 = arith.constant 0 : i32
          %get3A_1075 = tpu.memref_slice %get3A_1073[%get3A_1069, %get3A_1074] : memref<16x17xf32, #tpu.memory_space<vmem>> -> memref<1x17xf32, #tpu.memory_space<vmem>>
          %get3A_1076 = tpu.memref_squeeze %get3A_1075 : memref<1x17xf32, #tpu.memory_space<vmem>> -> memref<17xf32, #tpu.memory_space<vmem>>
          %get3A_1077 = arith.constant 0 : index
          %get3A_1078 = tpu.vector_load %get3A_1076[%get3A_1077] {strides = array<i32>} : memref<17xf32, #tpu.memory_space<vmem>>, vector<16xf32>,
          %add3A_1079 = arith.addf %add3A_1067, %get3A_1078 : vector<16xf32>
          %get3A_1080 = arith.constant 2 : i32
          %get3A_1081 = arith.constant 5 : i32
          %get3A_1082 = arith.constant 0 : i32
          %get3A_1083 = arith.constant 0 : i32
          %get3A_1084 = tpu.memref_slice %arg22[%get3A_1080, %get3A_1082, %get3A_1083] : memref<6x16x17xf32, #tpu.memory_space<vmem>> -> memref<1x16x17xf32, #tpu.memory_space<vmem>>
          %get3A_1085 = tpu.memref_squeeze %get3A_1084 : memref<1x16x17xf32, #tpu.memory_space<vmem>> -> memref<16x17xf32, #tpu.memory_space<vmem>>
          %get3A_1086 = arith.constant 0 : i32
          %get3A_1087 = tpu.memref_slice %get3A_1085[%get3A_1081, %get3A_1086] : memref<16x17xf32, #tpu.memory_space<vmem>> -> memref<1x17xf32, #tpu.memory_space<vmem>>
          %get3A_1088 = tpu.memref_squeeze %get3A_1087 : memref<1x17xf32, #tpu.memory_space<vmem>> -> memref<17xf32, #tpu.memory_space<vmem>>
          %get3A_1089 = arith.constant 0 : index
          %get3A_1090 = tpu.vector_load %get3A_1088[%get3A_1089] {strides = array<i32>} : memref<17xf32, #tpu.memory_space<vmem>>, vector<16xf32>,
          %add3A_1091 = arith.addf %add3A_1079, %get3A_1090 : vector<16xf32>
          %get3A_1092 = arith.constant 2 : i32
          %get3A_1093 = arith.constant 6 : i32
          %get3A_1094 = arith.constant 0 : i32
          %get3A_1095 = arith.constant 0 : i32
          %get3A_1096 = tpu.memref_slice %arg22[%get3A_1092, %get3A_1094, %get3A_1095] : memref<6x16x17xf32, #tpu.memory_space<vmem>> -> memref<1x16x17xf32, #tpu.memory_space<vmem>>
          %get3A_1097 = tpu.memref_squeeze %get3A_1096 : memref<1x16x17xf32, #tpu.memory_space<vmem>> -> memref<16x17xf32, #tpu.memory_space<vmem>>
          %get3A_1098 = arith.constant 0 : i32
          %get3A_1099 = tpu.memref_slice %get3A_1097[%get3A_1093, %get3A_1098] : memref<16x17xf32, #tpu.memory_space<vmem>> -> memref<1x17xf32, #tpu.memory_space<vmem>>
          %get3A_1100 = tpu.memref_squeeze %get3A_1099 : memref<1x17xf32, #tpu.memory_space<vmem>> -> memref<17xf32, #tpu.memory_space<vmem>>
          %get3A_1101 = arith.constant 0 : index
          %get3A_1102 = tpu.vector_load %get3A_1100[%get3A_1101] {strides = array<i32>} : memref<17xf32, #tpu.memory_space<vmem>>, vector<16xf32>,
          %add3A_1103 = arith.addf %add3A_1091, %get3A_1102 : vector<16xf32>
          %get3A_1104 = arith.constant 2 : i32
          %get3A_1105 = arith.constant 7 : i32
          %get3A_1106 = arith.constant 0 : i32
          %get3A_1107 = arith.constant 0 : i32
          %get3A_1108 = tpu.memref_slice %arg22[%get3A_1104, %get3A_1106, %get3A_1107] : memref<6x16x17xf32, #tpu.memory_space<vmem>> -> memref<1x16x17xf32, #tpu.memory_space<vmem>>
          %get3A_1109 = tpu.memref_squeeze %get3A_1108 : memref<1x16x17xf32, #tpu.memory_space<vmem>> -> memref<16x17xf32, #tpu.memory_space<vmem>>
          %get3A_1110 = arith.constant 0 : i32
          %get3A_1111 = tpu.memref_slice %get3A_1109[%get3A_1105, %get3A_1110] : memref<16x17xf32, #tpu.memory_space<vmem>> -> memref<1x17xf32, #tpu.memory_space<vmem>>
          %get3A_1112 = tpu.memref_squeeze %get3A_1111 : memref<1x17xf32, #tpu.memory_space<vmem>> -> memref<17xf32, #tpu.memory_space<vmem>>
          %get3A_1113 = arith.constant 0 : index
          %get3A_1114 = tpu.vector_load %get3A_1112[%get3A_1113] {strides = array<i32>} : memref<17xf32, #tpu.memory_space<vmem>>, vector<16xf32>,
          %add3A_1115 = arith.addf %add3A_1103, %get3A_1114 : vector<16xf32>
          %get3A_1116 = arith.constant 2 : i32
          %get3A_1117 = arith.constant 8 : i32
          %get3A_1118 = arith.constant 0 : i32
          %get3A_1119 = arith.constant 0 : i32
          %get3A_1120 = tpu.memref_slice %arg22[%get3A_1116, %get3A_1118, %get3A_1119] : memref<6x16x17xf32, #tpu.memory_space<vmem>> -> memref<1x16x17xf32, #tpu.memory_space<vmem>>
          %get3A_1121 = tpu.memref_squeeze %get3A_1120 : memref<1x16x17xf32, #tpu.memory_space<vmem>> -> memref<16x17xf32, #tpu.memory_space<vmem>>
          %get3A_1122 = arith.constant 0 : i32
          %get3A_1123 = tpu.memref_slice %get3A_1121[%get3A_1117, %get3A_1122] : memref<16x17xf32, #tpu.memory_space<vmem>> -> memref<1x17xf32, #tpu.memory_space<vmem>>
          %get3A_1124 = tpu.memref_squeeze %get3A_1123 : memref<1x17xf32, #tpu.memory_space<vmem>> -> memref<17xf32, #tpu.memory_space<vmem>>
          %get3A_1125 = arith.constant 0 : index
          %get3A_1126 = tpu.vector_load %get3A_1124[%get3A_1125] {strides = array<i32>} : memref<17xf32, #tpu.memory_space<vmem>>, vector<16xf32>,
          %add3A_1127 = arith.addf %add3A_1115, %get3A_1126 : vector<16xf32>
          %get3A_1128 = arith.constant 2 : i32
          %get3A_1129 = arith.constant 9 : i32
          %get3A_1130 = arith.constant 0 : i32
          %get3A_1131 = arith.constant 0 : i32
          %get3A_1132 = tpu.memref_slice %arg22[%get3A_1128, %get3A_1130, %get3A_1131] : memref<6x16x17xf32, #tpu.memory_space<vmem>> -> memref<1x16x17xf32, #tpu.memory_space<vmem>>
          %get3A_1133 = tpu.memref_squeeze %get3A_1132 : memref<1x16x17xf32, #tpu.memory_space<vmem>> -> memref<16x17xf32, #tpu.memory_space<vmem>>
          %get3A_1134 = arith.constant 0 : i32
          %get3A_1135 = tpu.memref_slice %get3A_1133[%get3A_1129, %get3A_1134] : memref<16x17xf32, #tpu.memory_space<vmem>> -> memref<1x17xf32, #tpu.memory_space<vmem>>
          %get3A_1136 = tpu.memref_squeeze %get3A_1135 : memref<1x17xf32, #tpu.memory_space<vmem>> -> memref<17xf32, #tpu.memory_space<vmem>>
          %get3A_1137 = arith.constant 0 : index
          %get3A_1138 = tpu.vector_load %get3A_1136[%get3A_1137] {strides = array<i32>} : memref<17xf32, #tpu.memory_space<vmem>>, vector<16xf32>,
          %add3A_1139 = arith.addf %add3A_1127, %get3A_1138 : vector<16xf32>
          %get3A_1140 = arith.constant 2 : i32
          %get3A_1141 = arith.constant 10 : i32
          %get3A_1142 = arith.constant 0 : i32
          %get3A_1143 = arith.constant 0 : i32
          %get3A_1144 = tpu.memref_slice %arg22[%get3A_1140, %get3A_1142, %get3A_1143] : memref<6x16x17xf32, #tpu.memory_space<vmem>> -> memref<1x16x17xf32, #tpu.memory_space<vmem>>
          %get3A_1145 = tpu.memref_squeeze %get3A_1144 : memref<1x16x17xf32, #tpu.memory_space<vmem>> -> memref<16x17xf32, #tpu.memory_space<vmem>>
          %get3A_1146 = arith.constant 0 : i32
          %get3A_1147 = tpu.memref_slice %get3A_1145[%get3A_1141, %get3A_1146] : memref<16x17xf32, #tpu.memory_space<vmem>> -> memref<1x17xf32, #tpu.memory_space<vmem>>
          %get3A_1148 = tpu.memref_squeeze %get3A_1147 : memref<1x17xf32, #tpu.memory_space<vmem>> -> memref<17xf32, #tpu.memory_space<vmem>>
          %get3A_1149 = arith.constant 0 : index
          %get3A_1150 = tpu.vector_load %get3A_1148[%get3A_1149] {strides = array<i32>} : memref<17xf32, #tpu.memory_space<vmem>>, vector<16xf32>,
          %add3A_1151 = arith.addf %add3A_1139, %get3A_1150 : vector<16xf32>
          %get3A_1152 = arith.constant 2 : i32
          %get3A_1153 = arith.constant 11 : i32
          %get3A_1154 = arith.constant 0 : i32
          %get3A_1155 = arith.constant 0 : i32
          %get3A_1156 = tpu.memref_slice %arg22[%get3A_1152, %get3A_1154, %get3A_1155] : memref<6x16x17xf32, #tpu.memory_space<vmem>> -> memref<1x16x17xf32, #tpu.memory_space<vmem>>
          %get3A_1157 = tpu.memref_squeeze %get3A_1156 : memref<1x16x17xf32, #tpu.memory_space<vmem>> -> memref<16x17xf32, #tpu.memory_space<vmem>>
          %get3A_1158 = arith.constant 0 : i32
          %get3A_1159 = tpu.memref_slice %get3A_1157[%get3A_1153, %get3A_1158] : memref<16x17xf32, #tpu.memory_space<vmem>> -> memref<1x17xf32, #tpu.memory_space<vmem>>
          %get3A_1160 = tpu.memref_squeeze %get3A_1159 : memref<1x17xf32, #tpu.memory_space<vmem>> -> memref<17xf32, #tpu.memory_space<vmem>>
          %get3A_1161 = arith.constant 0 : index
          %get3A_1162 = tpu.vector_load %get3A_1160[%get3A_1161] {strides = array<i32>} : memref<17xf32, #tpu.memory_space<vmem>>, vector<16xf32>,
          %add3A_1163 = arith.addf %add3A_1151, %get3A_1162 : vector<16xf32>
          %get3A_1164 = arith.constant 2 : i32
          %get3A_1165 = arith.constant 12 : i32
          %get3A_1166 = arith.constant 0 : i32
          %get3A_1167 = arith.constant 0 : i32
          %get3A_1168 = tpu.memref_slice %arg22[%get3A_1164, %get3A_1166, %get3A_1167] : memref<6x16x17xf32, #tpu.memory_space<vmem>> -> memref<1x16x17xf32, #tpu.memory_space<vmem>>
          %get3A_1169 = tpu.memref_squeeze %get3A_1168 : memref<1x16x17xf32, #tpu.memory_space<vmem>> -> memref<16x17xf32, #tpu.memory_space<vmem>>
          %get3A_1170 = arith.constant 0 : i32
          %get3A_1171 = tpu.memref_slice %get3A_1169[%get3A_1165, %get3A_1170] : memref<16x17xf32, #tpu.memory_space<vmem>> -> memref<1x17xf32, #tpu.memory_space<vmem>>
          %get3A_1172 = tpu.memref_squeeze %get3A_1171 : memref<1x17xf32, #tpu.memory_space<vmem>> -> memref<17xf32, #tpu.memory_space<vmem>>
          %get3A_1173 = arith.constant 0 : index
          %get3A_1174 = tpu.vector_load %get3A_1172[%get3A_1173] {strides = array<i32>} : memref<17xf32, #tpu.memory_space<vmem>>, vector<16xf32>,
          %add3A_1175 = arith.addf %add3A_1163, %get3A_1174 : vector<16xf32>
          %get3A_1176 = arith.constant 2 : i32
          %get3A_1177 = arith.constant 13 : i32
          %get3A_1178 = arith.constant 0 : i32
          %get3A_1179 = arith.constant 0 : i32
          %get3A_1180 = tpu.memref_slice %arg22[%get3A_1176, %get3A_1178, %get3A_1179] : memref<6x16x17xf32, #tpu.memory_space<vmem>> -> memref<1x16x17xf32, #tpu.memory_space<vmem>>
          %get3A_1181 = tpu.memref_squeeze %get3A_1180 : memref<1x16x17xf32, #tpu.memory_space<vmem>> -> memref<16x17xf32, #tpu.memory_space<vmem>>
          %get3A_1182 = arith.constant 0 : i32
          %get3A_1183 = tpu.memref_slice %get3A_1181[%get3A_1177, %get3A_1182] : memref<16x17xf32, #tpu.memory_space<vmem>> -> memref<1x17xf32, #tpu.memory_space<vmem>>
          %get3A_1184 = tpu.memref_squeeze %get3A_1183 : memref<1x17xf32, #tpu.memory_space<vmem>> -> memref<17xf32, #tpu.memory_space<vmem>>
          %get3A_1185 = arith.constant 0 : index
          %get3A_1186 = tpu.vector_load %get3A_1184[%get3A_1185] {strides = array<i32>} : memref<17xf32, #tpu.memory_space<vmem>>, vector<16xf32>,
          %add3A_1187 = arith.addf %add3A_1175, %get3A_1186 : vector<16xf32>
          %get3A_1188 = arith.constant 2 : i32
          %get3A_1189 = arith.constant 14 : i32
          %get3A_1190 = arith.constant 0 : i32
          %get3A_1191 = arith.constant 0 : i32
          %get3A_1192 = tpu.memref_slice %arg22[%get3A_1188, %get3A_1190, %get3A_1191] : memref<6x16x17xf32, #tpu.memory_space<vmem>> -> memref<1x16x17xf32, #tpu.memory_space<vmem>>
          %get3A_1193 = tpu.memref_squeeze %get3A_1192 : memref<1x16x17xf32, #tpu.memory_space<vmem>> -> memref<16x17xf32, #tpu.memory_space<vmem>>
          %get3A_1194 = arith.constant 0 : i32
          %get3A_1195 = tpu.memref_slice %get3A_1193[%get3A_1189, %get3A_1194] : memref<16x17xf32, #tpu.memory_space<vmem>> -> memref<1x17xf32, #tpu.memory_space<vmem>>
          %get3A_1196 = tpu.memref_squeeze %get3A_1195 : memref<1x17xf32, #tpu.memory_space<vmem>> -> memref<17xf32, #tpu.memory_space<vmem>>
          %get3A_1197 = arith.constant 0 : index
          %get3A_1198 = tpu.vector_load %get3A_1196[%get3A_1197] {strides = array<i32>} : memref<17xf32, #tpu.memory_space<vmem>>, vector<16xf32>,
          %add3A_1199 = arith.addf %add3A_1187, %get3A_1198 : vector<16xf32>
          %get3A_1200 = arith.constant 2 : i32
          %get3A_1201 = arith.constant 15 : i32
          %get3A_1202 = arith.constant 0 : i32
          %get3A_1203 = arith.constant 0 : i32
          %get3A_1204 = tpu.memref_slice %arg22[%get3A_1200, %get3A_1202, %get3A_1203] : memref<6x16x17xf32, #tpu.memory_space<vmem>> -> memref<1x16x17xf32, #tpu.memory_space<vmem>>
          %get3A_1205 = tpu.memref_squeeze %get3A_1204 : memref<1x16x17xf32, #tpu.memory_space<vmem>> -> memref<16x17xf32, #tpu.memory_space<vmem>>
          %get3A_1206 = arith.constant 0 : i32
          %get3A_1207 = tpu.memref_slice %get3A_1205[%get3A_1201, %get3A_1206] : memref<16x17xf32, #tpu.memory_space<vmem>> -> memref<1x17xf32, #tpu.memory_space<vmem>>
          %get3A_1208 = tpu.memref_squeeze %get3A_1207 : memref<1x17xf32, #tpu.memory_space<vmem>> -> memref<17xf32, #tpu.memory_space<vmem>>
          %get3A_1209 = arith.constant 0 : index
          %get3A_1210 = tpu.vector_load %get3A_1208[%get3A_1209] {strides = array<i32>} : memref<17xf32, #tpu.memory_space<vmem>>, vector<16xf32>,
          %add3A_1211 = arith.addf %add3A_1199, %get3A_1210 : vector<16xf32>
          %get3A_1212 = arith.constant 3 : i32
          %get3A_1213 = arith.constant 0 : i32
          %get3A_1214 = arith.constant 0 : i32
          %get3A_1215 = arith.constant 0 : i32
          %get3A_1216 = tpu.memref_slice %arg22[%get3A_1212, %get3A_1214, %get3A_1215] : memref<6x16x17xf32, #tpu.memory_space<vmem>> -> memref<1x16x17xf32, #tpu.memory_space<vmem>>
          %get3A_1217 = tpu.memref_squeeze %get3A_1216 : memref<1x16x17xf32, #tpu.memory_space<vmem>> -> memref<16x17xf32, #tpu.memory_space<vmem>>
          %get3A_1218 = arith.constant 0 : i32
          %get3A_1219 = tpu.memref_slice %get3A_1217[%get3A_1213, %get3A_1218] : memref<16x17xf32, #tpu.memory_space<vmem>> -> memref<1x17xf32, #tpu.memory_space<vmem>>
          %get3A_1220 = tpu.memref_squeeze %get3A_1219 : memref<1x17xf32, #tpu.memory_space<vmem>> -> memref<17xf32, #tpu.memory_space<vmem>>
          %get3A_1221 = arith.constant 0 : index
          %get3A_1222 = tpu.vector_load %get3A_1220[%get3A_1221] {strides = array<i32>} : memref<17xf32, #tpu.memory_space<vmem>>, vector<16xf32>,
          %get3A_1223 = arith.constant 3 : i32
          %get3A_1224 = arith.constant 1 : i32
          %get3A_1225 = arith.constant 0 : i32
          %get3A_1226 = arith.constant 0 : i32
          %get3A_1227 = tpu.memref_slice %arg22[%get3A_1223, %get3A_1225, %get3A_1226] : memref<6x16x17xf32, #tpu.memory_space<vmem>> -> memref<1x16x17xf32, #tpu.memory_space<vmem>>
          %get3A_1228 = tpu.memref_squeeze %get3A_1227 : memref<1x16x17xf32, #tpu.memory_space<vmem>> -> memref<16x17xf32, #tpu.memory_space<vmem>>
          %get3A_1229 = arith.constant 0 : i32
          %get3A_1230 = tpu.memref_slice %get3A_1228[%get3A_1224, %get3A_1229] : memref<16x17xf32, #tpu.memory_space<vmem>> -> memref<1x17xf32, #tpu.memory_space<vmem>>
          %get3A_1231 = tpu.memref_squeeze %get3A_1230 : memref<1x17xf32, #tpu.memory_space<vmem>> -> memref<17xf32, #tpu.memory_space<vmem>>
          %get3A_1232 = arith.constant 0 : index
          %get3A_1233 = tpu.vector_load %get3A_1231[%get3A_1232] {strides = array<i32>} : memref<17xf32, #tpu.memory_space<vmem>>, vector<16xf32>,
          %add3A_1234 = arith.addf %get3A_1222, %get3A_1233 : vector<16xf32>
          %get3A_1235 = arith.constant 3 : i32
          %get3A_1236 = arith.constant 2 : i32
          %get3A_1237 = arith.constant 0 : i32
          %get3A_1238 = arith.constant 0 : i32
          %get3A_1239 = tpu.memref_slice %arg22[%get3A_1235, %get3A_1237, %get3A_1238] : memref<6x16x17xf32, #tpu.memory_space<vmem>> -> memref<1x16x17xf32, #tpu.memory_space<vmem>>
          %get3A_1240 = tpu.memref_squeeze %get3A_1239 : memref<1x16x17xf32, #tpu.memory_space<vmem>> -> memref<16x17xf32, #tpu.memory_space<vmem>>
          %get3A_1241 = arith.constant 0 : i32
          %get3A_1242 = tpu.memref_slice %get3A_1240[%get3A_1236, %get3A_1241] : memref<16x17xf32, #tpu.memory_space<vmem>> -> memref<1x17xf32, #tpu.memory_space<vmem>>
          %get3A_1243 = tpu.memref_squeeze %get3A_1242 : memref<1x17xf32, #tpu.memory_space<vmem>> -> memref<17xf32, #tpu.memory_space<vmem>>
          %get3A_1244 = arith.constant 0 : index
          %get3A_1245 = tpu.vector_load %get3A_1243[%get3A_1244] {strides = array<i32>} : memref<17xf32, #tpu.memory_space<vmem>>, vector<16xf32>,
          %add3A_1246 = arith.addf %add3A_1234, %get3A_1245 : vector<16xf32>
          %get3A_1247 = arith.constant 3 : i32
          %get3A_1248 = arith.constant 3 : i32
          %get3A_1249 = arith.constant 0 : i32
          %get3A_1250 = arith.constant 0 : i32
          %get3A_1251 = tpu.memref_slice %arg22[%get3A_1247, %get3A_1249, %get3A_1250] : memref<6x16x17xf32, #tpu.memory_space<vmem>> -> memref<1x16x17xf32, #tpu.memory_space<vmem>>
          %get3A_1252 = tpu.memref_squeeze %get3A_1251 : memref<1x16x17xf32, #tpu.memory_space<vmem>> -> memref<16x17xf32, #tpu.memory_space<vmem>>
          %get3A_1253 = arith.constant 0 : i32
          %get3A_1254 = tpu.memref_slice %get3A_1252[%get3A_1248, %get3A_1253] : memref<16x17xf32, #tpu.memory_space<vmem>> -> memref<1x17xf32, #tpu.memory_space<vmem>>
          %get3A_1255 = tpu.memref_squeeze %get3A_1254 : memref<1x17xf32, #tpu.memory_space<vmem>> -> memref<17xf32, #tpu.memory_space<vmem>>
          %get3A_1256 = arith.constant 0 : index
          %get3A_1257 = tpu.vector_load %get3A_1255[%get3A_1256] {strides = array<i32>} : memref<17xf32, #tpu.memory_space<vmem>>, vector<16xf32>,
          %add3A_1258 = arith.addf %add3A_1246, %get3A_1257 : vector<16xf32>
          %get3A_1259 = arith.constant 3 : i32
          %get3A_1260 = arith.constant 4 : i32
          %get3A_1261 = arith.constant 0 : i32
          %get3A_1262 = arith.constant 0 : i32
          %get3A_1263 = tpu.memref_slice %arg22[%get3A_1259, %get3A_1261, %get3A_1262] : memref<6x16x17xf32, #tpu.memory_space<vmem>> -> memref<1x16x17xf32, #tpu.memory_space<vmem>>
          %get3A_1264 = tpu.memref_squeeze %get3A_1263 : memref<1x16x17xf32, #tpu.memory_space<vmem>> -> memref<16x17xf32, #tpu.memory_space<vmem>>
          %get3A_1265 = arith.constant 0 : i32
          %get3A_1266 = tpu.memref_slice %get3A_1264[%get3A_1260, %get3A_1265] : memref<16x17xf32, #tpu.memory_space<vmem>> -> memref<1x17xf32, #tpu.memory_space<vmem>>
          %get3A_1267 = tpu.memref_squeeze %get3A_1266 : memref<1x17xf32, #tpu.memory_space<vmem>> -> memref<17xf32, #tpu.memory_space<vmem>>
          %get3A_1268 = arith.constant 0 : index
          %get3A_1269 = tpu.vector_load %get3A_1267[%get3A_1268] {strides = array<i32>} : memref<17xf32, #tpu.memory_space<vmem>>, vector<16xf32>,
          %add3A_1270 = arith.addf %add3A_1258, %get3A_1269 : vector<16xf32>
          %get3A_1271 = arith.constant 3 : i32
          %get3A_1272 = arith.constant 5 : i32
          %get3A_1273 = arith.constant 0 : i32
          %get3A_1274 = arith.constant 0 : i32
          %get3A_1275 = tpu.memref_slice %arg22[%get3A_1271, %get3A_1273, %get3A_1274] : memref<6x16x17xf32, #tpu.memory_space<vmem>> -> memref<1x16x17xf32, #tpu.memory_space<vmem>>
          %get3A_1276 = tpu.memref_squeeze %get3A_1275 : memref<1x16x17xf32, #tpu.memory_space<vmem>> -> memref<16x17xf32, #tpu.memory_space<vmem>>
          %get3A_1277 = arith.constant 0 : i32
          %get3A_1278 = tpu.memref_slice %get3A_1276[%get3A_1272, %get3A_1277] : memref<16x17xf32, #tpu.memory_space<vmem>> -> memref<1x17xf32, #tpu.memory_space<vmem>>
          %get3A_1279 = tpu.memref_squeeze %get3A_1278 : memref<1x17xf32, #tpu.memory_space<vmem>> -> memref<17xf32, #tpu.memory_space<vmem>>
          %get3A_1280 = arith.constant 0 : index
          %get3A_1281 = tpu.vector_load %get3A_1279[%get3A_1280] {strides = array<i32>} : memref<17xf32, #tpu.memory_space<vmem>>, vector<16xf32>,
          %add3A_1282 = arith.addf %add3A_1270, %get3A_1281 : vector<16xf32>
          %get3A_1283 = arith.constant 3 : i32
          %get3A_1284 = arith.constant 6 : i32
          %get3A_1285 = arith.constant 0 : i32
          %get3A_1286 = arith.constant 0 : i32
          %get3A_1287 = tpu.memref_slice %arg22[%get3A_1283, %get3A_1285, %get3A_1286] : memref<6x16x17xf32, #tpu.memory_space<vmem>> -> memref<1x16x17xf32, #tpu.memory_space<vmem>>
          %get3A_1288 = tpu.memref_squeeze %get3A_1287 : memref<1x16x17xf32, #tpu.memory_space<vmem>> -> memref<16x17xf32, #tpu.memory_space<vmem>>
          %get3A_1289 = arith.constant 0 : i32
          %get3A_1290 = tpu.memref_slice %get3A_1288[%get3A_1284, %get3A_1289] : memref<16x17xf32, #tpu.memory_space<vmem>> -> memref<1x17xf32, #tpu.memory_space<vmem>>
          %get3A_1291 = tpu.memref_squeeze %get3A_1290 : memref<1x17xf32, #tpu.memory_space<vmem>> -> memref<17xf32, #tpu.memory_space<vmem>>
          %get3A_1292 = arith.constant 0 : index
          %get3A_1293 = tpu.vector_load %get3A_1291[%get3A_1292] {strides = array<i32>} : memref<17xf32, #tpu.memory_space<vmem>>, vector<16xf32>,
          %add3A_1294 = arith.addf %add3A_1282, %get3A_1293 : vector<16xf32>
          %get3A_1295 = arith.constant 3 : i32
          %get3A_1296 = arith.constant 7 : i32
          %get3A_1297 = arith.constant 0 : i32
          %get3A_1298 = arith.constant 0 : i32
          %get3A_1299 = tpu.memref_slice %arg22[%get3A_1295, %get3A_1297, %get3A_1298] : memref<6x16x17xf32, #tpu.memory_space<vmem>> -> memref<1x16x17xf32, #tpu.memory_space<vmem>>
          %get3A_1300 = tpu.memref_squeeze %get3A_1299 : memref<1x16x17xf32, #tpu.memory_space<vmem>> -> memref<16x17xf32, #tpu.memory_space<vmem>>
          %get3A_1301 = arith.constant 0 : i32
          %get3A_1302 = tpu.memref_slice %get3A_1300[%get3A_1296, %get3A_1301] : memref<16x17xf32, #tpu.memory_space<vmem>> -> memref<1x17xf32, #tpu.memory_space<vmem>>
          %get3A_1303 = tpu.memref_squeeze %get3A_1302 : memref<1x17xf32, #tpu.memory_space<vmem>> -> memref<17xf32, #tpu.memory_space<vmem>>
          %get3A_1304 = arith.constant 0 : index
          %get3A_1305 = tpu.vector_load %get3A_1303[%get3A_1304] {strides = array<i32>} : memref<17xf32, #tpu.memory_space<vmem>>, vector<16xf32>,
          %add3A_1306 = arith.addf %add3A_1294, %get3A_1305 : vector<16xf32>
          %get3A_1307 = arith.constant 3 : i32
          %get3A_1308 = arith.constant 8 : i32
          %get3A_1309 = arith.constant 0 : i32
          %get3A_1310 = arith.constant 0 : i32
          %get3A_1311 = tpu.memref_slice %arg22[%get3A_1307, %get3A_1309, %get3A_1310] : memref<6x16x17xf32, #tpu.memory_space<vmem>> -> memref<1x16x17xf32, #tpu.memory_space<vmem>>
          %get3A_1312 = tpu.memref_squeeze %get3A_1311 : memref<1x16x17xf32, #tpu.memory_space<vmem>> -> memref<16x17xf32, #tpu.memory_space<vmem>>
          %get3A_1313 = arith.constant 0 : i32
          %get3A_1314 = tpu.memref_slice %get3A_1312[%get3A_1308, %get3A_1313] : memref<16x17xf32, #tpu.memory_space<vmem>> -> memref<1x17xf32, #tpu.memory_space<vmem>>
          %get3A_1315 = tpu.memref_squeeze %get3A_1314 : memref<1x17xf32, #tpu.memory_space<vmem>> -> memref<17xf32, #tpu.memory_space<vmem>>
          %get3A_1316 = arith.constant 0 : index
          %get3A_1317 = tpu.vector_load %get3A_1315[%get3A_1316] {strides = array<i32>} : memref<17xf32, #tpu.memory_space<vmem>>, vector<16xf32>,
          %add3A_1318 = arith.addf %add3A_1306, %get3A_1317 : vector<16xf32>
          %get3A_1319 = arith.constant 3 : i32
          %get3A_1320 = arith.constant 9 : i32
          %get3A_1321 = arith.constant 0 : i32
          %get3A_1322 = arith.constant 0 : i32
          %get3A_1323 = tpu.memref_slice %arg22[%get3A_1319, %get3A_1321, %get3A_1322] : memref<6x16x17xf32, #tpu.memory_space<vmem>> -> memref<1x16x17xf32, #tpu.memory_space<vmem>>
          %get3A_1324 = tpu.memref_squeeze %get3A_1323 : memref<1x16x17xf32, #tpu.memory_space<vmem>> -> memref<16x17xf32, #tpu.memory_space<vmem>>
          %get3A_1325 = arith.constant 0 : i32
          %get3A_1326 = tpu.memref_slice %get3A_1324[%get3A_1320, %get3A_1325] : memref<16x17xf32, #tpu.memory_space<vmem>> -> memref<1x17xf32, #tpu.memory_space<vmem>>
          %get3A_1327 = tpu.memref_squeeze %get3A_1326 : memref<1x17xf32, #tpu.memory_space<vmem>> -> memref<17xf32, #tpu.memory_space<vmem>>
          %get3A_1328 = arith.constant 0 : index
          %get3A_1329 = tpu.vector_load %get3A_1327[%get3A_1328] {strides = array<i32>} : memref<17xf32, #tpu.memory_space<vmem>>, vector<16xf32>,
          %add3A_1330 = arith.addf %add3A_1318, %get3A_1329 : vector<16xf32>
          %get3A_1331 = arith.constant 3 : i32
          %get3A_1332 = arith.constant 10 : i32
          %get3A_1333 = arith.constant 0 : i32
          %get3A_1334 = arith.constant 0 : i32
          %get3A_1335 = tpu.memref_slice %arg22[%get3A_1331, %get3A_1333, %get3A_1334] : memref<6x16x17xf32, #tpu.memory_space<vmem>> -> memref<1x16x17xf32, #tpu.memory_space<vmem>>
          %get3A_1336 = tpu.memref_squeeze %get3A_1335 : memref<1x16x17xf32, #tpu.memory_space<vmem>> -> memref<16x17xf32, #tpu.memory_space<vmem>>
          %get3A_1337 = arith.constant 0 : i32
          %get3A_1338 = tpu.memref_slice %get3A_1336[%get3A_1332, %get3A_1337] : memref<16x17xf32, #tpu.memory_space<vmem>> -> memref<1x17xf32, #tpu.memory_space<vmem>>
          %get3A_1339 = tpu.memref_squeeze %get3A_1338 : memref<1x17xf32, #tpu.memory_space<vmem>> -> memref<17xf32, #tpu.memory_space<vmem>>
          %get3A_1340 = arith.constant 0 : index
          %get3A_1341 = tpu.vector_load %get3A_1339[%get3A_1340] {strides = array<i32>} : memref<17xf32, #tpu.memory_space<vmem>>, vector<16xf32>,
          %add3A_1342 = arith.addf %add3A_1330, %get3A_1341 : vector<16xf32>
          %get3A_1343 = arith.constant 3 : i32
          %get3A_1344 = arith.constant 11 : i32
          %get3A_1345 = arith.constant 0 : i32
          %get3A_1346 = arith.constant 0 : i32
          %get3A_1347 = tpu.memref_slice %arg22[%get3A_1343, %get3A_1345, %get3A_1346] : memref<6x16x17xf32, #tpu.memory_space<vmem>> -> memref<1x16x17xf32, #tpu.memory_space<vmem>>
          %get3A_1348 = tpu.memref_squeeze %get3A_1347 : memref<1x16x17xf32, #tpu.memory_space<vmem>> -> memref<16x17xf32, #tpu.memory_space<vmem>>
          %get3A_1349 = arith.constant 0 : i32
          %get3A_1350 = tpu.memref_slice %get3A_1348[%get3A_1344, %get3A_1349] : memref<16x17xf32, #tpu.memory_space<vmem>> -> memref<1x17xf32, #tpu.memory_space<vmem>>
          %get3A_1351 = tpu.memref_squeeze %get3A_1350 : memref<1x17xf32, #tpu.memory_space<vmem>> -> memref<17xf32, #tpu.memory_space<vmem>>
          %get3A_1352 = arith.constant 0 : index
          %get3A_1353 = tpu.vector_load %get3A_1351[%get3A_1352] {strides = array<i32>} : memref<17xf32, #tpu.memory_space<vmem>>, vector<16xf32>,
          %add3A_1354 = arith.addf %add3A_1342, %get3A_1353 : vector<16xf32>
          %get3A_1355 = arith.constant 3 : i32
          %get3A_1356 = arith.constant 12 : i32
          %get3A_1357 = arith.constant 0 : i32
          %get3A_1358 = arith.constant 0 : i32
          %get3A_1359 = tpu.memref_slice %arg22[%get3A_1355, %get3A_1357, %get3A_1358] : memref<6x16x17xf32, #tpu.memory_space<vmem>> -> memref<1x16x17xf32, #tpu.memory_space<vmem>>
          %get3A_1360 = tpu.memref_squeeze %get3A_1359 : memref<1x16x17xf32, #tpu.memory_space<vmem>> -> memref<16x17xf32, #tpu.memory_space<vmem>>
          %get3A_1361 = arith.constant 0 : i32
          %get3A_1362 = tpu.memref_slice %get3A_1360[%get3A_1356, %get3A_1361] : memref<16x17xf32, #tpu.memory_space<vmem>> -> memref<1x17xf32, #tpu.memory_space<vmem>>
          %get3A_1363 = tpu.memref_squeeze %get3A_1362 : memref<1x17xf32, #tpu.memory_space<vmem>> -> memref<17xf32, #tpu.memory_space<vmem>>
          %get3A_1364 = arith.constant 0 : index
          %get3A_1365 = tpu.vector_load %get3A_1363[%get3A_1364] {strides = array<i32>} : memref<17xf32, #tpu.memory_space<vmem>>, vector<16xf32>,
          %add3A_1366 = arith.addf %add3A_1354, %get3A_1365 : vector<16xf32>
          %get3A_1367 = arith.constant 3 : i32
          %get3A_1368 = arith.constant 13 : i32
          %get3A_1369 = arith.constant 0 : i32
          %get3A_1370 = arith.constant 0 : i32
          %get3A_1371 = tpu.memref_slice %arg22[%get3A_1367, %get3A_1369, %get3A_1370] : memref<6x16x17xf32, #tpu.memory_space<vmem>> -> memref<1x16x17xf32, #tpu.memory_space<vmem>>
          %get3A_1372 = tpu.memref_squeeze %get3A_1371 : memref<1x16x17xf32, #tpu.memory_space<vmem>> -> memref<16x17xf32, #tpu.memory_space<vmem>>
          %get3A_1373 = arith.constant 0 : i32
          %get3A_1374 = tpu.memref_slice %get3A_1372[%get3A_1368, %get3A_1373] : memref<16x17xf32, #tpu.memory_space<vmem>> -> memref<1x17xf32, #tpu.memory_space<vmem>>
          %get3A_1375 = tpu.memref_squeeze %get3A_1374 : memref<1x17xf32, #tpu.memory_space<vmem>> -> memref<17xf32, #tpu.memory_space<vmem>>
          %get3A_1376 = arith.constant 0 : index
          %get3A_1377 = tpu.vector_load %get3A_1375[%get3A_1376] {strides = array<i32>} : memref<17xf32, #tpu.memory_space<vmem>>, vector<16xf32>,
          %add3A_1378 = arith.addf %add3A_1366, %get3A_1377 : vector<16xf32>
          %get3A_1379 = arith.constant 3 : i32
          %get3A_1380 = arith.constant 14 : i32
          %get3A_1381 = arith.constant 0 : i32
          %get3A_1382 = arith.constant 0 : i32
          %get3A_1383 = tpu.memref_slice %arg22[%get3A_1379, %get3A_1381, %get3A_1382] : memref<6x16x17xf32, #tpu.memory_space<vmem>> -> memref<1x16x17xf32, #tpu.memory_space<vmem>>
          %get3A_1384 = tpu.memref_squeeze %get3A_1383 : memref<1x16x17xf32, #tpu.memory_space<vmem>> -> memref<16x17xf32, #tpu.memory_space<vmem>>
          %get3A_1385 = arith.constant 0 : i32
          %get3A_1386 = tpu.memref_slice %get3A_1384[%get3A_1380, %get3A_1385] : memref<16x17xf32, #tpu.memory_space<vmem>> -> memref<1x17xf32, #tpu.memory_space<vmem>>
          %get3A_1387 = tpu.memref_squeeze %get3A_1386 : memref<1x17xf32, #tpu.memory_space<vmem>> -> memref<17xf32, #tpu.memory_space<vmem>>
          %get3A_1388 = arith.constant 0 : index
          %get3A_1389 = tpu.vector_load %get3A_1387[%get3A_1388] {strides = array<i32>} : memref<17xf32, #tpu.memory_space<vmem>>, vector<16xf32>,
          %add3A_1390 = arith.addf %add3A_1378, %get3A_1389 : vector<16xf32>
          %get3A_1391 = arith.constant 3 : i32
          %get3A_1392 = arith.constant 15 : i32
          %get3A_1393 = arith.constant 0 : i32
          %get3A_1394 = arith.constant 0 : i32
          %get3A_1395 = tpu.memref_slice %arg22[%get3A_1391, %get3A_1393, %get3A_1394] : memref<6x16x17xf32, #tpu.memory_space<vmem>> -> memref<1x16x17xf32, #tpu.memory_space<vmem>>
          %get3A_1396 = tpu.memref_squeeze %get3A_1395 : memref<1x16x17xf32, #tpu.memory_space<vmem>> -> memref<16x17xf32, #tpu.memory_space<vmem>>
          %get3A_1397 = arith.constant 0 : i32
          %get3A_1398 = tpu.memref_slice %get3A_1396[%get3A_1392, %get3A_1397] : memref<16x17xf32, #tpu.memory_space<vmem>> -> memref<1x17xf32, #tpu.memory_space<vmem>>
          %get3A_1399 = tpu.memref_squeeze %get3A_1398 : memref<1x17xf32, #tpu.memory_space<vmem>> -> memref<17xf32, #tpu.memory_space<vmem>>
          %get3A_1400 = arith.constant 0 : index
          %get3A_1401 = tpu.vector_load %get3A_1399[%get3A_1400] {strides = array<i32>} : memref<17xf32, #tpu.memory_space<vmem>>, vector<16xf32>,
          %add3A_1402 = arith.addf %add3A_1390, %get3A_1401 : vector<16xf32>
          %get3A_1403 = arith.constant 4 : i32
          %get3A_1404 = arith.constant 0 : i32
          %get3A_1405 = arith.constant 0 : i32
          %get3A_1406 = arith.constant 0 : i32
          %get3A_1407 = tpu.memref_slice %arg22[%get3A_1403, %get3A_1405, %get3A_1406] : memref<6x16x17xf32, #tpu.memory_space<vmem>> -> memref<1x16x17xf32, #tpu.memory_space<vmem>>
          %get3A_1408 = tpu.memref_squeeze %get3A_1407 : memref<1x16x17xf32, #tpu.memory_space<vmem>> -> memref<16x17xf32, #tpu.memory_space<vmem>>
          %get3A_1409 = arith.constant 0 : i32
          %get3A_1410 = tpu.memref_slice %get3A_1408[%get3A_1404, %get3A_1409] : memref<16x17xf32, #tpu.memory_space<vmem>> -> memref<1x17xf32, #tpu.memory_space<vmem>>
          %get3A_1411 = tpu.memref_squeeze %get3A_1410 : memref<1x17xf32, #tpu.memory_space<vmem>> -> memref<17xf32, #tpu.memory_space<vmem>>
          %get3A_1412 = arith.constant 0 : index
          %get3A_1413 = tpu.vector_load %get3A_1411[%get3A_1412] {strides = array<i32>} : memref<17xf32, #tpu.memory_space<vmem>>, vector<16xf32>,
          %get3A_1414 = arith.constant 4 : i32
          %get3A_1415 = arith.constant 1 : i32
          %get3A_1416 = arith.constant 0 : i32
          %get3A_1417 = arith.constant 0 : i32
          %get3A_1418 = tpu.memref_slice %arg22[%get3A_1414, %get3A_1416, %get3A_1417] : memref<6x16x17xf32, #tpu.memory_space<vmem>> -> memref<1x16x17xf32, #tpu.memory_space<vmem>>
          %get3A_1419 = tpu.memref_squeeze %get3A_1418 : memref<1x16x17xf32, #tpu.memory_space<vmem>> -> memref<16x17xf32, #tpu.memory_space<vmem>>
          %get3A_1420 = arith.constant 0 : i32
          %get3A_1421 = tpu.memref_slice %get3A_1419[%get3A_1415, %get3A_1420] : memref<16x17xf32, #tpu.memory_space<vmem>> -> memref<1x17xf32, #tpu.memory_space<vmem>>
          %get3A_1422 = tpu.memref_squeeze %get3A_1421 : memref<1x17xf32, #tpu.memory_space<vmem>> -> memref<17xf32, #tpu.memory_space<vmem>>
          %get3A_1423 = arith.constant 0 : index
          %get3A_1424 = tpu.vector_load %get3A_1422[%get3A_1423] {strides = array<i32>} : memref<17xf32, #tpu.memory_space<vmem>>, vector<16xf32>,
          %add3A_1425 = arith.addf %get3A_1413, %get3A_1424 : vector<16xf32>
          %get3A_1426 = arith.constant 4 : i32
          %get3A_1427 = arith.constant 2 : i32
          %get3A_1428 = arith.constant 0 : i32
          %get3A_1429 = arith.constant 0 : i32
          %get3A_1430 = tpu.memref_slice %arg22[%get3A_1426, %get3A_1428, %get3A_1429] : memref<6x16x17xf32, #tpu.memory_space<vmem>> -> memref<1x16x17xf32, #tpu.memory_space<vmem>>
          %get3A_1431 = tpu.memref_squeeze %get3A_1430 : memref<1x16x17xf32, #tpu.memory_space<vmem>> -> memref<16x17xf32, #tpu.memory_space<vmem>>
          %get3A_1432 = arith.constant 0 : i32
          %get3A_1433 = tpu.memref_slice %get3A_1431[%get3A_1427, %get3A_1432] : memref<16x17xf32, #tpu.memory_space<vmem>> -> memref<1x17xf32, #tpu.memory_space<vmem>>
          %get3A_1434 = tpu.memref_squeeze %get3A_1433 : memref<1x17xf32, #tpu.memory_space<vmem>> -> memref<17xf32, #tpu.memory_space<vmem>>
          %get3A_1435 = arith.constant 0 : index
          %get3A_1436 = tpu.vector_load %get3A_1434[%get3A_1435] {strides = array<i32>} : memref<17xf32, #tpu.memory_space<vmem>>, vector<16xf32>,
          %add3A_1437 = arith.addf %add3A_1425, %get3A_1436 : vector<16xf32>
          %get3A_1438 = arith.constant 4 : i32
          %get3A_1439 = arith.constant 3 : i32
          %get3A_1440 = arith.constant 0 : i32
          %get3A_1441 = arith.constant 0 : i32
          %get3A_1442 = tpu.memref_slice %arg22[%get3A_1438, %get3A_1440, %get3A_1441] : memref<6x16x17xf32, #tpu.memory_space<vmem>> -> memref<1x16x17xf32, #tpu.memory_space<vmem>>
          %get3A_1443 = tpu.memref_squeeze %get3A_1442 : memref<1x16x17xf32, #tpu.memory_space<vmem>> -> memref<16x17xf32, #tpu.memory_space<vmem>>
          %get3A_1444 = arith.constant 0 : i32
          %get3A_1445 = tpu.memref_slice %get3A_1443[%get3A_1439, %get3A_1444] : memref<16x17xf32, #tpu.memory_space<vmem>> -> memref<1x17xf32, #tpu.memory_space<vmem>>
          %get3A_1446 = tpu.memref_squeeze %get3A_1445 : memref<1x17xf32, #tpu.memory_space<vmem>> -> memref<17xf32, #tpu.memory_space<vmem>>
          %get3A_1447 = arith.constant 0 : index
          %get3A_1448 = tpu.vector_load %get3A_1446[%get3A_1447] {strides = array<i32>} : memref<17xf32, #tpu.memory_space<vmem>>, vector<16xf32>,
          %add3A_1449 = arith.addf %add3A_1437, %get3A_1448 : vector<16xf32>
          %get3A_1450 = arith.constant 4 : i32
          %get3A_1451 = arith.constant 4 : i32
          %get3A_1452 = arith.constant 0 : i32
          %get3A_1453 = arith.constant 0 : i32
          %get3A_1454 = tpu.memref_slice %arg22[%get3A_1450, %get3A_1452, %get3A_1453] : memref<6x16x17xf32, #tpu.memory_space<vmem>> -> memref<1x16x17xf32, #tpu.memory_space<vmem>>
          %get3A_1455 = tpu.memref_squeeze %get3A_1454 : memref<1x16x17xf32, #tpu.memory_space<vmem>> -> memref<16x17xf32, #tpu.memory_space<vmem>>
          %get3A_1456 = arith.constant 0 : i32
          %get3A_1457 = tpu.memref_slice %get3A_1455[%get3A_1451, %get3A_1456] : memref<16x17xf32, #tpu.memory_space<vmem>> -> memref<1x17xf32, #tpu.memory_space<vmem>>
          %get3A_1458 = tpu.memref_squeeze %get3A_1457 : memref<1x17xf32, #tpu.memory_space<vmem>> -> memref<17xf32, #tpu.memory_space<vmem>>
          %get3A_1459 = arith.constant 0 : index
          %get3A_1460 = tpu.vector_load %get3A_1458[%get3A_1459] {strides = array<i32>} : memref<17xf32, #tpu.memory_space<vmem>>, vector<16xf32>,
          %add3A_1461 = arith.addf %add3A_1449, %get3A_1460 : vector<16xf32>
          %get3A_1462 = arith.constant 4 : i32
          %get3A_1463 = arith.constant 5 : i32
          %get3A_1464 = arith.constant 0 : i32
          %get3A_1465 = arith.constant 0 : i32
          %get3A_1466 = tpu.memref_slice %arg22[%get3A_1462, %get3A_1464, %get3A_1465] : memref<6x16x17xf32, #tpu.memory_space<vmem>> -> memref<1x16x17xf32, #tpu.memory_space<vmem>>
          %get3A_1467 = tpu.memref_squeeze %get3A_1466 : memref<1x16x17xf32, #tpu.memory_space<vmem>> -> memref<16x17xf32, #tpu.memory_space<vmem>>
          %get3A_1468 = arith.constant 0 : i32
          %get3A_1469 = tpu.memref_slice %get3A_1467[%get3A_1463, %get3A_1468] : memref<16x17xf32, #tpu.memory_space<vmem>> -> memref<1x17xf32, #tpu.memory_space<vmem>>
          %get3A_1470 = tpu.memref_squeeze %get3A_1469 : memref<1x17xf32, #tpu.memory_space<vmem>> -> memref<17xf32, #tpu.memory_space<vmem>>
          %get3A_1471 = arith.constant 0 : index
          %get3A_1472 = tpu.vector_load %get3A_1470[%get3A_1471] {strides = array<i32>} : memref<17xf32, #tpu.memory_space<vmem>>, vector<16xf32>,
          %add3A_1473 = arith.addf %add3A_1461, %get3A_1472 : vector<16xf32>
          %get3A_1474 = arith.constant 4 : i32
          %get3A_1475 = arith.constant 6 : i32
          %get3A_1476 = arith.constant 0 : i32
          %get3A_1477 = arith.constant 0 : i32
          %get3A_1478 = tpu.memref_slice %arg22[%get3A_1474, %get3A_1476, %get3A_1477] : memref<6x16x17xf32, #tpu.memory_space<vmem>> -> memref<1x16x17xf32, #tpu.memory_space<vmem>>
          %get3A_1479 = tpu.memref_squeeze %get3A_1478 : memref<1x16x17xf32, #tpu.memory_space<vmem>> -> memref<16x17xf32, #tpu.memory_space<vmem>>
          %get3A_1480 = arith.constant 0 : i32
          %get3A_1481 = tpu.memref_slice %get3A_1479[%get3A_1475, %get3A_1480] : memref<16x17xf32, #tpu.memory_space<vmem>> -> memref<1x17xf32, #tpu.memory_space<vmem>>
          %get3A_1482 = tpu.memref_squeeze %get3A_1481 : memref<1x17xf32, #tpu.memory_space<vmem>> -> memref<17xf32, #tpu.memory_space<vmem>>
          %get3A_1483 = arith.constant 0 : index
          %get3A_1484 = tpu.vector_load %get3A_1482[%get3A_1483] {strides = array<i32>} : memref<17xf32, #tpu.memory_space<vmem>>, vector<16xf32>,
          %add3A_1485 = arith.addf %add3A_1473, %get3A_1484 : vector<16xf32>
          %get3A_1486 = arith.constant 4 : i32
          %get3A_1487 = arith.constant 7 : i32
          %get3A_1488 = arith.constant 0 : i32
          %get3A_1489 = arith.constant 0 : i32
          %get3A_1490 = tpu.memref_slice %arg22[%get3A_1486, %get3A_1488, %get3A_1489] : memref<6x16x17xf32, #tpu.memory_space<vmem>> -> memref<1x16x17xf32, #tpu.memory_space<vmem>>
          %get3A_1491 = tpu.memref_squeeze %get3A_1490 : memref<1x16x17xf32, #tpu.memory_space<vmem>> -> memref<16x17xf32, #tpu.memory_space<vmem>>
          %get3A_1492 = arith.constant 0 : i32
          %get3A_1493 = tpu.memref_slice %get3A_1491[%get3A_1487, %get3A_1492] : memref<16x17xf32, #tpu.memory_space<vmem>> -> memref<1x17xf32, #tpu.memory_space<vmem>>
          %get3A_1494 = tpu.memref_squeeze %get3A_1493 : memref<1x17xf32, #tpu.memory_space<vmem>> -> memref<17xf32, #tpu.memory_space<vmem>>
          %get3A_1495 = arith.constant 0 : index
          %get3A_1496 = tpu.vector_load %get3A_1494[%get3A_1495] {strides = array<i32>} : memref<17xf32, #tpu.memory_space<vmem>>, vector<16xf32>,
          %add3A_1497 = arith.addf %add3A_1485, %get3A_1496 : vector<16xf32>
          %get3A_1498 = arith.constant 4 : i32
          %get3A_1499 = arith.constant 8 : i32
          %get3A_1500 = arith.constant 0 : i32
          %get3A_1501 = arith.constant 0 : i32
          %get3A_1502 = tpu.memref_slice %arg22[%get3A_1498, %get3A_1500, %get3A_1501] : memref<6x16x17xf32, #tpu.memory_space<vmem>> -> memref<1x16x17xf32, #tpu.memory_space<vmem>>
          %get3A_1503 = tpu.memref_squeeze %get3A_1502 : memref<1x16x17xf32, #tpu.memory_space<vmem>> -> memref<16x17xf32, #tpu.memory_space<vmem>>
          %get3A_1504 = arith.constant 0 : i32
          %get3A_1505 = tpu.memref_slice %get3A_1503[%get3A_1499, %get3A_1504] : memref<16x17xf32, #tpu.memory_space<vmem>> -> memref<1x17xf32, #tpu.memory_space<vmem>>
          %get3A_1506 = tpu.memref_squeeze %get3A_1505 : memref<1x17xf32, #tpu.memory_space<vmem>> -> memref<17xf32, #tpu.memory_space<vmem>>
          %get3A_1507 = arith.constant 0 : index
          %get3A_1508 = tpu.vector_load %get3A_1506[%get3A_1507] {strides = array<i32>} : memref<17xf32, #tpu.memory_space<vmem>>, vector<16xf32>,
          %add3A_1509 = arith.addf %add3A_1497, %get3A_1508 : vector<16xf32>
          %get3A_1510 = arith.constant 4 : i32
          %get3A_1511 = arith.constant 9 : i32
          %get3A_1512 = arith.constant 0 : i32
          %get3A_1513 = arith.constant 0 : i32
          %get3A_1514 = tpu.memref_slice %arg22[%get3A_1510, %get3A_1512, %get3A_1513] : memref<6x16x17xf32, #tpu.memory_space<vmem>> -> memref<1x16x17xf32, #tpu.memory_space<vmem>>
          %get3A_1515 = tpu.memref_squeeze %get3A_1514 : memref<1x16x17xf32, #tpu.memory_space<vmem>> -> memref<16x17xf32, #tpu.memory_space<vmem>>
          %get3A_1516 = arith.constant 0 : i32
          %get3A_1517 = tpu.memref_slice %get3A_1515[%get3A_1511, %get3A_1516] : memref<16x17xf32, #tpu.memory_space<vmem>> -> memref<1x17xf32, #tpu.memory_space<vmem>>
          %get3A_1518 = tpu.memref_squeeze %get3A_1517 : memref<1x17xf32, #tpu.memory_space<vmem>> -> memref<17xf32, #tpu.memory_space<vmem>>
          %get3A_1519 = arith.constant 0 : index
          %get3A_1520 = tpu.vector_load %get3A_1518[%get3A_1519] {strides = array<i32>} : memref<17xf32, #tpu.memory_space<vmem>>, vector<16xf32>,
          %add3A_1521 = arith.addf %add3A_1509, %get3A_1520 : vector<16xf32>
          %get3A_1522 = arith.constant 4 : i32
          %get3A_1523 = arith.constant 10 : i32
          %get3A_1524 = arith.constant 0 : i32
          %get3A_1525 = arith.constant 0 : i32
          %get3A_1526 = tpu.memref_slice %arg22[%get3A_1522, %get3A_1524, %get3A_1525] : memref<6x16x17xf32, #tpu.memory_space<vmem>> -> memref<1x16x17xf32, #tpu.memory_space<vmem>>
          %get3A_1527 = tpu.memref_squeeze %get3A_1526 : memref<1x16x17xf32, #tpu.memory_space<vmem>> -> memref<16x17xf32, #tpu.memory_space<vmem>>
          %get3A_1528 = arith.constant 0 : i32
          %get3A_1529 = tpu.memref_slice %get3A_1527[%get3A_1523, %get3A_1528] : memref<16x17xf32, #tpu.memory_space<vmem>> -> memref<1x17xf32, #tpu.memory_space<vmem>>
          %get3A_1530 = tpu.memref_squeeze %get3A_1529 : memref<1x17xf32, #tpu.memory_space<vmem>> -> memref<17xf32, #tpu.memory_space<vmem>>
          %get3A_1531 = arith.constant 0 : index
          %get3A_1532 = tpu.vector_load %get3A_1530[%get3A_1531] {strides = array<i32>} : memref<17xf32, #tpu.memory_space<vmem>>, vector<16xf32>,
          %add3A_1533 = arith.addf %add3A_1521, %get3A_1532 : vector<16xf32>
          %get3A_1534 = arith.constant 4 : i32
          %get3A_1535 = arith.constant 11 : i32
          %get3A_1536 = arith.constant 0 : i32
          %get3A_1537 = arith.constant 0 : i32
          %get3A_1538 = tpu.memref_slice %arg22[%get3A_1534, %get3A_1536, %get3A_1537] : memref<6x16x17xf32, #tpu.memory_space<vmem>> -> memref<1x16x17xf32, #tpu.memory_space<vmem>>
          %get3A_1539 = tpu.memref_squeeze %get3A_1538 : memref<1x16x17xf32, #tpu.memory_space<vmem>> -> memref<16x17xf32, #tpu.memory_space<vmem>>
          %get3A_1540 = arith.constant 0 : i32
          %get3A_1541 = tpu.memref_slice %get3A_1539[%get3A_1535, %get3A_1540] : memref<16x17xf32, #tpu.memory_space<vmem>> -> memref<1x17xf32, #tpu.memory_space<vmem>>
          %get3A_1542 = tpu.memref_squeeze %get3A_1541 : memref<1x17xf32, #tpu.memory_space<vmem>> -> memref<17xf32, #tpu.memory_space<vmem>>
          %get3A_1543 = arith.constant 0 : index
          %get3A_1544 = tpu.vector_load %get3A_1542[%get3A_1543] {strides = array<i32>} : memref<17xf32, #tpu.memory_space<vmem>>, vector<16xf32>,
          %add3A_1545 = arith.addf %add3A_1533, %get3A_1544 : vector<16xf32>
          %get3A_1546 = arith.constant 4 : i32
          %get3A_1547 = arith.constant 12 : i32
          %get3A_1548 = arith.constant 0 : i32
          %get3A_1549 = arith.constant 0 : i32
          %get3A_1550 = tpu.memref_slice %arg22[%get3A_1546, %get3A_1548, %get3A_1549] : memref<6x16x17xf32, #tpu.memory_space<vmem>> -> memref<1x16x17xf32, #tpu.memory_space<vmem>>
          %get3A_1551 = tpu.memref_squeeze %get3A_1550 : memref<1x16x17xf32, #tpu.memory_space<vmem>> -> memref<16x17xf32, #tpu.memory_space<vmem>>
          %get3A_1552 = arith.constant 0 : i32
          %get3A_1553 = tpu.memref_slice %get3A_1551[%get3A_1547, %get3A_1552] : memref<16x17xf32, #tpu.memory_space<vmem>> -> memref<1x17xf32, #tpu.memory_space<vmem>>
          %get3A_1554 = tpu.memref_squeeze %get3A_1553 : memref<1x17xf32, #tpu.memory_space<vmem>> -> memref<17xf32, #tpu.memory_space<vmem>>
          %get3A_1555 = arith.constant 0 : index
          %get3A_1556 = tpu.vector_load %get3A_1554[%get3A_1555] {strides = array<i32>} : memref<17xf32, #tpu.memory_space<vmem>>, vector<16xf32>,
          %add3A_1557 = arith.addf %add3A_1545, %get3A_1556 : vector<16xf32>
          %get3A_1558 = arith.constant 4 : i32
          %get3A_1559 = arith.constant 13 : i32
          %get3A_1560 = arith.constant 0 : i32
          %get3A_1561 = arith.constant 0 : i32
          %get3A_1562 = tpu.memref_slice %arg22[%get3A_1558, %get3A_1560, %get3A_1561] : memref<6x16x17xf32, #tpu.memory_space<vmem>> -> memref<1x16x17xf32, #tpu.memory_space<vmem>>
          %get3A_1563 = tpu.memref_squeeze %get3A_1562 : memref<1x16x17xf32, #tpu.memory_space<vmem>> -> memref<16x17xf32, #tpu.memory_space<vmem>>
          %get3A_1564 = arith.constant 0 : i32
          %get3A_1565 = tpu.memref_slice %get3A_1563[%get3A_1559, %get3A_1564] : memref<16x17xf32, #tpu.memory_space<vmem>> -> memref<1x17xf32, #tpu.memory_space<vmem>>
          %get3A_1566 = tpu.memref_squeeze %get3A_1565 : memref<1x17xf32, #tpu.memory_space<vmem>> -> memref<17xf32, #tpu.memory_space<vmem>>
          %get3A_1567 = arith.constant 0 : index
          %get3A_1568 = tpu.vector_load %get3A_1566[%get3A_1567] {strides = array<i32>} : memref<17xf32, #tpu.memory_space<vmem>>, vector<16xf32>,
          %add3A_1569 = arith.addf %add3A_1557, %get3A_1568 : vector<16xf32>
          %get3A_1570 = arith.constant 4 : i32
          %get3A_1571 = arith.constant 14 : i32
          %get3A_1572 = arith.constant 0 : i32
          %get3A_1573 = arith.constant 0 : i32
          %get3A_1574 = tpu.memref_slice %arg22[%get3A_1570, %get3A_1572, %get3A_1573] : memref<6x16x17xf32, #tpu.memory_space<vmem>> -> memref<1x16x17xf32, #tpu.memory_space<vmem>>
          %get3A_1575 = tpu.memref_squeeze %get3A_1574 : memref<1x16x17xf32, #tpu.memory_space<vmem>> -> memref<16x17xf32, #tpu.memory_space<vmem>>
          %get3A_1576 = arith.constant 0 : i32
          %get3A_1577 = tpu.memref_slice %get3A_1575[%get3A_1571, %get3A_1576] : memref<16x17xf32, #tpu.memory_space<vmem>> -> memref<1x17xf32, #tpu.memory_space<vmem>>
          %get3A_1578 = tpu.memref_squeeze %get3A_1577 : memref<1x17xf32, #tpu.memory_space<vmem>> -> memref<17xf32, #tpu.memory_space<vmem>>
          %get3A_1579 = arith.constant 0 : index
          %get3A_1580 = tpu.vector_load %get3A_1578[%get3A_1579] {strides = array<i32>} : memref<17xf32, #tpu.memory_space<vmem>>, vector<16xf32>,
          %add3A_1581 = arith.addf %add3A_1569, %get3A_1580 : vector<16xf32>
          %get3A_1582 = arith.constant 4 : i32
          %get3A_1583 = arith.constant 15 : i32
          %get3A_1584 = arith.constant 0 : i32
          %get3A_1585 = arith.constant 0 : i32
          %get3A_1586 = tpu.memref_slice %arg22[%get3A_1582, %get3A_1584, %get3A_1585] : memref<6x16x17xf32, #tpu.memory_space<vmem>> -> memref<1x16x17xf32, #tpu.memory_space<vmem>>
          %get3A_1587 = tpu.memref_squeeze %get3A_1586 : memref<1x16x17xf32, #tpu.memory_space<vmem>> -> memref<16x17xf32, #tpu.memory_space<vmem>>
          %get3A_1588 = arith.constant 0 : i32
          %get3A_1589 = tpu.memref_slice %get3A_1587[%get3A_1583, %get3A_1588] : memref<16x17xf32, #tpu.memory_space<vmem>> -> memref<1x17xf32, #tpu.memory_space<vmem>>
          %get3A_1590 = tpu.memref_squeeze %get3A_1589 : memref<1x17xf32, #tpu.memory_space<vmem>> -> memref<17xf32, #tpu.memory_space<vmem>>
          %get3A_1591 = arith.constant 0 : index
          %get3A_1592 = tpu.vector_load %get3A_1590[%get3A_1591] {strides = array<i32>} : memref<17xf32, #tpu.memory_space<vmem>>, vector<16xf32>,
          %add3A_1593 = arith.addf %add3A_1581, %get3A_1592 : vector<16xf32>
          %get3A_1594 = arith.constant 5 : i32
          %get3A_1595 = arith.constant 0 : i32
          %get3A_1596 = arith.constant 0 : i32
          %get3A_1597 = arith.constant 0 : i32
          %get3A_1598 = tpu.memref_slice %arg22[%get3A_1594, %get3A_1596, %get3A_1597] : memref<6x16x17xf32, #tpu.memory_space<vmem>> -> memref<1x16x17xf32, #tpu.memory_space<vmem>>
          %get3A_1599 = tpu.memref_squeeze %get3A_1598 : memref<1x16x17xf32, #tpu.memory_space<vmem>> -> memref<16x17xf32, #tpu.memory_space<vmem>>
          %get3A_1600 = arith.constant 0 : i32
          %get3A_1601 = tpu.memref_slice %get3A_1599[%get3A_1595, %get3A_1600] : memref<16x17xf32, #tpu.memory_space<vmem>> -> memref<1x17xf32, #tpu.memory_space<vmem>>
          %get3A_1602 = tpu.memref_squeeze %get3A_1601 : memref<1x17xf32, #tpu.memory_space<vmem>> -> memref<17xf32, #tpu.memory_space<vmem>>
          %get3A_1603 = arith.constant 0 : index
          %get3A_1604 = tpu.vector_load %get3A_1602[%get3A_1603] {strides = array<i32>} : memref<17xf32, #tpu.memory_space<vmem>>, vector<16xf32>,
          %get3A_1605 = arith.constant 5 : i32
          %get3A_1606 = arith.constant 1 : i32
          %get3A_1607 = arith.constant 0 : i32
          %get3A_1608 = arith.constant 0 : i32
          %get3A_1609 = tpu.memref_slice %arg22[%get3A_1605, %get3A_1607, %get3A_1608] : memref<6x16x17xf32, #tpu.memory_space<vmem>> -> memref<1x16x17xf32, #tpu.memory_space<vmem>>
          %get3A_1610 = tpu.memref_squeeze %get3A_1609 : memref<1x16x17xf32, #tpu.memory_space<vmem>> -> memref<16x17xf32, #tpu.memory_space<vmem>>
          %get3A_1611 = arith.constant 0 : i32
          %get3A_1612 = tpu.memref_slice %get3A_1610[%get3A_1606, %get3A_1611] : memref<16x17xf32, #tpu.memory_space<vmem>> -> memref<1x17xf32, #tpu.memory_space<vmem>>
          %get3A_1613 = tpu.memref_squeeze %get3A_1612 : memref<1x17xf32, #tpu.memory_space<vmem>> -> memref<17xf32, #tpu.memory_space<vmem>>
          %get3A_1614 = arith.constant 0 : index
          %get3A_1615 = tpu.vector_load %get3A_1613[%get3A_1614] {strides = array<i32>} : memref<17xf32, #tpu.memory_space<vmem>>, vector<16xf32>,
          %add3A_1616 = arith.addf %get3A_1604, %get3A_1615 : vector<16xf32>
          %get3A_1617 = arith.constant 5 : i32
          %get3A_1618 = arith.constant 2 : i32
          %get3A_1619 = arith.constant 0 : i32
          %get3A_1620 = arith.constant 0 : i32
          %get3A_1621 = tpu.memref_slice %arg22[%get3A_1617, %get3A_1619, %get3A_1620] : memref<6x16x17xf32, #tpu.memory_space<vmem>> -> memref<1x16x17xf32, #tpu.memory_space<vmem>>
          %get3A_1622 = tpu.memref_squeeze %get3A_1621 : memref<1x16x17xf32, #tpu.memory_space<vmem>> -> memref<16x17xf32, #tpu.memory_space<vmem>>
          %get3A_1623 = arith.constant 0 : i32
          %get3A_1624 = tpu.memref_slice %get3A_1622[%get3A_1618, %get3A_1623] : memref<16x17xf32, #tpu.memory_space<vmem>> -> memref<1x17xf32, #tpu.memory_space<vmem>>
          %get3A_1625 = tpu.memref_squeeze %get3A_1624 : memref<1x17xf32, #tpu.memory_space<vmem>> -> memref<17xf32, #tpu.memory_space<vmem>>
          %get3A_1626 = arith.constant 0 : index
          %get3A_1627 = tpu.vector_load %get3A_1625[%get3A_1626] {strides = array<i32>} : memref<17xf32, #tpu.memory_space<vmem>>, vector<16xf32>,
          %add3A_1628 = arith.addf %add3A_1616, %get3A_1627 : vector<16xf32>
          %get3A_1629 = arith.constant 5 : i32
          %get3A_1630 = arith.constant 3 : i32
          %get3A_1631 = arith.constant 0 : i32
          %get3A_1632 = arith.constant 0 : i32
          %get3A_1633 = tpu.memref_slice %arg22[%get3A_1629, %get3A_1631, %get3A_1632] : memref<6x16x17xf32, #tpu.memory_space<vmem>> -> memref<1x16x17xf32, #tpu.memory_space<vmem>>
          %get3A_1634 = tpu.memref_squeeze %get3A_1633 : memref<1x16x17xf32, #tpu.memory_space<vmem>> -> memref<16x17xf32, #tpu.memory_space<vmem>>
          %get3A_1635 = arith.constant 0 : i32
          %get3A_1636 = tpu.memref_slice %get3A_1634[%get3A_1630, %get3A_1635] : memref<16x17xf32, #tpu.memory_space<vmem>> -> memref<1x17xf32, #tpu.memory_space<vmem>>
          %get3A_1637 = tpu.memref_squeeze %get3A_1636 : memref<1x17xf32, #tpu.memory_space<vmem>> -> memref<17xf32, #tpu.memory_space<vmem>>
          %get3A_1638 = arith.constant 0 : index
          %get3A_1639 = tpu.vector_load %get3A_1637[%get3A_1638] {strides = array<i32>} : memref<17xf32, #tpu.memory_space<vmem>>, vector<16xf32>,
          %add3A_1640 = arith.addf %add3A_1628, %get3A_1639 : vector<16xf32>
          %get3A_1641 = arith.constant 5 : i32
          %get3A_1642 = arith.constant 4 : i32
          %get3A_1643 = arith.constant 0 : i32
          %get3A_1644 = arith.constant 0 : i32
          %get3A_1645 = tpu.memref_slice %arg22[%get3A_1641, %get3A_1643, %get3A_1644] : memref<6x16x17xf32, #tpu.memory_space<vmem>> -> memref<1x16x17xf32, #tpu.memory_space<vmem>>
          %get3A_1646 = tpu.memref_squeeze %get3A_1645 : memref<1x16x17xf32, #tpu.memory_space<vmem>> -> memref<16x17xf32, #tpu.memory_space<vmem>>
          %get3A_1647 = arith.constant 0 : i32
          %get3A_1648 = tpu.memref_slice %get3A_1646[%get3A_1642, %get3A_1647] : memref<16x17xf32, #tpu.memory_space<vmem>> -> memref<1x17xf32, #tpu.memory_space<vmem>>
          %get3A_1649 = tpu.memref_squeeze %get3A_1648 : memref<1x17xf32, #tpu.memory_space<vmem>> -> memref<17xf32, #tpu.memory_space<vmem>>
          %get3A_1650 = arith.constant 0 : index
          %get3A_1651 = tpu.vector_load %get3A_1649[%get3A_1650] {strides = array<i32>} : memref<17xf32, #tpu.memory_space<vmem>>, vector<16xf32>,
          %add3A_1652 = arith.addf %add3A_1640, %get3A_1651 : vector<16xf32>
          %get3A_1653 = arith.constant 5 : i32
          %get3A_1654 = arith.constant 5 : i32
          %get3A_1655 = arith.constant 0 : i32
          %get3A_1656 = arith.constant 0 : i32
          %get3A_1657 = tpu.memref_slice %arg22[%get3A_1653, %get3A_1655, %get3A_1656] : memref<6x16x17xf32, #tpu.memory_space<vmem>> -> memref<1x16x17xf32, #tpu.memory_space<vmem>>
          %get3A_1658 = tpu.memref_squeeze %get3A_1657 : memref<1x16x17xf32, #tpu.memory_space<vmem>> -> memref<16x17xf32, #tpu.memory_space<vmem>>
          %get3A_1659 = arith.constant 0 : i32
          %get3A_1660 = tpu.memref_slice %get3A_1658[%get3A_1654, %get3A_1659] : memref<16x17xf32, #tpu.memory_space<vmem>> -> memref<1x17xf32, #tpu.memory_space<vmem>>
          %get3A_1661 = tpu.memref_squeeze %get3A_1660 : memref<1x17xf32, #tpu.memory_space<vmem>> -> memref<17xf32, #tpu.memory_space<vmem>>
          %get3A_1662 = arith.constant 0 : index
          %get3A_1663 = tpu.vector_load %get3A_1661[%get3A_1662] {strides = array<i32>} : memref<17xf32, #tpu.memory_space<vmem>>, vector<16xf32>,
          %add3A_1664 = arith.addf %add3A_1652, %get3A_1663 : vector<16xf32>
          %get3A_1665 = arith.constant 5 : i32
          %get3A_1666 = arith.constant 6 : i32
          %get3A_1667 = arith.constant 0 : i32
          %get3A_1668 = arith.constant 0 : i32
          %get3A_1669 = tpu.memref_slice %arg22[%get3A_1665, %get3A_1667, %get3A_1668] : memref<6x16x17xf32, #tpu.memory_space<vmem>> -> memref<1x16x17xf32, #tpu.memory_space<vmem>>
          %get3A_1670 = tpu.memref_squeeze %get3A_1669 : memref<1x16x17xf32, #tpu.memory_space<vmem>> -> memref<16x17xf32, #tpu.memory_space<vmem>>
          %get3A_1671 = arith.constant 0 : i32
          %get3A_1672 = tpu.memref_slice %get3A_1670[%get3A_1666, %get3A_1671] : memref<16x17xf32, #tpu.memory_space<vmem>> -> memref<1x17xf32, #tpu.memory_space<vmem>>
          %get3A_1673 = tpu.memref_squeeze %get3A_1672 : memref<1x17xf32, #tpu.memory_space<vmem>> -> memref<17xf32, #tpu.memory_space<vmem>>
          %get3A_1674 = arith.constant 0 : index
          %get3A_1675 = tpu.vector_load %get3A_1673[%get3A_1674] {strides = array<i32>} : memref<17xf32, #tpu.memory_space<vmem>>, vector<16xf32>,
          %add3A_1676 = arith.addf %add3A_1664, %get3A_1675 : vector<16xf32>
          %get3A_1677 = arith.constant 5 : i32
          %get3A_1678 = arith.constant 7 : i32
          %get3A_1679 = arith.constant 0 : i32
          %get3A_1680 = arith.constant 0 : i32
          %get3A_1681 = tpu.memref_slice %arg22[%get3A_1677, %get3A_1679, %get3A_1680] : memref<6x16x17xf32, #tpu.memory_space<vmem>> -> memref<1x16x17xf32, #tpu.memory_space<vmem>>
          %get3A_1682 = tpu.memref_squeeze %get3A_1681 : memref<1x16x17xf32, #tpu.memory_space<vmem>> -> memref<16x17xf32, #tpu.memory_space<vmem>>
          %get3A_1683 = arith.constant 0 : i32
          %get3A_1684 = tpu.memref_slice %get3A_1682[%get3A_1678, %get3A_1683] : memref<16x17xf32, #tpu.memory_space<vmem>> -> memref<1x17xf32, #tpu.memory_space<vmem>>
          %get3A_1685 = tpu.memref_squeeze %get3A_1684 : memref<1x17xf32, #tpu.memory_space<vmem>> -> memref<17xf32, #tpu.memory_space<vmem>>
          %get3A_1686 = arith.constant 0 : index
          %get3A_1687 = tpu.vector_load %get3A_1685[%get3A_1686] {strides = array<i32>} : memref<17xf32, #tpu.memory_space<vmem>>, vector<16xf32>,
          %add3A_1688 = arith.addf %add3A_1676, %get3A_1687 : vector<16xf32>
          %get3A_1689 = arith.constant 5 : i32
          %get3A_1690 = arith.constant 8 : i32
          %get3A_1691 = arith.constant 0 : i32
          %get3A_1692 = arith.constant 0 : i32
          %get3A_1693 = tpu.memref_slice %arg22[%get3A_1689, %get3A_1691, %get3A_1692] : memref<6x16x17xf32, #tpu.memory_space<vmem>> -> memref<1x16x17xf32, #tpu.memory_space<vmem>>
          %get3A_1694 = tpu.memref_squeeze %get3A_1693 : memref<1x16x17xf32, #tpu.memory_space<vmem>> -> memref<16x17xf32, #tpu.memory_space<vmem>>
          %get3A_1695 = arith.constant 0 : i32
          %get3A_1696 = tpu.memref_slice %get3A_1694[%get3A_1690, %get3A_1695] : memref<16x17xf32, #tpu.memory_space<vmem>> -> memref<1x17xf32, #tpu.memory_space<vmem>>
          %get3A_1697 = tpu.memref_squeeze %get3A_1696 : memref<1x17xf32, #tpu.memory_space<vmem>> -> memref<17xf32, #tpu.memory_space<vmem>>
          %get3A_1698 = arith.constant 0 : index
          %get3A_1699 = tpu.vector_load %get3A_1697[%get3A_1698] {strides = array<i32>} : memref<17xf32, #tpu.memory_space<vmem>>, vector<16xf32>,
          %add3A_1700 = arith.addf %add3A_1688, %get3A_1699 : vector<16xf32>
          %get3A_1701 = arith.constant 5 : i32
          %get3A_1702 = arith.constant 9 : i32
          %get3A_1703 = arith.constant 0 : i32
          %get3A_1704 = arith.constant 0 : i32
          %get3A_1705 = tpu.memref_slice %arg22[%get3A_1701, %get3A_1703, %get3A_1704] : memref<6x16x17xf32, #tpu.memory_space<vmem>> -> memref<1x16x17xf32, #tpu.memory_space<vmem>>
          %get3A_1706 = tpu.memref_squeeze %get3A_1705 : memref<1x16x17xf32, #tpu.memory_space<vmem>> -> memref<16x17xf32, #tpu.memory_space<vmem>>
          %get3A_1707 = arith.constant 0 : i32
          %get3A_1708 = tpu.memref_slice %get3A_1706[%get3A_1702, %get3A_1707] : memref<16x17xf32, #tpu.memory_space<vmem>> -> memref<1x17xf32, #tpu.memory_space<vmem>>
          %get3A_1709 = tpu.memref_squeeze %get3A_1708 : memref<1x17xf32, #tpu.memory_space<vmem>> -> memref<17xf32, #tpu.memory_space<vmem>>
          %get3A_1710 = arith.constant 0 : index
          %get3A_1711 = tpu.vector_load %get3A_1709[%get3A_1710] {strides = array<i32>} : memref<17xf32, #tpu.memory_space<vmem>>, vector<16xf32>,
          %add3A_1712 = arith.addf %add3A_1700, %get3A_1711 : vector<16xf32>
          %get3A_1713 = arith.constant 5 : i32
          %get3A_1714 = arith.constant 10 : i32
          %get3A_1715 = arith.constant 0 : i32
          %get3A_1716 = arith.constant 0 : i32
          %get3A_1717 = tpu.memref_slice %arg22[%get3A_1713, %get3A_1715, %get3A_1716] : memref<6x16x17xf32, #tpu.memory_space<vmem>> -> memref<1x16x17xf32, #tpu.memory_space<vmem>>
          %get3A_1718 = tpu.memref_squeeze %get3A_1717 : memref<1x16x17xf32, #tpu.memory_space<vmem>> -> memref<16x17xf32, #tpu.memory_space<vmem>>
          %get3A_1719 = arith.constant 0 : i32
          %get3A_1720 = tpu.memref_slice %get3A_1718[%get3A_1714, %get3A_1719] : memref<16x17xf32, #tpu.memory_space<vmem>> -> memref<1x17xf32, #tpu.memory_space<vmem>>
          %get3A_1721 = tpu.memref_squeeze %get3A_1720 : memref<1x17xf32, #tpu.memory_space<vmem>> -> memref<17xf32, #tpu.memory_space<vmem>>
          %get3A_1722 = arith.constant 0 : index
          %get3A_1723 = tpu.vector_load %get3A_1721[%get3A_1722] {strides = array<i32>} : memref<17xf32, #tpu.memory_space<vmem>>, vector<16xf32>,
          %add3A_1724 = arith.addf %add3A_1712, %get3A_1723 : vector<16xf32>
          %get3A_1725 = arith.constant 5 : i32
          %get3A_1726 = arith.constant 11 : i32
          %get3A_1727 = arith.constant 0 : i32
          %get3A_1728 = arith.constant 0 : i32
          %get3A_1729 = tpu.memref_slice %arg22[%get3A_1725, %get3A_1727, %get3A_1728] : memref<6x16x17xf32, #tpu.memory_space<vmem>> -> memref<1x16x17xf32, #tpu.memory_space<vmem>>
          %get3A_1730 = tpu.memref_squeeze %get3A_1729 : memref<1x16x17xf32, #tpu.memory_space<vmem>> -> memref<16x17xf32, #tpu.memory_space<vmem>>
          %get3A_1731 = arith.constant 0 : i32
          %get3A_1732 = tpu.memref_slice %get3A_1730[%get3A_1726, %get3A_1731] : memref<16x17xf32, #tpu.memory_space<vmem>> -> memref<1x17xf32, #tpu.memory_space<vmem>>
          %get3A_1733 = tpu.memref_squeeze %get3A_1732 : memref<1x17xf32, #tpu.memory_space<vmem>> -> memref<17xf32, #tpu.memory_space<vmem>>
          %get3A_1734 = arith.constant 0 : index
          %get3A_1735 = tpu.vector_load %get3A_1733[%get3A_1734] {strides = array<i32>} : memref<17xf32, #tpu.memory_space<vmem>>, vector<16xf32>,
          %add3A_1736 = arith.addf %add3A_1724, %get3A_1735 : vector<16xf32>
          %get3A_1737 = arith.constant 5 : i32
          %get3A_1738 = arith.constant 12 : i32
          %get3A_1739 = arith.constant 0 : i32
          %get3A_1740 = arith.constant 0 : i32
          %get3A_1741 = tpu.memref_slice %arg22[%get3A_1737, %get3A_1739, %get3A_1740] : memref<6x16x17xf32, #tpu.memory_space<vmem>> -> memref<1x16x17xf32, #tpu.memory_space<vmem>>
          %get3A_1742 = tpu.memref_squeeze %get3A_1741 : memref<1x16x17xf32, #tpu.memory_space<vmem>> -> memref<16x17xf32, #tpu.memory_space<vmem>>
          %get3A_1743 = arith.constant 0 : i32
          %get3A_1744 = tpu.memref_slice %get3A_1742[%get3A_1738, %get3A_1743] : memref<16x17xf32, #tpu.memory_space<vmem>> -> memref<1x17xf32, #tpu.memory_space<vmem>>
          %get3A_1745 = tpu.memref_squeeze %get3A_1744 : memref<1x17xf32, #tpu.memory_space<vmem>> -> memref<17xf32, #tpu.memory_space<vmem>>
          %get3A_1746 = arith.constant 0 : index
          %get3A_1747 = tpu.vector_load %get3A_1745[%get3A_1746] {strides = array<i32>} : memref<17xf32, #tpu.memory_space<vmem>>, vector<16xf32>,
          %add3A_1748 = arith.addf %add3A_1736, %get3A_1747 : vector<16xf32>
          %get3A_1749 = arith.constant 5 : i32
          %get3A_1750 = arith.constant 13 : i32
          %get3A_1751 = arith.constant 0 : i32
          %get3A_1752 = arith.constant 0 : i32
          %get3A_1753 = tpu.memref_slice %arg22[%get3A_1749, %get3A_1751, %get3A_1752] : memref<6x16x17xf32, #tpu.memory_space<vmem>> -> memref<1x16x17xf32, #tpu.memory_space<vmem>>
          %get3A_1754 = tpu.memref_squeeze %get3A_1753 : memref<1x16x17xf32, #tpu.memory_space<vmem>> -> memref<16x17xf32, #tpu.memory_space<vmem>>
          %get3A_1755 = arith.constant 0 : i32
          %get3A_1756 = tpu.memref_slice %get3A_1754[%get3A_1750, %get3A_1755] : memref<16x17xf32, #tpu.memory_space<vmem>> -> memref<1x17xf32, #tpu.memory_space<vmem>>
          %get3A_1757 = tpu.memref_squeeze %get3A_1756 : memref<1x17xf32, #tpu.memory_space<vmem>> -> memref<17xf32, #tpu.memory_space<vmem>>
          %get3A_1758 = arith.constant 0 : index
          %get3A_1759 = tpu.vector_load %get3A_1757[%get3A_1758] {strides = array<i32>} : memref<17xf32, #tpu.memory_space<vmem>>, vector<16xf32>,
          %add3A_1760 = arith.addf %add3A_1748, %get3A_1759 : vector<16xf32>
          %get3A_1761 = arith.constant 5 : i32
          %get3A_1762 = arith.constant 14 : i32
          %get3A_1763 = arith.constant 0 : i32
          %get3A_1764 = arith.constant 0 : i32
          %get3A_1765 = tpu.memref_slice %arg22[%get3A_1761, %get3A_1763, %get3A_1764] : memref<6x16x17xf32, #tpu.memory_space<vmem>> -> memref<1x16x17xf32, #tpu.memory_space<vmem>>
          %get3A_1766 = tpu.memref_squeeze %get3A_1765 : memref<1x16x17xf32, #tpu.memory_space<vmem>> -> memref<16x17xf32, #tpu.memory_space<vmem>>
          %get3A_1767 = arith.constant 0 : i32
          %get3A_1768 = tpu.memref_slice %get3A_1766[%get3A_1762, %get3A_1767] : memref<16x17xf32, #tpu.memory_space<vmem>> -> memref<1x17xf32, #tpu.memory_space<vmem>>
          %get3A_1769 = tpu.memref_squeeze %get3A_1768 : memref<1x17xf32, #tpu.memory_space<vmem>> -> memref<17xf32, #tpu.memory_space<vmem>>
          %get3A_1770 = arith.constant 0 : index
          %get3A_1771 = tpu.vector_load %get3A_1769[%get3A_1770] {strides = array<i32>} : memref<17xf32, #tpu.memory_space<vmem>>, vector<16xf32>,
          %add3A_1772 = arith.addf %add3A_1760, %get3A_1771 : vector<16xf32>
          %get3A_1773 = arith.constant 5 : i32
          %get3A_1774 = arith.constant 15 : i32
          %get3A_1775 = arith.constant 0 : i32
          %get3A_1776 = arith.constant 0 : i32
          %get3A_1777 = tpu.memref_slice %arg22[%get3A_1773, %get3A_1775, %get3A_1776] : memref<6x16x17xf32, #tpu.memory_space<vmem>> -> memref<1x16x17xf32, #tpu.memory_space<vmem>>
          %get3A_1778 = tpu.memref_squeeze %get3A_1777 : memref<1x16x17xf32, #tpu.memory_space<vmem>> -> memref<16x17xf32, #tpu.memory_space<vmem>>
          %get3A_1779 = arith.constant 0 : i32
          %get3A_1780 = tpu.memref_slice %get3A_1778[%get3A_1774, %get3A_1779] : memref<16x17xf32, #tpu.memory_space<vmem>> -> memref<1x17xf32, #tpu.memory_space<vmem>>
          %get3A_1781 = tpu.memref_squeeze %get3A_1780 : memref<1x17xf32, #tpu.memory_space<vmem>> -> memref<17xf32, #tpu.memory_space<vmem>>
          %get3A_1782 = arith.constant 0 : index
          %get3A_1783 = tpu.vector_load %get3A_1781[%get3A_1782] {strides = array<i32>} : memref<17xf32, #tpu.memory_space<vmem>>, vector<16xf32>,
          %add3A_1784 = arith.addf %add3A_1772, %get3A_1783 : vector<16xf32>
          %sub3A = arith.constant 15 : i32
          %sub3A_1785 = arith.subi %add3A_638, %sub3A : i32
          %get3A_1786 = arith.index_cast %sub3A_1785 : i32 to index
          %get3A_1787 = tpu.vector_load %arg16[%get3A_1786] {strides = array<i32>} : memref<6400xi32, #tpu.memory_space<vmem>>, vector<16xi32>,
          %ne3A = arith.constant 0 : i32
          %ne3A_1788 = vector.broadcast %ne3A : i32 to vector<16xi32>
          %ne3A_1789 = arith.cmpi ne, %get3A_1787, %ne3A_1788 : vector<16xi32>
          %convert_element_type3A_1790 = arith.extui %ne3A_1789 : vector<16xi1> to vector<16xi32>
          %convert_element_type3A_1791 = arith.sitofp %convert_element_type3A_1790 : vector<16xi32> to vector<16xf32>
          %neg3A = arith.constant 0.000000e+00 : f32
          %neg3A_1792 = vector.broadcast %neg3A : f32 to vector<16xf32>
          %neg3A_1793 = arith.subf %neg3A_1792, %add3A_829 : vector<16xf32>
          %abs3A = math.absf %neg3A_1793 : vector<16xf32>
          %neg3A_1794 = arith.constant 0.000000e+00 : f32
          %neg3A_1795 = vector.broadcast %neg3A_1794 : f32 to vector<16xf32>
          %neg3A_1796 = arith.subf %neg3A_1795, %abs3A : vector<16xf32>
          %exp3A = math.exp %neg3A_1796 : vector<16xf32>
          %add3A_1797 = arith.constant 2.000000e+00 : f32
          %add3A_1798 = vector.broadcast %add3A_1797 : f32 to vector<16xf32>
          %add3A_1799 = arith.addf %exp3A, %add3A_1798 : vector<16xf32>
          %div3A_1800 = arith.divf %exp3A, %add3A_1799 : vector<16xf32>
          %mul3A_1801 = arith.mulf %div3A_1800, %div3A_1800 : vector<16xf32>
          %mul3A_1802 = arith.constant 2.000000e+00 : f32
          %mul3A_1803 = vector.broadcast %mul3A_1802 : f32 to vector<16xf32>
          %mul3A_1804 = arith.mulf %mul3A_1803, %div3A_1800 : vector<16xf32>
          %mul3A_1805 = arith.constant 0.111111112 : f32
          %mul3A_1806 = vector.broadcast %mul3A_1805 : f32 to vector<16xf32>
          %mul3A_1807 = arith.mulf %mul3A_1801, %mul3A_1806 : vector<16xf32>
          %add3A_1808 = arith.constant 0.142857149 : f32
          %add3A_1809 = vector.broadcast %add3A_1808 : f32 to vector<16xf32>
          %add3A_1810 = arith.addf %add3A_1809, %mul3A_1807 : vector<16xf32>
          %mul3A_1811 = arith.mulf %mul3A_1801, %add3A_1810 : vector<16xf32>
          %add3A_1812 = arith.constant 2.000000e-01 : f32
          %add3A_1813 = vector.broadcast %add3A_1812 : f32 to vector<16xf32>
          %add3A_1814 = arith.addf %add3A_1813, %mul3A_1811 : vector<16xf32>
          %mul3A_1815 = arith.mulf %mul3A_1801, %add3A_1814 : vector<16xf32>
          %add3A_1816 = arith.constant 0.333333343 : f32
          %add3A_1817 = vector.broadcast %add3A_1816 : f32 to vector<16xf32>
          %add3A_1818 = arith.addf %add3A_1817, %mul3A_1815 : vector<16xf32>
          %mul3A_1819 = arith.mulf %mul3A_1801, %add3A_1818 : vector<16xf32>
          %add3A_1820 = arith.constant 1.000000e+00 : f32
          %add3A_1821 = vector.broadcast %add3A_1820 : f32 to vector<16xf32>
          %add3A_1822 = arith.addf %add3A_1821, %mul3A_1819 : vector<16xf32>
          %mul3A_1823 = arith.mulf %mul3A_1804, %add3A_1822 : vector<16xf32>
          %max3A_1824 = arith.constant 0.000000e+00 : f32
          %max3A_1825 = vector.broadcast %max3A_1824 : f32 to vector<16xf32>
          %max3A_1826 = arith.maximumf %neg3A_1793, %max3A_1825 : vector<16xf32>
          %add3A_1827 = arith.addf %max3A_1826, %mul3A_1823 : vector<16xf32>
          %abs3A_1828 = math.absf %add3A_1020 : vector<16xf32>
          %neg3A_1829 = arith.constant 0.000000e+00 : f32
          %neg3A_1830 = vector.broadcast %neg3A_1829 : f32 to vector<16xf32>
          %neg3A_1831 = arith.subf %neg3A_1830, %abs3A_1828 : vector<16xf32>
          %exp3A_1832 = math.exp %neg3A_1831 : vector<16xf32>
          %add3A_1833 = arith.constant 2.000000e+00 : f32
          %add3A_1834 = vector.broadcast %add3A_1833 : f32 to vector<16xf32>
          %add3A_1835 = arith.addf %exp3A_1832, %add3A_1834 : vector<16xf32>
          %div3A_1836 = arith.divf %exp3A_1832, %add3A_1835 : vector<16xf32>
          %mul3A_1837 = arith.mulf %div3A_1836, %div3A_1836 : vector<16xf32>
          %mul3A_1838 = arith.constant 2.000000e+00 : f32
          %mul3A_1839 = vector.broadcast %mul3A_1838 : f32 to vector<16xf32>
          %mul3A_1840 = arith.mulf %mul3A_1839, %div3A_1836 : vector<16xf32>
          %mul3A_1841 = arith.constant 0.111111112 : f32
          %mul3A_1842 = vector.broadcast %mul3A_1841 : f32 to vector<16xf32>
          %mul3A_1843 = arith.mulf %mul3A_1837, %mul3A_1842 : vector<16xf32>
          %add3A_1844 = arith.constant 0.142857149 : f32
          %add3A_1845 = vector.broadcast %add3A_1844 : f32 to vector<16xf32>
          %add3A_1846 = arith.addf %add3A_1845, %mul3A_1843 : vector<16xf32>
          %mul3A_1847 = arith.mulf %mul3A_1837, %add3A_1846 : vector<16xf32>
          %add3A_1848 = arith.constant 2.000000e-01 : f32
          %add3A_1849 = vector.broadcast %add3A_1848 : f32 to vector<16xf32>
          %add3A_1850 = arith.addf %add3A_1849, %mul3A_1847 : vector<16xf32>
          %mul3A_1851 = arith.mulf %mul3A_1837, %add3A_1850 : vector<16xf32>
          %add3A_1852 = arith.constant 0.333333343 : f32
          %add3A_1853 = vector.broadcast %add3A_1852 : f32 to vector<16xf32>
          %add3A_1854 = arith.addf %add3A_1853, %mul3A_1851 : vector<16xf32>
          %mul3A_1855 = arith.mulf %mul3A_1837, %add3A_1854 : vector<16xf32>
          %add3A_1856 = arith.constant 1.000000e+00 : f32
          %add3A_1857 = vector.broadcast %add3A_1856 : f32 to vector<16xf32>
          %add3A_1858 = arith.addf %add3A_1857, %mul3A_1855 : vector<16xf32>
          %mul3A_1859 = arith.mulf %mul3A_1840, %add3A_1858 : vector<16xf32>
          %max3A_1860 = arith.constant 0.000000e+00 : f32
          %max3A_1861 = vector.broadcast %max3A_1860 : f32 to vector<16xf32>
          %max3A_1862 = arith.maximumf %add3A_1020, %max3A_1861 : vector<16xf32>
          %add3A_1863 = arith.addf %max3A_1862, %mul3A_1859 : vector<16xf32>
          %add3A_1864 = arith.addf %add3A_1827, %add3A_1863 : vector<16xf32>
          %abs3A_1865 = math.absf %add3A_1211 : vector<16xf32>
          %neg3A_1866 = arith.constant 0.000000e+00 : f32
          %neg3A_1867 = vector.broadcast %neg3A_1866 : f32 to vector<16xf32>
          %neg3A_1868 = arith.subf %neg3A_1867, %abs3A_1865 : vector<16xf32>
          %exp3A_1869 = math.exp %neg3A_1868 : vector<16xf32>
          %add3A_1870 = arith.constant 2.000000e+00 : f32
          %add3A_1871 = vector.broadcast %add3A_1870 : f32 to vector<16xf32>
          %add3A_1872 = arith.addf %exp3A_1869, %add3A_1871 : vector<16xf32>
          %div3A_1873 = arith.divf %exp3A_1869, %add3A_1872 : vector<16xf32>
          %mul3A_1874 = arith.mulf %div3A_1873, %div3A_1873 : vector<16xf32>
          %mul3A_1875 = arith.constant 2.000000e+00 : f32
          %mul3A_1876 = vector.broadcast %mul3A_1875 : f32 to vector<16xf32>
          %mul3A_1877 = arith.mulf %mul3A_1876, %div3A_1873 : vector<16xf32>
          %mul3A_1878 = arith.constant 0.111111112 : f32
          %mul3A_1879 = vector.broadcast %mul3A_1878 : f32 to vector<16xf32>
          %mul3A_1880 = arith.mulf %mul3A_1874, %mul3A_1879 : vector<16xf32>
          %add3A_1881 = arith.constant 0.142857149 : f32
          %add3A_1882 = vector.broadcast %add3A_1881 : f32 to vector<16xf32>
          %add3A_1883 = arith.addf %add3A_1882, %mul3A_1880 : vector<16xf32>
          %mul3A_1884 = arith.mulf %mul3A_1874, %add3A_1883 : vector<16xf32>
          %add3A_1885 = arith.constant 2.000000e-01 : f32
          %add3A_1886 = vector.broadcast %add3A_1885 : f32 to vector<16xf32>
          %add3A_1887 = arith.addf %add3A_1886, %mul3A_1884 : vector<16xf32>
          %mul3A_1888 = arith.mulf %mul3A_1874, %add3A_1887 : vector<16xf32>
          %add3A_1889 = arith.constant 0.333333343 : f32
          %add3A_1890 = vector.broadcast %add3A_1889 : f32 to vector<16xf32>
          %add3A_1891 = arith.addf %add3A_1890, %mul3A_1888 : vector<16xf32>
          %mul3A_1892 = arith.mulf %mul3A_1874, %add3A_1891 : vector<16xf32>
          %add3A_1893 = arith.constant 1.000000e+00 : f32
          %add3A_1894 = vector.broadcast %add3A_1893 : f32 to vector<16xf32>
          %add3A_1895 = arith.addf %add3A_1894, %mul3A_1892 : vector<16xf32>
          %mul3A_1896 = arith.mulf %mul3A_1877, %add3A_1895 : vector<16xf32>
          %max3A_1897 = arith.constant 0.000000e+00 : f32
          %max3A_1898 = vector.broadcast %max3A_1897 : f32 to vector<16xf32>
          %max3A_1899 = arith.maximumf %add3A_1211, %max3A_1898 : vector<16xf32>
          %add3A_1900 = arith.addf %max3A_1899, %mul3A_1896 : vector<16xf32>
          %add3A_1901 = arith.addf %add3A_1864, %add3A_1900 : vector<16xf32>
          %abs3A_1902 = math.absf %add3A_1402 : vector<16xf32>
          %neg3A_1903 = arith.constant 0.000000e+00 : f32
          %neg3A_1904 = vector.broadcast %neg3A_1903 : f32 to vector<16xf32>
          %neg3A_1905 = arith.subf %neg3A_1904, %abs3A_1902 : vector<16xf32>
          %exp3A_1906 = math.exp %neg3A_1905 : vector<16xf32>
          %add3A_1907 = arith.constant 2.000000e+00 : f32
          %add3A_1908 = vector.broadcast %add3A_1907 : f32 to vector<16xf32>
          %add3A_1909 = arith.addf %exp3A_1906, %add3A_1908 : vector<16xf32>
          %div3A_1910 = arith.divf %exp3A_1906, %add3A_1909 : vector<16xf32>
          %mul3A_1911 = arith.mulf %div3A_1910, %div3A_1910 : vector<16xf32>
          %mul3A_1912 = arith.constant 2.000000e+00 : f32
          %mul3A_1913 = vector.broadcast %mul3A_1912 : f32 to vector<16xf32>
          %mul3A_1914 = arith.mulf %mul3A_1913, %div3A_1910 : vector<16xf32>
          %mul3A_1915 = arith.constant 0.111111112 : f32
          %mul3A_1916 = vector.broadcast %mul3A_1915 : f32 to vector<16xf32>
          %mul3A_1917 = arith.mulf %mul3A_1911, %mul3A_1916 : vector<16xf32>
          %add3A_1918 = arith.constant 0.142857149 : f32
          %add3A_1919 = vector.broadcast %add3A_1918 : f32 to vector<16xf32>
          %add3A_1920 = arith.addf %add3A_1919, %mul3A_1917 : vector<16xf32>
          %mul3A_1921 = arith.mulf %mul3A_1911, %add3A_1920 : vector<16xf32>
          %add3A_1922 = arith.constant 2.000000e-01 : f32
          %add3A_1923 = vector.broadcast %add3A_1922 : f32 to vector<16xf32>
          %add3A_1924 = arith.addf %add3A_1923, %mul3A_1921 : vector<16xf32>
          %mul3A_1925 = arith.mulf %mul3A_1911, %add3A_1924 : vector<16xf32>
          %add3A_1926 = arith.constant 0.333333343 : f32
          %add3A_1927 = vector.broadcast %add3A_1926 : f32 to vector<16xf32>
          %add3A_1928 = arith.addf %add3A_1927, %mul3A_1925 : vector<16xf32>
          %mul3A_1929 = arith.mulf %mul3A_1911, %add3A_1928 : vector<16xf32>
          %add3A_1930 = arith.constant 1.000000e+00 : f32
          %add3A_1931 = vector.broadcast %add3A_1930 : f32 to vector<16xf32>
          %add3A_1932 = arith.addf %add3A_1931, %mul3A_1929 : vector<16xf32>
          %mul3A_1933 = arith.mulf %mul3A_1914, %add3A_1932 : vector<16xf32>
          %max3A_1934 = arith.constant 0.000000e+00 : f32
          %max3A_1935 = vector.broadcast %max3A_1934 : f32 to vector<16xf32>
          %max3A_1936 = arith.maximumf %add3A_1402, %max3A_1935 : vector<16xf32>
          %add3A_1937 = arith.addf %max3A_1936, %mul3A_1933 : vector<16xf32>
          %add3A_1938 = arith.addf %add3A_1901, %add3A_1937 : vector<16xf32>
          %abs3A_1939 = math.absf %add3A_1593 : vector<16xf32>
          %neg3A_1940 = arith.constant 0.000000e+00 : f32
          %neg3A_1941 = vector.broadcast %neg3A_1940 : f32 to vector<16xf32>
          %neg3A_1942 = arith.subf %neg3A_1941, %abs3A_1939 : vector<16xf32>
          %exp3A_1943 = math.exp %neg3A_1942 : vector<16xf32>
          %add3A_1944 = arith.constant 2.000000e+00 : f32
          %add3A_1945 = vector.broadcast %add3A_1944 : f32 to vector<16xf32>
          %add3A_1946 = arith.addf %exp3A_1943, %add3A_1945 : vector<16xf32>
          %div3A_1947 = arith.divf %exp3A_1943, %add3A_1946 : vector<16xf32>
          %mul3A_1948 = arith.mulf %div3A_1947, %div3A_1947 : vector<16xf32>
          %mul3A_1949 = arith.constant 2.000000e+00 : f32
          %mul3A_1950 = vector.broadcast %mul3A_1949 : f32 to vector<16xf32>
          %mul3A_1951 = arith.mulf %mul3A_1950, %div3A_1947 : vector<16xf32>
          %mul3A_1952 = arith.constant 0.111111112 : f32
          %mul3A_1953 = vector.broadcast %mul3A_1952 : f32 to vector<16xf32>
          %mul3A_1954 = arith.mulf %mul3A_1948, %mul3A_1953 : vector<16xf32>
          %add3A_1955 = arith.constant 0.142857149 : f32
          %add3A_1956 = vector.broadcast %add3A_1955 : f32 to vector<16xf32>
          %add3A_1957 = arith.addf %add3A_1956, %mul3A_1954 : vector<16xf32>
          %mul3A_1958 = arith.mulf %mul3A_1948, %add3A_1957 : vector<16xf32>
          %add3A_1959 = arith.constant 2.000000e-01 : f32
          %add3A_1960 = vector.broadcast %add3A_1959 : f32 to vector<16xf32>
          %add3A_1961 = arith.addf %add3A_1960, %mul3A_1958 : vector<16xf32>
          %mul3A_1962 = arith.mulf %mul3A_1948, %add3A_1961 : vector<16xf32>
          %add3A_1963 = arith.constant 0.333333343 : f32
          %add3A_1964 = vector.broadcast %add3A_1963 : f32 to vector<16xf32>
          %add3A_1965 = arith.addf %add3A_1964, %mul3A_1962 : vector<16xf32>
          %mul3A_1966 = arith.mulf %mul3A_1948, %add3A_1965 : vector<16xf32>
          %add3A_1967 = arith.constant 1.000000e+00 : f32
          %add3A_1968 = vector.broadcast %add3A_1967 : f32 to vector<16xf32>
          %add3A_1969 = arith.addf %add3A_1968, %mul3A_1966 : vector<16xf32>
          %mul3A_1970 = arith.mulf %mul3A_1951, %add3A_1969 : vector<16xf32>
          %max3A_1971 = arith.constant 0.000000e+00 : f32
          %max3A_1972 = vector.broadcast %max3A_1971 : f32 to vector<16xf32>
          %max3A_1973 = arith.maximumf %add3A_1593, %max3A_1972 : vector<16xf32>
          %add3A_1974 = arith.addf %max3A_1973, %mul3A_1970 : vector<16xf32>
          %add3A_1975 = arith.addf %add3A_1938, %add3A_1974 : vector<16xf32>
          %abs3A_1976 = math.absf %add3A_1784 : vector<16xf32>
          %neg3A_1977 = arith.constant 0.000000e+00 : f32
          %neg3A_1978 = vector.broadcast %neg3A_1977 : f32 to vector<16xf32>
          %neg3A_1979 = arith.subf %neg3A_1978, %abs3A_1976 : vector<16xf32>
          %exp3A_1980 = math.exp %neg3A_1979 : vector<16xf32>
          %add3A_1981 = arith.constant 2.000000e+00 : f32
          %add3A_1982 = vector.broadcast %add3A_1981 : f32 to vector<16xf32>
          %add3A_1983 = arith.addf %exp3A_1980, %add3A_1982 : vector<16xf32>
          %div3A_1984 = arith.divf %exp3A_1980, %add3A_1983 : vector<16xf32>
          %mul3A_1985 = arith.mulf %div3A_1984, %div3A_1984 : vector<16xf32>
          %mul3A_1986 = arith.constant 2.000000e+00 : f32
          %mul3A_1987 = vector.broadcast %mul3A_1986 : f32 to vector<16xf32>
          %mul3A_1988 = arith.mulf %mul3A_1987, %div3A_1984 : vector<16xf32>
          %mul3A_1989 = arith.constant 0.111111112 : f32
          %mul3A_1990 = vector.broadcast %mul3A_1989 : f32 to vector<16xf32>
          %mul3A_1991 = arith.mulf %mul3A_1985, %mul3A_1990 : vector<16xf32>
          %add3A_1992 = arith.constant 0.142857149 : f32
          %add3A_1993 = vector.broadcast %add3A_1992 : f32 to vector<16xf32>
          %add3A_1994 = arith.addf %add3A_1993, %mul3A_1991 : vector<16xf32>
          %mul3A_1995 = arith.mulf %mul3A_1985, %add3A_1994 : vector<16xf32>
          %add3A_1996 = arith.constant 2.000000e-01 : f32
          %add3A_1997 = vector.broadcast %add3A_1996 : f32 to vector<16xf32>
          %add3A_1998 = arith.addf %add3A_1997, %mul3A_1995 : vector<16xf32>
          %mul3A_1999 = arith.mulf %mul3A_1985, %add3A_1998 : vector<16xf32>
          %add3A_2000 = arith.constant 0.333333343 : f32
          %add3A_2001 = vector.broadcast %add3A_2000 : f32 to vector<16xf32>
          %add3A_2002 = arith.addf %add3A_2001, %mul3A_1999 : vector<16xf32>
          %mul3A_2003 = arith.mulf %mul3A_1985, %add3A_2002 : vector<16xf32>
          %add3A_2004 = arith.constant 1.000000e+00 : f32
          %add3A_2005 = vector.broadcast %add3A_2004 : f32 to vector<16xf32>
          %add3A_2006 = arith.addf %add3A_2005, %mul3A_2003 : vector<16xf32>
          %mul3A_2007 = arith.mulf %mul3A_1988, %add3A_2006 : vector<16xf32>
          %max3A_2008 = arith.constant 0.000000e+00 : f32
          %max3A_2009 = vector.broadcast %max3A_2008 : f32 to vector<16xf32>
          %max3A_2010 = arith.maximumf %add3A_1784, %max3A_2009 : vector<16xf32>
          %add3A_2011 = arith.addf %max3A_2010, %mul3A_2007 : vector<16xf32>
          %add3A_2012 = arith.addf %add3A_1975, %add3A_2011 : vector<16xf32>
          %mul3A_2013 = arith.mulf %add3A_2012, %convert_element_type3A_1791 : vector<16xf32>
          %add3A_2014 = arith.addf %scan3A_410, %mul3A_2013 : vector<16xf32>
          %add3A_2015 = arith.addf %scan3A_411, %convert_element_type3A_1791 : vector<16xf32>
          scf.yield %add3A_2014, %add3A_2015 : vector<16xf32>, vector<16xf32>
        } else {
          scf.yield %scan3A_410, %scan3A_411 : vector<16xf32>, vector<16xf32>
        }
        scf.yield %cond3A_635#0, %cond3A_635#1 : vector<16xf32>, vector<16xf32>
      }
      %scan3A_356 = arith.constant 50 : i32
      %add3A_357 = arith.constant 2 : i32
      %add3A_358 = arith.addi %mul3A_318, %add3A_357 : i32
      %lt3A = arith.constant 128 : i32
      %lt3A_359 = arith.cmpi slt, %add3A_358, %lt3A : i32
      %convert_element_type3A_360 = arith.extui %lt3A_359 : i1 to i32
      %cond3A = arith.constant 0 : i32
      %cond3A_361 = arith.cmpi ne, %convert_element_type3A_360, %cond3A : i32
      scf.if %cond3A_361 {
        %add3A_409 = arith.constant 2 : i32
        %add3A_410 = arith.addi %mul3A_318, %add3A_409 : i32
        %dma_start3A_411 = arith.constant 0 : i32
        %dma_start3A_412 = tpu.memref_slice %arg15[%add3A_410, %dma_start3A_411] : memref<128x50xi32, #tpu.memory_space<vmem>> -> memref<1x50xi32, #tpu.memory_space<vmem>>
        %dma_start3A_413 = tpu.memref_squeeze %dma_start3A_412 : memref<1x50xi32, #tpu.memory_space<vmem>> -> memref<50xi32, #tpu.memory_space<vmem>>
        %dma_start3A_414 = arith.constant 0 : i32
        %dma_start3A_415 = arith.constant 0 : i32
        %dma_start3A_416 = tpu.memref_slice %arg3[%dma_start3A_414, %dma_start3A_415] : memref<100000x64xf32, #tpu.memory_space<hbm>> -> memref<100000x64xf32, #tpu.memory_space<hbm>>
        tpu.enqueue_indirect_dma source(%dma_start3A_416 : memref<100000x64xf32, #tpu.memory_space<hbm>>) target(%arg18 : memref<50x64xf32, #tpu.memory_space<vmem>>) offsets(%dma_start3A_413 : memref<50xi32, #tpu.memory_space<vmem>>) semaphore(%arg24 : memref<!tpu.dma_semaphore, #tpu.memory_space<semaphore_mem>>)
        %mul3A_417 = arith.constant 2 : i32
        %mul3A_418 = arith.muli %mul3A_417, %add3A_410 : i32
        %dma_start3A_419 = arith.constant 0 : i32
        %dma_start3A_420 = arith.constant 0 : i32
        %dma_start3A_421 = tpu.memref_slice %arg20[%dma_start3A_419, %dma_start3A_420] : memref<250x64xf32, #tpu.memory_space<vmem>> -> memref<125x64xf32, #tpu.memory_space<vmem>>
        %dma_start3A_422 = arith.constant 0 : i32
        %dma_start3A_423 = tpu.memref_slice %arg17[%mul3A_418, %dma_start3A_422] : memref<256x125xi32, #tpu.memory_space<vmem>> -> memref<1x125xi32, #tpu.memory_space<vmem>>
        %dma_start3A_424 = tpu.memref_squeeze %dma_start3A_423 : memref<1x125xi32, #tpu.memory_space<vmem>> -> memref<125xi32, #tpu.memory_space<vmem>>
        %dma_start3A_425 = arith.constant 0 : i32
        %dma_start3A_426 = arith.constant 0 : i32
        %dma_start3A_427 = tpu.memref_slice %arg3[%dma_start3A_425, %dma_start3A_426] : memref<100000x64xf32, #tpu.memory_space<hbm>> -> memref<100000x64xf32, #tpu.memory_space<hbm>>
        tpu.enqueue_indirect_dma source(%dma_start3A_427 : memref<100000x64xf32, #tpu.memory_space<hbm>>) target(%dma_start3A_421 : memref<125x64xf32, #tpu.memory_space<vmem>>) offsets(%dma_start3A_424 : memref<125xi32, #tpu.memory_space<vmem>>) semaphore(%arg24 : memref<!tpu.dma_semaphore, #tpu.memory_space<semaphore_mem>>)
        %mul3A_428 = arith.constant 2 : i32
        %mul3A_429 = arith.muli %mul3A_428, %add3A_410 : i32
        %add3A_430 = arith.constant 1 : i32
        %add3A_431 = arith.addi %mul3A_429, %add3A_430 : i32
        %dma_start3A_432 = arith.constant 125 : i32
        %dma_start3A_433 = arith.constant 0 : i32
        %dma_start3A_434 = tpu.memref_slice %arg20[%dma_start3A_432, %dma_start3A_433] : memref<250x64xf32, #tpu.memory_space<vmem>> -> memref<125x64xf32, #tpu.memory_space<vmem>>
        %dma_start3A_435 = arith.constant 0 : i32
        %dma_start3A_436 = tpu.memref_slice %arg17[%add3A_431, %dma_start3A_435] : memref<256x125xi32, #tpu.memory_space<vmem>> -> memref<1x125xi32, #tpu.memory_space<vmem>>
        %dma_start3A_437 = tpu.memref_squeeze %dma_start3A_436 : memref<1x125xi32, #tpu.memory_space<vmem>> -> memref<125xi32, #tpu.memory_space<vmem>>
        %dma_start3A_438 = arith.constant 0 : i32
        %dma_start3A_439 = arith.constant 0 : i32
        %dma_start3A_440 = tpu.memref_slice %arg3[%dma_start3A_438, %dma_start3A_439] : memref<100000x64xf32, #tpu.memory_space<hbm>> -> memref<100000x64xf32, #tpu.memory_space<hbm>>
        tpu.enqueue_indirect_dma source(%dma_start3A_440 : memref<100000x64xf32, #tpu.memory_space<hbm>>) target(%dma_start3A_434 : memref<125x64xf32, #tpu.memory_space<vmem>>) offsets(%dma_start3A_437 : memref<125xi32, #tpu.memory_space<vmem>>) semaphore(%arg24 : memref<!tpu.dma_semaphore, #tpu.memory_space<semaphore_mem>>)
      } else {
      }
      %dma_wait3A_362 = arith.constant 0 : i32
      %dma_wait3A_363 = arith.constant 0 : i32
      %dma_wait3A_364 = tpu.memref_slice %arg3[%dma_wait3A_362, %dma_wait3A_363] : memref<100000x64xf32, #tpu.memory_space<hbm>> -> memref<50x64xf32, #tpu.memory_space<hbm>>
      %dma_wait3A_365 = arith.constant 0 : i32
      %dma_wait3A_366 = arith.constant 0 : i32
      %dma_wait3A_367 = tpu.memref_slice %arg3[%dma_wait3A_365, %dma_wait3A_366] : memref<100000x64xf32, #tpu.memory_space<hbm>> -> memref<50x64xf32, #tpu.memory_space<hbm>>
      tpu.wait_dma2 semaphore(%arg25 : memref<!tpu.dma_semaphore, #tpu.memory_space<semaphore_mem>>) src(%dma_wait3A_367 : memref<50x64xf32, #tpu.memory_space<hbm>>) dst(%arg19 : memref<50x64xf32, #tpu.memory_space<vmem>>)
      %dma_wait3A_368 = arith.constant 0 : i32
      %dma_wait3A_369 = arith.constant 0 : i32
      %dma_wait3A_370 = tpu.memref_slice %arg3[%dma_wait3A_368, %dma_wait3A_369] : memref<100000x64xf32, #tpu.memory_space<hbm>> -> memref<250x64xf32, #tpu.memory_space<hbm>>
      %dma_wait3A_371 = arith.constant 0 : i32
      %dma_wait3A_372 = arith.constant 0 : i32
      %dma_wait3A_373 = tpu.memref_slice %arg3[%dma_wait3A_371, %dma_wait3A_372] : memref<100000x64xf32, #tpu.memory_space<hbm>> -> memref<250x64xf32, #tpu.memory_space<hbm>>
      tpu.wait_dma2 semaphore(%arg25 : memref<!tpu.dma_semaphore, #tpu.memory_space<semaphore_mem>>) src(%dma_wait3A_373 : memref<250x64xf32, #tpu.memory_space<hbm>>) dst(%arg21 : memref<250x64xf32, #tpu.memory_space<vmem>>)
      %add3A_374 = arith.constant 1 : i32
      %add3A_375 = arith.addi %mul3A_318, %add3A_374 : i32
      %get3A_376 = arith.constant 0 : i32
      %get3A_377 = tpu.memref_slice %arg14[%add3A_375, %get3A_376] : memref<128x64xf32, #tpu.memory_space<vmem>> -> memref<1x64xf32, #tpu.memory_space<vmem>>
      %get3A_378 = tpu.memref_squeeze %get3A_377 : memref<1x64xf32, #tpu.memory_space<vmem>> -> memref<64xf32, #tpu.memory_space<vmem>>
      %get3A_379 = arith.constant 0 : index
      %get3A_380 = tpu.vector_load %get3A_378[%get3A_379] {strides = array<i32>} : memref<64xf32, #tpu.memory_space<vmem>>, vector<16xf32>,
      %get3A_381 = arith.constant 0 : i32
      %get3A_382 = tpu.memref_slice %arg14[%add3A_375, %get3A_381] : memref<128x64xf32, #tpu.memory_space<vmem>> -> memref<1x64xf32, #tpu.memory_space<vmem>>
      %get3A_383 = tpu.memref_squeeze %get3A_382 : memref<1x64xf32, #tpu.memory_space<vmem>> -> memref<64xf32, #tpu.memory_space<vmem>>
      %get3A_384 = arith.constant 16 : index
      %get3A_385 = tpu.vector_load %get3A_383[%get3A_384] {strides = array<i32>} : memref<64xf32, #tpu.memory_space<vmem>>, vector<16xf32>,
      %get3A_386 = arith.constant 0 : i32
      %get3A_387 = tpu.memref_slice %arg14[%add3A_375, %get3A_386] : memref<128x64xf32, #tpu.memory_space<vmem>> -> memref<1x64xf32, #tpu.memory_space<vmem>>
      %get3A_388 = tpu.memref_squeeze %get3A_387 : memref<1x64xf32, #tpu.memory_space<vmem>> -> memref<64xf32, #tpu.memory_space<vmem>>
      %get3A_389 = arith.constant 32 : index
      %get3A_390 = tpu.vector_load %get3A_388[%get3A_389] {strides = array<i32>} : memref<64xf32, #tpu.memory_space<vmem>>, vector<16xf32>,
      %get3A_391 = arith.constant 0 : i32
      %get3A_392 = tpu.memref_slice %arg14[%add3A_375, %get3A_391] : memref<128x64xf32, #tpu.memory_space<vmem>> -> memref<1x64xf32, #tpu.memory_space<vmem>>
      %get3A_393 = tpu.memref_squeeze %get3A_392 : memref<1x64xf32, #tpu.memory_space<vmem>> -> memref<64xf32, #tpu.memory_space<vmem>>
      %get3A_394 = arith.constant 48 : index
      %get3A_395 = tpu.vector_load %get3A_393[%get3A_394] {strides = array<i32>} : memref<64xf32, #tpu.memory_space<vmem>>, vector<16xf32>,
      %scan3A_396 = arith.constant 0 : i32
      %scan3A_397 = arith.constant 50 : i32
      %scan3A_398 = arith.addi %scan3A_396, %scan3A_397 : i32
      %scan3A_399 = arith.constant 1 : i32
      %scan3A_400:2 = scf.for %scan3A_409 = %scan3A_396 to %scan3A_398 step %scan3A_399 iter_args(%scan3A_410 = %scan3A_355#0, %scan3A_411 = %scan3A_355#1) -> (vector<16xf32>, vector<16xf32>)  : i32 {
        %mul3A_412 = arith.constant 50 : i32
        %mul3A_413 = arith.muli %add3A_375, %mul3A_412 : i32
        %add3A_414 = arith.addi %mul3A_413, %scan3A_409 : i32
        %and3A = arith.constant 15 : i32
        %and3A_415 = arith.andi %add3A_414, %and3A : i32
        %broadcast_in_dim3A_416 = arith.constant 0 : i32
        %broadcast_in_dim3A_417 = vector.broadcast %broadcast_in_dim3A_416 : i32 to vector<16xi32>
        %add3A_418 = vector.broadcast %and3A_415 : i32 to vector<16xi32>
        %add3A_419 = arith.addi %broadcast_in_dim3A_417, %add3A_418 : vector<16xi32>
        %get3A_420 = arith.constant 0 : i32
        %get3A_421 = tpu.memref_slice %arg19[%scan3A_409, %get3A_420] : memref<50x64xf32, #tpu.memory_space<vmem>> -> memref<1x64xf32, #tpu.memory_space<vmem>>
        %get3A_422 = tpu.memref_squeeze %get3A_421 : memref<1x64xf32, #tpu.memory_space<vmem>> -> memref<64xf32, #tpu.memory_space<vmem>>
        %get3A_423 = arith.constant 0 : index
        %get3A_424 = tpu.vector_load %get3A_422[%get3A_423] {strides = array<i32>} : memref<64xf32, #tpu.memory_space<vmem>>, vector<16xf32>,
        %mul3A_425 = arith.mulf %get3A_380, %get3A_424 : vector<16xf32>
        %get3A_426 = arith.constant 0 : i32
        %get3A_427 = tpu.memref_slice %arg19[%scan3A_409, %get3A_426] : memref<50x64xf32, #tpu.memory_space<vmem>> -> memref<1x64xf32, #tpu.memory_space<vmem>>
        %get3A_428 = tpu.memref_squeeze %get3A_427 : memref<1x64xf32, #tpu.memory_space<vmem>> -> memref<64xf32, #tpu.memory_space<vmem>>
        %get3A_429 = arith.constant 16 : index
        %get3A_430 = tpu.vector_load %get3A_428[%get3A_429] {strides = array<i32>} : memref<64xf32, #tpu.memory_space<vmem>>, vector<16xf32>,
        %mul3A_431 = arith.mulf %get3A_385, %get3A_430 : vector<16xf32>
        %add3A_432 = arith.addf %mul3A_425, %mul3A_431 : vector<16xf32>
        %get3A_433 = arith.constant 0 : i32
        %get3A_434 = tpu.memref_slice %arg19[%scan3A_409, %get3A_433] : memref<50x64xf32, #tpu.memory_space<vmem>> -> memref<1x64xf32, #tpu.memory_space<vmem>>
        %get3A_435 = tpu.memref_squeeze %get3A_434 : memref<1x64xf32, #tpu.memory_space<vmem>> -> memref<64xf32, #tpu.memory_space<vmem>>
        %get3A_436 = arith.constant 32 : index
        %get3A_437 = tpu.vector_load %get3A_435[%get3A_436] {strides = array<i32>} : memref<64xf32, #tpu.memory_space<vmem>>, vector<16xf32>,
        %mul3A_438 = arith.mulf %get3A_390, %get3A_437 : vector<16xf32>
        %add3A_439 = arith.addf %add3A_432, %mul3A_438 : vector<16xf32>
        %get3A_440 = arith.constant 0 : i32
        %get3A_441 = tpu.memref_slice %arg19[%scan3A_409, %get3A_440] : memref<50x64xf32, #tpu.memory_space<vmem>> -> memref<1x64xf32, #tpu.memory_space<vmem>>
        %get3A_442 = tpu.memref_squeeze %get3A_441 : memref<1x64xf32, #tpu.memory_space<vmem>> -> memref<64xf32, #tpu.memory_space<vmem>>
        %get3A_443 = arith.constant 48 : index
        %get3A_444 = tpu.vector_load %get3A_442[%get3A_443] {strides = array<i32>} : memref<64xf32, #tpu.memory_space<vmem>>, vector<16xf32>,
        %mul3A_445 = arith.mulf %get3A_395, %get3A_444 : vector<16xf32>
        %add3A_446 = arith.addf %add3A_439, %mul3A_445 : vector<16xf32>
        %scatter3A = arith.constant 0 : i32
        %scatter3A_447 = arith.constant 0 : i32
        %scatter3A_448 = arith.constant 0 : i32
        %scatter3A_449 = tpu.memref_slice %arg22[%scatter3A, %scatter3A_447, %scatter3A_448] : memref<6x16x17xf32, #tpu.memory_space<vmem>> -> memref<1x16x17xf32, #tpu.memory_space<vmem>>
        %scatter3A_450 = tpu.memref_squeeze %scatter3A_449 : memref<1x16x17xf32, #tpu.memory_space<vmem>> -> memref<16x17xf32, #tpu.memory_space<vmem>>
        tpu.vector_store_idx %scatter3A_450[%iota3A, %add3A_419], %add3A_446 : memref<16x17xf32, #tpu.memory_space<vmem>>[vector<16xi32>, vector<16xi32>], vector<16xf32>,
        %mul3A_451 = arith.constant 5 : i32
        %mul3A_452 = arith.muli %scan3A_409, %mul3A_451 : i32
        %add3A_453 = arith.constant 0 : i32
        %add3A_454 = arith.addi %mul3A_452, %add3A_453 : i32
        %get3A_455 = arith.constant 0 : i32
        %get3A_456 = tpu.memref_slice %arg21[%add3A_454, %get3A_455] : memref<250x64xf32, #tpu.memory_space<vmem>> -> memref<1x64xf32, #tpu.memory_space<vmem>>
        %get3A_457 = tpu.memref_squeeze %get3A_456 : memref<1x64xf32, #tpu.memory_space<vmem>> -> memref<64xf32, #tpu.memory_space<vmem>>
        %get3A_458 = arith.constant 0 : index
        %get3A_459 = tpu.vector_load %get3A_457[%get3A_458] {strides = array<i32>} : memref<64xf32, #tpu.memory_space<vmem>>, vector<16xf32>,
        %mul3A_460 = arith.mulf %get3A_380, %get3A_459 : vector<16xf32>
        %get3A_461 = arith.constant 0 : i32
        %get3A_462 = tpu.memref_slice %arg21[%add3A_454, %get3A_461] : memref<250x64xf32, #tpu.memory_space<vmem>> -> memref<1x64xf32, #tpu.memory_space<vmem>>
        %get3A_463 = tpu.memref_squeeze %get3A_462 : memref<1x64xf32, #tpu.memory_space<vmem>> -> memref<64xf32, #tpu.memory_space<vmem>>
        %get3A_464 = arith.constant 16 : index
        %get3A_465 = tpu.vector_load %get3A_463[%get3A_464] {strides = array<i32>} : memref<64xf32, #tpu.memory_space<vmem>>, vector<16xf32>,
        %mul3A_466 = arith.mulf %get3A_385, %get3A_465 : vector<16xf32>
        %add3A_467 = arith.addf %mul3A_460, %mul3A_466 : vector<16xf32>
        %get3A_468 = arith.constant 0 : i32
        %get3A_469 = tpu.memref_slice %arg21[%add3A_454, %get3A_468] : memref<250x64xf32, #tpu.memory_space<vmem>> -> memref<1x64xf32, #tpu.memory_space<vmem>>
        %get3A_470 = tpu.memref_squeeze %get3A_469 : memref<1x64xf32, #tpu.memory_space<vmem>> -> memref<64xf32, #tpu.memory_space<vmem>>
        %get3A_471 = arith.constant 32 : index
        %get3A_472 = tpu.vector_load %get3A_470[%get3A_471] {strides = array<i32>} : memref<64xf32, #tpu.memory_space<vmem>>, vector<16xf32>,
        %mul3A_473 = arith.mulf %get3A_390, %get3A_472 : vector<16xf32>
        %add3A_474 = arith.addf %add3A_467, %mul3A_473 : vector<16xf32>
        %get3A_475 = arith.constant 0 : i32
        %get3A_476 = tpu.memref_slice %arg21[%add3A_454, %get3A_475] : memref<250x64xf32, #tpu.memory_space<vmem>> -> memref<1x64xf32, #tpu.memory_space<vmem>>
        %get3A_477 = tpu.memref_squeeze %get3A_476 : memref<1x64xf32, #tpu.memory_space<vmem>> -> memref<64xf32, #tpu.memory_space<vmem>>
        %get3A_478 = arith.constant 48 : index
        %get3A_479 = tpu.vector_load %get3A_477[%get3A_478] {strides = array<i32>} : memref<64xf32, #tpu.memory_space<vmem>>, vector<16xf32>,
        %mul3A_480 = arith.mulf %get3A_395, %get3A_479 : vector<16xf32>
        %add3A_481 = arith.addf %add3A_474, %mul3A_480 : vector<16xf32>
        %scatter3A_482 = arith.constant 1 : i32
        %scatter3A_483 = arith.constant 0 : i32
        %scatter3A_484 = arith.constant 0 : i32
        %scatter3A_485 = tpu.memref_slice %arg22[%scatter3A_482, %scatter3A_483, %scatter3A_484] : memref<6x16x17xf32, #tpu.memory_space<vmem>> -> memref<1x16x17xf32, #tpu.memory_space<vmem>>
        %scatter3A_486 = tpu.memref_squeeze %scatter3A_485 : memref<1x16x17xf32, #tpu.memory_space<vmem>> -> memref<16x17xf32, #tpu.memory_space<vmem>>
        tpu.vector_store_idx %scatter3A_486[%iota3A, %add3A_419], %add3A_481 : memref<16x17xf32, #tpu.memory_space<vmem>>[vector<16xi32>, vector<16xi32>], vector<16xf32>,
        %mul3A_487 = arith.constant 5 : i32
        %mul3A_488 = arith.muli %scan3A_409, %mul3A_487 : i32
        %add3A_489 = arith.constant 1 : i32
        %add3A_490 = arith.addi %mul3A_488, %add3A_489 : i32
        %get3A_491 = arith.constant 0 : i32
        %get3A_492 = tpu.memref_slice %arg21[%add3A_490, %get3A_491] : memref<250x64xf32, #tpu.memory_space<vmem>> -> memref<1x64xf32, #tpu.memory_space<vmem>>
        %get3A_493 = tpu.memref_squeeze %get3A_492 : memref<1x64xf32, #tpu.memory_space<vmem>> -> memref<64xf32, #tpu.memory_space<vmem>>
        %get3A_494 = arith.constant 0 : index
        %get3A_495 = tpu.vector_load %get3A_493[%get3A_494] {strides = array<i32>} : memref<64xf32, #tpu.memory_space<vmem>>, vector<16xf32>,
        %mul3A_496 = arith.mulf %get3A_380, %get3A_495 : vector<16xf32>
        %get3A_497 = arith.constant 0 : i32
        %get3A_498 = tpu.memref_slice %arg21[%add3A_490, %get3A_497] : memref<250x64xf32, #tpu.memory_space<vmem>> -> memref<1x64xf32, #tpu.memory_space<vmem>>
        %get3A_499 = tpu.memref_squeeze %get3A_498 : memref<1x64xf32, #tpu.memory_space<vmem>> -> memref<64xf32, #tpu.memory_space<vmem>>
        %get3A_500 = arith.constant 16 : index
        %get3A_501 = tpu.vector_load %get3A_499[%get3A_500] {strides = array<i32>} : memref<64xf32, #tpu.memory_space<vmem>>, vector<16xf32>,
        %mul3A_502 = arith.mulf %get3A_385, %get3A_501 : vector<16xf32>
        %add3A_503 = arith.addf %mul3A_496, %mul3A_502 : vector<16xf32>
        %get3A_504 = arith.constant 0 : i32
        %get3A_505 = tpu.memref_slice %arg21[%add3A_490, %get3A_504] : memref<250x64xf32, #tpu.memory_space<vmem>> -> memref<1x64xf32, #tpu.memory_space<vmem>>
        %get3A_506 = tpu.memref_squeeze %get3A_505 : memref<1x64xf32, #tpu.memory_space<vmem>> -> memref<64xf32, #tpu.memory_space<vmem>>
        %get3A_507 = arith.constant 32 : index
        %get3A_508 = tpu.vector_load %get3A_506[%get3A_507] {strides = array<i32>} : memref<64xf32, #tpu.memory_space<vmem>>, vector<16xf32>,
        %mul3A_509 = arith.mulf %get3A_390, %get3A_508 : vector<16xf32>
        %add3A_510 = arith.addf %add3A_503, %mul3A_509 : vector<16xf32>
        %get3A_511 = arith.constant 0 : i32
        %get3A_512 = tpu.memref_slice %arg21[%add3A_490, %get3A_511] : memref<250x64xf32, #tpu.memory_space<vmem>> -> memref<1x64xf32, #tpu.memory_space<vmem>>
        %get3A_513 = tpu.memref_squeeze %get3A_512 : memref<1x64xf32, #tpu.memory_space<vmem>> -> memref<64xf32, #tpu.memory_space<vmem>>
        %get3A_514 = arith.constant 48 : index
        %get3A_515 = tpu.vector_load %get3A_513[%get3A_514] {strides = array<i32>} : memref<64xf32, #tpu.memory_space<vmem>>, vector<16xf32>,
        %mul3A_516 = arith.mulf %get3A_395, %get3A_515 : vector<16xf32>
        %add3A_517 = arith.addf %add3A_510, %mul3A_516 : vector<16xf32>
        %scatter3A_518 = arith.constant 2 : i32
        %scatter3A_519 = arith.constant 0 : i32
        %scatter3A_520 = arith.constant 0 : i32
        %scatter3A_521 = tpu.memref_slice %arg22[%scatter3A_518, %scatter3A_519, %scatter3A_520] : memref<6x16x17xf32, #tpu.memory_space<vmem>> -> memref<1x16x17xf32, #tpu.memory_space<vmem>>
        %scatter3A_522 = tpu.memref_squeeze %scatter3A_521 : memref<1x16x17xf32, #tpu.memory_space<vmem>> -> memref<16x17xf32, #tpu.memory_space<vmem>>
        tpu.vector_store_idx %scatter3A_522[%iota3A, %add3A_419], %add3A_517 : memref<16x17xf32, #tpu.memory_space<vmem>>[vector<16xi32>, vector<16xi32>], vector<16xf32>,
        %mul3A_523 = arith.constant 5 : i32
        %mul3A_524 = arith.muli %scan3A_409, %mul3A_523 : i32
        %add3A_525 = arith.constant 2 : i32
        %add3A_526 = arith.addi %mul3A_524, %add3A_525 : i32
        %get3A_527 = arith.constant 0 : i32
        %get3A_528 = tpu.memref_slice %arg21[%add3A_526, %get3A_527] : memref<250x64xf32, #tpu.memory_space<vmem>> -> memref<1x64xf32, #tpu.memory_space<vmem>>
        %get3A_529 = tpu.memref_squeeze %get3A_528 : memref<1x64xf32, #tpu.memory_space<vmem>> -> memref<64xf32, #tpu.memory_space<vmem>>
        %get3A_530 = arith.constant 0 : index
        %get3A_531 = tpu.vector_load %get3A_529[%get3A_530] {strides = array<i32>} : memref<64xf32, #tpu.memory_space<vmem>>, vector<16xf32>,
        %mul3A_532 = arith.mulf %get3A_380, %get3A_531 : vector<16xf32>
        %get3A_533 = arith.constant 0 : i32
        %get3A_534 = tpu.memref_slice %arg21[%add3A_526, %get3A_533] : memref<250x64xf32, #tpu.memory_space<vmem>> -> memref<1x64xf32, #tpu.memory_space<vmem>>
        %get3A_535 = tpu.memref_squeeze %get3A_534 : memref<1x64xf32, #tpu.memory_space<vmem>> -> memref<64xf32, #tpu.memory_space<vmem>>
        %get3A_536 = arith.constant 16 : index
        %get3A_537 = tpu.vector_load %get3A_535[%get3A_536] {strides = array<i32>} : memref<64xf32, #tpu.memory_space<vmem>>, vector<16xf32>,
        %mul3A_538 = arith.mulf %get3A_385, %get3A_537 : vector<16xf32>
        %add3A_539 = arith.addf %mul3A_532, %mul3A_538 : vector<16xf32>
        %get3A_540 = arith.constant 0 : i32
        %get3A_541 = tpu.memref_slice %arg21[%add3A_526, %get3A_540] : memref<250x64xf32, #tpu.memory_space<vmem>> -> memref<1x64xf32, #tpu.memory_space<vmem>>
        %get3A_542 = tpu.memref_squeeze %get3A_541 : memref<1x64xf32, #tpu.memory_space<vmem>> -> memref<64xf32, #tpu.memory_space<vmem>>
        %get3A_543 = arith.constant 32 : index
        %get3A_544 = tpu.vector_load %get3A_542[%get3A_543] {strides = array<i32>} : memref<64xf32, #tpu.memory_space<vmem>>, vector<16xf32>,
        %mul3A_545 = arith.mulf %get3A_390, %get3A_544 : vector<16xf32>
        %add3A_546 = arith.addf %add3A_539, %mul3A_545 : vector<16xf32>
        %get3A_547 = arith.constant 0 : i32
        %get3A_548 = tpu.memref_slice %arg21[%add3A_526, %get3A_547] : memref<250x64xf32, #tpu.memory_space<vmem>> -> memref<1x64xf32, #tpu.memory_space<vmem>>
        %get3A_549 = tpu.memref_squeeze %get3A_548 : memref<1x64xf32, #tpu.memory_space<vmem>> -> memref<64xf32, #tpu.memory_space<vmem>>
        %get3A_550 = arith.constant 48 : index
        %get3A_551 = tpu.vector_load %get3A_549[%get3A_550] {strides = array<i32>} : memref<64xf32, #tpu.memory_space<vmem>>, vector<16xf32>,
        %mul3A_552 = arith.mulf %get3A_395, %get3A_551 : vector<16xf32>
        %add3A_553 = arith.addf %add3A_546, %mul3A_552 : vector<16xf32>
        %scatter3A_554 = arith.constant 3 : i32
        %scatter3A_555 = arith.constant 0 : i32
        %scatter3A_556 = arith.constant 0 : i32
        %scatter3A_557 = tpu.memref_slice %arg22[%scatter3A_554, %scatter3A_555, %scatter3A_556] : memref<6x16x17xf32, #tpu.memory_space<vmem>> -> memref<1x16x17xf32, #tpu.memory_space<vmem>>
        %scatter3A_558 = tpu.memref_squeeze %scatter3A_557 : memref<1x16x17xf32, #tpu.memory_space<vmem>> -> memref<16x17xf32, #tpu.memory_space<vmem>>
        tpu.vector_store_idx %scatter3A_558[%iota3A, %add3A_419], %add3A_553 : memref<16x17xf32, #tpu.memory_space<vmem>>[vector<16xi32>, vector<16xi32>], vector<16xf32>,
        %mul3A_559 = arith.constant 5 : i32
        %mul3A_560 = arith.muli %scan3A_409, %mul3A_559 : i32
        %add3A_561 = arith.constant 3 : i32
        %add3A_562 = arith.addi %mul3A_560, %add3A_561 : i32
        %get3A_563 = arith.constant 0 : i32
        %get3A_564 = tpu.memref_slice %arg21[%add3A_562, %get3A_563] : memref<250x64xf32, #tpu.memory_space<vmem>> -> memref<1x64xf32, #tpu.memory_space<vmem>>
        %get3A_565 = tpu.memref_squeeze %get3A_564 : memref<1x64xf32, #tpu.memory_space<vmem>> -> memref<64xf32, #tpu.memory_space<vmem>>
        %get3A_566 = arith.constant 0 : index
        %get3A_567 = tpu.vector_load %get3A_565[%get3A_566] {strides = array<i32>} : memref<64xf32, #tpu.memory_space<vmem>>, vector<16xf32>,
        %mul3A_568 = arith.mulf %get3A_380, %get3A_567 : vector<16xf32>
        %get3A_569 = arith.constant 0 : i32
        %get3A_570 = tpu.memref_slice %arg21[%add3A_562, %get3A_569] : memref<250x64xf32, #tpu.memory_space<vmem>> -> memref<1x64xf32, #tpu.memory_space<vmem>>
        %get3A_571 = tpu.memref_squeeze %get3A_570 : memref<1x64xf32, #tpu.memory_space<vmem>> -> memref<64xf32, #tpu.memory_space<vmem>>
        %get3A_572 = arith.constant 16 : index
        %get3A_573 = tpu.vector_load %get3A_571[%get3A_572] {strides = array<i32>} : memref<64xf32, #tpu.memory_space<vmem>>, vector<16xf32>,
        %mul3A_574 = arith.mulf %get3A_385, %get3A_573 : vector<16xf32>
        %add3A_575 = arith.addf %mul3A_568, %mul3A_574 : vector<16xf32>
        %get3A_576 = arith.constant 0 : i32
        %get3A_577 = tpu.memref_slice %arg21[%add3A_562, %get3A_576] : memref<250x64xf32, #tpu.memory_space<vmem>> -> memref<1x64xf32, #tpu.memory_space<vmem>>
        %get3A_578 = tpu.memref_squeeze %get3A_577 : memref<1x64xf32, #tpu.memory_space<vmem>> -> memref<64xf32, #tpu.memory_space<vmem>>
        %get3A_579 = arith.constant 32 : index
        %get3A_580 = tpu.vector_load %get3A_578[%get3A_579] {strides = array<i32>} : memref<64xf32, #tpu.memory_space<vmem>>, vector<16xf32>,
        %mul3A_581 = arith.mulf %get3A_390, %get3A_580 : vector<16xf32>
        %add3A_582 = arith.addf %add3A_575, %mul3A_581 : vector<16xf32>
        %get3A_583 = arith.constant 0 : i32
        %get3A_584 = tpu.memref_slice %arg21[%add3A_562, %get3A_583] : memref<250x64xf32, #tpu.memory_space<vmem>> -> memref<1x64xf32, #tpu.memory_space<vmem>>
        %get3A_585 = tpu.memref_squeeze %get3A_584 : memref<1x64xf32, #tpu.memory_space<vmem>> -> memref<64xf32, #tpu.memory_space<vmem>>
        %get3A_586 = arith.constant 48 : index
        %get3A_587 = tpu.vector_load %get3A_585[%get3A_586] {strides = array<i32>} : memref<64xf32, #tpu.memory_space<vmem>>, vector<16xf32>,
        %mul3A_588 = arith.mulf %get3A_395, %get3A_587 : vector<16xf32>
        %add3A_589 = arith.addf %add3A_582, %mul3A_588 : vector<16xf32>
        %scatter3A_590 = arith.constant 4 : i32
        %scatter3A_591 = arith.constant 0 : i32
        %scatter3A_592 = arith.constant 0 : i32
        %scatter3A_593 = tpu.memref_slice %arg22[%scatter3A_590, %scatter3A_591, %scatter3A_592] : memref<6x16x17xf32, #tpu.memory_space<vmem>> -> memref<1x16x17xf32, #tpu.memory_space<vmem>>
        %scatter3A_594 = tpu.memref_squeeze %scatter3A_593 : memref<1x16x17xf32, #tpu.memory_space<vmem>> -> memref<16x17xf32, #tpu.memory_space<vmem>>
        tpu.vector_store_idx %scatter3A_594[%iota3A, %add3A_419], %add3A_589 : memref<16x17xf32, #tpu.memory_space<vmem>>[vector<16xi32>, vector<16xi32>], vector<16xf32>,
        %mul3A_595 = arith.constant 5 : i32
        %mul3A_596 = arith.muli %scan3A_409, %mul3A_595 : i32
        %add3A_597 = arith.constant 4 : i32
        %add3A_598 = arith.addi %mul3A_596, %add3A_597 : i32
        %get3A_599 = arith.constant 0 : i32
        %get3A_600 = tpu.memref_slice %arg21[%add3A_598, %get3A_599] : memref<250x64xf32, #tpu.memory_space<vmem>> -> memref<1x64xf32, #tpu.memory_space<vmem>>
        %get3A_601 = tpu.memref_squeeze %get3A_600 : memref<1x64xf32, #tpu.memory_space<vmem>> -> memref<64xf32, #tpu.memory_space<vmem>>
        %get3A_602 = arith.constant 0 : index
        %get3A_603 = tpu.vector_load %get3A_601[%get3A_602] {strides = array<i32>} : memref<64xf32, #tpu.memory_space<vmem>>, vector<16xf32>,
        %mul3A_604 = arith.mulf %get3A_380, %get3A_603 : vector<16xf32>
        %get3A_605 = arith.constant 0 : i32
        %get3A_606 = tpu.memref_slice %arg21[%add3A_598, %get3A_605] : memref<250x64xf32, #tpu.memory_space<vmem>> -> memref<1x64xf32, #tpu.memory_space<vmem>>
        %get3A_607 = tpu.memref_squeeze %get3A_606 : memref<1x64xf32, #tpu.memory_space<vmem>> -> memref<64xf32, #tpu.memory_space<vmem>>
        %get3A_608 = arith.constant 16 : index
        %get3A_609 = tpu.vector_load %get3A_607[%get3A_608] {strides = array<i32>} : memref<64xf32, #tpu.memory_space<vmem>>, vector<16xf32>,
        %mul3A_610 = arith.mulf %get3A_385, %get3A_609 : vector<16xf32>
        %add3A_611 = arith.addf %mul3A_604, %mul3A_610 : vector<16xf32>
        %get3A_612 = arith.constant 0 : i32
        %get3A_613 = tpu.memref_slice %arg21[%add3A_598, %get3A_612] : memref<250x64xf32, #tpu.memory_space<vmem>> -> memref<1x64xf32, #tpu.memory_space<vmem>>
        %get3A_614 = tpu.memref_squeeze %get3A_613 : memref<1x64xf32, #tpu.memory_space<vmem>> -> memref<64xf32, #tpu.memory_space<vmem>>
        %get3A_615 = arith.constant 32 : index
        %get3A_616 = tpu.vector_load %get3A_614[%get3A_615] {strides = array<i32>} : memref<64xf32, #tpu.memory_space<vmem>>, vector<16xf32>,
        %mul3A_617 = arith.mulf %get3A_390, %get3A_616 : vector<16xf32>
        %add3A_618 = arith.addf %add3A_611, %mul3A_617 : vector<16xf32>
        %get3A_619 = arith.constant 0 : i32
        %get3A_620 = tpu.memref_slice %arg21[%add3A_598, %get3A_619] : memref<250x64xf32, #tpu.memory_space<vmem>> -> memref<1x64xf32, #tpu.memory_space<vmem>>
        %get3A_621 = tpu.memref_squeeze %get3A_620 : memref<1x64xf32, #tpu.memory_space<vmem>> -> memref<64xf32, #tpu.memory_space<vmem>>
        %get3A_622 = arith.constant 48 : index
        %get3A_623 = tpu.vector_load %get3A_621[%get3A_622] {strides = array<i32>} : memref<64xf32, #tpu.memory_space<vmem>>, vector<16xf32>,
        %mul3A_624 = arith.mulf %get3A_395, %get3A_623 : vector<16xf32>
        %add3A_625 = arith.addf %add3A_618, %mul3A_624 : vector<16xf32>
        %scatter3A_626 = arith.constant 5 : i32
        %scatter3A_627 = arith.constant 0 : i32
        %scatter3A_628 = arith.constant 0 : i32
        %scatter3A_629 = tpu.memref_slice %arg22[%scatter3A_626, %scatter3A_627, %scatter3A_628] : memref<6x16x17xf32, #tpu.memory_space<vmem>> -> memref<1x16x17xf32, #tpu.memory_space<vmem>>
        %scatter3A_630 = tpu.memref_squeeze %scatter3A_629 : memref<1x16x17xf32, #tpu.memory_space<vmem>> -> memref<16x17xf32, #tpu.memory_space<vmem>>
        tpu.vector_store_idx %scatter3A_630[%iota3A, %add3A_419], %add3A_625 : memref<16x17xf32, #tpu.memory_space<vmem>>[vector<16xi32>, vector<16xi32>], vector<16xf32>,
        %eq3A = arith.constant 15 : i32
        %eq3A_631 = arith.cmpi eq, %and3A_415, %eq3A : i32
        %convert_element_type3A_632 = arith.extui %eq3A_631 : i1 to i32
        %cond3A_633 = arith.constant 0 : i32
        %cond3A_634 = arith.cmpi ne, %convert_element_type3A_632, %cond3A_633 : i32
        %cond3A_635:2 = scf.if %cond3A_634 -> (vector<16xf32>, vector<16xf32>) {
          %mul3A_636 = arith.constant 50 : i32
          %mul3A_637 = arith.muli %add3A_375, %mul3A_636 : i32
          %add3A_638 = arith.addi %mul3A_637, %scan3A_409 : i32
          %get3A_639 = arith.constant 0 : i32
          %get3A_640 = arith.constant 0 : i32
          %get3A_641 = arith.constant 0 : i32
          %get3A_642 = arith.constant 0 : i32
          %get3A_643 = tpu.memref_slice %arg22[%get3A_639, %get3A_641, %get3A_642] : memref<6x16x17xf32, #tpu.memory_space<vmem>> -> memref<1x16x17xf32, #tpu.memory_space<vmem>>
          %get3A_644 = tpu.memref_squeeze %get3A_643 : memref<1x16x17xf32, #tpu.memory_space<vmem>> -> memref<16x17xf32, #tpu.memory_space<vmem>>
          %get3A_645 = arith.constant 0 : i32
          %get3A_646 = tpu.memref_slice %get3A_644[%get3A_640, %get3A_645] : memref<16x17xf32, #tpu.memory_space<vmem>> -> memref<1x17xf32, #tpu.memory_space<vmem>>
          %get3A_647 = tpu.memref_squeeze %get3A_646 : memref<1x17xf32, #tpu.memory_space<vmem>> -> memref<17xf32, #tpu.memory_space<vmem>>
          %get3A_648 = arith.constant 0 : index
          %get3A_649 = tpu.vector_load %get3A_647[%get3A_648] {strides = array<i32>} : memref<17xf32, #tpu.memory_space<vmem>>, vector<16xf32>,
          %get3A_650 = arith.constant 0 : i32
          %get3A_651 = arith.constant 1 : i32
          %get3A_652 = arith.constant 0 : i32
          %get3A_653 = arith.constant 0 : i32
          %get3A_654 = tpu.memref_slice %arg22[%get3A_650, %get3A_652, %get3A_653] : memref<6x16x17xf32, #tpu.memory_space<vmem>> -> memref<1x16x17xf32, #tpu.memory_space<vmem>>
          %get3A_655 = tpu.memref_squeeze %get3A_654 : memref<1x16x17xf32, #tpu.memory_space<vmem>> -> memref<16x17xf32, #tpu.memory_space<vmem>>
          %get3A_656 = arith.constant 0 : i32
          %get3A_657 = tpu.memref_slice %get3A_655[%get3A_651, %get3A_656] : memref<16x17xf32, #tpu.memory_space<vmem>> -> memref<1x17xf32, #tpu.memory_space<vmem>>
          %get3A_658 = tpu.memref_squeeze %get3A_657 : memref<1x17xf32, #tpu.memory_space<vmem>> -> memref<17xf32, #tpu.memory_space<vmem>>
          %get3A_659 = arith.constant 0 : index
          %get3A_660 = tpu.vector_load %get3A_658[%get3A_659] {strides = array<i32>} : memref<17xf32, #tpu.memory_space<vmem>>, vector<16xf32>,
          %add3A_661 = arith.addf %get3A_649, %get3A_660 : vector<16xf32>
          %get3A_662 = arith.constant 0 : i32
          %get3A_663 = arith.constant 2 : i32
          %get3A_664 = arith.constant 0 : i32
          %get3A_665 = arith.constant 0 : i32
          %get3A_666 = tpu.memref_slice %arg22[%get3A_662, %get3A_664, %get3A_665] : memref<6x16x17xf32, #tpu.memory_space<vmem>> -> memref<1x16x17xf32, #tpu.memory_space<vmem>>
          %get3A_667 = tpu.memref_squeeze %get3A_666 : memref<1x16x17xf32, #tpu.memory_space<vmem>> -> memref<16x17xf32, #tpu.memory_space<vmem>>
          %get3A_668 = arith.constant 0 : i32
          %get3A_669 = tpu.memref_slice %get3A_667[%get3A_663, %get3A_668] : memref<16x17xf32, #tpu.memory_space<vmem>> -> memref<1x17xf32, #tpu.memory_space<vmem>>
          %get3A_670 = tpu.memref_squeeze %get3A_669 : memref<1x17xf32, #tpu.memory_space<vmem>> -> memref<17xf32, #tpu.memory_space<vmem>>
          %get3A_671 = arith.constant 0 : index
          %get3A_672 = tpu.vector_load %get3A_670[%get3A_671] {strides = array<i32>} : memref<17xf32, #tpu.memory_space<vmem>>, vector<16xf32>,
          %add3A_673 = arith.addf %add3A_661, %get3A_672 : vector<16xf32>
          %get3A_674 = arith.constant 0 : i32
          %get3A_675 = arith.constant 3 : i32
          %get3A_676 = arith.constant 0 : i32
          %get3A_677 = arith.constant 0 : i32
          %get3A_678 = tpu.memref_slice %arg22[%get3A_674, %get3A_676, %get3A_677] : memref<6x16x17xf32, #tpu.memory_space<vmem>> -> memref<1x16x17xf32, #tpu.memory_space<vmem>>
          %get3A_679 = tpu.memref_squeeze %get3A_678 : memref<1x16x17xf32, #tpu.memory_space<vmem>> -> memref<16x17xf32, #tpu.memory_space<vmem>>
          %get3A_680 = arith.constant 0 : i32
          %get3A_681 = tpu.memref_slice %get3A_679[%get3A_675, %get3A_680] : memref<16x17xf32, #tpu.memory_space<vmem>> -> memref<1x17xf32, #tpu.memory_space<vmem>>
          %get3A_682 = tpu.memref_squeeze %get3A_681 : memref<1x17xf32, #tpu.memory_space<vmem>> -> memref<17xf32, #tpu.memory_space<vmem>>
          %get3A_683 = arith.constant 0 : index
          %get3A_684 = tpu.vector_load %get3A_682[%get3A_683] {strides = array<i32>} : memref<17xf32, #tpu.memory_space<vmem>>, vector<16xf32>,
          %add3A_685 = arith.addf %add3A_673, %get3A_684 : vector<16xf32>
          %get3A_686 = arith.constant 0 : i32
          %get3A_687 = arith.constant 4 : i32
          %get3A_688 = arith.constant 0 : i32
          %get3A_689 = arith.constant 0 : i32
          %get3A_690 = tpu.memref_slice %arg22[%get3A_686, %get3A_688, %get3A_689] : memref<6x16x17xf32, #tpu.memory_space<vmem>> -> memref<1x16x17xf32, #tpu.memory_space<vmem>>
          %get3A_691 = tpu.memref_squeeze %get3A_690 : memref<1x16x17xf32, #tpu.memory_space<vmem>> -> memref<16x17xf32, #tpu.memory_space<vmem>>
          %get3A_692 = arith.constant 0 : i32
          %get3A_693 = tpu.memref_slice %get3A_691[%get3A_687, %get3A_692] : memref<16x17xf32, #tpu.memory_space<vmem>> -> memref<1x17xf32, #tpu.memory_space<vmem>>
          %get3A_694 = tpu.memref_squeeze %get3A_693 : memref<1x17xf32, #tpu.memory_space<vmem>> -> memref<17xf32, #tpu.memory_space<vmem>>
          %get3A_695 = arith.constant 0 : index
          %get3A_696 = tpu.vector_load %get3A_694[%get3A_695] {strides = array<i32>} : memref<17xf32, #tpu.memory_space<vmem>>, vector<16xf32>,
          %add3A_697 = arith.addf %add3A_685, %get3A_696 : vector<16xf32>
          %get3A_698 = arith.constant 0 : i32
          %get3A_699 = arith.constant 5 : i32
          %get3A_700 = arith.constant 0 : i32
          %get3A_701 = arith.constant 0 : i32
          %get3A_702 = tpu.memref_slice %arg22[%get3A_698, %get3A_700, %get3A_701] : memref<6x16x17xf32, #tpu.memory_space<vmem>> -> memref<1x16x17xf32, #tpu.memory_space<vmem>>
          %get3A_703 = tpu.memref_squeeze %get3A_702 : memref<1x16x17xf32, #tpu.memory_space<vmem>> -> memref<16x17xf32, #tpu.memory_space<vmem>>
          %get3A_704 = arith.constant 0 : i32
          %get3A_705 = tpu.memref_slice %get3A_703[%get3A_699, %get3A_704] : memref<16x17xf32, #tpu.memory_space<vmem>> -> memref<1x17xf32, #tpu.memory_space<vmem>>
          %get3A_706 = tpu.memref_squeeze %get3A_705 : memref<1x17xf32, #tpu.memory_space<vmem>> -> memref<17xf32, #tpu.memory_space<vmem>>
          %get3A_707 = arith.constant 0 : index
          %get3A_708 = tpu.vector_load %get3A_706[%get3A_707] {strides = array<i32>} : memref<17xf32, #tpu.memory_space<vmem>>, vector<16xf32>,
          %add3A_709 = arith.addf %add3A_697, %get3A_708 : vector<16xf32>
          %get3A_710 = arith.constant 0 : i32
          %get3A_711 = arith.constant 6 : i32
          %get3A_712 = arith.constant 0 : i32
          %get3A_713 = arith.constant 0 : i32
          %get3A_714 = tpu.memref_slice %arg22[%get3A_710, %get3A_712, %get3A_713] : memref<6x16x17xf32, #tpu.memory_space<vmem>> -> memref<1x16x17xf32, #tpu.memory_space<vmem>>
          %get3A_715 = tpu.memref_squeeze %get3A_714 : memref<1x16x17xf32, #tpu.memory_space<vmem>> -> memref<16x17xf32, #tpu.memory_space<vmem>>
          %get3A_716 = arith.constant 0 : i32
          %get3A_717 = tpu.memref_slice %get3A_715[%get3A_711, %get3A_716] : memref<16x17xf32, #tpu.memory_space<vmem>> -> memref<1x17xf32, #tpu.memory_space<vmem>>
          %get3A_718 = tpu.memref_squeeze %get3A_717 : memref<1x17xf32, #tpu.memory_space<vmem>> -> memref<17xf32, #tpu.memory_space<vmem>>
          %get3A_719 = arith.constant 0 : index
          %get3A_720 = tpu.vector_load %get3A_718[%get3A_719] {strides = array<i32>} : memref<17xf32, #tpu.memory_space<vmem>>, vector<16xf32>,
          %add3A_721 = arith.addf %add3A_709, %get3A_720 : vector<16xf32>
          %get3A_722 = arith.constant 0 : i32
          %get3A_723 = arith.constant 7 : i32
          %get3A_724 = arith.constant 0 : i32
          %get3A_725 = arith.constant 0 : i32
          %get3A_726 = tpu.memref_slice %arg22[%get3A_722, %get3A_724, %get3A_725] : memref<6x16x17xf32, #tpu.memory_space<vmem>> -> memref<1x16x17xf32, #tpu.memory_space<vmem>>
          %get3A_727 = tpu.memref_squeeze %get3A_726 : memref<1x16x17xf32, #tpu.memory_space<vmem>> -> memref<16x17xf32, #tpu.memory_space<vmem>>
          %get3A_728 = arith.constant 0 : i32
          %get3A_729 = tpu.memref_slice %get3A_727[%get3A_723, %get3A_728] : memref<16x17xf32, #tpu.memory_space<vmem>> -> memref<1x17xf32, #tpu.memory_space<vmem>>
          %get3A_730 = tpu.memref_squeeze %get3A_729 : memref<1x17xf32, #tpu.memory_space<vmem>> -> memref<17xf32, #tpu.memory_space<vmem>>
          %get3A_731 = arith.constant 0 : index
          %get3A_732 = tpu.vector_load %get3A_730[%get3A_731] {strides = array<i32>} : memref<17xf32, #tpu.memory_space<vmem>>, vector<16xf32>,
          %add3A_733 = arith.addf %add3A_721, %get3A_732 : vector<16xf32>
          %get3A_734 = arith.constant 0 : i32
          %get3A_735 = arith.constant 8 : i32
          %get3A_736 = arith.constant 0 : i32
          %get3A_737 = arith.constant 0 : i32
          %get3A_738 = tpu.memref_slice %arg22[%get3A_734, %get3A_736, %get3A_737] : memref<6x16x17xf32, #tpu.memory_space<vmem>> -> memref<1x16x17xf32, #tpu.memory_space<vmem>>
          %get3A_739 = tpu.memref_squeeze %get3A_738 : memref<1x16x17xf32, #tpu.memory_space<vmem>> -> memref<16x17xf32, #tpu.memory_space<vmem>>
          %get3A_740 = arith.constant 0 : i32
          %get3A_741 = tpu.memref_slice %get3A_739[%get3A_735, %get3A_740] : memref<16x17xf32, #tpu.memory_space<vmem>> -> memref<1x17xf32, #tpu.memory_space<vmem>>
          %get3A_742 = tpu.memref_squeeze %get3A_741 : memref<1x17xf32, #tpu.memory_space<vmem>> -> memref<17xf32, #tpu.memory_space<vmem>>
          %get3A_743 = arith.constant 0 : index
          %get3A_744 = tpu.vector_load %get3A_742[%get3A_743] {strides = array<i32>} : memref<17xf32, #tpu.memory_space<vmem>>, vector<16xf32>,
          %add3A_745 = arith.addf %add3A_733, %get3A_744 : vector<16xf32>
          %get3A_746 = arith.constant 0 : i32
          %get3A_747 = arith.constant 9 : i32
          %get3A_748 = arith.constant 0 : i32
          %get3A_749 = arith.constant 0 : i32
          %get3A_750 = tpu.memref_slice %arg22[%get3A_746, %get3A_748, %get3A_749] : memref<6x16x17xf32, #tpu.memory_space<vmem>> -> memref<1x16x17xf32, #tpu.memory_space<vmem>>
          %get3A_751 = tpu.memref_squeeze %get3A_750 : memref<1x16x17xf32, #tpu.memory_space<vmem>> -> memref<16x17xf32, #tpu.memory_space<vmem>>
          %get3A_752 = arith.constant 0 : i32
          %get3A_753 = tpu.memref_slice %get3A_751[%get3A_747, %get3A_752] : memref<16x17xf32, #tpu.memory_space<vmem>> -> memref<1x17xf32, #tpu.memory_space<vmem>>
          %get3A_754 = tpu.memref_squeeze %get3A_753 : memref<1x17xf32, #tpu.memory_space<vmem>> -> memref<17xf32, #tpu.memory_space<vmem>>
          %get3A_755 = arith.constant 0 : index
          %get3A_756 = tpu.vector_load %get3A_754[%get3A_755] {strides = array<i32>} : memref<17xf32, #tpu.memory_space<vmem>>, vector<16xf32>,
          %add3A_757 = arith.addf %add3A_745, %get3A_756 : vector<16xf32>
          %get3A_758 = arith.constant 0 : i32
          %get3A_759 = arith.constant 10 : i32
          %get3A_760 = arith.constant 0 : i32
          %get3A_761 = arith.constant 0 : i32
          %get3A_762 = tpu.memref_slice %arg22[%get3A_758, %get3A_760, %get3A_761] : memref<6x16x17xf32, #tpu.memory_space<vmem>> -> memref<1x16x17xf32, #tpu.memory_space<vmem>>
          %get3A_763 = tpu.memref_squeeze %get3A_762 : memref<1x16x17xf32, #tpu.memory_space<vmem>> -> memref<16x17xf32, #tpu.memory_space<vmem>>
          %get3A_764 = arith.constant 0 : i32
          %get3A_765 = tpu.memref_slice %get3A_763[%get3A_759, %get3A_764] : memref<16x17xf32, #tpu.memory_space<vmem>> -> memref<1x17xf32, #tpu.memory_space<vmem>>
          %get3A_766 = tpu.memref_squeeze %get3A_765 : memref<1x17xf32, #tpu.memory_space<vmem>> -> memref<17xf32, #tpu.memory_space<vmem>>
          %get3A_767 = arith.constant 0 : index
          %get3A_768 = tpu.vector_load %get3A_766[%get3A_767] {strides = array<i32>} : memref<17xf32, #tpu.memory_space<vmem>>, vector<16xf32>,
          %add3A_769 = arith.addf %add3A_757, %get3A_768 : vector<16xf32>
          %get3A_770 = arith.constant 0 : i32
          %get3A_771 = arith.constant 11 : i32
          %get3A_772 = arith.constant 0 : i32
          %get3A_773 = arith.constant 0 : i32
          %get3A_774 = tpu.memref_slice %arg22[%get3A_770, %get3A_772, %get3A_773] : memref<6x16x17xf32, #tpu.memory_space<vmem>> -> memref<1x16x17xf32, #tpu.memory_space<vmem>>
          %get3A_775 = tpu.memref_squeeze %get3A_774 : memref<1x16x17xf32, #tpu.memory_space<vmem>> -> memref<16x17xf32, #tpu.memory_space<vmem>>
          %get3A_776 = arith.constant 0 : i32
          %get3A_777 = tpu.memref_slice %get3A_775[%get3A_771, %get3A_776] : memref<16x17xf32, #tpu.memory_space<vmem>> -> memref<1x17xf32, #tpu.memory_space<vmem>>
          %get3A_778 = tpu.memref_squeeze %get3A_777 : memref<1x17xf32, #tpu.memory_space<vmem>> -> memref<17xf32, #tpu.memory_space<vmem>>
          %get3A_779 = arith.constant 0 : index
          %get3A_780 = tpu.vector_load %get3A_778[%get3A_779] {strides = array<i32>} : memref<17xf32, #tpu.memory_space<vmem>>, vector<16xf32>,
          %add3A_781 = arith.addf %add3A_769, %get3A_780 : vector<16xf32>
          %get3A_782 = arith.constant 0 : i32
          %get3A_783 = arith.constant 12 : i32
          %get3A_784 = arith.constant 0 : i32
          %get3A_785 = arith.constant 0 : i32
          %get3A_786 = tpu.memref_slice %arg22[%get3A_782, %get3A_784, %get3A_785] : memref<6x16x17xf32, #tpu.memory_space<vmem>> -> memref<1x16x17xf32, #tpu.memory_space<vmem>>
          %get3A_787 = tpu.memref_squeeze %get3A_786 : memref<1x16x17xf32, #tpu.memory_space<vmem>> -> memref<16x17xf32, #tpu.memory_space<vmem>>
          %get3A_788 = arith.constant 0 : i32
          %get3A_789 = tpu.memref_slice %get3A_787[%get3A_783, %get3A_788] : memref<16x17xf32, #tpu.memory_space<vmem>> -> memref<1x17xf32, #tpu.memory_space<vmem>>
          %get3A_790 = tpu.memref_squeeze %get3A_789 : memref<1x17xf32, #tpu.memory_space<vmem>> -> memref<17xf32, #tpu.memory_space<vmem>>
          %get3A_791 = arith.constant 0 : index
          %get3A_792 = tpu.vector_load %get3A_790[%get3A_791] {strides = array<i32>} : memref<17xf32, #tpu.memory_space<vmem>>, vector<16xf32>,
          %add3A_793 = arith.addf %add3A_781, %get3A_792 : vector<16xf32>
          %get3A_794 = arith.constant 0 : i32
          %get3A_795 = arith.constant 13 : i32
          %get3A_796 = arith.constant 0 : i32
          %get3A_797 = arith.constant 0 : i32
          %get3A_798 = tpu.memref_slice %arg22[%get3A_794, %get3A_796, %get3A_797] : memref<6x16x17xf32, #tpu.memory_space<vmem>> -> memref<1x16x17xf32, #tpu.memory_space<vmem>>
          %get3A_799 = tpu.memref_squeeze %get3A_798 : memref<1x16x17xf32, #tpu.memory_space<vmem>> -> memref<16x17xf32, #tpu.memory_space<vmem>>
          %get3A_800 = arith.constant 0 : i32
          %get3A_801 = tpu.memref_slice %get3A_799[%get3A_795, %get3A_800] : memref<16x17xf32, #tpu.memory_space<vmem>> -> memref<1x17xf32, #tpu.memory_space<vmem>>
          %get3A_802 = tpu.memref_squeeze %get3A_801 : memref<1x17xf32, #tpu.memory_space<vmem>> -> memref<17xf32, #tpu.memory_space<vmem>>
          %get3A_803 = arith.constant 0 : index
          %get3A_804 = tpu.vector_load %get3A_802[%get3A_803] {strides = array<i32>} : memref<17xf32, #tpu.memory_space<vmem>>, vector<16xf32>,
          %add3A_805 = arith.addf %add3A_793, %get3A_804 : vector<16xf32>
          %get3A_806 = arith.constant 0 : i32
          %get3A_807 = arith.constant 14 : i32
          %get3A_808 = arith.constant 0 : i32
          %get3A_809 = arith.constant 0 : i32
          %get3A_810 = tpu.memref_slice %arg22[%get3A_806, %get3A_808, %get3A_809] : memref<6x16x17xf32, #tpu.memory_space<vmem>> -> memref<1x16x17xf32, #tpu.memory_space<vmem>>
          %get3A_811 = tpu.memref_squeeze %get3A_810 : memref<1x16x17xf32, #tpu.memory_space<vmem>> -> memref<16x17xf32, #tpu.memory_space<vmem>>
          %get3A_812 = arith.constant 0 : i32
          %get3A_813 = tpu.memref_slice %get3A_811[%get3A_807, %get3A_812] : memref<16x17xf32, #tpu.memory_space<vmem>> -> memref<1x17xf32, #tpu.memory_space<vmem>>
          %get3A_814 = tpu.memref_squeeze %get3A_813 : memref<1x17xf32, #tpu.memory_space<vmem>> -> memref<17xf32, #tpu.memory_space<vmem>>
          %get3A_815 = arith.constant 0 : index
          %get3A_816 = tpu.vector_load %get3A_814[%get3A_815] {strides = array<i32>} : memref<17xf32, #tpu.memory_space<vmem>>, vector<16xf32>,
          %add3A_817 = arith.addf %add3A_805, %get3A_816 : vector<16xf32>
          %get3A_818 = arith.constant 0 : i32
          %get3A_819 = arith.constant 15 : i32
          %get3A_820 = arith.constant 0 : i32
          %get3A_821 = arith.constant 0 : i32
          %get3A_822 = tpu.memref_slice %arg22[%get3A_818, %get3A_820, %get3A_821] : memref<6x16x17xf32, #tpu.memory_space<vmem>> -> memref<1x16x17xf32, #tpu.memory_space<vmem>>
          %get3A_823 = tpu.memref_squeeze %get3A_822 : memref<1x16x17xf32, #tpu.memory_space<vmem>> -> memref<16x17xf32, #tpu.memory_space<vmem>>
          %get3A_824 = arith.constant 0 : i32
          %get3A_825 = tpu.memref_slice %get3A_823[%get3A_819, %get3A_824] : memref<16x17xf32, #tpu.memory_space<vmem>> -> memref<1x17xf32, #tpu.memory_space<vmem>>
          %get3A_826 = tpu.memref_squeeze %get3A_825 : memref<1x17xf32, #tpu.memory_space<vmem>> -> memref<17xf32, #tpu.memory_space<vmem>>
          %get3A_827 = arith.constant 0 : index
          %get3A_828 = tpu.vector_load %get3A_826[%get3A_827] {strides = array<i32>} : memref<17xf32, #tpu.memory_space<vmem>>, vector<16xf32>,
          %add3A_829 = arith.addf %add3A_817, %get3A_828 : vector<16xf32>
          %get3A_830 = arith.constant 1 : i32
          %get3A_831 = arith.constant 0 : i32
          %get3A_832 = arith.constant 0 : i32
          %get3A_833 = arith.constant 0 : i32
          %get3A_834 = tpu.memref_slice %arg22[%get3A_830, %get3A_832, %get3A_833] : memref<6x16x17xf32, #tpu.memory_space<vmem>> -> memref<1x16x17xf32, #tpu.memory_space<vmem>>
          %get3A_835 = tpu.memref_squeeze %get3A_834 : memref<1x16x17xf32, #tpu.memory_space<vmem>> -> memref<16x17xf32, #tpu.memory_space<vmem>>
          %get3A_836 = arith.constant 0 : i32
          %get3A_837 = tpu.memref_slice %get3A_835[%get3A_831, %get3A_836] : memref<16x17xf32, #tpu.memory_space<vmem>> -> memref<1x17xf32, #tpu.memory_space<vmem>>
          %get3A_838 = tpu.memref_squeeze %get3A_837 : memref<1x17xf32, #tpu.memory_space<vmem>> -> memref<17xf32, #tpu.memory_space<vmem>>
          %get3A_839 = arith.constant 0 : index
          %get3A_840 = tpu.vector_load %get3A_838[%get3A_839] {strides = array<i32>} : memref<17xf32, #tpu.memory_space<vmem>>, vector<16xf32>,
          %get3A_841 = arith.constant 1 : i32
          %get3A_842 = arith.constant 1 : i32
          %get3A_843 = arith.constant 0 : i32
          %get3A_844 = arith.constant 0 : i32
          %get3A_845 = tpu.memref_slice %arg22[%get3A_841, %get3A_843, %get3A_844] : memref<6x16x17xf32, #tpu.memory_space<vmem>> -> memref<1x16x17xf32, #tpu.memory_space<vmem>>
          %get3A_846 = tpu.memref_squeeze %get3A_845 : memref<1x16x17xf32, #tpu.memory_space<vmem>> -> memref<16x17xf32, #tpu.memory_space<vmem>>
          %get3A_847 = arith.constant 0 : i32
          %get3A_848 = tpu.memref_slice %get3A_846[%get3A_842, %get3A_847] : memref<16x17xf32, #tpu.memory_space<vmem>> -> memref<1x17xf32, #tpu.memory_space<vmem>>
          %get3A_849 = tpu.memref_squeeze %get3A_848 : memref<1x17xf32, #tpu.memory_space<vmem>> -> memref<17xf32, #tpu.memory_space<vmem>>
          %get3A_850 = arith.constant 0 : index
          %get3A_851 = tpu.vector_load %get3A_849[%get3A_850] {strides = array<i32>} : memref<17xf32, #tpu.memory_space<vmem>>, vector<16xf32>,
          %add3A_852 = arith.addf %get3A_840, %get3A_851 : vector<16xf32>
          %get3A_853 = arith.constant 1 : i32
          %get3A_854 = arith.constant 2 : i32
          %get3A_855 = arith.constant 0 : i32
          %get3A_856 = arith.constant 0 : i32
          %get3A_857 = tpu.memref_slice %arg22[%get3A_853, %get3A_855, %get3A_856] : memref<6x16x17xf32, #tpu.memory_space<vmem>> -> memref<1x16x17xf32, #tpu.memory_space<vmem>>
          %get3A_858 = tpu.memref_squeeze %get3A_857 : memref<1x16x17xf32, #tpu.memory_space<vmem>> -> memref<16x17xf32, #tpu.memory_space<vmem>>
          %get3A_859 = arith.constant 0 : i32
          %get3A_860 = tpu.memref_slice %get3A_858[%get3A_854, %get3A_859] : memref<16x17xf32, #tpu.memory_space<vmem>> -> memref<1x17xf32, #tpu.memory_space<vmem>>
          %get3A_861 = tpu.memref_squeeze %get3A_860 : memref<1x17xf32, #tpu.memory_space<vmem>> -> memref<17xf32, #tpu.memory_space<vmem>>
          %get3A_862 = arith.constant 0 : index
          %get3A_863 = tpu.vector_load %get3A_861[%get3A_862] {strides = array<i32>} : memref<17xf32, #tpu.memory_space<vmem>>, vector<16xf32>,
          %add3A_864 = arith.addf %add3A_852, %get3A_863 : vector<16xf32>
          %get3A_865 = arith.constant 1 : i32
          %get3A_866 = arith.constant 3 : i32
          %get3A_867 = arith.constant 0 : i32
          %get3A_868 = arith.constant 0 : i32
          %get3A_869 = tpu.memref_slice %arg22[%get3A_865, %get3A_867, %get3A_868] : memref<6x16x17xf32, #tpu.memory_space<vmem>> -> memref<1x16x17xf32, #tpu.memory_space<vmem>>
          %get3A_870 = tpu.memref_squeeze %get3A_869 : memref<1x16x17xf32, #tpu.memory_space<vmem>> -> memref<16x17xf32, #tpu.memory_space<vmem>>
          %get3A_871 = arith.constant 0 : i32
          %get3A_872 = tpu.memref_slice %get3A_870[%get3A_866, %get3A_871] : memref<16x17xf32, #tpu.memory_space<vmem>> -> memref<1x17xf32, #tpu.memory_space<vmem>>
          %get3A_873 = tpu.memref_squeeze %get3A_872 : memref<1x17xf32, #tpu.memory_space<vmem>> -> memref<17xf32, #tpu.memory_space<vmem>>
          %get3A_874 = arith.constant 0 : index
          %get3A_875 = tpu.vector_load %get3A_873[%get3A_874] {strides = array<i32>} : memref<17xf32, #tpu.memory_space<vmem>>, vector<16xf32>,
          %add3A_876 = arith.addf %add3A_864, %get3A_875 : vector<16xf32>
          %get3A_877 = arith.constant 1 : i32
          %get3A_878 = arith.constant 4 : i32
          %get3A_879 = arith.constant 0 : i32
          %get3A_880 = arith.constant 0 : i32
          %get3A_881 = tpu.memref_slice %arg22[%get3A_877, %get3A_879, %get3A_880] : memref<6x16x17xf32, #tpu.memory_space<vmem>> -> memref<1x16x17xf32, #tpu.memory_space<vmem>>
          %get3A_882 = tpu.memref_squeeze %get3A_881 : memref<1x16x17xf32, #tpu.memory_space<vmem>> -> memref<16x17xf32, #tpu.memory_space<vmem>>
          %get3A_883 = arith.constant 0 : i32
          %get3A_884 = tpu.memref_slice %get3A_882[%get3A_878, %get3A_883] : memref<16x17xf32, #tpu.memory_space<vmem>> -> memref<1x17xf32, #tpu.memory_space<vmem>>
          %get3A_885 = tpu.memref_squeeze %get3A_884 : memref<1x17xf32, #tpu.memory_space<vmem>> -> memref<17xf32, #tpu.memory_space<vmem>>
          %get3A_886 = arith.constant 0 : index
          %get3A_887 = tpu.vector_load %get3A_885[%get3A_886] {strides = array<i32>} : memref<17xf32, #tpu.memory_space<vmem>>, vector<16xf32>,
          %add3A_888 = arith.addf %add3A_876, %get3A_887 : vector<16xf32>
          %get3A_889 = arith.constant 1 : i32
          %get3A_890 = arith.constant 5 : i32
          %get3A_891 = arith.constant 0 : i32
          %get3A_892 = arith.constant 0 : i32
          %get3A_893 = tpu.memref_slice %arg22[%get3A_889, %get3A_891, %get3A_892] : memref<6x16x17xf32, #tpu.memory_space<vmem>> -> memref<1x16x17xf32, #tpu.memory_space<vmem>>
          %get3A_894 = tpu.memref_squeeze %get3A_893 : memref<1x16x17xf32, #tpu.memory_space<vmem>> -> memref<16x17xf32, #tpu.memory_space<vmem>>
          %get3A_895 = arith.constant 0 : i32
          %get3A_896 = tpu.memref_slice %get3A_894[%get3A_890, %get3A_895] : memref<16x17xf32, #tpu.memory_space<vmem>> -> memref<1x17xf32, #tpu.memory_space<vmem>>
          %get3A_897 = tpu.memref_squeeze %get3A_896 : memref<1x17xf32, #tpu.memory_space<vmem>> -> memref<17xf32, #tpu.memory_space<vmem>>
          %get3A_898 = arith.constant 0 : index
          %get3A_899 = tpu.vector_load %get3A_897[%get3A_898] {strides = array<i32>} : memref<17xf32, #tpu.memory_space<vmem>>, vector<16xf32>,
          %add3A_900 = arith.addf %add3A_888, %get3A_899 : vector<16xf32>
          %get3A_901 = arith.constant 1 : i32
          %get3A_902 = arith.constant 6 : i32
          %get3A_903 = arith.constant 0 : i32
          %get3A_904 = arith.constant 0 : i32
          %get3A_905 = tpu.memref_slice %arg22[%get3A_901, %get3A_903, %get3A_904] : memref<6x16x17xf32, #tpu.memory_space<vmem>> -> memref<1x16x17xf32, #tpu.memory_space<vmem>>
          %get3A_906 = tpu.memref_squeeze %get3A_905 : memref<1x16x17xf32, #tpu.memory_space<vmem>> -> memref<16x17xf32, #tpu.memory_space<vmem>>
          %get3A_907 = arith.constant 0 : i32
          %get3A_908 = tpu.memref_slice %get3A_906[%get3A_902, %get3A_907] : memref<16x17xf32, #tpu.memory_space<vmem>> -> memref<1x17xf32, #tpu.memory_space<vmem>>
          %get3A_909 = tpu.memref_squeeze %get3A_908 : memref<1x17xf32, #tpu.memory_space<vmem>> -> memref<17xf32, #tpu.memory_space<vmem>>
          %get3A_910 = arith.constant 0 : index
          %get3A_911 = tpu.vector_load %get3A_909[%get3A_910] {strides = array<i32>} : memref<17xf32, #tpu.memory_space<vmem>>, vector<16xf32>,
          %add3A_912 = arith.addf %add3A_900, %get3A_911 : vector<16xf32>
          %get3A_913 = arith.constant 1 : i32
          %get3A_914 = arith.constant 7 : i32
          %get3A_915 = arith.constant 0 : i32
          %get3A_916 = arith.constant 0 : i32
          %get3A_917 = tpu.memref_slice %arg22[%get3A_913, %get3A_915, %get3A_916] : memref<6x16x17xf32, #tpu.memory_space<vmem>> -> memref<1x16x17xf32, #tpu.memory_space<vmem>>
          %get3A_918 = tpu.memref_squeeze %get3A_917 : memref<1x16x17xf32, #tpu.memory_space<vmem>> -> memref<16x17xf32, #tpu.memory_space<vmem>>
          %get3A_919 = arith.constant 0 : i32
          %get3A_920 = tpu.memref_slice %get3A_918[%get3A_914, %get3A_919] : memref<16x17xf32, #tpu.memory_space<vmem>> -> memref<1x17xf32, #tpu.memory_space<vmem>>
          %get3A_921 = tpu.memref_squeeze %get3A_920 : memref<1x17xf32, #tpu.memory_space<vmem>> -> memref<17xf32, #tpu.memory_space<vmem>>
          %get3A_922 = arith.constant 0 : index
          %get3A_923 = tpu.vector_load %get3A_921[%get3A_922] {strides = array<i32>} : memref<17xf32, #tpu.memory_space<vmem>>, vector<16xf32>,
          %add3A_924 = arith.addf %add3A_912, %get3A_923 : vector<16xf32>
          %get3A_925 = arith.constant 1 : i32
          %get3A_926 = arith.constant 8 : i32
          %get3A_927 = arith.constant 0 : i32
          %get3A_928 = arith.constant 0 : i32
          %get3A_929 = tpu.memref_slice %arg22[%get3A_925, %get3A_927, %get3A_928] : memref<6x16x17xf32, #tpu.memory_space<vmem>> -> memref<1x16x17xf32, #tpu.memory_space<vmem>>
          %get3A_930 = tpu.memref_squeeze %get3A_929 : memref<1x16x17xf32, #tpu.memory_space<vmem>> -> memref<16x17xf32, #tpu.memory_space<vmem>>
          %get3A_931 = arith.constant 0 : i32
          %get3A_932 = tpu.memref_slice %get3A_930[%get3A_926, %get3A_931] : memref<16x17xf32, #tpu.memory_space<vmem>> -> memref<1x17xf32, #tpu.memory_space<vmem>>
          %get3A_933 = tpu.memref_squeeze %get3A_932 : memref<1x17xf32, #tpu.memory_space<vmem>> -> memref<17xf32, #tpu.memory_space<vmem>>
          %get3A_934 = arith.constant 0 : index
          %get3A_935 = tpu.vector_load %get3A_933[%get3A_934] {strides = array<i32>} : memref<17xf32, #tpu.memory_space<vmem>>, vector<16xf32>,
          %add3A_936 = arith.addf %add3A_924, %get3A_935 : vector<16xf32>
          %get3A_937 = arith.constant 1 : i32
          %get3A_938 = arith.constant 9 : i32
          %get3A_939 = arith.constant 0 : i32
          %get3A_940 = arith.constant 0 : i32
          %get3A_941 = tpu.memref_slice %arg22[%get3A_937, %get3A_939, %get3A_940] : memref<6x16x17xf32, #tpu.memory_space<vmem>> -> memref<1x16x17xf32, #tpu.memory_space<vmem>>
          %get3A_942 = tpu.memref_squeeze %get3A_941 : memref<1x16x17xf32, #tpu.memory_space<vmem>> -> memref<16x17xf32, #tpu.memory_space<vmem>>
          %get3A_943 = arith.constant 0 : i32
          %get3A_944 = tpu.memref_slice %get3A_942[%get3A_938, %get3A_943] : memref<16x17xf32, #tpu.memory_space<vmem>> -> memref<1x17xf32, #tpu.memory_space<vmem>>
          %get3A_945 = tpu.memref_squeeze %get3A_944 : memref<1x17xf32, #tpu.memory_space<vmem>> -> memref<17xf32, #tpu.memory_space<vmem>>
          %get3A_946 = arith.constant 0 : index
          %get3A_947 = tpu.vector_load %get3A_945[%get3A_946] {strides = array<i32>} : memref<17xf32, #tpu.memory_space<vmem>>, vector<16xf32>,
          %add3A_948 = arith.addf %add3A_936, %get3A_947 : vector<16xf32>
          %get3A_949 = arith.constant 1 : i32
          %get3A_950 = arith.constant 10 : i32
          %get3A_951 = arith.constant 0 : i32
          %get3A_952 = arith.constant 0 : i32
          %get3A_953 = tpu.memref_slice %arg22[%get3A_949, %get3A_951, %get3A_952] : memref<6x16x17xf32, #tpu.memory_space<vmem>> -> memref<1x16x17xf32, #tpu.memory_space<vmem>>
          %get3A_954 = tpu.memref_squeeze %get3A_953 : memref<1x16x17xf32, #tpu.memory_space<vmem>> -> memref<16x17xf32, #tpu.memory_space<vmem>>
          %get3A_955 = arith.constant 0 : i32
          %get3A_956 = tpu.memref_slice %get3A_954[%get3A_950, %get3A_955] : memref<16x17xf32, #tpu.memory_space<vmem>> -> memref<1x17xf32, #tpu.memory_space<vmem>>
          %get3A_957 = tpu.memref_squeeze %get3A_956 : memref<1x17xf32, #tpu.memory_space<vmem>> -> memref<17xf32, #tpu.memory_space<vmem>>
          %get3A_958 = arith.constant 0 : index
          %get3A_959 = tpu.vector_load %get3A_957[%get3A_958] {strides = array<i32>} : memref<17xf32, #tpu.memory_space<vmem>>, vector<16xf32>,
          %add3A_960 = arith.addf %add3A_948, %get3A_959 : vector<16xf32>
          %get3A_961 = arith.constant 1 : i32
          %get3A_962 = arith.constant 11 : i32
          %get3A_963 = arith.constant 0 : i32
          %get3A_964 = arith.constant 0 : i32
          %get3A_965 = tpu.memref_slice %arg22[%get3A_961, %get3A_963, %get3A_964] : memref<6x16x17xf32, #tpu.memory_space<vmem>> -> memref<1x16x17xf32, #tpu.memory_space<vmem>>
          %get3A_966 = tpu.memref_squeeze %get3A_965 : memref<1x16x17xf32, #tpu.memory_space<vmem>> -> memref<16x17xf32, #tpu.memory_space<vmem>>
          %get3A_967 = arith.constant 0 : i32
          %get3A_968 = tpu.memref_slice %get3A_966[%get3A_962, %get3A_967] : memref<16x17xf32, #tpu.memory_space<vmem>> -> memref<1x17xf32, #tpu.memory_space<vmem>>
          %get3A_969 = tpu.memref_squeeze %get3A_968 : memref<1x17xf32, #tpu.memory_space<vmem>> -> memref<17xf32, #tpu.memory_space<vmem>>
          %get3A_970 = arith.constant 0 : index
          %get3A_971 = tpu.vector_load %get3A_969[%get3A_970] {strides = array<i32>} : memref<17xf32, #tpu.memory_space<vmem>>, vector<16xf32>,
          %add3A_972 = arith.addf %add3A_960, %get3A_971 : vector<16xf32>
          %get3A_973 = arith.constant 1 : i32
          %get3A_974 = arith.constant 12 : i32
          %get3A_975 = arith.constant 0 : i32
          %get3A_976 = arith.constant 0 : i32
          %get3A_977 = tpu.memref_slice %arg22[%get3A_973, %get3A_975, %get3A_976] : memref<6x16x17xf32, #tpu.memory_space<vmem>> -> memref<1x16x17xf32, #tpu.memory_space<vmem>>
          %get3A_978 = tpu.memref_squeeze %get3A_977 : memref<1x16x17xf32, #tpu.memory_space<vmem>> -> memref<16x17xf32, #tpu.memory_space<vmem>>
          %get3A_979 = arith.constant 0 : i32
          %get3A_980 = tpu.memref_slice %get3A_978[%get3A_974, %get3A_979] : memref<16x17xf32, #tpu.memory_space<vmem>> -> memref<1x17xf32, #tpu.memory_space<vmem>>
          %get3A_981 = tpu.memref_squeeze %get3A_980 : memref<1x17xf32, #tpu.memory_space<vmem>> -> memref<17xf32, #tpu.memory_space<vmem>>
          %get3A_982 = arith.constant 0 : index
          %get3A_983 = tpu.vector_load %get3A_981[%get3A_982] {strides = array<i32>} : memref<17xf32, #tpu.memory_space<vmem>>, vector<16xf32>,
          %add3A_984 = arith.addf %add3A_972, %get3A_983 : vector<16xf32>
          %get3A_985 = arith.constant 1 : i32
          %get3A_986 = arith.constant 13 : i32
          %get3A_987 = arith.constant 0 : i32
          %get3A_988 = arith.constant 0 : i32
          %get3A_989 = tpu.memref_slice %arg22[%get3A_985, %get3A_987, %get3A_988] : memref<6x16x17xf32, #tpu.memory_space<vmem>> -> memref<1x16x17xf32, #tpu.memory_space<vmem>>
          %get3A_990 = tpu.memref_squeeze %get3A_989 : memref<1x16x17xf32, #tpu.memory_space<vmem>> -> memref<16x17xf32, #tpu.memory_space<vmem>>
          %get3A_991 = arith.constant 0 : i32
          %get3A_992 = tpu.memref_slice %get3A_990[%get3A_986, %get3A_991] : memref<16x17xf32, #tpu.memory_space<vmem>> -> memref<1x17xf32, #tpu.memory_space<vmem>>
          %get3A_993 = tpu.memref_squeeze %get3A_992 : memref<1x17xf32, #tpu.memory_space<vmem>> -> memref<17xf32, #tpu.memory_space<vmem>>
          %get3A_994 = arith.constant 0 : index
          %get3A_995 = tpu.vector_load %get3A_993[%get3A_994] {strides = array<i32>} : memref<17xf32, #tpu.memory_space<vmem>>, vector<16xf32>,
          %add3A_996 = arith.addf %add3A_984, %get3A_995 : vector<16xf32>
          %get3A_997 = arith.constant 1 : i32
          %get3A_998 = arith.constant 14 : i32
          %get3A_999 = arith.constant 0 : i32
          %get3A_1000 = arith.constant 0 : i32
          %get3A_1001 = tpu.memref_slice %arg22[%get3A_997, %get3A_999, %get3A_1000] : memref<6x16x17xf32, #tpu.memory_space<vmem>> -> memref<1x16x17xf32, #tpu.memory_space<vmem>>
          %get3A_1002 = tpu.memref_squeeze %get3A_1001 : memref<1x16x17xf32, #tpu.memory_space<vmem>> -> memref<16x17xf32, #tpu.memory_space<vmem>>
          %get3A_1003 = arith.constant 0 : i32
          %get3A_1004 = tpu.memref_slice %get3A_1002[%get3A_998, %get3A_1003] : memref<16x17xf32, #tpu.memory_space<vmem>> -> memref<1x17xf32, #tpu.memory_space<vmem>>
          %get3A_1005 = tpu.memref_squeeze %get3A_1004 : memref<1x17xf32, #tpu.memory_space<vmem>> -> memref<17xf32, #tpu.memory_space<vmem>>
          %get3A_1006 = arith.constant 0 : index
          %get3A_1007 = tpu.vector_load %get3A_1005[%get3A_1006] {strides = array<i32>} : memref<17xf32, #tpu.memory_space<vmem>>, vector<16xf32>,
          %add3A_1008 = arith.addf %add3A_996, %get3A_1007 : vector<16xf32>
          %get3A_1009 = arith.constant 1 : i32
          %get3A_1010 = arith.constant 15 : i32
          %get3A_1011 = arith.constant 0 : i32
          %get3A_1012 = arith.constant 0 : i32
          %get3A_1013 = tpu.memref_slice %arg22[%get3A_1009, %get3A_1011, %get3A_1012] : memref<6x16x17xf32, #tpu.memory_space<vmem>> -> memref<1x16x17xf32, #tpu.memory_space<vmem>>
          %get3A_1014 = tpu.memref_squeeze %get3A_1013 : memref<1x16x17xf32, #tpu.memory_space<vmem>> -> memref<16x17xf32, #tpu.memory_space<vmem>>
          %get3A_1015 = arith.constant 0 : i32
          %get3A_1016 = tpu.memref_slice %get3A_1014[%get3A_1010, %get3A_1015] : memref<16x17xf32, #tpu.memory_space<vmem>> -> memref<1x17xf32, #tpu.memory_space<vmem>>
          %get3A_1017 = tpu.memref_squeeze %get3A_1016 : memref<1x17xf32, #tpu.memory_space<vmem>> -> memref<17xf32, #tpu.memory_space<vmem>>
          %get3A_1018 = arith.constant 0 : index
          %get3A_1019 = tpu.vector_load %get3A_1017[%get3A_1018] {strides = array<i32>} : memref<17xf32, #tpu.memory_space<vmem>>, vector<16xf32>,
          %add3A_1020 = arith.addf %add3A_1008, %get3A_1019 : vector<16xf32>
          %get3A_1021 = arith.constant 2 : i32
          %get3A_1022 = arith.constant 0 : i32
          %get3A_1023 = arith.constant 0 : i32
          %get3A_1024 = arith.constant 0 : i32
          %get3A_1025 = tpu.memref_slice %arg22[%get3A_1021, %get3A_1023, %get3A_1024] : memref<6x16x17xf32, #tpu.memory_space<vmem>> -> memref<1x16x17xf32, #tpu.memory_space<vmem>>
          %get3A_1026 = tpu.memref_squeeze %get3A_1025 : memref<1x16x17xf32, #tpu.memory_space<vmem>> -> memref<16x17xf32, #tpu.memory_space<vmem>>
          %get3A_1027 = arith.constant 0 : i32
          %get3A_1028 = tpu.memref_slice %get3A_1026[%get3A_1022, %get3A_1027] : memref<16x17xf32, #tpu.memory_space<vmem>> -> memref<1x17xf32, #tpu.memory_space<vmem>>
          %get3A_1029 = tpu.memref_squeeze %get3A_1028 : memref<1x17xf32, #tpu.memory_space<vmem>> -> memref<17xf32, #tpu.memory_space<vmem>>
          %get3A_1030 = arith.constant 0 : index
          %get3A_1031 = tpu.vector_load %get3A_1029[%get3A_1030] {strides = array<i32>} : memref<17xf32, #tpu.memory_space<vmem>>, vector<16xf32>,
          %get3A_1032 = arith.constant 2 : i32
          %get3A_1033 = arith.constant 1 : i32
          %get3A_1034 = arith.constant 0 : i32
          %get3A_1035 = arith.constant 0 : i32
          %get3A_1036 = tpu.memref_slice %arg22[%get3A_1032, %get3A_1034, %get3A_1035] : memref<6x16x17xf32, #tpu.memory_space<vmem>> -> memref<1x16x17xf32, #tpu.memory_space<vmem>>
          %get3A_1037 = tpu.memref_squeeze %get3A_1036 : memref<1x16x17xf32, #tpu.memory_space<vmem>> -> memref<16x17xf32, #tpu.memory_space<vmem>>
          %get3A_1038 = arith.constant 0 : i32
          %get3A_1039 = tpu.memref_slice %get3A_1037[%get3A_1033, %get3A_1038] : memref<16x17xf32, #tpu.memory_space<vmem>> -> memref<1x17xf32, #tpu.memory_space<vmem>>
          %get3A_1040 = tpu.memref_squeeze %get3A_1039 : memref<1x17xf32, #tpu.memory_space<vmem>> -> memref<17xf32, #tpu.memory_space<vmem>>
          %get3A_1041 = arith.constant 0 : index
          %get3A_1042 = tpu.vector_load %get3A_1040[%get3A_1041] {strides = array<i32>} : memref<17xf32, #tpu.memory_space<vmem>>, vector<16xf32>,
          %add3A_1043 = arith.addf %get3A_1031, %get3A_1042 : vector<16xf32>
          %get3A_1044 = arith.constant 2 : i32
          %get3A_1045 = arith.constant 2 : i32
          %get3A_1046 = arith.constant 0 : i32
          %get3A_1047 = arith.constant 0 : i32
          %get3A_1048 = tpu.memref_slice %arg22[%get3A_1044, %get3A_1046, %get3A_1047] : memref<6x16x17xf32, #tpu.memory_space<vmem>> -> memref<1x16x17xf32, #tpu.memory_space<vmem>>
          %get3A_1049 = tpu.memref_squeeze %get3A_1048 : memref<1x16x17xf32, #tpu.memory_space<vmem>> -> memref<16x17xf32, #tpu.memory_space<vmem>>
          %get3A_1050 = arith.constant 0 : i32
          %get3A_1051 = tpu.memref_slice %get3A_1049[%get3A_1045, %get3A_1050] : memref<16x17xf32, #tpu.memory_space<vmem>> -> memref<1x17xf32, #tpu.memory_space<vmem>>
          %get3A_1052 = tpu.memref_squeeze %get3A_1051 : memref<1x17xf32, #tpu.memory_space<vmem>> -> memref<17xf32, #tpu.memory_space<vmem>>
          %get3A_1053 = arith.constant 0 : index
          %get3A_1054 = tpu.vector_load %get3A_1052[%get3A_1053] {strides = array<i32>} : memref<17xf32, #tpu.memory_space<vmem>>, vector<16xf32>,
          %add3A_1055 = arith.addf %add3A_1043, %get3A_1054 : vector<16xf32>
          %get3A_1056 = arith.constant 2 : i32
          %get3A_1057 = arith.constant 3 : i32
          %get3A_1058 = arith.constant 0 : i32
          %get3A_1059 = arith.constant 0 : i32
          %get3A_1060 = tpu.memref_slice %arg22[%get3A_1056, %get3A_1058, %get3A_1059] : memref<6x16x17xf32, #tpu.memory_space<vmem>> -> memref<1x16x17xf32, #tpu.memory_space<vmem>>
          %get3A_1061 = tpu.memref_squeeze %get3A_1060 : memref<1x16x17xf32, #tpu.memory_space<vmem>> -> memref<16x17xf32, #tpu.memory_space<vmem>>
          %get3A_1062 = arith.constant 0 : i32
          %get3A_1063 = tpu.memref_slice %get3A_1061[%get3A_1057, %get3A_1062] : memref<16x17xf32, #tpu.memory_space<vmem>> -> memref<1x17xf32, #tpu.memory_space<vmem>>
          %get3A_1064 = tpu.memref_squeeze %get3A_1063 : memref<1x17xf32, #tpu.memory_space<vmem>> -> memref<17xf32, #tpu.memory_space<vmem>>
          %get3A_1065 = arith.constant 0 : index
          %get3A_1066 = tpu.vector_load %get3A_1064[%get3A_1065] {strides = array<i32>} : memref<17xf32, #tpu.memory_space<vmem>>, vector<16xf32>,
          %add3A_1067 = arith.addf %add3A_1055, %get3A_1066 : vector<16xf32>
          %get3A_1068 = arith.constant 2 : i32
          %get3A_1069 = arith.constant 4 : i32
          %get3A_1070 = arith.constant 0 : i32
          %get3A_1071 = arith.constant 0 : i32
          %get3A_1072 = tpu.memref_slice %arg22[%get3A_1068, %get3A_1070, %get3A_1071] : memref<6x16x17xf32, #tpu.memory_space<vmem>> -> memref<1x16x17xf32, #tpu.memory_space<vmem>>
          %get3A_1073 = tpu.memref_squeeze %get3A_1072 : memref<1x16x17xf32, #tpu.memory_space<vmem>> -> memref<16x17xf32, #tpu.memory_space<vmem>>
          %get3A_1074 = arith.constant 0 : i32
          %get3A_1075 = tpu.memref_slice %get3A_1073[%get3A_1069, %get3A_1074] : memref<16x17xf32, #tpu.memory_space<vmem>> -> memref<1x17xf32, #tpu.memory_space<vmem>>
          %get3A_1076 = tpu.memref_squeeze %get3A_1075 : memref<1x17xf32, #tpu.memory_space<vmem>> -> memref<17xf32, #tpu.memory_space<vmem>>
          %get3A_1077 = arith.constant 0 : index
          %get3A_1078 = tpu.vector_load %get3A_1076[%get3A_1077] {strides = array<i32>} : memref<17xf32, #tpu.memory_space<vmem>>, vector<16xf32>,
          %add3A_1079 = arith.addf %add3A_1067, %get3A_1078 : vector<16xf32>
          %get3A_1080 = arith.constant 2 : i32
          %get3A_1081 = arith.constant 5 : i32
          %get3A_1082 = arith.constant 0 : i32
          %get3A_1083 = arith.constant 0 : i32
          %get3A_1084 = tpu.memref_slice %arg22[%get3A_1080, %get3A_1082, %get3A_1083] : memref<6x16x17xf32, #tpu.memory_space<vmem>> -> memref<1x16x17xf32, #tpu.memory_space<vmem>>
          %get3A_1085 = tpu.memref_squeeze %get3A_1084 : memref<1x16x17xf32, #tpu.memory_space<vmem>> -> memref<16x17xf32, #tpu.memory_space<vmem>>
          %get3A_1086 = arith.constant 0 : i32
          %get3A_1087 = tpu.memref_slice %get3A_1085[%get3A_1081, %get3A_1086] : memref<16x17xf32, #tpu.memory_space<vmem>> -> memref<1x17xf32, #tpu.memory_space<vmem>>
          %get3A_1088 = tpu.memref_squeeze %get3A_1087 : memref<1x17xf32, #tpu.memory_space<vmem>> -> memref<17xf32, #tpu.memory_space<vmem>>
          %get3A_1089 = arith.constant 0 : index
          %get3A_1090 = tpu.vector_load %get3A_1088[%get3A_1089] {strides = array<i32>} : memref<17xf32, #tpu.memory_space<vmem>>, vector<16xf32>,
          %add3A_1091 = arith.addf %add3A_1079, %get3A_1090 : vector<16xf32>
          %get3A_1092 = arith.constant 2 : i32
          %get3A_1093 = arith.constant 6 : i32
          %get3A_1094 = arith.constant 0 : i32
          %get3A_1095 = arith.constant 0 : i32
          %get3A_1096 = tpu.memref_slice %arg22[%get3A_1092, %get3A_1094, %get3A_1095] : memref<6x16x17xf32, #tpu.memory_space<vmem>> -> memref<1x16x17xf32, #tpu.memory_space<vmem>>
          %get3A_1097 = tpu.memref_squeeze %get3A_1096 : memref<1x16x17xf32, #tpu.memory_space<vmem>> -> memref<16x17xf32, #tpu.memory_space<vmem>>
          %get3A_1098 = arith.constant 0 : i32
          %get3A_1099 = tpu.memref_slice %get3A_1097[%get3A_1093, %get3A_1098] : memref<16x17xf32, #tpu.memory_space<vmem>> -> memref<1x17xf32, #tpu.memory_space<vmem>>
          %get3A_1100 = tpu.memref_squeeze %get3A_1099 : memref<1x17xf32, #tpu.memory_space<vmem>> -> memref<17xf32, #tpu.memory_space<vmem>>
          %get3A_1101 = arith.constant 0 : index
          %get3A_1102 = tpu.vector_load %get3A_1100[%get3A_1101] {strides = array<i32>} : memref<17xf32, #tpu.memory_space<vmem>>, vector<16xf32>,
          %add3A_1103 = arith.addf %add3A_1091, %get3A_1102 : vector<16xf32>
          %get3A_1104 = arith.constant 2 : i32
          %get3A_1105 = arith.constant 7 : i32
          %get3A_1106 = arith.constant 0 : i32
          %get3A_1107 = arith.constant 0 : i32
          %get3A_1108 = tpu.memref_slice %arg22[%get3A_1104, %get3A_1106, %get3A_1107] : memref<6x16x17xf32, #tpu.memory_space<vmem>> -> memref<1x16x17xf32, #tpu.memory_space<vmem>>
          %get3A_1109 = tpu.memref_squeeze %get3A_1108 : memref<1x16x17xf32, #tpu.memory_space<vmem>> -> memref<16x17xf32, #tpu.memory_space<vmem>>
          %get3A_1110 = arith.constant 0 : i32
          %get3A_1111 = tpu.memref_slice %get3A_1109[%get3A_1105, %get3A_1110] : memref<16x17xf32, #tpu.memory_space<vmem>> -> memref<1x17xf32, #tpu.memory_space<vmem>>
          %get3A_1112 = tpu.memref_squeeze %get3A_1111 : memref<1x17xf32, #tpu.memory_space<vmem>> -> memref<17xf32, #tpu.memory_space<vmem>>
          %get3A_1113 = arith.constant 0 : index
          %get3A_1114 = tpu.vector_load %get3A_1112[%get3A_1113] {strides = array<i32>} : memref<17xf32, #tpu.memory_space<vmem>>, vector<16xf32>,
          %add3A_1115 = arith.addf %add3A_1103, %get3A_1114 : vector<16xf32>
          %get3A_1116 = arith.constant 2 : i32
          %get3A_1117 = arith.constant 8 : i32
          %get3A_1118 = arith.constant 0 : i32
          %get3A_1119 = arith.constant 0 : i32
          %get3A_1120 = tpu.memref_slice %arg22[%get3A_1116, %get3A_1118, %get3A_1119] : memref<6x16x17xf32, #tpu.memory_space<vmem>> -> memref<1x16x17xf32, #tpu.memory_space<vmem>>
          %get3A_1121 = tpu.memref_squeeze %get3A_1120 : memref<1x16x17xf32, #tpu.memory_space<vmem>> -> memref<16x17xf32, #tpu.memory_space<vmem>>
          %get3A_1122 = arith.constant 0 : i32
          %get3A_1123 = tpu.memref_slice %get3A_1121[%get3A_1117, %get3A_1122] : memref<16x17xf32, #tpu.memory_space<vmem>> -> memref<1x17xf32, #tpu.memory_space<vmem>>
          %get3A_1124 = tpu.memref_squeeze %get3A_1123 : memref<1x17xf32, #tpu.memory_space<vmem>> -> memref<17xf32, #tpu.memory_space<vmem>>
          %get3A_1125 = arith.constant 0 : index
          %get3A_1126 = tpu.vector_load %get3A_1124[%get3A_1125] {strides = array<i32>} : memref<17xf32, #tpu.memory_space<vmem>>, vector<16xf32>,
          %add3A_1127 = arith.addf %add3A_1115, %get3A_1126 : vector<16xf32>
          %get3A_1128 = arith.constant 2 : i32
          %get3A_1129 = arith.constant 9 : i32
          %get3A_1130 = arith.constant 0 : i32
          %get3A_1131 = arith.constant 0 : i32
          %get3A_1132 = tpu.memref_slice %arg22[%get3A_1128, %get3A_1130, %get3A_1131] : memref<6x16x17xf32, #tpu.memory_space<vmem>> -> memref<1x16x17xf32, #tpu.memory_space<vmem>>
          %get3A_1133 = tpu.memref_squeeze %get3A_1132 : memref<1x16x17xf32, #tpu.memory_space<vmem>> -> memref<16x17xf32, #tpu.memory_space<vmem>>
          %get3A_1134 = arith.constant 0 : i32
          %get3A_1135 = tpu.memref_slice %get3A_1133[%get3A_1129, %get3A_1134] : memref<16x17xf32, #tpu.memory_space<vmem>> -> memref<1x17xf32, #tpu.memory_space<vmem>>
          %get3A_1136 = tpu.memref_squeeze %get3A_1135 : memref<1x17xf32, #tpu.memory_space<vmem>> -> memref<17xf32, #tpu.memory_space<vmem>>
          %get3A_1137 = arith.constant 0 : index
          %get3A_1138 = tpu.vector_load %get3A_1136[%get3A_1137] {strides = array<i32>} : memref<17xf32, #tpu.memory_space<vmem>>, vector<16xf32>,
          %add3A_1139 = arith.addf %add3A_1127, %get3A_1138 : vector<16xf32>
          %get3A_1140 = arith.constant 2 : i32
          %get3A_1141 = arith.constant 10 : i32
          %get3A_1142 = arith.constant 0 : i32
          %get3A_1143 = arith.constant 0 : i32
          %get3A_1144 = tpu.memref_slice %arg22[%get3A_1140, %get3A_1142, %get3A_1143] : memref<6x16x17xf32, #tpu.memory_space<vmem>> -> memref<1x16x17xf32, #tpu.memory_space<vmem>>
          %get3A_1145 = tpu.memref_squeeze %get3A_1144 : memref<1x16x17xf32, #tpu.memory_space<vmem>> -> memref<16x17xf32, #tpu.memory_space<vmem>>
          %get3A_1146 = arith.constant 0 : i32
          %get3A_1147 = tpu.memref_slice %get3A_1145[%get3A_1141, %get3A_1146] : memref<16x17xf32, #tpu.memory_space<vmem>> -> memref<1x17xf32, #tpu.memory_space<vmem>>
          %get3A_1148 = tpu.memref_squeeze %get3A_1147 : memref<1x17xf32, #tpu.memory_space<vmem>> -> memref<17xf32, #tpu.memory_space<vmem>>
          %get3A_1149 = arith.constant 0 : index
          %get3A_1150 = tpu.vector_load %get3A_1148[%get3A_1149] {strides = array<i32>} : memref<17xf32, #tpu.memory_space<vmem>>, vector<16xf32>,
          %add3A_1151 = arith.addf %add3A_1139, %get3A_1150 : vector<16xf32>
          %get3A_1152 = arith.constant 2 : i32
          %get3A_1153 = arith.constant 11 : i32
          %get3A_1154 = arith.constant 0 : i32
          %get3A_1155 = arith.constant 0 : i32
          %get3A_1156 = tpu.memref_slice %arg22[%get3A_1152, %get3A_1154, %get3A_1155] : memref<6x16x17xf32, #tpu.memory_space<vmem>> -> memref<1x16x17xf32, #tpu.memory_space<vmem>>
          %get3A_1157 = tpu.memref_squeeze %get3A_1156 : memref<1x16x17xf32, #tpu.memory_space<vmem>> -> memref<16x17xf32, #tpu.memory_space<vmem>>
          %get3A_1158 = arith.constant 0 : i32
          %get3A_1159 = tpu.memref_slice %get3A_1157[%get3A_1153, %get3A_1158] : memref<16x17xf32, #tpu.memory_space<vmem>> -> memref<1x17xf32, #tpu.memory_space<vmem>>
          %get3A_1160 = tpu.memref_squeeze %get3A_1159 : memref<1x17xf32, #tpu.memory_space<vmem>> -> memref<17xf32, #tpu.memory_space<vmem>>
          %get3A_1161 = arith.constant 0 : index
          %get3A_1162 = tpu.vector_load %get3A_1160[%get3A_1161] {strides = array<i32>} : memref<17xf32, #tpu.memory_space<vmem>>, vector<16xf32>,
          %add3A_1163 = arith.addf %add3A_1151, %get3A_1162 : vector<16xf32>
          %get3A_1164 = arith.constant 2 : i32
          %get3A_1165 = arith.constant 12 : i32
          %get3A_1166 = arith.constant 0 : i32
          %get3A_1167 = arith.constant 0 : i32
          %get3A_1168 = tpu.memref_slice %arg22[%get3A_1164, %get3A_1166, %get3A_1167] : memref<6x16x17xf32, #tpu.memory_space<vmem>> -> memref<1x16x17xf32, #tpu.memory_space<vmem>>
          %get3A_1169 = tpu.memref_squeeze %get3A_1168 : memref<1x16x17xf32, #tpu.memory_space<vmem>> -> memref<16x17xf32, #tpu.memory_space<vmem>>
          %get3A_1170 = arith.constant 0 : i32
          %get3A_1171 = tpu.memref_slice %get3A_1169[%get3A_1165, %get3A_1170] : memref<16x17xf32, #tpu.memory_space<vmem>> -> memref<1x17xf32, #tpu.memory_space<vmem>>
          %get3A_1172 = tpu.memref_squeeze %get3A_1171 : memref<1x17xf32, #tpu.memory_space<vmem>> -> memref<17xf32, #tpu.memory_space<vmem>>
          %get3A_1173 = arith.constant 0 : index
          %get3A_1174 = tpu.vector_load %get3A_1172[%get3A_1173] {strides = array<i32>} : memref<17xf32, #tpu.memory_space<vmem>>, vector<16xf32>,
          %add3A_1175 = arith.addf %add3A_1163, %get3A_1174 : vector<16xf32>
          %get3A_1176 = arith.constant 2 : i32
          %get3A_1177 = arith.constant 13 : i32
          %get3A_1178 = arith.constant 0 : i32
          %get3A_1179 = arith.constant 0 : i32
          %get3A_1180 = tpu.memref_slice %arg22[%get3A_1176, %get3A_1178, %get3A_1179] : memref<6x16x17xf32, #tpu.memory_space<vmem>> -> memref<1x16x17xf32, #tpu.memory_space<vmem>>
          %get3A_1181 = tpu.memref_squeeze %get3A_1180 : memref<1x16x17xf32, #tpu.memory_space<vmem>> -> memref<16x17xf32, #tpu.memory_space<vmem>>
          %get3A_1182 = arith.constant 0 : i32
          %get3A_1183 = tpu.memref_slice %get3A_1181[%get3A_1177, %get3A_1182] : memref<16x17xf32, #tpu.memory_space<vmem>> -> memref<1x17xf32, #tpu.memory_space<vmem>>
          %get3A_1184 = tpu.memref_squeeze %get3A_1183 : memref<1x17xf32, #tpu.memory_space<vmem>> -> memref<17xf32, #tpu.memory_space<vmem>>
          %get3A_1185 = arith.constant 0 : index
          %get3A_1186 = tpu.vector_load %get3A_1184[%get3A_1185] {strides = array<i32>} : memref<17xf32, #tpu.memory_space<vmem>>, vector<16xf32>,
          %add3A_1187 = arith.addf %add3A_1175, %get3A_1186 : vector<16xf32>
          %get3A_1188 = arith.constant 2 : i32
          %get3A_1189 = arith.constant 14 : i32
          %get3A_1190 = arith.constant 0 : i32
          %get3A_1191 = arith.constant 0 : i32
          %get3A_1192 = tpu.memref_slice %arg22[%get3A_1188, %get3A_1190, %get3A_1191] : memref<6x16x17xf32, #tpu.memory_space<vmem>> -> memref<1x16x17xf32, #tpu.memory_space<vmem>>
          %get3A_1193 = tpu.memref_squeeze %get3A_1192 : memref<1x16x17xf32, #tpu.memory_space<vmem>> -> memref<16x17xf32, #tpu.memory_space<vmem>>
          %get3A_1194 = arith.constant 0 : i32
          %get3A_1195 = tpu.memref_slice %get3A_1193[%get3A_1189, %get3A_1194] : memref<16x17xf32, #tpu.memory_space<vmem>> -> memref<1x17xf32, #tpu.memory_space<vmem>>
          %get3A_1196 = tpu.memref_squeeze %get3A_1195 : memref<1x17xf32, #tpu.memory_space<vmem>> -> memref<17xf32, #tpu.memory_space<vmem>>
          %get3A_1197 = arith.constant 0 : index
          %get3A_1198 = tpu.vector_load %get3A_1196[%get3A_1197] {strides = array<i32>} : memref<17xf32, #tpu.memory_space<vmem>>, vector<16xf32>,
          %add3A_1199 = arith.addf %add3A_1187, %get3A_1198 : vector<16xf32>
          %get3A_1200 = arith.constant 2 : i32
          %get3A_1201 = arith.constant 15 : i32
          %get3A_1202 = arith.constant 0 : i32
          %get3A_1203 = arith.constant 0 : i32
          %get3A_1204 = tpu.memref_slice %arg22[%get3A_1200, %get3A_1202, %get3A_1203] : memref<6x16x17xf32, #tpu.memory_space<vmem>> -> memref<1x16x17xf32, #tpu.memory_space<vmem>>
          %get3A_1205 = tpu.memref_squeeze %get3A_1204 : memref<1x16x17xf32, #tpu.memory_space<vmem>> -> memref<16x17xf32, #tpu.memory_space<vmem>>
          %get3A_1206 = arith.constant 0 : i32
          %get3A_1207 = tpu.memref_slice %get3A_1205[%get3A_1201, %get3A_1206] : memref<16x17xf32, #tpu.memory_space<vmem>> -> memref<1x17xf32, #tpu.memory_space<vmem>>
          %get3A_1208 = tpu.memref_squeeze %get3A_1207 : memref<1x17xf32, #tpu.memory_space<vmem>> -> memref<17xf32, #tpu.memory_space<vmem>>
          %get3A_1209 = arith.constant 0 : index
          %get3A_1210 = tpu.vector_load %get3A_1208[%get3A_1209] {strides = array<i32>} : memref<17xf32, #tpu.memory_space<vmem>>, vector<16xf32>,
          %add3A_1211 = arith.addf %add3A_1199, %get3A_1210 : vector<16xf32>
          %get3A_1212 = arith.constant 3 : i32
          %get3A_1213 = arith.constant 0 : i32
          %get3A_1214 = arith.constant 0 : i32
          %get3A_1215 = arith.constant 0 : i32
          %get3A_1216 = tpu.memref_slice %arg22[%get3A_1212, %get3A_1214, %get3A_1215] : memref<6x16x17xf32, #tpu.memory_space<vmem>> -> memref<1x16x17xf32, #tpu.memory_space<vmem>>
          %get3A_1217 = tpu.memref_squeeze %get3A_1216 : memref<1x16x17xf32, #tpu.memory_space<vmem>> -> memref<16x17xf32, #tpu.memory_space<vmem>>
          %get3A_1218 = arith.constant 0 : i32
          %get3A_1219 = tpu.memref_slice %get3A_1217[%get3A_1213, %get3A_1218] : memref<16x17xf32, #tpu.memory_space<vmem>> -> memref<1x17xf32, #tpu.memory_space<vmem>>
          %get3A_1220 = tpu.memref_squeeze %get3A_1219 : memref<1x17xf32, #tpu.memory_space<vmem>> -> memref<17xf32, #tpu.memory_space<vmem>>
          %get3A_1221 = arith.constant 0 : index
          %get3A_1222 = tpu.vector_load %get3A_1220[%get3A_1221] {strides = array<i32>} : memref<17xf32, #tpu.memory_space<vmem>>, vector<16xf32>,
          %get3A_1223 = arith.constant 3 : i32
          %get3A_1224 = arith.constant 1 : i32
          %get3A_1225 = arith.constant 0 : i32
          %get3A_1226 = arith.constant 0 : i32
          %get3A_1227 = tpu.memref_slice %arg22[%get3A_1223, %get3A_1225, %get3A_1226] : memref<6x16x17xf32, #tpu.memory_space<vmem>> -> memref<1x16x17xf32, #tpu.memory_space<vmem>>
          %get3A_1228 = tpu.memref_squeeze %get3A_1227 : memref<1x16x17xf32, #tpu.memory_space<vmem>> -> memref<16x17xf32, #tpu.memory_space<vmem>>
          %get3A_1229 = arith.constant 0 : i32
          %get3A_1230 = tpu.memref_slice %get3A_1228[%get3A_1224, %get3A_1229] : memref<16x17xf32, #tpu.memory_space<vmem>> -> memref<1x17xf32, #tpu.memory_space<vmem>>
          %get3A_1231 = tpu.memref_squeeze %get3A_1230 : memref<1x17xf32, #tpu.memory_space<vmem>> -> memref<17xf32, #tpu.memory_space<vmem>>
          %get3A_1232 = arith.constant 0 : index
          %get3A_1233 = tpu.vector_load %get3A_1231[%get3A_1232] {strides = array<i32>} : memref<17xf32, #tpu.memory_space<vmem>>, vector<16xf32>,
          %add3A_1234 = arith.addf %get3A_1222, %get3A_1233 : vector<16xf32>
          %get3A_1235 = arith.constant 3 : i32
          %get3A_1236 = arith.constant 2 : i32
          %get3A_1237 = arith.constant 0 : i32
          %get3A_1238 = arith.constant 0 : i32
          %get3A_1239 = tpu.memref_slice %arg22[%get3A_1235, %get3A_1237, %get3A_1238] : memref<6x16x17xf32, #tpu.memory_space<vmem>> -> memref<1x16x17xf32, #tpu.memory_space<vmem>>
          %get3A_1240 = tpu.memref_squeeze %get3A_1239 : memref<1x16x17xf32, #tpu.memory_space<vmem>> -> memref<16x17xf32, #tpu.memory_space<vmem>>
          %get3A_1241 = arith.constant 0 : i32
          %get3A_1242 = tpu.memref_slice %get3A_1240[%get3A_1236, %get3A_1241] : memref<16x17xf32, #tpu.memory_space<vmem>> -> memref<1x17xf32, #tpu.memory_space<vmem>>
          %get3A_1243 = tpu.memref_squeeze %get3A_1242 : memref<1x17xf32, #tpu.memory_space<vmem>> -> memref<17xf32, #tpu.memory_space<vmem>>
          %get3A_1244 = arith.constant 0 : index
          %get3A_1245 = tpu.vector_load %get3A_1243[%get3A_1244] {strides = array<i32>} : memref<17xf32, #tpu.memory_space<vmem>>, vector<16xf32>,
          %add3A_1246 = arith.addf %add3A_1234, %get3A_1245 : vector<16xf32>
          %get3A_1247 = arith.constant 3 : i32
          %get3A_1248 = arith.constant 3 : i32
          %get3A_1249 = arith.constant 0 : i32
          %get3A_1250 = arith.constant 0 : i32
          %get3A_1251 = tpu.memref_slice %arg22[%get3A_1247, %get3A_1249, %get3A_1250] : memref<6x16x17xf32, #tpu.memory_space<vmem>> -> memref<1x16x17xf32, #tpu.memory_space<vmem>>
          %get3A_1252 = tpu.memref_squeeze %get3A_1251 : memref<1x16x17xf32, #tpu.memory_space<vmem>> -> memref<16x17xf32, #tpu.memory_space<vmem>>
          %get3A_1253 = arith.constant 0 : i32
          %get3A_1254 = tpu.memref_slice %get3A_1252[%get3A_1248, %get3A_1253] : memref<16x17xf32, #tpu.memory_space<vmem>> -> memref<1x17xf32, #tpu.memory_space<vmem>>
          %get3A_1255 = tpu.memref_squeeze %get3A_1254 : memref<1x17xf32, #tpu.memory_space<vmem>> -> memref<17xf32, #tpu.memory_space<vmem>>
          %get3A_1256 = arith.constant 0 : index
          %get3A_1257 = tpu.vector_load %get3A_1255[%get3A_1256] {strides = array<i32>} : memref<17xf32, #tpu.memory_space<vmem>>, vector<16xf32>,
          %add3A_1258 = arith.addf %add3A_1246, %get3A_1257 : vector<16xf32>
          %get3A_1259 = arith.constant 3 : i32
          %get3A_1260 = arith.constant 4 : i32
          %get3A_1261 = arith.constant 0 : i32
          %get3A_1262 = arith.constant 0 : i32
          %get3A_1263 = tpu.memref_slice %arg22[%get3A_1259, %get3A_1261, %get3A_1262] : memref<6x16x17xf32, #tpu.memory_space<vmem>> -> memref<1x16x17xf32, #tpu.memory_space<vmem>>
          %get3A_1264 = tpu.memref_squeeze %get3A_1263 : memref<1x16x17xf32, #tpu.memory_space<vmem>> -> memref<16x17xf32, #tpu.memory_space<vmem>>
          %get3A_1265 = arith.constant 0 : i32
          %get3A_1266 = tpu.memref_slice %get3A_1264[%get3A_1260, %get3A_1265] : memref<16x17xf32, #tpu.memory_space<vmem>> -> memref<1x17xf32, #tpu.memory_space<vmem>>
          %get3A_1267 = tpu.memref_squeeze %get3A_1266 : memref<1x17xf32, #tpu.memory_space<vmem>> -> memref<17xf32, #tpu.memory_space<vmem>>
          %get3A_1268 = arith.constant 0 : index
          %get3A_1269 = tpu.vector_load %get3A_1267[%get3A_1268] {strides = array<i32>} : memref<17xf32, #tpu.memory_space<vmem>>, vector<16xf32>,
          %add3A_1270 = arith.addf %add3A_1258, %get3A_1269 : vector<16xf32>
          %get3A_1271 = arith.constant 3 : i32
          %get3A_1272 = arith.constant 5 : i32
          %get3A_1273 = arith.constant 0 : i32
          %get3A_1274 = arith.constant 0 : i32
          %get3A_1275 = tpu.memref_slice %arg22[%get3A_1271, %get3A_1273, %get3A_1274] : memref<6x16x17xf32, #tpu.memory_space<vmem>> -> memref<1x16x17xf32, #tpu.memory_space<vmem>>
          %get3A_1276 = tpu.memref_squeeze %get3A_1275 : memref<1x16x17xf32, #tpu.memory_space<vmem>> -> memref<16x17xf32, #tpu.memory_space<vmem>>
          %get3A_1277 = arith.constant 0 : i32
          %get3A_1278 = tpu.memref_slice %get3A_1276[%get3A_1272, %get3A_1277] : memref<16x17xf32, #tpu.memory_space<vmem>> -> memref<1x17xf32, #tpu.memory_space<vmem>>
          %get3A_1279 = tpu.memref_squeeze %get3A_1278 : memref<1x17xf32, #tpu.memory_space<vmem>> -> memref<17xf32, #tpu.memory_space<vmem>>
          %get3A_1280 = arith.constant 0 : index
          %get3A_1281 = tpu.vector_load %get3A_1279[%get3A_1280] {strides = array<i32>} : memref<17xf32, #tpu.memory_space<vmem>>, vector<16xf32>,
          %add3A_1282 = arith.addf %add3A_1270, %get3A_1281 : vector<16xf32>
          %get3A_1283 = arith.constant 3 : i32
          %get3A_1284 = arith.constant 6 : i32
          %get3A_1285 = arith.constant 0 : i32
          %get3A_1286 = arith.constant 0 : i32
          %get3A_1287 = tpu.memref_slice %arg22[%get3A_1283, %get3A_1285, %get3A_1286] : memref<6x16x17xf32, #tpu.memory_space<vmem>> -> memref<1x16x17xf32, #tpu.memory_space<vmem>>
          %get3A_1288 = tpu.memref_squeeze %get3A_1287 : memref<1x16x17xf32, #tpu.memory_space<vmem>> -> memref<16x17xf32, #tpu.memory_space<vmem>>
          %get3A_1289 = arith.constant 0 : i32
          %get3A_1290 = tpu.memref_slice %get3A_1288[%get3A_1284, %get3A_1289] : memref<16x17xf32, #tpu.memory_space<vmem>> -> memref<1x17xf32, #tpu.memory_space<vmem>>
          %get3A_1291 = tpu.memref_squeeze %get3A_1290 : memref<1x17xf32, #tpu.memory_space<vmem>> -> memref<17xf32, #tpu.memory_space<vmem>>
          %get3A_1292 = arith.constant 0 : index
          %get3A_1293 = tpu.vector_load %get3A_1291[%get3A_1292] {strides = array<i32>} : memref<17xf32, #tpu.memory_space<vmem>>, vector<16xf32>,
          %add3A_1294 = arith.addf %add3A_1282, %get3A_1293 : vector<16xf32>
          %get3A_1295 = arith.constant 3 : i32
          %get3A_1296 = arith.constant 7 : i32
          %get3A_1297 = arith.constant 0 : i32
          %get3A_1298 = arith.constant 0 : i32
          %get3A_1299 = tpu.memref_slice %arg22[%get3A_1295, %get3A_1297, %get3A_1298] : memref<6x16x17xf32, #tpu.memory_space<vmem>> -> memref<1x16x17xf32, #tpu.memory_space<vmem>>
          %get3A_1300 = tpu.memref_squeeze %get3A_1299 : memref<1x16x17xf32, #tpu.memory_space<vmem>> -> memref<16x17xf32, #tpu.memory_space<vmem>>
          %get3A_1301 = arith.constant 0 : i32
          %get3A_1302 = tpu.memref_slice %get3A_1300[%get3A_1296, %get3A_1301] : memref<16x17xf32, #tpu.memory_space<vmem>> -> memref<1x17xf32, #tpu.memory_space<vmem>>
          %get3A_1303 = tpu.memref_squeeze %get3A_1302 : memref<1x17xf32, #tpu.memory_space<vmem>> -> memref<17xf32, #tpu.memory_space<vmem>>
          %get3A_1304 = arith.constant 0 : index
          %get3A_1305 = tpu.vector_load %get3A_1303[%get3A_1304] {strides = array<i32>} : memref<17xf32, #tpu.memory_space<vmem>>, vector<16xf32>,
          %add3A_1306 = arith.addf %add3A_1294, %get3A_1305 : vector<16xf32>
          %get3A_1307 = arith.constant 3 : i32
          %get3A_1308 = arith.constant 8 : i32
          %get3A_1309 = arith.constant 0 : i32
          %get3A_1310 = arith.constant 0 : i32
          %get3A_1311 = tpu.memref_slice %arg22[%get3A_1307, %get3A_1309, %get3A_1310] : memref<6x16x17xf32, #tpu.memory_space<vmem>> -> memref<1x16x17xf32, #tpu.memory_space<vmem>>
          %get3A_1312 = tpu.memref_squeeze %get3A_1311 : memref<1x16x17xf32, #tpu.memory_space<vmem>> -> memref<16x17xf32, #tpu.memory_space<vmem>>
          %get3A_1313 = arith.constant 0 : i32
          %get3A_1314 = tpu.memref_slice %get3A_1312[%get3A_1308, %get3A_1313] : memref<16x17xf32, #tpu.memory_space<vmem>> -> memref<1x17xf32, #tpu.memory_space<vmem>>
          %get3A_1315 = tpu.memref_squeeze %get3A_1314 : memref<1x17xf32, #tpu.memory_space<vmem>> -> memref<17xf32, #tpu.memory_space<vmem>>
          %get3A_1316 = arith.constant 0 : index
          %get3A_1317 = tpu.vector_load %get3A_1315[%get3A_1316] {strides = array<i32>} : memref<17xf32, #tpu.memory_space<vmem>>, vector<16xf32>,
          %add3A_1318 = arith.addf %add3A_1306, %get3A_1317 : vector<16xf32>
          %get3A_1319 = arith.constant 3 : i32
          %get3A_1320 = arith.constant 9 : i32
          %get3A_1321 = arith.constant 0 : i32
          %get3A_1322 = arith.constant 0 : i32
          %get3A_1323 = tpu.memref_slice %arg22[%get3A_1319, %get3A_1321, %get3A_1322] : memref<6x16x17xf32, #tpu.memory_space<vmem>> -> memref<1x16x17xf32, #tpu.memory_space<vmem>>
          %get3A_1324 = tpu.memref_squeeze %get3A_1323 : memref<1x16x17xf32, #tpu.memory_space<vmem>> -> memref<16x17xf32, #tpu.memory_space<vmem>>
          %get3A_1325 = arith.constant 0 : i32
          %get3A_1326 = tpu.memref_slice %get3A_1324[%get3A_1320, %get3A_1325] : memref<16x17xf32, #tpu.memory_space<vmem>> -> memref<1x17xf32, #tpu.memory_space<vmem>>
          %get3A_1327 = tpu.memref_squeeze %get3A_1326 : memref<1x17xf32, #tpu.memory_space<vmem>> -> memref<17xf32, #tpu.memory_space<vmem>>
          %get3A_1328 = arith.constant 0 : index
          %get3A_1329 = tpu.vector_load %get3A_1327[%get3A_1328] {strides = array<i32>} : memref<17xf32, #tpu.memory_space<vmem>>, vector<16xf32>,
          %add3A_1330 = arith.addf %add3A_1318, %get3A_1329 : vector<16xf32>
          %get3A_1331 = arith.constant 3 : i32
          %get3A_1332 = arith.constant 10 : i32
          %get3A_1333 = arith.constant 0 : i32
          %get3A_1334 = arith.constant 0 : i32
          %get3A_1335 = tpu.memref_slice %arg22[%get3A_1331, %get3A_1333, %get3A_1334] : memref<6x16x17xf32, #tpu.memory_space<vmem>> -> memref<1x16x17xf32, #tpu.memory_space<vmem>>
          %get3A_1336 = tpu.memref_squeeze %get3A_1335 : memref<1x16x17xf32, #tpu.memory_space<vmem>> -> memref<16x17xf32, #tpu.memory_space<vmem>>
          %get3A_1337 = arith.constant 0 : i32
          %get3A_1338 = tpu.memref_slice %get3A_1336[%get3A_1332, %get3A_1337] : memref<16x17xf32, #tpu.memory_space<vmem>> -> memref<1x17xf32, #tpu.memory_space<vmem>>
          %get3A_1339 = tpu.memref_squeeze %get3A_1338 : memref<1x17xf32, #tpu.memory_space<vmem>> -> memref<17xf32, #tpu.memory_space<vmem>>
          %get3A_1340 = arith.constant 0 : index
          %get3A_1341 = tpu.vector_load %get3A_1339[%get3A_1340] {strides = array<i32>} : memref<17xf32, #tpu.memory_space<vmem>>, vector<16xf32>,
          %add3A_1342 = arith.addf %add3A_1330, %get3A_1341 : vector<16xf32>
          %get3A_1343 = arith.constant 3 : i32
          %get3A_1344 = arith.constant 11 : i32
          %get3A_1345 = arith.constant 0 : i32
          %get3A_1346 = arith.constant 0 : i32
          %get3A_1347 = tpu.memref_slice %arg22[%get3A_1343, %get3A_1345, %get3A_1346] : memref<6x16x17xf32, #tpu.memory_space<vmem>> -> memref<1x16x17xf32, #tpu.memory_space<vmem>>
          %get3A_1348 = tpu.memref_squeeze %get3A_1347 : memref<1x16x17xf32, #tpu.memory_space<vmem>> -> memref<16x17xf32, #tpu.memory_space<vmem>>
          %get3A_1349 = arith.constant 0 : i32
          %get3A_1350 = tpu.memref_slice %get3A_1348[%get3A_1344, %get3A_1349] : memref<16x17xf32, #tpu.memory_space<vmem>> -> memref<1x17xf32, #tpu.memory_space<vmem>>
          %get3A_1351 = tpu.memref_squeeze %get3A_1350 : memref<1x17xf32, #tpu.memory_space<vmem>> -> memref<17xf32, #tpu.memory_space<vmem>>
          %get3A_1352 = arith.constant 0 : index
          %get3A_1353 = tpu.vector_load %get3A_1351[%get3A_1352] {strides = array<i32>} : memref<17xf32, #tpu.memory_space<vmem>>, vector<16xf32>,
          %add3A_1354 = arith.addf %add3A_1342, %get3A_1353 : vector<16xf32>
          %get3A_1355 = arith.constant 3 : i32
          %get3A_1356 = arith.constant 12 : i32
          %get3A_1357 = arith.constant 0 : i32
          %get3A_1358 = arith.constant 0 : i32
          %get3A_1359 = tpu.memref_slice %arg22[%get3A_1355, %get3A_1357, %get3A_1358] : memref<6x16x17xf32, #tpu.memory_space<vmem>> -> memref<1x16x17xf32, #tpu.memory_space<vmem>>
          %get3A_1360 = tpu.memref_squeeze %get3A_1359 : memref<1x16x17xf32, #tpu.memory_space<vmem>> -> memref<16x17xf32, #tpu.memory_space<vmem>>
          %get3A_1361 = arith.constant 0 : i32
          %get3A_1362 = tpu.memref_slice %get3A_1360[%get3A_1356, %get3A_1361] : memref<16x17xf32, #tpu.memory_space<vmem>> -> memref<1x17xf32, #tpu.memory_space<vmem>>
          %get3A_1363 = tpu.memref_squeeze %get3A_1362 : memref<1x17xf32, #tpu.memory_space<vmem>> -> memref<17xf32, #tpu.memory_space<vmem>>
          %get3A_1364 = arith.constant 0 : index
          %get3A_1365 = tpu.vector_load %get3A_1363[%get3A_1364] {strides = array<i32>} : memref<17xf32, #tpu.memory_space<vmem>>, vector<16xf32>,
          %add3A_1366 = arith.addf %add3A_1354, %get3A_1365 : vector<16xf32>
          %get3A_1367 = arith.constant 3 : i32
          %get3A_1368 = arith.constant 13 : i32
          %get3A_1369 = arith.constant 0 : i32
          %get3A_1370 = arith.constant 0 : i32
          %get3A_1371 = tpu.memref_slice %arg22[%get3A_1367, %get3A_1369, %get3A_1370] : memref<6x16x17xf32, #tpu.memory_space<vmem>> -> memref<1x16x17xf32, #tpu.memory_space<vmem>>
          %get3A_1372 = tpu.memref_squeeze %get3A_1371 : memref<1x16x17xf32, #tpu.memory_space<vmem>> -> memref<16x17xf32, #tpu.memory_space<vmem>>
          %get3A_1373 = arith.constant 0 : i32
          %get3A_1374 = tpu.memref_slice %get3A_1372[%get3A_1368, %get3A_1373] : memref<16x17xf32, #tpu.memory_space<vmem>> -> memref<1x17xf32, #tpu.memory_space<vmem>>
          %get3A_1375 = tpu.memref_squeeze %get3A_1374 : memref<1x17xf32, #tpu.memory_space<vmem>> -> memref<17xf32, #tpu.memory_space<vmem>>
          %get3A_1376 = arith.constant 0 : index
          %get3A_1377 = tpu.vector_load %get3A_1375[%get3A_1376] {strides = array<i32>} : memref<17xf32, #tpu.memory_space<vmem>>, vector<16xf32>,
          %add3A_1378 = arith.addf %add3A_1366, %get3A_1377 : vector<16xf32>
          %get3A_1379 = arith.constant 3 : i32
          %get3A_1380 = arith.constant 14 : i32
          %get3A_1381 = arith.constant 0 : i32
          %get3A_1382 = arith.constant 0 : i32
          %get3A_1383 = tpu.memref_slice %arg22[%get3A_1379, %get3A_1381, %get3A_1382] : memref<6x16x17xf32, #tpu.memory_space<vmem>> -> memref<1x16x17xf32, #tpu.memory_space<vmem>>
          %get3A_1384 = tpu.memref_squeeze %get3A_1383 : memref<1x16x17xf32, #tpu.memory_space<vmem>> -> memref<16x17xf32, #tpu.memory_space<vmem>>
          %get3A_1385 = arith.constant 0 : i32
          %get3A_1386 = tpu.memref_slice %get3A_1384[%get3A_1380, %get3A_1385] : memref<16x17xf32, #tpu.memory_space<vmem>> -> memref<1x17xf32, #tpu.memory_space<vmem>>
          %get3A_1387 = tpu.memref_squeeze %get3A_1386 : memref<1x17xf32, #tpu.memory_space<vmem>> -> memref<17xf32, #tpu.memory_space<vmem>>
          %get3A_1388 = arith.constant 0 : index
          %get3A_1389 = tpu.vector_load %get3A_1387[%get3A_1388] {strides = array<i32>} : memref<17xf32, #tpu.memory_space<vmem>>, vector<16xf32>,
          %add3A_1390 = arith.addf %add3A_1378, %get3A_1389 : vector<16xf32>
          %get3A_1391 = arith.constant 3 : i32
          %get3A_1392 = arith.constant 15 : i32
          %get3A_1393 = arith.constant 0 : i32
          %get3A_1394 = arith.constant 0 : i32
          %get3A_1395 = tpu.memref_slice %arg22[%get3A_1391, %get3A_1393, %get3A_1394] : memref<6x16x17xf32, #tpu.memory_space<vmem>> -> memref<1x16x17xf32, #tpu.memory_space<vmem>>
          %get3A_1396 = tpu.memref_squeeze %get3A_1395 : memref<1x16x17xf32, #tpu.memory_space<vmem>> -> memref<16x17xf32, #tpu.memory_space<vmem>>
          %get3A_1397 = arith.constant 0 : i32
          %get3A_1398 = tpu.memref_slice %get3A_1396[%get3A_1392, %get3A_1397] : memref<16x17xf32, #tpu.memory_space<vmem>> -> memref<1x17xf32, #tpu.memory_space<vmem>>
          %get3A_1399 = tpu.memref_squeeze %get3A_1398 : memref<1x17xf32, #tpu.memory_space<vmem>> -> memref<17xf32, #tpu.memory_space<vmem>>
          %get3A_1400 = arith.constant 0 : index
          %get3A_1401 = tpu.vector_load %get3A_1399[%get3A_1400] {strides = array<i32>} : memref<17xf32, #tpu.memory_space<vmem>>, vector<16xf32>,
          %add3A_1402 = arith.addf %add3A_1390, %get3A_1401 : vector<16xf32>
          %get3A_1403 = arith.constant 4 : i32
          %get3A_1404 = arith.constant 0 : i32
          %get3A_1405 = arith.constant 0 : i32
          %get3A_1406 = arith.constant 0 : i32
          %get3A_1407 = tpu.memref_slice %arg22[%get3A_1403, %get3A_1405, %get3A_1406] : memref<6x16x17xf32, #tpu.memory_space<vmem>> -> memref<1x16x17xf32, #tpu.memory_space<vmem>>
          %get3A_1408 = tpu.memref_squeeze %get3A_1407 : memref<1x16x17xf32, #tpu.memory_space<vmem>> -> memref<16x17xf32, #tpu.memory_space<vmem>>
          %get3A_1409 = arith.constant 0 : i32
          %get3A_1410 = tpu.memref_slice %get3A_1408[%get3A_1404, %get3A_1409] : memref<16x17xf32, #tpu.memory_space<vmem>> -> memref<1x17xf32, #tpu.memory_space<vmem>>
          %get3A_1411 = tpu.memref_squeeze %get3A_1410 : memref<1x17xf32, #tpu.memory_space<vmem>> -> memref<17xf32, #tpu.memory_space<vmem>>
          %get3A_1412 = arith.constant 0 : index
          %get3A_1413 = tpu.vector_load %get3A_1411[%get3A_1412] {strides = array<i32>} : memref<17xf32, #tpu.memory_space<vmem>>, vector<16xf32>,
          %get3A_1414 = arith.constant 4 : i32
          %get3A_1415 = arith.constant 1 : i32
          %get3A_1416 = arith.constant 0 : i32
          %get3A_1417 = arith.constant 0 : i32
          %get3A_1418 = tpu.memref_slice %arg22[%get3A_1414, %get3A_1416, %get3A_1417] : memref<6x16x17xf32, #tpu.memory_space<vmem>> -> memref<1x16x17xf32, #tpu.memory_space<vmem>>
          %get3A_1419 = tpu.memref_squeeze %get3A_1418 : memref<1x16x17xf32, #tpu.memory_space<vmem>> -> memref<16x17xf32, #tpu.memory_space<vmem>>
          %get3A_1420 = arith.constant 0 : i32
          %get3A_1421 = tpu.memref_slice %get3A_1419[%get3A_1415, %get3A_1420] : memref<16x17xf32, #tpu.memory_space<vmem>> -> memref<1x17xf32, #tpu.memory_space<vmem>>
          %get3A_1422 = tpu.memref_squeeze %get3A_1421 : memref<1x17xf32, #tpu.memory_space<vmem>> -> memref<17xf32, #tpu.memory_space<vmem>>
          %get3A_1423 = arith.constant 0 : index
          %get3A_1424 = tpu.vector_load %get3A_1422[%get3A_1423] {strides = array<i32>} : memref<17xf32, #tpu.memory_space<vmem>>, vector<16xf32>,
          %add3A_1425 = arith.addf %get3A_1413, %get3A_1424 : vector<16xf32>
          %get3A_1426 = arith.constant 4 : i32
          %get3A_1427 = arith.constant 2 : i32
          %get3A_1428 = arith.constant 0 : i32
          %get3A_1429 = arith.constant 0 : i32
          %get3A_1430 = tpu.memref_slice %arg22[%get3A_1426, %get3A_1428, %get3A_1429] : memref<6x16x17xf32, #tpu.memory_space<vmem>> -> memref<1x16x17xf32, #tpu.memory_space<vmem>>
          %get3A_1431 = tpu.memref_squeeze %get3A_1430 : memref<1x16x17xf32, #tpu.memory_space<vmem>> -> memref<16x17xf32, #tpu.memory_space<vmem>>
          %get3A_1432 = arith.constant 0 : i32
          %get3A_1433 = tpu.memref_slice %get3A_1431[%get3A_1427, %get3A_1432] : memref<16x17xf32, #tpu.memory_space<vmem>> -> memref<1x17xf32, #tpu.memory_space<vmem>>
          %get3A_1434 = tpu.memref_squeeze %get3A_1433 : memref<1x17xf32, #tpu.memory_space<vmem>> -> memref<17xf32, #tpu.memory_space<vmem>>
          %get3A_1435 = arith.constant 0 : index
          %get3A_1436 = tpu.vector_load %get3A_1434[%get3A_1435] {strides = array<i32>} : memref<17xf32, #tpu.memory_space<vmem>>, vector<16xf32>,
          %add3A_1437 = arith.addf %add3A_1425, %get3A_1436 : vector<16xf32>
          %get3A_1438 = arith.constant 4 : i32
          %get3A_1439 = arith.constant 3 : i32
          %get3A_1440 = arith.constant 0 : i32
          %get3A_1441 = arith.constant 0 : i32
          %get3A_1442 = tpu.memref_slice %arg22[%get3A_1438, %get3A_1440, %get3A_1441] : memref<6x16x17xf32, #tpu.memory_space<vmem>> -> memref<1x16x17xf32, #tpu.memory_space<vmem>>
          %get3A_1443 = tpu.memref_squeeze %get3A_1442 : memref<1x16x17xf32, #tpu.memory_space<vmem>> -> memref<16x17xf32, #tpu.memory_space<vmem>>
          %get3A_1444 = arith.constant 0 : i32
          %get3A_1445 = tpu.memref_slice %get3A_1443[%get3A_1439, %get3A_1444] : memref<16x17xf32, #tpu.memory_space<vmem>> -> memref<1x17xf32, #tpu.memory_space<vmem>>
          %get3A_1446 = tpu.memref_squeeze %get3A_1445 : memref<1x17xf32, #tpu.memory_space<vmem>> -> memref<17xf32, #tpu.memory_space<vmem>>
          %get3A_1447 = arith.constant 0 : index
          %get3A_1448 = tpu.vector_load %get3A_1446[%get3A_1447] {strides = array<i32>} : memref<17xf32, #tpu.memory_space<vmem>>, vector<16xf32>,
          %add3A_1449 = arith.addf %add3A_1437, %get3A_1448 : vector<16xf32>
          %get3A_1450 = arith.constant 4 : i32
          %get3A_1451 = arith.constant 4 : i32
          %get3A_1452 = arith.constant 0 : i32
          %get3A_1453 = arith.constant 0 : i32
          %get3A_1454 = tpu.memref_slice %arg22[%get3A_1450, %get3A_1452, %get3A_1453] : memref<6x16x17xf32, #tpu.memory_space<vmem>> -> memref<1x16x17xf32, #tpu.memory_space<vmem>>
          %get3A_1455 = tpu.memref_squeeze %get3A_1454 : memref<1x16x17xf32, #tpu.memory_space<vmem>> -> memref<16x17xf32, #tpu.memory_space<vmem>>
          %get3A_1456 = arith.constant 0 : i32
          %get3A_1457 = tpu.memref_slice %get3A_1455[%get3A_1451, %get3A_1456] : memref<16x17xf32, #tpu.memory_space<vmem>> -> memref<1x17xf32, #tpu.memory_space<vmem>>
          %get3A_1458 = tpu.memref_squeeze %get3A_1457 : memref<1x17xf32, #tpu.memory_space<vmem>> -> memref<17xf32, #tpu.memory_space<vmem>>
          %get3A_1459 = arith.constant 0 : index
          %get3A_1460 = tpu.vector_load %get3A_1458[%get3A_1459] {strides = array<i32>} : memref<17xf32, #tpu.memory_space<vmem>>, vector<16xf32>,
          %add3A_1461 = arith.addf %add3A_1449, %get3A_1460 : vector<16xf32>
          %get3A_1462 = arith.constant 4 : i32
          %get3A_1463 = arith.constant 5 : i32
          %get3A_1464 = arith.constant 0 : i32
          %get3A_1465 = arith.constant 0 : i32
          %get3A_1466 = tpu.memref_slice %arg22[%get3A_1462, %get3A_1464, %get3A_1465] : memref<6x16x17xf32, #tpu.memory_space<vmem>> -> memref<1x16x17xf32, #tpu.memory_space<vmem>>
          %get3A_1467 = tpu.memref_squeeze %get3A_1466 : memref<1x16x17xf32, #tpu.memory_space<vmem>> -> memref<16x17xf32, #tpu.memory_space<vmem>>
          %get3A_1468 = arith.constant 0 : i32
          %get3A_1469 = tpu.memref_slice %get3A_1467[%get3A_1463, %get3A_1468] : memref<16x17xf32, #tpu.memory_space<vmem>> -> memref<1x17xf32, #tpu.memory_space<vmem>>
          %get3A_1470 = tpu.memref_squeeze %get3A_1469 : memref<1x17xf32, #tpu.memory_space<vmem>> -> memref<17xf32, #tpu.memory_space<vmem>>
          %get3A_1471 = arith.constant 0 : index
          %get3A_1472 = tpu.vector_load %get3A_1470[%get3A_1471] {strides = array<i32>} : memref<17xf32, #tpu.memory_space<vmem>>, vector<16xf32>,
          %add3A_1473 = arith.addf %add3A_1461, %get3A_1472 : vector<16xf32>
          %get3A_1474 = arith.constant 4 : i32
          %get3A_1475 = arith.constant 6 : i32
          %get3A_1476 = arith.constant 0 : i32
          %get3A_1477 = arith.constant 0 : i32
          %get3A_1478 = tpu.memref_slice %arg22[%get3A_1474, %get3A_1476, %get3A_1477] : memref<6x16x17xf32, #tpu.memory_space<vmem>> -> memref<1x16x17xf32, #tpu.memory_space<vmem>>
          %get3A_1479 = tpu.memref_squeeze %get3A_1478 : memref<1x16x17xf32, #tpu.memory_space<vmem>> -> memref<16x17xf32, #tpu.memory_space<vmem>>
          %get3A_1480 = arith.constant 0 : i32
          %get3A_1481 = tpu.memref_slice %get3A_1479[%get3A_1475, %get3A_1480] : memref<16x17xf32, #tpu.memory_space<vmem>> -> memref<1x17xf32, #tpu.memory_space<vmem>>
          %get3A_1482 = tpu.memref_squeeze %get3A_1481 : memref<1x17xf32, #tpu.memory_space<vmem>> -> memref<17xf32, #tpu.memory_space<vmem>>
          %get3A_1483 = arith.constant 0 : index
          %get3A_1484 = tpu.vector_load %get3A_1482[%get3A_1483] {strides = array<i32>} : memref<17xf32, #tpu.memory_space<vmem>>, vector<16xf32>,
          %add3A_1485 = arith.addf %add3A_1473, %get3A_1484 : vector<16xf32>
          %get3A_1486 = arith.constant 4 : i32
          %get3A_1487 = arith.constant 7 : i32
          %get3A_1488 = arith.constant 0 : i32
          %get3A_1489 = arith.constant 0 : i32
          %get3A_1490 = tpu.memref_slice %arg22[%get3A_1486, %get3A_1488, %get3A_1489] : memref<6x16x17xf32, #tpu.memory_space<vmem>> -> memref<1x16x17xf32, #tpu.memory_space<vmem>>
          %get3A_1491 = tpu.memref_squeeze %get3A_1490 : memref<1x16x17xf32, #tpu.memory_space<vmem>> -> memref<16x17xf32, #tpu.memory_space<vmem>>
          %get3A_1492 = arith.constant 0 : i32
          %get3A_1493 = tpu.memref_slice %get3A_1491[%get3A_1487, %get3A_1492] : memref<16x17xf32, #tpu.memory_space<vmem>> -> memref<1x17xf32, #tpu.memory_space<vmem>>
          %get3A_1494 = tpu.memref_squeeze %get3A_1493 : memref<1x17xf32, #tpu.memory_space<vmem>> -> memref<17xf32, #tpu.memory_space<vmem>>
          %get3A_1495 = arith.constant 0 : index
          %get3A_1496 = tpu.vector_load %get3A_1494[%get3A_1495] {strides = array<i32>} : memref<17xf32, #tpu.memory_space<vmem>>, vector<16xf32>,
          %add3A_1497 = arith.addf %add3A_1485, %get3A_1496 : vector<16xf32>
          %get3A_1498 = arith.constant 4 : i32
          %get3A_1499 = arith.constant 8 : i32
          %get3A_1500 = arith.constant 0 : i32
          %get3A_1501 = arith.constant 0 : i32
          %get3A_1502 = tpu.memref_slice %arg22[%get3A_1498, %get3A_1500, %get3A_1501] : memref<6x16x17xf32, #tpu.memory_space<vmem>> -> memref<1x16x17xf32, #tpu.memory_space<vmem>>
          %get3A_1503 = tpu.memref_squeeze %get3A_1502 : memref<1x16x17xf32, #tpu.memory_space<vmem>> -> memref<16x17xf32, #tpu.memory_space<vmem>>
          %get3A_1504 = arith.constant 0 : i32
          %get3A_1505 = tpu.memref_slice %get3A_1503[%get3A_1499, %get3A_1504] : memref<16x17xf32, #tpu.memory_space<vmem>> -> memref<1x17xf32, #tpu.memory_space<vmem>>
          %get3A_1506 = tpu.memref_squeeze %get3A_1505 : memref<1x17xf32, #tpu.memory_space<vmem>> -> memref<17xf32, #tpu.memory_space<vmem>>
          %get3A_1507 = arith.constant 0 : index
          %get3A_1508 = tpu.vector_load %get3A_1506[%get3A_1507] {strides = array<i32>} : memref<17xf32, #tpu.memory_space<vmem>>, vector<16xf32>,
          %add3A_1509 = arith.addf %add3A_1497, %get3A_1508 : vector<16xf32>
          %get3A_1510 = arith.constant 4 : i32
          %get3A_1511 = arith.constant 9 : i32
          %get3A_1512 = arith.constant 0 : i32
          %get3A_1513 = arith.constant 0 : i32
          %get3A_1514 = tpu.memref_slice %arg22[%get3A_1510, %get3A_1512, %get3A_1513] : memref<6x16x17xf32, #tpu.memory_space<vmem>> -> memref<1x16x17xf32, #tpu.memory_space<vmem>>
          %get3A_1515 = tpu.memref_squeeze %get3A_1514 : memref<1x16x17xf32, #tpu.memory_space<vmem>> -> memref<16x17xf32, #tpu.memory_space<vmem>>
          %get3A_1516 = arith.constant 0 : i32
          %get3A_1517 = tpu.memref_slice %get3A_1515[%get3A_1511, %get3A_1516] : memref<16x17xf32, #tpu.memory_space<vmem>> -> memref<1x17xf32, #tpu.memory_space<vmem>>
          %get3A_1518 = tpu.memref_squeeze %get3A_1517 : memref<1x17xf32, #tpu.memory_space<vmem>> -> memref<17xf32, #tpu.memory_space<vmem>>
          %get3A_1519 = arith.constant 0 : index
          %get3A_1520 = tpu.vector_load %get3A_1518[%get3A_1519] {strides = array<i32>} : memref<17xf32, #tpu.memory_space<vmem>>, vector<16xf32>,
          %add3A_1521 = arith.addf %add3A_1509, %get3A_1520 : vector<16xf32>
          %get3A_1522 = arith.constant 4 : i32
          %get3A_1523 = arith.constant 10 : i32
          %get3A_1524 = arith.constant 0 : i32
          %get3A_1525 = arith.constant 0 : i32
          %get3A_1526 = tpu.memref_slice %arg22[%get3A_1522, %get3A_1524, %get3A_1525] : memref<6x16x17xf32, #tpu.memory_space<vmem>> -> memref<1x16x17xf32, #tpu.memory_space<vmem>>
          %get3A_1527 = tpu.memref_squeeze %get3A_1526 : memref<1x16x17xf32, #tpu.memory_space<vmem>> -> memref<16x17xf32, #tpu.memory_space<vmem>>
          %get3A_1528 = arith.constant 0 : i32
          %get3A_1529 = tpu.memref_slice %get3A_1527[%get3A_1523, %get3A_1528] : memref<16x17xf32, #tpu.memory_space<vmem>> -> memref<1x17xf32, #tpu.memory_space<vmem>>
          %get3A_1530 = tpu.memref_squeeze %get3A_1529 : memref<1x17xf32, #tpu.memory_space<vmem>> -> memref<17xf32, #tpu.memory_space<vmem>>
          %get3A_1531 = arith.constant 0 : index
          %get3A_1532 = tpu.vector_load %get3A_1530[%get3A_1531] {strides = array<i32>} : memref<17xf32, #tpu.memory_space<vmem>>, vector<16xf32>,
          %add3A_1533 = arith.addf %add3A_1521, %get3A_1532 : vector<16xf32>
          %get3A_1534 = arith.constant 4 : i32
          %get3A_1535 = arith.constant 11 : i32
          %get3A_1536 = arith.constant 0 : i32
          %get3A_1537 = arith.constant 0 : i32
          %get3A_1538 = tpu.memref_slice %arg22[%get3A_1534, %get3A_1536, %get3A_1537] : memref<6x16x17xf32, #tpu.memory_space<vmem>> -> memref<1x16x17xf32, #tpu.memory_space<vmem>>
          %get3A_1539 = tpu.memref_squeeze %get3A_1538 : memref<1x16x17xf32, #tpu.memory_space<vmem>> -> memref<16x17xf32, #tpu.memory_space<vmem>>
          %get3A_1540 = arith.constant 0 : i32
          %get3A_1541 = tpu.memref_slice %get3A_1539[%get3A_1535, %get3A_1540] : memref<16x17xf32, #tpu.memory_space<vmem>> -> memref<1x17xf32, #tpu.memory_space<vmem>>
          %get3A_1542 = tpu.memref_squeeze %get3A_1541 : memref<1x17xf32, #tpu.memory_space<vmem>> -> memref<17xf32, #tpu.memory_space<vmem>>
          %get3A_1543 = arith.constant 0 : index
          %get3A_1544 = tpu.vector_load %get3A_1542[%get3A_1543] {strides = array<i32>} : memref<17xf32, #tpu.memory_space<vmem>>, vector<16xf32>,
          %add3A_1545 = arith.addf %add3A_1533, %get3A_1544 : vector<16xf32>
          %get3A_1546 = arith.constant 4 : i32
          %get3A_1547 = arith.constant 12 : i32
          %get3A_1548 = arith.constant 0 : i32
          %get3A_1549 = arith.constant 0 : i32
          %get3A_1550 = tpu.memref_slice %arg22[%get3A_1546, %get3A_1548, %get3A_1549] : memref<6x16x17xf32, #tpu.memory_space<vmem>> -> memref<1x16x17xf32, #tpu.memory_space<vmem>>
          %get3A_1551 = tpu.memref_squeeze %get3A_1550 : memref<1x16x17xf32, #tpu.memory_space<vmem>> -> memref<16x17xf32, #tpu.memory_space<vmem>>
          %get3A_1552 = arith.constant 0 : i32
          %get3A_1553 = tpu.memref_slice %get3A_1551[%get3A_1547, %get3A_1552] : memref<16x17xf32, #tpu.memory_space<vmem>> -> memref<1x17xf32, #tpu.memory_space<vmem>>
          %get3A_1554 = tpu.memref_squeeze %get3A_1553 : memref<1x17xf32, #tpu.memory_space<vmem>> -> memref<17xf32, #tpu.memory_space<vmem>>
          %get3A_1555 = arith.constant 0 : index
          %get3A_1556 = tpu.vector_load %get3A_1554[%get3A_1555] {strides = array<i32>} : memref<17xf32, #tpu.memory_space<vmem>>, vector<16xf32>,
          %add3A_1557 = arith.addf %add3A_1545, %get3A_1556 : vector<16xf32>
          %get3A_1558 = arith.constant 4 : i32
          %get3A_1559 = arith.constant 13 : i32
          %get3A_1560 = arith.constant 0 : i32
          %get3A_1561 = arith.constant 0 : i32
          %get3A_1562 = tpu.memref_slice %arg22[%get3A_1558, %get3A_1560, %get3A_1561] : memref<6x16x17xf32, #tpu.memory_space<vmem>> -> memref<1x16x17xf32, #tpu.memory_space<vmem>>
          %get3A_1563 = tpu.memref_squeeze %get3A_1562 : memref<1x16x17xf32, #tpu.memory_space<vmem>> -> memref<16x17xf32, #tpu.memory_space<vmem>>
          %get3A_1564 = arith.constant 0 : i32
          %get3A_1565 = tpu.memref_slice %get3A_1563[%get3A_1559, %get3A_1564] : memref<16x17xf32, #tpu.memory_space<vmem>> -> memref<1x17xf32, #tpu.memory_space<vmem>>
          %get3A_1566 = tpu.memref_squeeze %get3A_1565 : memref<1x17xf32, #tpu.memory_space<vmem>> -> memref<17xf32, #tpu.memory_space<vmem>>
          %get3A_1567 = arith.constant 0 : index
          %get3A_1568 = tpu.vector_load %get3A_1566[%get3A_1567] {strides = array<i32>} : memref<17xf32, #tpu.memory_space<vmem>>, vector<16xf32>,
          %add3A_1569 = arith.addf %add3A_1557, %get3A_1568 : vector<16xf32>
          %get3A_1570 = arith.constant 4 : i32
          %get3A_1571 = arith.constant 14 : i32
          %get3A_1572 = arith.constant 0 : i32
          %get3A_1573 = arith.constant 0 : i32
          %get3A_1574 = tpu.memref_slice %arg22[%get3A_1570, %get3A_1572, %get3A_1573] : memref<6x16x17xf32, #tpu.memory_space<vmem>> -> memref<1x16x17xf32, #tpu.memory_space<vmem>>
          %get3A_1575 = tpu.memref_squeeze %get3A_1574 : memref<1x16x17xf32, #tpu.memory_space<vmem>> -> memref<16x17xf32, #tpu.memory_space<vmem>>
          %get3A_1576 = arith.constant 0 : i32
          %get3A_1577 = tpu.memref_slice %get3A_1575[%get3A_1571, %get3A_1576] : memref<16x17xf32, #tpu.memory_space<vmem>> -> memref<1x17xf32, #tpu.memory_space<vmem>>
          %get3A_1578 = tpu.memref_squeeze %get3A_1577 : memref<1x17xf32, #tpu.memory_space<vmem>> -> memref<17xf32, #tpu.memory_space<vmem>>
          %get3A_1579 = arith.constant 0 : index
          %get3A_1580 = tpu.vector_load %get3A_1578[%get3A_1579] {strides = array<i32>} : memref<17xf32, #tpu.memory_space<vmem>>, vector<16xf32>,
          %add3A_1581 = arith.addf %add3A_1569, %get3A_1580 : vector<16xf32>
          %get3A_1582 = arith.constant 4 : i32
          %get3A_1583 = arith.constant 15 : i32
          %get3A_1584 = arith.constant 0 : i32
          %get3A_1585 = arith.constant 0 : i32
          %get3A_1586 = tpu.memref_slice %arg22[%get3A_1582, %get3A_1584, %get3A_1585] : memref<6x16x17xf32, #tpu.memory_space<vmem>> -> memref<1x16x17xf32, #tpu.memory_space<vmem>>
          %get3A_1587 = tpu.memref_squeeze %get3A_1586 : memref<1x16x17xf32, #tpu.memory_space<vmem>> -> memref<16x17xf32, #tpu.memory_space<vmem>>
          %get3A_1588 = arith.constant 0 : i32
          %get3A_1589 = tpu.memref_slice %get3A_1587[%get3A_1583, %get3A_1588] : memref<16x17xf32, #tpu.memory_space<vmem>> -> memref<1x17xf32, #tpu.memory_space<vmem>>
          %get3A_1590 = tpu.memref_squeeze %get3A_1589 : memref<1x17xf32, #tpu.memory_space<vmem>> -> memref<17xf32, #tpu.memory_space<vmem>>
          %get3A_1591 = arith.constant 0 : index
          %get3A_1592 = tpu.vector_load %get3A_1590[%get3A_1591] {strides = array<i32>} : memref<17xf32, #tpu.memory_space<vmem>>, vector<16xf32>,
          %add3A_1593 = arith.addf %add3A_1581, %get3A_1592 : vector<16xf32>
          %get3A_1594 = arith.constant 5 : i32
          %get3A_1595 = arith.constant 0 : i32
          %get3A_1596 = arith.constant 0 : i32
          %get3A_1597 = arith.constant 0 : i32
          %get3A_1598 = tpu.memref_slice %arg22[%get3A_1594, %get3A_1596, %get3A_1597] : memref<6x16x17xf32, #tpu.memory_space<vmem>> -> memref<1x16x17xf32, #tpu.memory_space<vmem>>
          %get3A_1599 = tpu.memref_squeeze %get3A_1598 : memref<1x16x17xf32, #tpu.memory_space<vmem>> -> memref<16x17xf32, #tpu.memory_space<vmem>>
          %get3A_1600 = arith.constant 0 : i32
          %get3A_1601 = tpu.memref_slice %get3A_1599[%get3A_1595, %get3A_1600] : memref<16x17xf32, #tpu.memory_space<vmem>> -> memref<1x17xf32, #tpu.memory_space<vmem>>
          %get3A_1602 = tpu.memref_squeeze %get3A_1601 : memref<1x17xf32, #tpu.memory_space<vmem>> -> memref<17xf32, #tpu.memory_space<vmem>>
          %get3A_1603 = arith.constant 0 : index
          %get3A_1604 = tpu.vector_load %get3A_1602[%get3A_1603] {strides = array<i32>} : memref<17xf32, #tpu.memory_space<vmem>>, vector<16xf32>,
          %get3A_1605 = arith.constant 5 : i32
          %get3A_1606 = arith.constant 1 : i32
          %get3A_1607 = arith.constant 0 : i32
          %get3A_1608 = arith.constant 0 : i32
          %get3A_1609 = tpu.memref_slice %arg22[%get3A_1605, %get3A_1607, %get3A_1608] : memref<6x16x17xf32, #tpu.memory_space<vmem>> -> memref<1x16x17xf32, #tpu.memory_space<vmem>>
          %get3A_1610 = tpu.memref_squeeze %get3A_1609 : memref<1x16x17xf32, #tpu.memory_space<vmem>> -> memref<16x17xf32, #tpu.memory_space<vmem>>
          %get3A_1611 = arith.constant 0 : i32
          %get3A_1612 = tpu.memref_slice %get3A_1610[%get3A_1606, %get3A_1611] : memref<16x17xf32, #tpu.memory_space<vmem>> -> memref<1x17xf32, #tpu.memory_space<vmem>>
          %get3A_1613 = tpu.memref_squeeze %get3A_1612 : memref<1x17xf32, #tpu.memory_space<vmem>> -> memref<17xf32, #tpu.memory_space<vmem>>
          %get3A_1614 = arith.constant 0 : index
          %get3A_1615 = tpu.vector_load %get3A_1613[%get3A_1614] {strides = array<i32>} : memref<17xf32, #tpu.memory_space<vmem>>, vector<16xf32>,
          %add3A_1616 = arith.addf %get3A_1604, %get3A_1615 : vector<16xf32>
          %get3A_1617 = arith.constant 5 : i32
          %get3A_1618 = arith.constant 2 : i32
          %get3A_1619 = arith.constant 0 : i32
          %get3A_1620 = arith.constant 0 : i32
          %get3A_1621 = tpu.memref_slice %arg22[%get3A_1617, %get3A_1619, %get3A_1620] : memref<6x16x17xf32, #tpu.memory_space<vmem>> -> memref<1x16x17xf32, #tpu.memory_space<vmem>>
          %get3A_1622 = tpu.memref_squeeze %get3A_1621 : memref<1x16x17xf32, #tpu.memory_space<vmem>> -> memref<16x17xf32, #tpu.memory_space<vmem>>
          %get3A_1623 = arith.constant 0 : i32
          %get3A_1624 = tpu.memref_slice %get3A_1622[%get3A_1618, %get3A_1623] : memref<16x17xf32, #tpu.memory_space<vmem>> -> memref<1x17xf32, #tpu.memory_space<vmem>>
          %get3A_1625 = tpu.memref_squeeze %get3A_1624 : memref<1x17xf32, #tpu.memory_space<vmem>> -> memref<17xf32, #tpu.memory_space<vmem>>
          %get3A_1626 = arith.constant 0 : index
          %get3A_1627 = tpu.vector_load %get3A_1625[%get3A_1626] {strides = array<i32>} : memref<17xf32, #tpu.memory_space<vmem>>, vector<16xf32>,
          %add3A_1628 = arith.addf %add3A_1616, %get3A_1627 : vector<16xf32>
          %get3A_1629 = arith.constant 5 : i32
          %get3A_1630 = arith.constant 3 : i32
          %get3A_1631 = arith.constant 0 : i32
          %get3A_1632 = arith.constant 0 : i32
          %get3A_1633 = tpu.memref_slice %arg22[%get3A_1629, %get3A_1631, %get3A_1632] : memref<6x16x17xf32, #tpu.memory_space<vmem>> -> memref<1x16x17xf32, #tpu.memory_space<vmem>>
          %get3A_1634 = tpu.memref_squeeze %get3A_1633 : memref<1x16x17xf32, #tpu.memory_space<vmem>> -> memref<16x17xf32, #tpu.memory_space<vmem>>
          %get3A_1635 = arith.constant 0 : i32
          %get3A_1636 = tpu.memref_slice %get3A_1634[%get3A_1630, %get3A_1635] : memref<16x17xf32, #tpu.memory_space<vmem>> -> memref<1x17xf32, #tpu.memory_space<vmem>>
          %get3A_1637 = tpu.memref_squeeze %get3A_1636 : memref<1x17xf32, #tpu.memory_space<vmem>> -> memref<17xf32, #tpu.memory_space<vmem>>
          %get3A_1638 = arith.constant 0 : index
          %get3A_1639 = tpu.vector_load %get3A_1637[%get3A_1638] {strides = array<i32>} : memref<17xf32, #tpu.memory_space<vmem>>, vector<16xf32>,
          %add3A_1640 = arith.addf %add3A_1628, %get3A_1639 : vector<16xf32>
          %get3A_1641 = arith.constant 5 : i32
          %get3A_1642 = arith.constant 4 : i32
          %get3A_1643 = arith.constant 0 : i32
          %get3A_1644 = arith.constant 0 : i32
          %get3A_1645 = tpu.memref_slice %arg22[%get3A_1641, %get3A_1643, %get3A_1644] : memref<6x16x17xf32, #tpu.memory_space<vmem>> -> memref<1x16x17xf32, #tpu.memory_space<vmem>>
          %get3A_1646 = tpu.memref_squeeze %get3A_1645 : memref<1x16x17xf32, #tpu.memory_space<vmem>> -> memref<16x17xf32, #tpu.memory_space<vmem>>
          %get3A_1647 = arith.constant 0 : i32
          %get3A_1648 = tpu.memref_slice %get3A_1646[%get3A_1642, %get3A_1647] : memref<16x17xf32, #tpu.memory_space<vmem>> -> memref<1x17xf32, #tpu.memory_space<vmem>>
          %get3A_1649 = tpu.memref_squeeze %get3A_1648 : memref<1x17xf32, #tpu.memory_space<vmem>> -> memref<17xf32, #tpu.memory_space<vmem>>
          %get3A_1650 = arith.constant 0 : index
          %get3A_1651 = tpu.vector_load %get3A_1649[%get3A_1650] {strides = array<i32>} : memref<17xf32, #tpu.memory_space<vmem>>, vector<16xf32>,
          %add3A_1652 = arith.addf %add3A_1640, %get3A_1651 : vector<16xf32>
          %get3A_1653 = arith.constant 5 : i32
          %get3A_1654 = arith.constant 5 : i32
          %get3A_1655 = arith.constant 0 : i32
          %get3A_1656 = arith.constant 0 : i32
          %get3A_1657 = tpu.memref_slice %arg22[%get3A_1653, %get3A_1655, %get3A_1656] : memref<6x16x17xf32, #tpu.memory_space<vmem>> -> memref<1x16x17xf32, #tpu.memory_space<vmem>>
          %get3A_1658 = tpu.memref_squeeze %get3A_1657 : memref<1x16x17xf32, #tpu.memory_space<vmem>> -> memref<16x17xf32, #tpu.memory_space<vmem>>
          %get3A_1659 = arith.constant 0 : i32
          %get3A_1660 = tpu.memref_slice %get3A_1658[%get3A_1654, %get3A_1659] : memref<16x17xf32, #tpu.memory_space<vmem>> -> memref<1x17xf32, #tpu.memory_space<vmem>>
          %get3A_1661 = tpu.memref_squeeze %get3A_1660 : memref<1x17xf32, #tpu.memory_space<vmem>> -> memref<17xf32, #tpu.memory_space<vmem>>
          %get3A_1662 = arith.constant 0 : index
          %get3A_1663 = tpu.vector_load %get3A_1661[%get3A_1662] {strides = array<i32>} : memref<17xf32, #tpu.memory_space<vmem>>, vector<16xf32>,
          %add3A_1664 = arith.addf %add3A_1652, %get3A_1663 : vector<16xf32>
          %get3A_1665 = arith.constant 5 : i32
          %get3A_1666 = arith.constant 6 : i32
          %get3A_1667 = arith.constant 0 : i32
          %get3A_1668 = arith.constant 0 : i32
          %get3A_1669 = tpu.memref_slice %arg22[%get3A_1665, %get3A_1667, %get3A_1668] : memref<6x16x17xf32, #tpu.memory_space<vmem>> -> memref<1x16x17xf32, #tpu.memory_space<vmem>>
          %get3A_1670 = tpu.memref_squeeze %get3A_1669 : memref<1x16x17xf32, #tpu.memory_space<vmem>> -> memref<16x17xf32, #tpu.memory_space<vmem>>
          %get3A_1671 = arith.constant 0 : i32
          %get3A_1672 = tpu.memref_slice %get3A_1670[%get3A_1666, %get3A_1671] : memref<16x17xf32, #tpu.memory_space<vmem>> -> memref<1x17xf32, #tpu.memory_space<vmem>>
          %get3A_1673 = tpu.memref_squeeze %get3A_1672 : memref<1x17xf32, #tpu.memory_space<vmem>> -> memref<17xf32, #tpu.memory_space<vmem>>
          %get3A_1674 = arith.constant 0 : index
          %get3A_1675 = tpu.vector_load %get3A_1673[%get3A_1674] {strides = array<i32>} : memref<17xf32, #tpu.memory_space<vmem>>, vector<16xf32>,
          %add3A_1676 = arith.addf %add3A_1664, %get3A_1675 : vector<16xf32>
          %get3A_1677 = arith.constant 5 : i32
          %get3A_1678 = arith.constant 7 : i32
          %get3A_1679 = arith.constant 0 : i32
          %get3A_1680 = arith.constant 0 : i32
          %get3A_1681 = tpu.memref_slice %arg22[%get3A_1677, %get3A_1679, %get3A_1680] : memref<6x16x17xf32, #tpu.memory_space<vmem>> -> memref<1x16x17xf32, #tpu.memory_space<vmem>>
          %get3A_1682 = tpu.memref_squeeze %get3A_1681 : memref<1x16x17xf32, #tpu.memory_space<vmem>> -> memref<16x17xf32, #tpu.memory_space<vmem>>
          %get3A_1683 = arith.constant 0 : i32
          %get3A_1684 = tpu.memref_slice %get3A_1682[%get3A_1678, %get3A_1683] : memref<16x17xf32, #tpu.memory_space<vmem>> -> memref<1x17xf32, #tpu.memory_space<vmem>>
          %get3A_1685 = tpu.memref_squeeze %get3A_1684 : memref<1x17xf32, #tpu.memory_space<vmem>> -> memref<17xf32, #tpu.memory_space<vmem>>
          %get3A_1686 = arith.constant 0 : index
          %get3A_1687 = tpu.vector_load %get3A_1685[%get3A_1686] {strides = array<i32>} : memref<17xf32, #tpu.memory_space<vmem>>, vector<16xf32>,
          %add3A_1688 = arith.addf %add3A_1676, %get3A_1687 : vector<16xf32>
          %get3A_1689 = arith.constant 5 : i32
          %get3A_1690 = arith.constant 8 : i32
          %get3A_1691 = arith.constant 0 : i32
          %get3A_1692 = arith.constant 0 : i32
          %get3A_1693 = tpu.memref_slice %arg22[%get3A_1689, %get3A_1691, %get3A_1692] : memref<6x16x17xf32, #tpu.memory_space<vmem>> -> memref<1x16x17xf32, #tpu.memory_space<vmem>>
          %get3A_1694 = tpu.memref_squeeze %get3A_1693 : memref<1x16x17xf32, #tpu.memory_space<vmem>> -> memref<16x17xf32, #tpu.memory_space<vmem>>
          %get3A_1695 = arith.constant 0 : i32
          %get3A_1696 = tpu.memref_slice %get3A_1694[%get3A_1690, %get3A_1695] : memref<16x17xf32, #tpu.memory_space<vmem>> -> memref<1x17xf32, #tpu.memory_space<vmem>>
          %get3A_1697 = tpu.memref_squeeze %get3A_1696 : memref<1x17xf32, #tpu.memory_space<vmem>> -> memref<17xf32, #tpu.memory_space<vmem>>
          %get3A_1698 = arith.constant 0 : index
          %get3A_1699 = tpu.vector_load %get3A_1697[%get3A_1698] {strides = array<i32>} : memref<17xf32, #tpu.memory_space<vmem>>, vector<16xf32>,
          %add3A_1700 = arith.addf %add3A_1688, %get3A_1699 : vector<16xf32>
          %get3A_1701 = arith.constant 5 : i32
          %get3A_1702 = arith.constant 9 : i32
          %get3A_1703 = arith.constant 0 : i32
          %get3A_1704 = arith.constant 0 : i32
          %get3A_1705 = tpu.memref_slice %arg22[%get3A_1701, %get3A_1703, %get3A_1704] : memref<6x16x17xf32, #tpu.memory_space<vmem>> -> memref<1x16x17xf32, #tpu.memory_space<vmem>>
          %get3A_1706 = tpu.memref_squeeze %get3A_1705 : memref<1x16x17xf32, #tpu.memory_space<vmem>> -> memref<16x17xf32, #tpu.memory_space<vmem>>
          %get3A_1707 = arith.constant 0 : i32
          %get3A_1708 = tpu.memref_slice %get3A_1706[%get3A_1702, %get3A_1707] : memref<16x17xf32, #tpu.memory_space<vmem>> -> memref<1x17xf32, #tpu.memory_space<vmem>>
          %get3A_1709 = tpu.memref_squeeze %get3A_1708 : memref<1x17xf32, #tpu.memory_space<vmem>> -> memref<17xf32, #tpu.memory_space<vmem>>
          %get3A_1710 = arith.constant 0 : index
          %get3A_1711 = tpu.vector_load %get3A_1709[%get3A_1710] {strides = array<i32>} : memref<17xf32, #tpu.memory_space<vmem>>, vector<16xf32>,
          %add3A_1712 = arith.addf %add3A_1700, %get3A_1711 : vector<16xf32>
          %get3A_1713 = arith.constant 5 : i32
          %get3A_1714 = arith.constant 10 : i32
          %get3A_1715 = arith.constant 0 : i32
          %get3A_1716 = arith.constant 0 : i32
          %get3A_1717 = tpu.memref_slice %arg22[%get3A_1713, %get3A_1715, %get3A_1716] : memref<6x16x17xf32, #tpu.memory_space<vmem>> -> memref<1x16x17xf32, #tpu.memory_space<vmem>>
          %get3A_1718 = tpu.memref_squeeze %get3A_1717 : memref<1x16x17xf32, #tpu.memory_space<vmem>> -> memref<16x17xf32, #tpu.memory_space<vmem>>
          %get3A_1719 = arith.constant 0 : i32
          %get3A_1720 = tpu.memref_slice %get3A_1718[%get3A_1714, %get3A_1719] : memref<16x17xf32, #tpu.memory_space<vmem>> -> memref<1x17xf32, #tpu.memory_space<vmem>>
          %get3A_1721 = tpu.memref_squeeze %get3A_1720 : memref<1x17xf32, #tpu.memory_space<vmem>> -> memref<17xf32, #tpu.memory_space<vmem>>
          %get3A_1722 = arith.constant 0 : index
          %get3A_1723 = tpu.vector_load %get3A_1721[%get3A_1722] {strides = array<i32>} : memref<17xf32, #tpu.memory_space<vmem>>, vector<16xf32>,
          %add3A_1724 = arith.addf %add3A_1712, %get3A_1723 : vector<16xf32>
          %get3A_1725 = arith.constant 5 : i32
          %get3A_1726 = arith.constant 11 : i32
          %get3A_1727 = arith.constant 0 : i32
          %get3A_1728 = arith.constant 0 : i32
          %get3A_1729 = tpu.memref_slice %arg22[%get3A_1725, %get3A_1727, %get3A_1728] : memref<6x16x17xf32, #tpu.memory_space<vmem>> -> memref<1x16x17xf32, #tpu.memory_space<vmem>>
          %get3A_1730 = tpu.memref_squeeze %get3A_1729 : memref<1x16x17xf32, #tpu.memory_space<vmem>> -> memref<16x17xf32, #tpu.memory_space<vmem>>
          %get3A_1731 = arith.constant 0 : i32
          %get3A_1732 = tpu.memref_slice %get3A_1730[%get3A_1726, %get3A_1731] : memref<16x17xf32, #tpu.memory_space<vmem>> -> memref<1x17xf32, #tpu.memory_space<vmem>>
          %get3A_1733 = tpu.memref_squeeze %get3A_1732 : memref<1x17xf32, #tpu.memory_space<vmem>> -> memref<17xf32, #tpu.memory_space<vmem>>
          %get3A_1734 = arith.constant 0 : index
          %get3A_1735 = tpu.vector_load %get3A_1733[%get3A_1734] {strides = array<i32>} : memref<17xf32, #tpu.memory_space<vmem>>, vector<16xf32>,
          %add3A_1736 = arith.addf %add3A_1724, %get3A_1735 : vector<16xf32>
          %get3A_1737 = arith.constant 5 : i32
          %get3A_1738 = arith.constant 12 : i32
          %get3A_1739 = arith.constant 0 : i32
          %get3A_1740 = arith.constant 0 : i32
          %get3A_1741 = tpu.memref_slice %arg22[%get3A_1737, %get3A_1739, %get3A_1740] : memref<6x16x17xf32, #tpu.memory_space<vmem>> -> memref<1x16x17xf32, #tpu.memory_space<vmem>>
          %get3A_1742 = tpu.memref_squeeze %get3A_1741 : memref<1x16x17xf32, #tpu.memory_space<vmem>> -> memref<16x17xf32, #tpu.memory_space<vmem>>
          %get3A_1743 = arith.constant 0 : i32
          %get3A_1744 = tpu.memref_slice %get3A_1742[%get3A_1738, %get3A_1743] : memref<16x17xf32, #tpu.memory_space<vmem>> -> memref<1x17xf32, #tpu.memory_space<vmem>>
          %get3A_1745 = tpu.memref_squeeze %get3A_1744 : memref<1x17xf32, #tpu.memory_space<vmem>> -> memref<17xf32, #tpu.memory_space<vmem>>
          %get3A_1746 = arith.constant 0 : index
          %get3A_1747 = tpu.vector_load %get3A_1745[%get3A_1746] {strides = array<i32>} : memref<17xf32, #tpu.memory_space<vmem>>, vector<16xf32>,
          %add3A_1748 = arith.addf %add3A_1736, %get3A_1747 : vector<16xf32>
          %get3A_1749 = arith.constant 5 : i32
          %get3A_1750 = arith.constant 13 : i32
          %get3A_1751 = arith.constant 0 : i32
          %get3A_1752 = arith.constant 0 : i32
          %get3A_1753 = tpu.memref_slice %arg22[%get3A_1749, %get3A_1751, %get3A_1752] : memref<6x16x17xf32, #tpu.memory_space<vmem>> -> memref<1x16x17xf32, #tpu.memory_space<vmem>>
          %get3A_1754 = tpu.memref_squeeze %get3A_1753 : memref<1x16x17xf32, #tpu.memory_space<vmem>> -> memref<16x17xf32, #tpu.memory_space<vmem>>
          %get3A_1755 = arith.constant 0 : i32
          %get3A_1756 = tpu.memref_slice %get3A_1754[%get3A_1750, %get3A_1755] : memref<16x17xf32, #tpu.memory_space<vmem>> -> memref<1x17xf32, #tpu.memory_space<vmem>>
          %get3A_1757 = tpu.memref_squeeze %get3A_1756 : memref<1x17xf32, #tpu.memory_space<vmem>> -> memref<17xf32, #tpu.memory_space<vmem>>
          %get3A_1758 = arith.constant 0 : index
          %get3A_1759 = tpu.vector_load %get3A_1757[%get3A_1758] {strides = array<i32>} : memref<17xf32, #tpu.memory_space<vmem>>, vector<16xf32>,
          %add3A_1760 = arith.addf %add3A_1748, %get3A_1759 : vector<16xf32>
          %get3A_1761 = arith.constant 5 : i32
          %get3A_1762 = arith.constant 14 : i32
          %get3A_1763 = arith.constant 0 : i32
          %get3A_1764 = arith.constant 0 : i32
          %get3A_1765 = tpu.memref_slice %arg22[%get3A_1761, %get3A_1763, %get3A_1764] : memref<6x16x17xf32, #tpu.memory_space<vmem>> -> memref<1x16x17xf32, #tpu.memory_space<vmem>>
          %get3A_1766 = tpu.memref_squeeze %get3A_1765 : memref<1x16x17xf32, #tpu.memory_space<vmem>> -> memref<16x17xf32, #tpu.memory_space<vmem>>
          %get3A_1767 = arith.constant 0 : i32
          %get3A_1768 = tpu.memref_slice %get3A_1766[%get3A_1762, %get3A_1767] : memref<16x17xf32, #tpu.memory_space<vmem>> -> memref<1x17xf32, #tpu.memory_space<vmem>>
          %get3A_1769 = tpu.memref_squeeze %get3A_1768 : memref<1x17xf32, #tpu.memory_space<vmem>> -> memref<17xf32, #tpu.memory_space<vmem>>
          %get3A_1770 = arith.constant 0 : index
          %get3A_1771 = tpu.vector_load %get3A_1769[%get3A_1770] {strides = array<i32>} : memref<17xf32, #tpu.memory_space<vmem>>, vector<16xf32>,
          %add3A_1772 = arith.addf %add3A_1760, %get3A_1771 : vector<16xf32>
          %get3A_1773 = arith.constant 5 : i32
          %get3A_1774 = arith.constant 15 : i32
          %get3A_1775 = arith.constant 0 : i32
          %get3A_1776 = arith.constant 0 : i32
          %get3A_1777 = tpu.memref_slice %arg22[%get3A_1773, %get3A_1775, %get3A_1776] : memref<6x16x17xf32, #tpu.memory_space<vmem>> -> memref<1x16x17xf32, #tpu.memory_space<vmem>>
          %get3A_1778 = tpu.memref_squeeze %get3A_1777 : memref<1x16x17xf32, #tpu.memory_space<vmem>> -> memref<16x17xf32, #tpu.memory_space<vmem>>
          %get3A_1779 = arith.constant 0 : i32
          %get3A_1780 = tpu.memref_slice %get3A_1778[%get3A_1774, %get3A_1779] : memref<16x17xf32, #tpu.memory_space<vmem>> -> memref<1x17xf32, #tpu.memory_space<vmem>>
          %get3A_1781 = tpu.memref_squeeze %get3A_1780 : memref<1x17xf32, #tpu.memory_space<vmem>> -> memref<17xf32, #tpu.memory_space<vmem>>
          %get3A_1782 = arith.constant 0 : index
          %get3A_1783 = tpu.vector_load %get3A_1781[%get3A_1782] {strides = array<i32>} : memref<17xf32, #tpu.memory_space<vmem>>, vector<16xf32>,
          %add3A_1784 = arith.addf %add3A_1772, %get3A_1783 : vector<16xf32>
          %sub3A = arith.constant 15 : i32
          %sub3A_1785 = arith.subi %add3A_638, %sub3A : i32
          %get3A_1786 = arith.index_cast %sub3A_1785 : i32 to index
          %get3A_1787 = tpu.vector_load %arg16[%get3A_1786] {strides = array<i32>} : memref<6400xi32, #tpu.memory_space<vmem>>, vector<16xi32>,
          %ne3A = arith.constant 0 : i32
          %ne3A_1788 = vector.broadcast %ne3A : i32 to vector<16xi32>
          %ne3A_1789 = arith.cmpi ne, %get3A_1787, %ne3A_1788 : vector<16xi32>
          %convert_element_type3A_1790 = arith.extui %ne3A_1789 : vector<16xi1> to vector<16xi32>
          %convert_element_type3A_1791 = arith.sitofp %convert_element_type3A_1790 : vector<16xi32> to vector<16xf32>
          %neg3A = arith.constant 0.000000e+00 : f32
          %neg3A_1792 = vector.broadcast %neg3A : f32 to vector<16xf32>
          %neg3A_1793 = arith.subf %neg3A_1792, %add3A_829 : vector<16xf32>
          %abs3A = math.absf %neg3A_1793 : vector<16xf32>
          %neg3A_1794 = arith.constant 0.000000e+00 : f32
          %neg3A_1795 = vector.broadcast %neg3A_1794 : f32 to vector<16xf32>
          %neg3A_1796 = arith.subf %neg3A_1795, %abs3A : vector<16xf32>
          %exp3A = math.exp %neg3A_1796 : vector<16xf32>
          %add3A_1797 = arith.constant 2.000000e+00 : f32
          %add3A_1798 = vector.broadcast %add3A_1797 : f32 to vector<16xf32>
          %add3A_1799 = arith.addf %exp3A, %add3A_1798 : vector<16xf32>
          %div3A_1800 = arith.divf %exp3A, %add3A_1799 : vector<16xf32>
          %mul3A_1801 = arith.mulf %div3A_1800, %div3A_1800 : vector<16xf32>
          %mul3A_1802 = arith.constant 2.000000e+00 : f32
          %mul3A_1803 = vector.broadcast %mul3A_1802 : f32 to vector<16xf32>
          %mul3A_1804 = arith.mulf %mul3A_1803, %div3A_1800 : vector<16xf32>
          %mul3A_1805 = arith.constant 0.111111112 : f32
          %mul3A_1806 = vector.broadcast %mul3A_1805 : f32 to vector<16xf32>
          %mul3A_1807 = arith.mulf %mul3A_1801, %mul3A_1806 : vector<16xf32>
          %add3A_1808 = arith.constant 0.142857149 : f32
          %add3A_1809 = vector.broadcast %add3A_1808 : f32 to vector<16xf32>
          %add3A_1810 = arith.addf %add3A_1809, %mul3A_1807 : vector<16xf32>
          %mul3A_1811 = arith.mulf %mul3A_1801, %add3A_1810 : vector<16xf32>
          %add3A_1812 = arith.constant 2.000000e-01 : f32
          %add3A_1813 = vector.broadcast %add3A_1812 : f32 to vector<16xf32>
          %add3A_1814 = arith.addf %add3A_1813, %mul3A_1811 : vector<16xf32>
          %mul3A_1815 = arith.mulf %mul3A_1801, %add3A_1814 : vector<16xf32>
          %add3A_1816 = arith.constant 0.333333343 : f32
          %add3A_1817 = vector.broadcast %add3A_1816 : f32 to vector<16xf32>
          %add3A_1818 = arith.addf %add3A_1817, %mul3A_1815 : vector<16xf32>
          %mul3A_1819 = arith.mulf %mul3A_1801, %add3A_1818 : vector<16xf32>
          %add3A_1820 = arith.constant 1.000000e+00 : f32
          %add3A_1821 = vector.broadcast %add3A_1820 : f32 to vector<16xf32>
          %add3A_1822 = arith.addf %add3A_1821, %mul3A_1819 : vector<16xf32>
          %mul3A_1823 = arith.mulf %mul3A_1804, %add3A_1822 : vector<16xf32>
          %max3A_1824 = arith.constant 0.000000e+00 : f32
          %max3A_1825 = vector.broadcast %max3A_1824 : f32 to vector<16xf32>
          %max3A_1826 = arith.maximumf %neg3A_1793, %max3A_1825 : vector<16xf32>
          %add3A_1827 = arith.addf %max3A_1826, %mul3A_1823 : vector<16xf32>
          %abs3A_1828 = math.absf %add3A_1020 : vector<16xf32>
          %neg3A_1829 = arith.constant 0.000000e+00 : f32
          %neg3A_1830 = vector.broadcast %neg3A_1829 : f32 to vector<16xf32>
          %neg3A_1831 = arith.subf %neg3A_1830, %abs3A_1828 : vector<16xf32>
          %exp3A_1832 = math.exp %neg3A_1831 : vector<16xf32>
          %add3A_1833 = arith.constant 2.000000e+00 : f32
          %add3A_1834 = vector.broadcast %add3A_1833 : f32 to vector<16xf32>
          %add3A_1835 = arith.addf %exp3A_1832, %add3A_1834 : vector<16xf32>
          %div3A_1836 = arith.divf %exp3A_1832, %add3A_1835 : vector<16xf32>
          %mul3A_1837 = arith.mulf %div3A_1836, %div3A_1836 : vector<16xf32>
          %mul3A_1838 = arith.constant 2.000000e+00 : f32
          %mul3A_1839 = vector.broadcast %mul3A_1838 : f32 to vector<16xf32>
          %mul3A_1840 = arith.mulf %mul3A_1839, %div3A_1836 : vector<16xf32>
          %mul3A_1841 = arith.constant 0.111111112 : f32
          %mul3A_1842 = vector.broadcast %mul3A_1841 : f32 to vector<16xf32>
          %mul3A_1843 = arith.mulf %mul3A_1837, %mul3A_1842 : vector<16xf32>
          %add3A_1844 = arith.constant 0.142857149 : f32
          %add3A_1845 = vector.broadcast %add3A_1844 : f32 to vector<16xf32>
          %add3A_1846 = arith.addf %add3A_1845, %mul3A_1843 : vector<16xf32>
          %mul3A_1847 = arith.mulf %mul3A_1837, %add3A_1846 : vector<16xf32>
          %add3A_1848 = arith.constant 2.000000e-01 : f32
          %add3A_1849 = vector.broadcast %add3A_1848 : f32 to vector<16xf32>
          %add3A_1850 = arith.addf %add3A_1849, %mul3A_1847 : vector<16xf32>
          %mul3A_1851 = arith.mulf %mul3A_1837, %add3A_1850 : vector<16xf32>
          %add3A_1852 = arith.constant 0.333333343 : f32
          %add3A_1853 = vector.broadcast %add3A_1852 : f32 to vector<16xf32>
          %add3A_1854 = arith.addf %add3A_1853, %mul3A_1851 : vector<16xf32>
          %mul3A_1855 = arith.mulf %mul3A_1837, %add3A_1854 : vector<16xf32>
          %add3A_1856 = arith.constant 1.000000e+00 : f32
          %add3A_1857 = vector.broadcast %add3A_1856 : f32 to vector<16xf32>
          %add3A_1858 = arith.addf %add3A_1857, %mul3A_1855 : vector<16xf32>
          %mul3A_1859 = arith.mulf %mul3A_1840, %add3A_1858 : vector<16xf32>
          %max3A_1860 = arith.constant 0.000000e+00 : f32
          %max3A_1861 = vector.broadcast %max3A_1860 : f32 to vector<16xf32>
          %max3A_1862 = arith.maximumf %add3A_1020, %max3A_1861 : vector<16xf32>
          %add3A_1863 = arith.addf %max3A_1862, %mul3A_1859 : vector<16xf32>
          %add3A_1864 = arith.addf %add3A_1827, %add3A_1863 : vector<16xf32>
          %abs3A_1865 = math.absf %add3A_1211 : vector<16xf32>
          %neg3A_1866 = arith.constant 0.000000e+00 : f32
          %neg3A_1867 = vector.broadcast %neg3A_1866 : f32 to vector<16xf32>
          %neg3A_1868 = arith.subf %neg3A_1867, %abs3A_1865 : vector<16xf32>
          %exp3A_1869 = math.exp %neg3A_1868 : vector<16xf32>
          %add3A_1870 = arith.constant 2.000000e+00 : f32
          %add3A_1871 = vector.broadcast %add3A_1870 : f32 to vector<16xf32>
          %add3A_1872 = arith.addf %exp3A_1869, %add3A_1871 : vector<16xf32>
          %div3A_1873 = arith.divf %exp3A_1869, %add3A_1872 : vector<16xf32>
          %mul3A_1874 = arith.mulf %div3A_1873, %div3A_1873 : vector<16xf32>
          %mul3A_1875 = arith.constant 2.000000e+00 : f32
          %mul3A_1876 = vector.broadcast %mul3A_1875 : f32 to vector<16xf32>
          %mul3A_1877 = arith.mulf %mul3A_1876, %div3A_1873 : vector<16xf32>
          %mul3A_1878 = arith.constant 0.111111112 : f32
          %mul3A_1879 = vector.broadcast %mul3A_1878 : f32 to vector<16xf32>
          %mul3A_1880 = arith.mulf %mul3A_1874, %mul3A_1879 : vector<16xf32>
          %add3A_1881 = arith.constant 0.142857149 : f32
          %add3A_1882 = vector.broadcast %add3A_1881 : f32 to vector<16xf32>
          %add3A_1883 = arith.addf %add3A_1882, %mul3A_1880 : vector<16xf32>
          %mul3A_1884 = arith.mulf %mul3A_1874, %add3A_1883 : vector<16xf32>
          %add3A_1885 = arith.constant 2.000000e-01 : f32
          %add3A_1886 = vector.broadcast %add3A_1885 : f32 to vector<16xf32>
          %add3A_1887 = arith.addf %add3A_1886, %mul3A_1884 : vector<16xf32>
          %mul3A_1888 = arith.mulf %mul3A_1874, %add3A_1887 : vector<16xf32>
          %add3A_1889 = arith.constant 0.333333343 : f32
          %add3A_1890 = vector.broadcast %add3A_1889 : f32 to vector<16xf32>
          %add3A_1891 = arith.addf %add3A_1890, %mul3A_1888 : vector<16xf32>
          %mul3A_1892 = arith.mulf %mul3A_1874, %add3A_1891 : vector<16xf32>
          %add3A_1893 = arith.constant 1.000000e+00 : f32
          %add3A_1894 = vector.broadcast %add3A_1893 : f32 to vector<16xf32>
          %add3A_1895 = arith.addf %add3A_1894, %mul3A_1892 : vector<16xf32>
          %mul3A_1896 = arith.mulf %mul3A_1877, %add3A_1895 : vector<16xf32>
          %max3A_1897 = arith.constant 0.000000e+00 : f32
          %max3A_1898 = vector.broadcast %max3A_1897 : f32 to vector<16xf32>
          %max3A_1899 = arith.maximumf %add3A_1211, %max3A_1898 : vector<16xf32>
          %add3A_1900 = arith.addf %max3A_1899, %mul3A_1896 : vector<16xf32>
          %add3A_1901 = arith.addf %add3A_1864, %add3A_1900 : vector<16xf32>
          %abs3A_1902 = math.absf %add3A_1402 : vector<16xf32>
          %neg3A_1903 = arith.constant 0.000000e+00 : f32
          %neg3A_1904 = vector.broadcast %neg3A_1903 : f32 to vector<16xf32>
          %neg3A_1905 = arith.subf %neg3A_1904, %abs3A_1902 : vector<16xf32>
          %exp3A_1906 = math.exp %neg3A_1905 : vector<16xf32>
          %add3A_1907 = arith.constant 2.000000e+00 : f32
          %add3A_1908 = vector.broadcast %add3A_1907 : f32 to vector<16xf32>
          %add3A_1909 = arith.addf %exp3A_1906, %add3A_1908 : vector<16xf32>
          %div3A_1910 = arith.divf %exp3A_1906, %add3A_1909 : vector<16xf32>
          %mul3A_1911 = arith.mulf %div3A_1910, %div3A_1910 : vector<16xf32>
          %mul3A_1912 = arith.constant 2.000000e+00 : f32
          %mul3A_1913 = vector.broadcast %mul3A_1912 : f32 to vector<16xf32>
          %mul3A_1914 = arith.mulf %mul3A_1913, %div3A_1910 : vector<16xf32>
          %mul3A_1915 = arith.constant 0.111111112 : f32
          %mul3A_1916 = vector.broadcast %mul3A_1915 : f32 to vector<16xf32>
          %mul3A_1917 = arith.mulf %mul3A_1911, %mul3A_1916 : vector<16xf32>
          %add3A_1918 = arith.constant 0.142857149 : f32
          %add3A_1919 = vector.broadcast %add3A_1918 : f32 to vector<16xf32>
          %add3A_1920 = arith.addf %add3A_1919, %mul3A_1917 : vector<16xf32>
          %mul3A_1921 = arith.mulf %mul3A_1911, %add3A_1920 : vector<16xf32>
          %add3A_1922 = arith.constant 2.000000e-01 : f32
          %add3A_1923 = vector.broadcast %add3A_1922 : f32 to vector<16xf32>
          %add3A_1924 = arith.addf %add3A_1923, %mul3A_1921 : vector<16xf32>
          %mul3A_1925 = arith.mulf %mul3A_1911, %add3A_1924 : vector<16xf32>
          %add3A_1926 = arith.constant 0.333333343 : f32
          %add3A_1927 = vector.broadcast %add3A_1926 : f32 to vector<16xf32>
          %add3A_1928 = arith.addf %add3A_1927, %mul3A_1925 : vector<16xf32>
          %mul3A_1929 = arith.mulf %mul3A_1911, %add3A_1928 : vector<16xf32>
          %add3A_1930 = arith.constant 1.000000e+00 : f32
          %add3A_1931 = vector.broadcast %add3A_1930 : f32 to vector<16xf32>
          %add3A_1932 = arith.addf %add3A_1931, %mul3A_1929 : vector<16xf32>
          %mul3A_1933 = arith.mulf %mul3A_1914, %add3A_1932 : vector<16xf32>
          %max3A_1934 = arith.constant 0.000000e+00 : f32
          %max3A_1935 = vector.broadcast %max3A_1934 : f32 to vector<16xf32>
          %max3A_1936 = arith.maximumf %add3A_1402, %max3A_1935 : vector<16xf32>
          %add3A_1937 = arith.addf %max3A_1936, %mul3A_1933 : vector<16xf32>
          %add3A_1938 = arith.addf %add3A_1901, %add3A_1937 : vector<16xf32>
          %abs3A_1939 = math.absf %add3A_1593 : vector<16xf32>
          %neg3A_1940 = arith.constant 0.000000e+00 : f32
          %neg3A_1941 = vector.broadcast %neg3A_1940 : f32 to vector<16xf32>
          %neg3A_1942 = arith.subf %neg3A_1941, %abs3A_1939 : vector<16xf32>
          %exp3A_1943 = math.exp %neg3A_1942 : vector<16xf32>
          %add3A_1944 = arith.constant 2.000000e+00 : f32
          %add3A_1945 = vector.broadcast %add3A_1944 : f32 to vector<16xf32>
          %add3A_1946 = arith.addf %exp3A_1943, %add3A_1945 : vector<16xf32>
          %div3A_1947 = arith.divf %exp3A_1943, %add3A_1946 : vector<16xf32>
          %mul3A_1948 = arith.mulf %div3A_1947, %div3A_1947 : vector<16xf32>
          %mul3A_1949 = arith.constant 2.000000e+00 : f32
          %mul3A_1950 = vector.broadcast %mul3A_1949 : f32 to vector<16xf32>
          %mul3A_1951 = arith.mulf %mul3A_1950, %div3A_1947 : vector<16xf32>
          %mul3A_1952 = arith.constant 0.111111112 : f32
          %mul3A_1953 = vector.broadcast %mul3A_1952 : f32 to vector<16xf32>
          %mul3A_1954 = arith.mulf %mul3A_1948, %mul3A_1953 : vector<16xf32>
          %add3A_1955 = arith.constant 0.142857149 : f32
          %add3A_1956 = vector.broadcast %add3A_1955 : f32 to vector<16xf32>
          %add3A_1957 = arith.addf %add3A_1956, %mul3A_1954 : vector<16xf32>
          %mul3A_1958 = arith.mulf %mul3A_1948, %add3A_1957 : vector<16xf32>
          %add3A_1959 = arith.constant 2.000000e-01 : f32
          %add3A_1960 = vector.broadcast %add3A_1959 : f32 to vector<16xf32>
          %add3A_1961 = arith.addf %add3A_1960, %mul3A_1958 : vector<16xf32>
          %mul3A_1962 = arith.mulf %mul3A_1948, %add3A_1961 : vector<16xf32>
          %add3A_1963 = arith.constant 0.333333343 : f32
          %add3A_1964 = vector.broadcast %add3A_1963 : f32 to vector<16xf32>
          %add3A_1965 = arith.addf %add3A_1964, %mul3A_1962 : vector<16xf32>
          %mul3A_1966 = arith.mulf %mul3A_1948, %add3A_1965 : vector<16xf32>
          %add3A_1967 = arith.constant 1.000000e+00 : f32
          %add3A_1968 = vector.broadcast %add3A_1967 : f32 to vector<16xf32>
          %add3A_1969 = arith.addf %add3A_1968, %mul3A_1966 : vector<16xf32>
          %mul3A_1970 = arith.mulf %mul3A_1951, %add3A_1969 : vector<16xf32>
          %max3A_1971 = arith.constant 0.000000e+00 : f32
          %max3A_1972 = vector.broadcast %max3A_1971 : f32 to vector<16xf32>
          %max3A_1973 = arith.maximumf %add3A_1593, %max3A_1972 : vector<16xf32>
          %add3A_1974 = arith.addf %max3A_1973, %mul3A_1970 : vector<16xf32>
          %add3A_1975 = arith.addf %add3A_1938, %add3A_1974 : vector<16xf32>
          %abs3A_1976 = math.absf %add3A_1784 : vector<16xf32>
          %neg3A_1977 = arith.constant 0.000000e+00 : f32
          %neg3A_1978 = vector.broadcast %neg3A_1977 : f32 to vector<16xf32>
          %neg3A_1979 = arith.subf %neg3A_1978, %abs3A_1976 : vector<16xf32>
          %exp3A_1980 = math.exp %neg3A_1979 : vector<16xf32>
          %add3A_1981 = arith.constant 2.000000e+00 : f32
          %add3A_1982 = vector.broadcast %add3A_1981 : f32 to vector<16xf32>
          %add3A_1983 = arith.addf %exp3A_1980, %add3A_1982 : vector<16xf32>
          %div3A_1984 = arith.divf %exp3A_1980, %add3A_1983 : vector<16xf32>
          %mul3A_1985 = arith.mulf %div3A_1984, %div3A_1984 : vector<16xf32>
          %mul3A_1986 = arith.constant 2.000000e+00 : f32
          %mul3A_1987 = vector.broadcast %mul3A_1986 : f32 to vector<16xf32>
          %mul3A_1988 = arith.mulf %mul3A_1987, %div3A_1984 : vector<16xf32>
          %mul3A_1989 = arith.constant 0.111111112 : f32
          %mul3A_1990 = vector.broadcast %mul3A_1989 : f32 to vector<16xf32>
          %mul3A_1991 = arith.mulf %mul3A_1985, %mul3A_1990 : vector<16xf32>
          %add3A_1992 = arith.constant 0.142857149 : f32
          %add3A_1993 = vector.broadcast %add3A_1992 : f32 to vector<16xf32>
          %add3A_1994 = arith.addf %add3A_1993, %mul3A_1991 : vector<16xf32>
          %mul3A_1995 = arith.mulf %mul3A_1985, %add3A_1994 : vector<16xf32>
          %add3A_1996 = arith.constant 2.000000e-01 : f32
          %add3A_1997 = vector.broadcast %add3A_1996 : f32 to vector<16xf32>
          %add3A_1998 = arith.addf %add3A_1997, %mul3A_1995 : vector<16xf32>
          %mul3A_1999 = arith.mulf %mul3A_1985, %add3A_1998 : vector<16xf32>
          %add3A_2000 = arith.constant 0.333333343 : f32
          %add3A_2001 = vector.broadcast %add3A_2000 : f32 to vector<16xf32>
          %add3A_2002 = arith.addf %add3A_2001, %mul3A_1999 : vector<16xf32>
          %mul3A_2003 = arith.mulf %mul3A_1985, %add3A_2002 : vector<16xf32>
          %add3A_2004 = arith.constant 1.000000e+00 : f32
          %add3A_2005 = vector.broadcast %add3A_2004 : f32 to vector<16xf32>
          %add3A_2006 = arith.addf %add3A_2005, %mul3A_2003 : vector<16xf32>
          %mul3A_2007 = arith.mulf %mul3A_1988, %add3A_2006 : vector<16xf32>
          %max3A_2008 = arith.constant 0.000000e+00 : f32
          %max3A_2009 = vector.broadcast %max3A_2008 : f32 to vector<16xf32>
          %max3A_2010 = arith.maximumf %add3A_1784, %max3A_2009 : vector<16xf32>
          %add3A_2011 = arith.addf %max3A_2010, %mul3A_2007 : vector<16xf32>
          %add3A_2012 = arith.addf %add3A_1975, %add3A_2011 : vector<16xf32>
          %mul3A_2013 = arith.mulf %add3A_2012, %convert_element_type3A_1791 : vector<16xf32>
          %add3A_2014 = arith.addf %scan3A_410, %mul3A_2013 : vector<16xf32>
          %add3A_2015 = arith.addf %scan3A_411, %convert_element_type3A_1791 : vector<16xf32>
          scf.yield %add3A_2014, %add3A_2015 : vector<16xf32>, vector<16xf32>
        } else {
          scf.yield %scan3A_410, %scan3A_411 : vector<16xf32>, vector<16xf32>
        }
        scf.yield %cond3A_635#0, %cond3A_635#1 : vector<16xf32>, vector<16xf32>
      }
      %scan3A_401 = arith.constant 50 : i32
      %add3A_402 = arith.constant 3 : i32
      %add3A_403 = arith.addi %mul3A_318, %add3A_402 : i32
      %lt3A_404 = arith.constant 128 : i32
      %lt3A_405 = arith.cmpi slt, %add3A_403, %lt3A_404 : i32
      %convert_element_type3A_406 = arith.extui %lt3A_405 : i1 to i32
      %cond3A_407 = arith.constant 0 : i32
      %cond3A_408 = arith.cmpi ne, %convert_element_type3A_406, %cond3A_407 : i32
      scf.if %cond3A_408 {
        %add3A_409 = arith.constant 3 : i32
        %add3A_410 = arith.addi %mul3A_318, %add3A_409 : i32
        %dma_start3A_411 = arith.constant 0 : i32
        %dma_start3A_412 = tpu.memref_slice %arg15[%add3A_410, %dma_start3A_411] : memref<128x50xi32, #tpu.memory_space<vmem>> -> memref<1x50xi32, #tpu.memory_space<vmem>>
        %dma_start3A_413 = tpu.memref_squeeze %dma_start3A_412 : memref<1x50xi32, #tpu.memory_space<vmem>> -> memref<50xi32, #tpu.memory_space<vmem>>
        %dma_start3A_414 = arith.constant 0 : i32
        %dma_start3A_415 = arith.constant 0 : i32
        %dma_start3A_416 = tpu.memref_slice %arg3[%dma_start3A_414, %dma_start3A_415] : memref<100000x64xf32, #tpu.memory_space<hbm>> -> memref<100000x64xf32, #tpu.memory_space<hbm>>
        tpu.enqueue_indirect_dma source(%dma_start3A_416 : memref<100000x64xf32, #tpu.memory_space<hbm>>) target(%arg19 : memref<50x64xf32, #tpu.memory_space<vmem>>) offsets(%dma_start3A_413 : memref<50xi32, #tpu.memory_space<vmem>>) semaphore(%arg25 : memref<!tpu.dma_semaphore, #tpu.memory_space<semaphore_mem>>)
        %mul3A_417 = arith.constant 2 : i32
        %mul3A_418 = arith.muli %mul3A_417, %add3A_410 : i32
        %dma_start3A_419 = arith.constant 0 : i32
        %dma_start3A_420 = arith.constant 0 : i32
        %dma_start3A_421 = tpu.memref_slice %arg21[%dma_start3A_419, %dma_start3A_420] : memref<250x64xf32, #tpu.memory_space<vmem>> -> memref<125x64xf32, #tpu.memory_space<vmem>>
        %dma_start3A_422 = arith.constant 0 : i32
        %dma_start3A_423 = tpu.memref_slice %arg17[%mul3A_418, %dma_start3A_422] : memref<256x125xi32, #tpu.memory_space<vmem>> -> memref<1x125xi32, #tpu.memory_space<vmem>>
        %dma_start3A_424 = tpu.memref_squeeze %dma_start3A_423 : memref<1x125xi32, #tpu.memory_space<vmem>> -> memref<125xi32, #tpu.memory_space<vmem>>
        %dma_start3A_425 = arith.constant 0 : i32
        %dma_start3A_426 = arith.constant 0 : i32
        %dma_start3A_427 = tpu.memref_slice %arg3[%dma_start3A_425, %dma_start3A_426] : memref<100000x64xf32, #tpu.memory_space<hbm>> -> memref<100000x64xf32, #tpu.memory_space<hbm>>
        tpu.enqueue_indirect_dma source(%dma_start3A_427 : memref<100000x64xf32, #tpu.memory_space<hbm>>) target(%dma_start3A_421 : memref<125x64xf32, #tpu.memory_space<vmem>>) offsets(%dma_start3A_424 : memref<125xi32, #tpu.memory_space<vmem>>) semaphore(%arg25 : memref<!tpu.dma_semaphore, #tpu.memory_space<semaphore_mem>>)
        %mul3A_428 = arith.constant 2 : i32
        %mul3A_429 = arith.muli %mul3A_428, %add3A_410 : i32
        %add3A_430 = arith.constant 1 : i32
        %add3A_431 = arith.addi %mul3A_429, %add3A_430 : i32
        %dma_start3A_432 = arith.constant 125 : i32
        %dma_start3A_433 = arith.constant 0 : i32
        %dma_start3A_434 = tpu.memref_slice %arg21[%dma_start3A_432, %dma_start3A_433] : memref<250x64xf32, #tpu.memory_space<vmem>> -> memref<125x64xf32, #tpu.memory_space<vmem>>
        %dma_start3A_435 = arith.constant 0 : i32
        %dma_start3A_436 = tpu.memref_slice %arg17[%add3A_431, %dma_start3A_435] : memref<256x125xi32, #tpu.memory_space<vmem>> -> memref<1x125xi32, #tpu.memory_space<vmem>>
        %dma_start3A_437 = tpu.memref_squeeze %dma_start3A_436 : memref<1x125xi32, #tpu.memory_space<vmem>> -> memref<125xi32, #tpu.memory_space<vmem>>
        %dma_start3A_438 = arith.constant 0 : i32
        %dma_start3A_439 = arith.constant 0 : i32
        %dma_start3A_440 = tpu.memref_slice %arg3[%dma_start3A_438, %dma_start3A_439] : memref<100000x64xf32, #tpu.memory_space<hbm>> -> memref<100000x64xf32, #tpu.memory_space<hbm>>
        tpu.enqueue_indirect_dma source(%dma_start3A_440 : memref<100000x64xf32, #tpu.memory_space<hbm>>) target(%dma_start3A_434 : memref<125x64xf32, #tpu.memory_space<vmem>>) offsets(%dma_start3A_437 : memref<125xi32, #tpu.memory_space<vmem>>) semaphore(%arg25 : memref<!tpu.dma_semaphore, #tpu.memory_space<semaphore_mem>>)
      } else {
      }
      scf.yield %scan3A_400#0, %scan3A_400#1 : vector<16xf32>, vector<16xf32>
    }
    %scan3A_310 = arith.constant 64 : i32
    %swap3A = arith.constant 0 : index
    %swap3A_311 = tpu.vector_load %arg23[%swap3A] {strides = array<i32>} : memref<16xf32, #tpu.memory_space<vmem>>, vector<16xf32>,
    tpu.vector_store %arg23[%swap3A], %scan3A_309#0 {strides = array<i32>} : memref<16xf32, #tpu.memory_space<vmem>>, vector<16xf32>,
    "tpu.region"() ({
      %run_scoped3A = tpu.sem_alloc : memref<!tpu.dma_semaphore, #tpu.memory_space<semaphore_mem>>
      %dma_start3A_314 = arith.constant 0 : i32
      %dma_start3A_315 = tpu.memref_slice %arg9[%add3A, %dma_start3A_314] : memref<32x16xf32, #tpu.memory_space<hbm>> -> memref<1x16xf32, #tpu.memory_space<hbm>>
      %dma_start3A_316 = tpu.memref_squeeze %dma_start3A_315 : memref<1x16xf32, #tpu.memory_space<hbm>> -> memref<16xf32, #tpu.memory_space<hbm>>
      %dma_start3A_317 = arith.constant 0 : i32
      %dma_start3A_318 = tpu.memref_slice %arg9[%add3A, %dma_start3A_317] : memref<32x16xf32, #tpu.memory_space<hbm>> -> memref<1x16xf32, #tpu.memory_space<hbm>>
      %dma_start3A_319 = tpu.memref_squeeze %dma_start3A_318 : memref<1x16xf32, #tpu.memory_space<hbm>> -> memref<16xf32, #tpu.memory_space<hbm>>
      tpu.enqueue_dma source(%arg23 : memref<16xf32, #tpu.memory_space<vmem>>) target(%dma_start3A_319 : memref<16xf32, #tpu.memory_space<hbm>>) target_semaphore(%run_scoped3A : memref<!tpu.dma_semaphore, #tpu.memory_space<semaphore_mem>>)
      %dma_wait3A_320 = arith.constant 0 : i32
      %dma_wait3A_321 = tpu.memref_slice %arg9[%add3A, %dma_wait3A_320] : memref<32x16xf32, #tpu.memory_space<hbm>> -> memref<1x16xf32, #tpu.memory_space<hbm>>
      %dma_wait3A_322 = tpu.memref_squeeze %dma_wait3A_321 : memref<1x16xf32, #tpu.memory_space<hbm>> -> memref<16xf32, #tpu.memory_space<hbm>>
      %dma_wait3A_323 = arith.constant 0 : i32
      %dma_wait3A_324 = tpu.memref_slice %arg9[%add3A, %dma_wait3A_323] : memref<32x16xf32, #tpu.memory_space<hbm>> -> memref<1x16xf32, #tpu.memory_space<hbm>>
      %dma_wait3A_325 = tpu.memref_squeeze %dma_wait3A_324 : memref<1x16xf32, #tpu.memory_space<hbm>> -> memref<16xf32, #tpu.memory_space<hbm>>
      tpu.wait_dma2 semaphore(%run_scoped3A : memref<!tpu.dma_semaphore, #tpu.memory_space<semaphore_mem>>) src(%arg23 : memref<16xf32, #tpu.memory_space<vmem>>) dst(%dma_wait3A_325 : memref<16xf32, #tpu.memory_space<hbm>>)
      tpu.yield
    }) : () -> ()
    %swap3A_312 = arith.constant 0 : index
    %swap3A_313 = tpu.vector_load %arg23[%swap3A_312] {strides = array<i32>} : memref<16xf32, #tpu.memory_space<vmem>>, vector<16xf32>,
    tpu.vector_store %arg23[%swap3A_312], %scan3A_309#1 {strides = array<i32>} : memref<16xf32, #tpu.memory_space<vmem>>, vector<16xf32>,
    "tpu.region"() ({
      %run_scoped3A = tpu.sem_alloc : memref<!tpu.dma_semaphore, #tpu.memory_space<semaphore_mem>>
      %dma_start3A_314 = arith.constant 0 : i32
      %dma_start3A_315 = tpu.memref_slice %arg10[%add3A, %dma_start3A_314] : memref<32x16xf32, #tpu.memory_space<hbm>> -> memref<1x16xf32, #tpu.memory_space<hbm>>
      %dma_start3A_316 = tpu.memref_squeeze %dma_start3A_315 : memref<1x16xf32, #tpu.memory_space<hbm>> -> memref<16xf32, #tpu.memory_space<hbm>>
      %dma_start3A_317 = arith.constant 0 : i32
      %dma_start3A_318 = tpu.memref_slice %arg10[%add3A, %dma_start3A_317] : memref<32x16xf32, #tpu.memory_space<hbm>> -> memref<1x16xf32, #tpu.memory_space<hbm>>
      %dma_start3A_319 = tpu.memref_squeeze %dma_start3A_318 : memref<1x16xf32, #tpu.memory_space<hbm>> -> memref<16xf32, #tpu.memory_space<hbm>>
      tpu.enqueue_dma source(%arg23 : memref<16xf32, #tpu.memory_space<vmem>>) target(%dma_start3A_319 : memref<16xf32, #tpu.memory_space<hbm>>) target_semaphore(%run_scoped3A : memref<!tpu.dma_semaphore, #tpu.memory_space<semaphore_mem>>)
      %dma_wait3A_320 = arith.constant 0 : i32
      %dma_wait3A_321 = tpu.memref_slice %arg10[%add3A, %dma_wait3A_320] : memref<32x16xf32, #tpu.memory_space<hbm>> -> memref<1x16xf32, #tpu.memory_space<hbm>>
      %dma_wait3A_322 = tpu.memref_squeeze %dma_wait3A_321 : memref<1x16xf32, #tpu.memory_space<hbm>> -> memref<16xf32, #tpu.memory_space<hbm>>
      %dma_wait3A_323 = arith.constant 0 : i32
      %dma_wait3A_324 = tpu.memref_slice %arg10[%add3A, %dma_wait3A_323] : memref<32x16xf32, #tpu.memory_space<hbm>> -> memref<1x16xf32, #tpu.memory_space<hbm>>
      %dma_wait3A_325 = tpu.memref_squeeze %dma_wait3A_324 : memref<1x16xf32, #tpu.memory_space<hbm>> -> memref<16xf32, #tpu.memory_space<hbm>>
      tpu.wait_dma2 semaphore(%run_scoped3A : memref<!tpu.dma_semaphore, #tpu.memory_space<semaphore_mem>>) src(%arg23 : memref<16xf32, #tpu.memory_space<vmem>>) dst(%dma_wait3A_325 : memref<16xf32, #tpu.memory_space<hbm>>)
      tpu.yield
    }) : () -> ()
    return
  }
}

</mosaic_0001>

<sc_bundles>
// kernel: kernel.3.cloned.1.call-start
scs
__scs_entry_jumppad:
0x0: {  	(pc) =	sbr.rel $0x88, $3  }
0x1: {  	(tag) =	ssettag $0x0;
	lr =	simm.s32 $0x1  }
0x2: {  	[smem:$0x3F9B] =	sst lr;
	_ =	strace $0xD0000000  }
0x3: {  	_ = 	snop  }
0x4: {  	_ = 	snop  }
0x5: {  	_ = 	snop  }
0x6: {  	_ = 	snop  }
0x7: {  	_ = 	snop  }
__scs_overlays_trampoline_lowered:
0x8: {  	[smem:$0x3FAA] =	sst s0  }
0x9: {  	[smem:$0x3FAB] =	sst s1  }
0xa: {  	[smem:$0x3FAC] =	sst s2  }
0xb: {  	[smem:$0x3FAD] =	sst s3  }
0xc: {  	[smem:$0x3FAE] =	sst s4  }
0xd: {  	[smem:$0x3FAF] =	sst s5  }
0xe: {  	[smem:$0x3FB0] =	sst s6  }
0xf: {  	[smem:$0x3FB1] =	sst s7  }
0x10: {  	[smem:$0x3FB2] =	sst s8  }
0x11: {  	[smem:$0x3FB3] =	sst s9;
	s0 =	simm.s32 @!p0 $0x0  }
0x12: {  	s1 =	sld [smem:$0x3F99];
	s0 =	simm.s32 @p0 $0x1  }
0x13: {  	[smem:$0x3FB4] =	sst s0;
	s0 =	simm.s32 @!p1 $0x0  }
0x14: {  	s2 =	sld [smem:$0x3F98];
	s0 =	simm.s32 @p1 $0x1  }
0x15: {  	[smem:$0x3FB5] =	sst s0;
	s0 =	simm.s32 @!p2 $0x0  }
0x16: {  	s3 =	sld [smem:$0x3FDB];
	s0 =	simm.s32 @p2 $0x1  }
0x17: {  	s4 =	simm.s32 $0x1BF5;
	[smem:$0x3FB7] =	sst s0  }
0x18: {  	s0 =	sld [smem:$0x3F9A];
	_ =	swait.ge [sflag:s4], $0x0  }
0x19: {  	s7 =	sld [smem:$0x3F9B]  }
0x1a: {  	s8 =	sadd.s32 $0xFFFFE003, lr  }
0x1b: {  	s9 =	sadd.s32 $0xFFFFFEF7, lr;
	s5 =	simm.s32 $0xFFFFFFFF;
	p2 =	slt.u32 s8, $0xFFFFF086  }
0x1c: {  	p1 =	slt.u32 s9, $0xF7A;
	s5 =	simm.s32 @!p2 $0x0  }
0x1d: {  	s5 =	simm.s32 @p1 $0x1;
	p0 =	seq.s32 s7, s2  }
0x1e: {  	s7 =	smul.u32 @!p0 $0xF7A, s2;
	p2 =	seq.s32 @!p0 s5, $0x0  }
0x1f: {  	s9 =	smul.u32 $0xF7A, s1;
	s8 =	simm.s32 @!p0 $0x1BF5;
	p2 =	por !p2, p0  }
0x20: {  	[sflag:s8] =	ssyncset.s32 @!p0 $0xFFFFF086;
	s6 =	sadd.s32 @!p0 s3, s7;
	s7 =	simm.s32 @!p0 $0x108  }
0x21: {  	s3 =	sadd.s32 s3, s9;
	s6 =	sadd.s32 @!p0 $0x88, s6;
	s7 =	simm.s32 @p2 $0x1082  }
0x22: {  	[simem:s7], [sflag:s8] =	dma.local @!p0 [hbm:s6], $0xF7A  }
0x23: {  	s9 =	sor.u32 $0xD0000000, s2;
	s6 =	simm.s32 $0x108;
	_ =	swait.ge @!p0 [sflag:s8], $0x0  }
0x24: {  	s3 =	sadd.s32 $0x88, s3;
	s6 =	simm.s32 @!p1 $0x1082;
	[sflag:s4] =	ssyncset.s32 $0xFFFFF086  }
0x25: {  	[simem:s6], [sflag:s4] =	dma.local [hbm:s3], $0xF7A  }
0x26: {  	[smem:$0x3F9B] =	sst s1;
	(tag) =	ssettag s2;
	_ =	strace s9  }
0x27: {  	s1 =	sld [smem:$0x3FAB]  }
0x28: {  	s2 =	sld [smem:$0x3FAC]  }
0x29: {  	s4 =	sld [smem:$0x3FAE]  }
0x2a: {  	p0 =	seq.s32 s5, $0x0;
	s5 =	sld [smem:$0x3FAF]  }
0x2b: {  	s6 =	sld [smem:$0x3FB0]  }
0x2c: {  	s7 =	sld [smem:$0x3FB1]  }
0x2d: {  	s3 =	simm.s32 $0x108;
	s8 =	sld [smem:$0x3FB2]  }
0x2e: {  	s3 =	simm.s32 @!p0 $0x1082;
	s9 =	sld [smem:$0x3FB3]  }
0x2f: {  	lr =	sadd.s32 s0, s3;
	s0 =	sld [smem:$0x3FAA]  }
0x30: {  	s3 =	sld [smem:$0x3FAD]  }
0x31: {  	[smem:$0x3FB6] =	sst s10  }
0x32: {  	s10 =	sld [smem:$0x3FB4];
	_ =	sdelay $0x3  }
0x33: {  	p0 =	seq.s32 s10, $0x1;
	s10 =	sld [smem:$0x3FB6];
	_ =	sdelay $0x3  }
0x34: {  	[smem:$0x3FB6] =	sst s10  }
0x35: {  	s10 =	sld [smem:$0x3FB5];
	_ =	sdelay $0x3  }
0x36: {  	p1 =	seq.s32 s10, $0x1;
	s10 =	sld [smem:$0x3FB6];
	_ =	sdelay $0x3  }
0x37: {  	[smem:$0x3FB6] =	sst s10  }
0x38: {  	s10 =	sld [smem:$0x3FB7]  }
0x39: {  	_ = 	snop;
	(pc) =	sbr.ind lr, $3  }
0x3a: {  	_ = 	snop  }
0x3b: {  	_ = 	snop  }
0x3c: {  	p2 =	seq.s32 s10, $0x1;
	s10 =	sld [smem:$0x3FB6]  }
0x3d: {  	_ =	shalt  }
0x3e: {  	_ =	shalt  }
0x3f: {  	_ =	shalt  }
0x40: {  	_ =	shalt  }
0x41: {  	_ =	shalt  }
0x42: {  	_ =	shalt  }
0x43: {  	_ =	shalt  }
0x44: {  	_ =	shalt  }
0x45: {  	_ =	shalt  }
0x46: {  	_ =	shalt  }
0x47: {  	_ =	shalt  }
0x48: {  	_ =	shalt  }
0x49: {  	_ =	shalt  }
0x4a: {  	_ =	shalt  }
0x4b: {  	_ =	shalt  }
0x4c: {  	_ =	shalt  }
0x4d: {  	_ =	shalt  }
0x4e: {  	_ =	shalt  }
0x4f: {  	_ =	shalt  }
0x50: {  	_ =	shalt  }
0x51: {  	_ =	shalt  }
0x52: {  	_ =	shalt  }
0x53: {  	_ =	shalt  }
0x54: {  	_ =	shalt  }
0x55: {  	_ =	shalt  }
0x56: {  	_ =	shalt  }
0x57: {  	_ =	shalt  }
0x58: {  	_ =	shalt  }
0x59: {  	_ =	shalt  }
0x5a: {  	_ =	shalt  }
0x5b: {  	_ =	shalt  }
0x5c: {  	_ =	shalt  }
0x5d: {  	_ =	shalt  }
0x5e: {  	_ =	shalt  }
0x5f: {  	_ =	shalt  }
0x60: {  	_ =	shalt  }
0x61: {  	_ =	shalt  }
0x62: {  	_ =	shalt  }
0x63: {  	_ =	shalt  }
0x64: {  	_ =	shalt  }
0x65: {  	_ =	shalt  }
0x66: {  	_ =	shalt  }
0x67: {  	_ =	shalt  }
0x68: {  	_ =	shalt  }
0x69: {  	_ =	shalt  }
0x6a: {  	_ =	shalt  }
0x6b: {  	_ =	shalt  }
0x6c: {  	_ =	shalt  }
0x6d: {  	_ =	shalt  }
0x6e: {  	_ =	shalt  }
0x6f: {  	_ =	shalt  }
0x70: {  	_ =	shalt  }
0x71: {  	_ =	shalt  }
0x72: {  	_ =	shalt  }
0x73: {  	_ =	shalt  }
0x74: {  	_ =	shalt  }
0x75: {  	_ =	shalt  }
0x76: {  	_ =	shalt  }
0x77: {  	_ =	shalt  }
0x78: {  	_ =	shalt  }
0x79: {  	_ =	shalt  }
0x7a: {  	_ =	shalt  }
0x7b: {  	_ =	shalt  }
0x7c: {  	_ =	shalt  }
0x7d: {  	_ =	shalt  }
0x7e: {  	_ =	shalt  }
0x7f: {  	_ =	shalt  }
0x80: {  	_ =	shalt  }
0x81: {  	_ =	shalt  }
0x82: {  	_ =	shalt  }
0x83: {  	_ =	shalt  }
0x84: {  	_ =	shalt  }
0x85: {  	_ =	shalt  }
0x86: {  	_ =	shalt  }
0x87: {  	_ =	shalt  }
.Lfunc_end0:
.L_simem_size_0:
called_computation_lowered:
.L_overlay_start_0:
0x88: {  	s2 =	sld [smem:$0x3FD9]  }
0x89: {  	s3 =	sld [smem:$0x3FFE];
	_ =	sdelay $0x1  }
0x8a: {  	s1 =	srdreg.scid  }
0x8b: {  	s0 =	sand.u32 $0x1, s1  }
0x8c: {  	s17 =	sshll.u32 s0, $0xA;
	s2 =	sadd.s32 s3, s2  }
0x8d: {  	s2 =	sadd.s32 s2, s17  }
0x8e: {  	[smem:$0x3FC2] =	sst s2  }
0x8f: {  	_ = 	snop  }
0x90: {  	s2 =	sld [smem:$0x3FC8];
	(tm) =	ssettm $0x1  }
0x91: {  	s18 =	sld [smem:$0x3FFB];
	_ =	sdelay $0x3  }
0x92: {  	_ =	strace s18  }
0x93: {  	s3 =	sld [smem:$0x3FFC];
	_ =	sdelay $0x3  }
0x94: {  	_ =	strace s3  }
0x95: {  	s3 =	sld [smem:$0x3FFD];
	_ =	sdelay $0x3  }
0x96: {  	_ =	strace s3  }
0x97: {  	_ =	strace $0x8FFFFFFF  }
0x98: {  	s19 =	sld [smem:$0x3FDB];
	_ =	sdelay $0x1  }
0x99: {  	s4 =	simm.s32 $_scs_section_size  }
0x9a: {  	s5 =	simm.s32 $_size__tile_overlayer_lowered;
	s6 =	simm.s32 $_tile_overlayer_lowered  }
0x9b: {  	s22 =	simm.s32 $0x1BFF;
	s21 =	sshll.u32 s6, $0x1;
	s3 =	sadd.s32 s4, s19  }
0x9c: {  	s7 =	simm.s32 $0x0;
	s20 =	sshll.u32 s5, $0x1;
	s5 =	sadd.s32 s21, s3  }
0x9d: {  	[timem:s7], [sflag:s22] =	dma.local [hbm:s5], s20  }
0x9e: {  	_ =	swait.ge [sflag:s22], s20  }
0x9f: {  	s4 =	ssub.s32 $0x0, s20;
	[sflag:s22] =	ssyncset.done $0x0  }
0xa0: {  	[sflag:s22] =	ssyncadd.s32 s4;
	_ =	sdelay $0x1  }
0xa1: {  	s23 =	simm.s32 $0x1B8B  }
0xa2: {  	_ =	swait.ge [sflag:s23], $0x1  }
0xa3: {  	[sflag:s23] =	ssyncset.done $0x0  }
0xa4: {  	s25 =	simm.s32 $0x1B8E;
	s24 =	sld [smem:$0x3FFE];
	[sflag:s23] =	ssyncadd.s32 $0xFFFFFFFF  }
0xa5: {  	s26 =	simm.s32 $execute0_lowered;
	[smem:$0x3FD2] =	sst s25  }
0xa6: {  	s5 =	sshll.u32 s26, $0x1;
	_ =	strace $0x80000046;
	[dreg:$0x1] =	wrdreg $0xFFFFFFFF  }
0xa7: {  	s28 =	simm.s32 $_size_execute0_lowered;
	s3 =	sadd.s32 s3, s5;
	[dreg:$0x0] =	wrdreg $0x0  }
0xa8: {  	s5 =	sshll.u32 s28, $0x1;
	[dreg:$0x2] =	wrdreg s3  }
0xa9: {  	[dreg:$0x3] =	wrdreg s5  }
0xaa: {  	[dreg:$0x4] =	wrdreg $0xC0  }
0xab: {  	_ =	task [dreg:s7], $0x5FFFF  }
0xac: {  	[dreg:$0x1] =	wrdreg $0xFFFFFFFF  }
0xad: {  	[dreg:$0x0] =	wrdreg $0x60  }
0xae: {  	[dreg:$0x2] =	wrdreg s24  }
0xaf: {  	[dreg:$0x3] =	wrdreg s2  }
0xb0: {  	[dreg:$0x4] =	wrdreg $0x9  }
0xb1: {  	_ =	task.clear_ibuf [dreg:s7], $0x5FFFF;
	_ =	strace $0x90000046  }
0xb2: {  	s29 =	simm.s32 $0x9;
	_ =	strace $0x80000048  }
0xb3: {  	_ =	swait.ge [sflag:s29], $0x1  }
0xb4: {  	[sflag:s29] =	ssyncadd.s32 $0xFFFFFFFF  }
0xb5: {  	_ =	strace $0x90000048  }
0xb6: {  	_ =	sfence  }
0xb7: {  	s30 =	sld [smem:$0x0];
	_ =	sdelay $0x2  }
0xb8: {  	s31 =	sshll.u32 s1, $0xD;
	s1 =	sshrl.u32 s1, $0x2  }
0xb9: {  	s3 =	sand.u32 $0x4000, s31;
	s1 =	sadd.s32 s1, s30  }
0xba: {  	s0 =	sor.u32 s3, s0;
	s1 =	sshll.u32 s1, $0x11  }
0xbb: {  	s0 =	sor.u32 s1, s0  }
0xbc: {  	s0 =	sadd.s32 $0x8F2B, s0  }
0xbd: {  	[sflag:s0] =	ssyncadd.remote.s32 $0x1  }
0xbe: {  	_ =	sfence.sel $0xFFFF  }
0xbf: {  	[dreg:$0x0] =	wrdreg $0xFFFFFFFF;
	(pc) =	sbr.abs _section_cstart, $3  }
0xc0: {  	[dreg:$0x1] =	wrdreg $0xFFFFFFFF  }
0xc1: {  	_ =	task.clear_ibuf [dreg:s7], $0x2FFFF;
	_ =	strace $0x9FFFFFFF  }
0xc2: {  	(tm) =	ssettm $0x7FFFFFFF  }
0xc3: {  	_ =	shalt  }
tec
execute0_lowered:
.L_overlay_start_1:
0x0: {  	(tag) =	ssettag $0x1  }
0x1: {  	s0 =	rddreg [dreg:$0x0]  }
0x2: {  	s1 =	srdreg.scid;
	s2 =	stileid.u32  }
0x3: {  	s3 =	rddreg [dreg:$0x1];
	s13 =	simm.s32 $0x4;
	s18 =	simm.s32 $0x32  }
0x4: {  	s20 =	simm.s32 $0x7D;
	s28 =	simm.s32 $0x14F00;
	s30 =	simm.s32 $0x16E40  }
0x5: {  	s14 =	simm.s32 $0x2280;
	s21 =	simm.s32 $0x1;
	s29 =	simm.s32 $0x19380  }
0x6: {  	s16 =	simm.s32 $0x19500;
	s19 =	simm.s32 $0x2;
	s17 =	simm.s32 $0x0  }
0x7: {  	s1 =	sand.u32 $0x1, s1;
	s4 =	sshll.u32 s2, $0x1;
	s2 =	simm.s32 $0x0  }
0x8: {  	s11 =	sadd.s32 $0x279000, s0;
	s5 =	sor.u32 s1, s4;
	[smem:$0x7FF] =	sst s2  }
0x9: {  	s4 =	sadd.s32 $0x1B5A00, s0;
	s1 =	ssub.s32 $0x2, s1;
	s6 =	smul.u32 $0x380, s5  }
0xa: {  	_ =	strace $0x80000047;
	s7 =	sshll.u32 s5, $0x6;
	s8 =	smul.u32 $0x320, s5  }
0xb: {  	s9 =	sshll.u32 s5, $0xC;
	s10 =	sshll.u32 s5, $0x1;
	s22 =	sshrl.u32 s1, $0x1  }
0xc: {  	s5 =	sshll.u32 s5, $0x4;
	[dreg:$0x3] =	wrdreg s11;
	s7 =	sadd.s32 s7, s0  }
0xd: {  	s9 =	sadd.s32 s9, s0;
	s1 =	ssub.s32 s1, s22;
	s3 =	sadd.s32 s3, s5  }
0xe: {  	s22 =	simm.s32 $0x18D80;
	s7 =	sadd.s32 $0x2F000, s7;
	[dreg:$0x5] =	wrdreg s3  }
0xf: {  	v16 =	vlaneseq.u32;
	s6 =	sadd.s32 s6, s0;
	s25 =	sadd.s32 $0xF000, s9;
	[dreg:$0x4] =	wrdreg s7  }
0x10: {  	v0 =	vmul.u32 $0x100, v16;
	s8 =	sadd.s32 s8, s0;
	s31 =	smax.u32 s1, $0x1;
	[dreg:$0x8] =	wrdreg s25  }
0x11: {  	v17 =	vimm.s32 $0x0;
	v4 =	vmul.u32 $0x40, v16;
	s0 =	sadd.s32 s10, s0;
	s23 =	sadd.s32 $0x8000, s6;
	[dreg:$0xb] =	wrdreg s31  }
.Ltmp0:
0x12: {  	v16 =	vmul.u32 $0x18, v16;
	v1 =	vor.u32 $0x40, v0;
	v2 =	vor.u32 $0x80, v0;
	s24 =	sadd.s32 $0x1C00, s8;
	[dreg:$0x6] =	wrdreg s23;
	(pc) =	sbr.rel .LBB2_1-.Ltmp0, $4  }
0x13: {  	v3 =	vor.u32 $0xC0, v0;
	v5 =	vor.u32 $0x1000, v0;
	v6 =	vor.u32 $0x1040, v0;
	s1 =	simm.s32 $0x280;
	s26 =	sadd.s32 $0x2FA00, s0;
	[dreg:$0x7] =	wrdreg s24  }
0x14: {  	v7 =	vor.u32 $0x1080, v0;
	v8 =	vor.u32 $0x10C0, v0;
	v9 =	vor.u32 $0x400, v4;
	s0 =	sadd.s32 $0x2F800, s0;
	s25 =	simm.s32 $0x10400;
	[dreg:$0x9] =	wrdreg s26  }
0x15: {  	v10 =	vor.u32 $0x800, v4;
	v11 =	vor.u32 $0xC00, v4;
	v12 =	vor.u32 $0x1000, v4;
	s7 =	simm.s32 $0x80;
	[dreg:$0xa] =	wrdreg s0;
	s0 =	simm.s32 $0x3  }
0x16: {  	v13 =	vor.u32 $0x1400, v4;
	v14 =	vor.u32 $0x1800, v4;
	v15 =	vor.u32 $0x1C00, v4;
	s23 =	simm.s32 $0x18F00;
	s24 =	simm.s32 $0x19080;
	s26 =	simm.s32 $0x19200  }
.LBB2_28:
0x17: {  	[tilespmem:$0x19680] =	vst v19;
	s3 =	rddreg [dreg:$0x9];
	s5 =	simm.s32 $0x19680  }
0x18: {  	[hbm4b:s3+s2] =	stream.linear.scatter [tilespmem:s5], [sflag:$0x4], $0x10, $0x38;
	[tilespmem:$0x19690] =	vst v63  }
0x19: {  	_ =	swait.ge [sflag:s13], $0x10  }
0x1a: {  	[sflag:s13] =	ssyncset.done $0x0  }
0x1b: {  	[sflag:s13] =	ssyncadd.s32 $0xFFFFFFF0  }
0x1c: {  	s15 =	rddreg [dreg:$0xa];
	[tilespmem:$0x19680] =	vst v18  }
0x1d: {  	[hbm4b:s15+s2] =	stream.linear.scatter [tilespmem:s5], [sflag:$0x4], $0x10, $0x38;
	[tilespmem:$0x19690] =	vst v63  }
0x1e: {  	_ =	swait.ge [sflag:s13], $0x10  }
0x1f: {  	s17 =	sadd.s32 $0x1, s17;
	s31 =	rddreg [dreg:$0xb]  }
0x20: {  	p0 =	sne.s32 s17, s31  }
.Ltmp1:
0x21: {  	_ = 	snop;
	(pc) =	sbr.rel @!p0 .LBB2_29-.Ltmp1, $3  }
0x22: {  	_ =	sdelay $0x1  }
0x23: {  	[sflag:s13] =	ssyncset.done $0x0  }
0x24: {  	s7 =	simm.s32 $0x80;
	s11 =	rddreg [dreg:$0x3];
	[sflag:s13] =	ssyncadd.s32 $0xFFFFFFF0  }
.LBB2_1:
0x25: {  	s3 =	rddreg [dreg:$0x4]  }
0x26: {  	[tilespmem:s2], [sflag:$0x4] =	stream.linear.gather [hbm4b:s3+s2], $0x200, $0x38;
	[tilespmem:$0x19690] =	vst v63  }
0x27: {  	_ =	swait.ge [sflag:s13], $0x200  }
0x28: {  	[sflag:s13] =	ssyncset.done $0x0  }
0x29: {  	s5 =	simm.s32 $0x200;
	s6 =	rddreg [dreg:$0x5];
	[sflag:s13] =	ssyncadd.s32 $0xFFFFFE00  }
0x2a: {  	[tilespmem:s5], [sflag:$0x4] =	stream.linear.gather [hbm4b:s6+s2], $0x80, $0x38;
	[tilespmem:$0x19690] =	vst v63  }
0x2b: {  	_ =	swait.ge [sflag:s13], $0x80  }
0x2c: {  	[sflag:s13] =	ssyncset.done $0x0  }
0x2d: {  	s9 =	simm.s32 $0x4280;
	s8 =	rddreg [dreg:$0x6];
	[sflag:s13] =	ssyncadd.s32 $0xFFFFFF80  }
0x2e: {  	[tilespmem:s9], [sflag:$0x4] =	stream.linear.gather [hbm4b:s8+s2], $0x1C00, $0x38;
	[tilespmem:$0x19690] =	vst v63  }
0x2f: {  	_ =	swait.ge [sflag:s13], $0x1C00  }
0x30: {  	[sflag:s13] =	ssyncset.done $0x0  }
0x31: {  	s6 =	simm.s32 $0x5E80;
	s10 =	rddreg [dreg:$0x7];
	[sflag:s13] =	ssyncadd.s32 $0xFFFFE400  }
0x32: {  	[tilespmem:s6], [sflag:$0x4] =	stream.linear.gather [hbm4b:s10+s2], $0x1900, $0x38;
	[tilespmem:$0x19690] =	vst v63  }
0x33: {  	_ =	swait.ge [sflag:s13], $0x1900  }
0x34: {  	[sflag:s13] =	ssyncset.done $0x0  }
0x35: {  	s15 =	simm.s32 $0x7780;
	s12 =	rddreg [dreg:$0x8];
	[sflag:s13] =	ssyncadd.s32 $0xFFFFE700  }
0x36: {  	[tilespmem:s15], [sflag:$0x4] =	stream.linear.gather [hbm4b:s12+s2], $0x8000, $0x38;
	[tilespmem:$0x19690] =	vst v63  }
0x37: {  	_ =	swait.ge [sflag:s13], $0x8000  }
0x38: {  	[sflag:s13] =	ssyncset.done $0x0  }
0x39: {  	s31 =	simm.s32 $0xF780;
	[sflag:s13] =	ssyncadd.s32 $0xFFFF8000  }
0x3a: {  	[tilespmem:s31], [sflag:$0x1] =	stream.indirect.gather [hbm4b:s4+s18], $0x40, s9, s18, $0xb8;
	[tilespmem:$0x19690] =	vst v63  }
0x3b: {  	s5 =	simm.s32 $0x11080  }
0x3c: {  	[tilespmem:s5], [sflag:$0x1] =	stream.indirect.gather [hbm4b:s4+s20], $0x40, s15, s20, $0xb8;
	[tilespmem:$0x19690] =	vst v63  }
0x3d: {  	s8 =	simm.s32 $0x7800;
	s9 =	simm.s32 $0x12FC0  }
0x3e: {  	[tilespmem:s9], [sflag:$0x1] =	stream.indirect.gather [hbm4b:s4+s20], $0x40, s8, s20, $0xb8;
	[tilespmem:$0x19690] =	vst v63  }
0x3f: {  	s10 =	simm.s32 $0x42B8  }
0x40: {  	[tilespmem:s25], [sflag:$0x2] =	stream.indirect.gather [hbm4b:s4+s18], $0x40, s10, s18, $0xb8;
	[tilespmem:$0x19690] =	vst v63  }
0x41: {  	s12 =	simm.s32 $0x7880  }
0x42: {  	[tilespmem:s28], [sflag:$0x2] =	stream.indirect.gather [hbm4b:s4+s20], $0x40, s12, s20, $0xb8;
	[tilespmem:$0x19690] =	vst v63  }
0x43: {  	s15 =	simm.s32 $0x7900  }
0x44: {  	[tilespmem:s30], [sflag:$0x2] =	stream.indirect.gather [hbm4b:s4+s20], $0x40, s15, s20, $0xb8;
	[tilespmem:$0x19690] =	vst v63  }
0x45: {  	_ = 	snop  }
0x46: {  	[tilespmem:s1], [sflag:$0x3] =	stream.indirect.gather [hbm4b:s11+s7], $0x40, s2, s7, $0xb8;
	[tilespmem:$0x19690] =	vst v63  }
0x47: {  	_ =	swait.ge [sflag:s0], $0x2000  }
0x48: {  	[sflag:s0] =	ssyncset.done $0x0  }
0x49: {  	v18 =	vmov s2;
	[sflag:s0] =	ssyncadd.s32 $0xFFFFE000  }
0x4a: {  	v18 =	vand.u32 $0x3F, v18;
	v21 =	vld [tilespmem:$0x200]  }
0x4b: {  	v19 =	vbroadcast v18, $0x0;
	_ =	sdelay $0x1  }
0x4c: {  	v18 =	vor.u32 v0, v19;
	_ =	sdelay $0x1  }
0x4d: {  	v20 =	vcvt.s32.f32 v21  }
0x4e: {  	v22 =	vor.u32 v1, v19  }
0x4f: {  	v20 =	vmax.f32 v20, $1.000000000e+00  }
0x50: {  	v18 =	vld.idx.msk [tilespmem:v18+s1+$0x0], $0xffff;
	(erf) = vrcp.f32 v20;
	v20 =	vor.u32 v2, v19;
	_ =	sdelay $0x1  }
0x51: {  	v23 =	vor.u32 v3, v19  }
0x52: {  	v22 =	vld.idx.msk [tilespmem:v22+s1+$0x0], $0xffff;
	_ =	sdelay $0x1  }
0x53: {  	v18 =	vadd.f32 $0.0e+00, v18;
	v20 =	vld.idx.msk [tilespmem:v20+s1+$0x0], $0xffff  }
0x54: {  	vm1 =	vgt.s32 v21, $0x1  }
0x55: {  	vm2 =	vgt.s32 v21, $0x0;
	vm0 =	vgt.s32 v21, $0x3;
	vm3 =	vgt.s32 v21, $0x2;
	v21 =	vld.idx.msk [tilespmem:v23+s1+$0x0], $0xffff  }
0x56: {  	s31 =	simm.s32 $0x1;
	v22 =	vnsel vm1, $0x0, v22;
	v24 =	vnsel vm2, $0x0, v18  }
0x57: {  	s3 =	simm.s32 $0x2;
	v23 =	vmov s31;
	v22 =	vadd.f32 v22, v24;
	v18 =	vpop (erf)  }
.LBB2_2:
0x58: {  	p0 =	sne.s32 s3, $0x3F;
	v23 =	vand.u32 $0x3F, v23;
	v20 =	vnsel vm3, $0x0, v20  }
0x59: {  	v23 =	vbroadcast v23, $0x0;
	v20 =	vadd.f32 v20, v22  }
0x5a: {  	v21 =	vnsel vm0, $0x0, v21;
	v22 =	vor.u32 v4, v19  }
0x5b: {  	v24 =	vor.u32 v0, v23;
	v20 =	vadd.f32 v21, v20;
	v19 =	vmov v23;
	_ =	sdelay $0x1  }
0x5c: {  	v21 =	vor.u32 v1, v19;
	v20 =	vmul.f32 v20, v18;
	_ =	sdelay $0x1  }
0x5d: {  	v23 =	vor.u32 v2, v19;
	[tilespmem:v22+s14+$0x0] =	vst.idx.msk $0xffff, v20  }
0x5e: {  	v22 =	vld.idx.msk [tilespmem:v24+s1+$0x0], $0xffff  }
0x5f: {  	v24 =	vor.u32 v3, v19  }
0x60: {  	v25 =	vld.idx.msk [tilespmem:v21+s1+$0x0], $0xffff;
	_ =	sdelay $0x1  }
0x61: {  	v20 =	vld.idx.msk [tilespmem:v23+s1+$0x0], $0xffff  }
.Ltmp2:
0x62: {  	(pc) =	sbr.rel @p0 .LBB2_2-.Ltmp2, $3  }
0x63: {  	v22 =	vadd.f32 $0.0e+00, v22;
	v21 =	vld.idx.msk [tilespmem:v24+s1+$0x0], $0xffff;
	_ =	sdelay $0x1  }
0x64: {  	v22 =	vnsel vm2, $0x0, v22;
	v24 =	vnsel vm1, $0x0, v25  }
0x65: {  	v23 =	vmov s3;
	s3 =	sadd.s32 $0x1, s3;
	v22 =	vadd.f32 v24, v22  }
0x66: {  	v23 =	vand.u32 $0x3F, v23;
	v20 =	vnsel vm3, $0x0, v20  }
0x67: {  	v23 =	vbroadcast v23, $0x0;
	v20 =	vadd.f32 v20, v22  }
0x68: {  	v19 =	vor.u32 v4, v19;
	v21 =	vnsel vm0, $0x0, v21  }
0x69: {  	v22 =	vor.u32 v0, v23;
	v20 =	vadd.f32 v21, v20;
	_ =	sdelay $0x1  }
0x6a: {  	v21 =	vor.u32 v1, v23;
	v20 =	vmul.f32 v20, v18;
	_ =	sdelay $0x1  }
0x6b: {  	v24 =	vor.u32 v2, v23;
	[tilespmem:v19+s14+$0x0] =	vst.idx.msk $0xffff, v20  }
0x6c: {  	v19 =	vld.idx.msk [tilespmem:v22+s1+$0x0], $0xffff  }
0x6d: {  	v20 =	vor.u32 v3, v23  }
0x6e: {  	v21 =	vld.idx.msk [tilespmem:v21+s1+$0x0], $0xffff;
	_ =	sdelay $0x1  }
0x6f: {  	v22 =	vld.idx.msk [tilespmem:v24+s1+$0x0], $0xffff  }
0x70: {  	v19 =	vadd.f32 $0.0e+00, v19  }
0x71: {  	v20 =	vld.idx.msk [tilespmem:v20+s1+$0x0], $0xffff  }
0x72: {  	v21 =	vnsel vm1, $0x0, v21;
	v19 =	vnsel vm2, $0x0, v19  }
0x73: {  	v19 =	vadd.f32 v21, v19  }
0x74: {  	v21 =	vnsel vm3, $0x0, v22  }
0x75: {  	v19 =	vadd.f32 v21, v19  }
0x76: {  	v20 =	vnsel vm0, $0x0, v20;
	v21 =	vor.u32 v4, v23  }
0x77: {  	v19 =	vadd.f32 v20, v19;
	_ =	sdelay $0x1  }
0x78: {  	v18 =	vmul.f32 v19, v18  }
0x79: {  	s3 =	simm.s32 $0x0  }
0x7a: {  	[tilespmem:v21+s14+$0x0] =	vst.idx.msk $0xffff, v18;
	v18 =	vmov s3  }
0x7b: {  	v21 =	vld [tilespmem:$0x210];
	v18 =	vand.u32 $0x3F, v18  }
0x7c: {  	v19 =	vbroadcast v18, $0x0;
	_ =	sdelay $0x1  }
0x7d: {  	v18 =	vor.u32 v5, v19;
	_ =	sdelay $0x1  }
0x7e: {  	v20 =	vcvt.s32.f32 v21  }
0x7f: {  	v22 =	vor.u32 v6, v19  }
0x80: {  	v20 =	vmax.f32 v20, $1.000000000e+00  }
0x81: {  	(erf) = vrcp.f32 v20;
	v18 =	vld.idx.msk [tilespmem:v18+s1+$0x0], $0xffff;
	v20 =	vor.u32 v7, v19;
	_ =	sdelay $0x1  }
0x82: {  	v23 =	vor.u32 v8, v19  }
0x83: {  	v22 =	vld.idx.msk [tilespmem:v22+s1+$0x0], $0xffff;
	_ =	sdelay $0x1  }
0x84: {  	v18 =	vadd.f32 $0.0e+00, v18;
	v20 =	vld.idx.msk [tilespmem:v20+s1+$0x0], $0xffff  }
0x85: {  	vm1 =	vgt.s32 v21, $0x1  }
0x86: {  	vm2 =	vgt.s32 v21, $0x0;
	vm0 =	vgt.s32 v21, $0x3;
	vm3 =	vgt.s32 v21, $0x2;
	v21 =	vld.idx.msk [tilespmem:v23+s1+$0x0], $0xffff  }
0x87: {  	s31 =	simm.s32 $0x1;
	v22 =	vnsel vm1, $0x0, v22;
	v63 =	vnsel vm2, $0x0, v18  }
0x88: {  	s3 =	simm.s32 $0x2;
	v23 =	vmov s31;
	v22 =	vadd.f32 v22, v63;
	v18 =	vpop (erf)  }
.LBB2_4:
0x89: {  	p0 =	sne.s32 s3, $0x3F;
	v23 =	vand.u32 $0x3F, v23;
	v20 =	vnsel vm3, $0x0, v20  }
0x8a: {  	v23 =	vbroadcast v23, $0x0;
	v20 =	vadd.f32 v20, v22  }
0x8b: {  	v21 =	vnsel vm0, $0x0, v21;
	v22 =	vor.u32 v9, v19  }
0x8c: {  	v24 =	vor.u32 v5, v23;
	v20 =	vadd.f32 v21, v20;
	v19 =	vmov v23;
	_ =	sdelay $0x1  }
0x8d: {  	v21 =	vor.u32 v6, v19;
	v20 =	vmul.f32 v20, v18;
	_ =	sdelay $0x1  }
0x8e: {  	v23 =	vor.u32 v7, v19;
	[tilespmem:v22+s14+$0x0] =	vst.idx.msk $0xffff, v20  }
0x8f: {  	v22 =	vld.idx.msk [tilespmem:v24+s1+$0x0], $0xffff  }
0x90: {  	v24 =	vor.u32 v8, v19  }
0x91: {  	v25 =	vld.idx.msk [tilespmem:v21+s1+$0x0], $0xffff;
	_ =	sdelay $0x1  }
0x92: {  	v20 =	vld.idx.msk [tilespmem:v23+s1+$0x0], $0xffff  }
.Ltmp3:
0x93: {  	(pc) =	sbr.rel @p0 .LBB2_4-.Ltmp3, $3  }
0x94: {  	v22 =	vadd.f32 $0.0e+00, v22;
	v21 =	vld.idx.msk [tilespmem:v24+s1+$0x0], $0xffff;
	_ =	sdelay $0x1  }
0x95: {  	v22 =	vnsel vm2, $0x0, v22;
	v24 =	vnsel vm1, $0x0, v25  }
0x96: {  	v23 =	vmov s3;
	s3 =	sadd.s32 $0x1, s3;
	v22 =	vadd.f32 v24, v22  }
0x97: {  	v23 =	vand.u32 $0x3F, v23;
	v20 =	vnsel vm3, $0x0, v20  }
0x98: {  	v23 =	vbroadcast v23, $0x0;
	v20 =	vadd.f32 v20, v22  }
0x99: {  	v19 =	vor.u32 v9, v19;
	v21 =	vnsel vm0, $0x0, v21  }
0x9a: {  	v22 =	vor.u32 v5, v23;
	v20 =	vadd.f32 v21, v20;
	_ =	sdelay $0x1  }
0x9b: {  	v21 =	vor.u32 v6, v23;
	v20 =	vmul.f32 v20, v18;
	_ =	sdelay $0x1  }
0x9c: {  	v24 =	vor.u32 v7, v23;
	[tilespmem:v19+s14+$0x0] =	vst.idx.msk $0xffff, v20  }
0x9d: {  	v19 =	vld.idx.msk [tilespmem:v22+s1+$0x0], $0xffff  }
0x9e: {  	v20 =	vor.u32 v8, v23  }
0x9f: {  	v21 =	vld.idx.msk [tilespmem:v21+s1+$0x0], $0xffff;
	_ =	sdelay $0x1  }
0xa0: {  	v22 =	vld.idx.msk [tilespmem:v24+s1+$0x0], $0xffff  }
0xa1: {  	v19 =	vadd.f32 $0.0e+00, v19  }
0xa2: {  	v20 =	vld.idx.msk [tilespmem:v20+s1+$0x0], $0xffff  }
0xa3: {  	v21 =	vnsel vm1, $0x0, v21;
	v19 =	vnsel vm2, $0x0, v19  }
0xa4: {  	v19 =	vadd.f32 v21, v19  }
0xa5: {  	v21 =	vnsel vm3, $0x0, v22  }
0xa6: {  	v19 =	vadd.f32 v21, v19  }
0xa7: {  	v20 =	vnsel vm0, $0x0, v20;
	v21 =	vor.u32 v9, v23  }
0xa8: {  	v19 =	vadd.f32 v20, v19;
	_ =	sdelay $0x1  }
0xa9: {  	v18 =	vmul.f32 v19, v18;
	_ =	sdelay $0x1  }
0xaa: {  	[tilespmem:v21+s14+$0x0] =	vst.idx.msk $0xffff, v18  }
0xab: {  	[tilespmem:s1], [sflag:$0x3] =	stream.indirect.gather [hbm4b:s11+s7], $0x40, s7, s7, $0xb8;
	[tilespmem:$0x19690] =	vst v63  }
0xac: {  	_ =	swait.ge [sflag:s0], $0x2000  }
0xad: {  	s3 =	simm.s32 $0x0;
	[sflag:s0] =	ssyncset.done $0x0  }
0xae: {  	v18 =	vmov s3;
	[sflag:s0] =	ssyncadd.s32 $0xFFFFE000  }
0xaf: {  	v18 =	vand.u32 $0x3F, v18;
	v21 =	vld [tilespmem:$0x220]  }
0xb0: {  	v19 =	vbroadcast v18, $0x0;
	_ =	sdelay $0x1  }
0xb1: {  	v18 =	vor.u32 v0, v19;
	_ =	sdelay $0x1  }
0xb2: {  	v20 =	vcvt.s32.f32 v21  }
0xb3: {  	v22 =	vor.u32 v1, v19  }
0xb4: {  	v20 =	vmax.f32 v20, $1.000000000e+00  }
0xb5: {  	v18 =	vld.idx.msk [tilespmem:v18+s1+$0x0], $0xffff;
	(erf) = vrcp.f32 v20;
	v20 =	vor.u32 v2, v19;
	_ =	sdelay $0x1  }
0xb6: {  	v23 =	vor.u32 v3, v19  }
0xb7: {  	v22 =	vld.idx.msk [tilespmem:v22+s1+$0x0], $0xffff;
	_ =	sdelay $0x1  }
0xb8: {  	v18 =	vadd.f32 $0.0e+00, v18;
	v20 =	vld.idx.msk [tilespmem:v20+s1+$0x0], $0xffff  }
0xb9: {  	vm1 =	vgt.s32 v21, $0x1  }
0xba: {  	vm2 =	vgt.s32 v21, $0x0;
	vm0 =	vgt.s32 v21, $0x3;
	vm3 =	vgt.s32 v21, $0x2;
	v21 =	vld.idx.msk [tilespmem:v23+s1+$0x0], $0xffff  }
0xbb: {  	s31 =	simm.s32 $0x1;
	v22 =	vnsel vm1, $0x0, v22;
	v63 =	vnsel vm2, $0x0, v18  }
0xbc: {  	s3 =	simm.s32 $0x2;
	v23 =	vmov s31;
	v22 =	vadd.f32 v22, v63;
	v18 =	vpop (erf)  }
.LBB2_6:
0xbd: {  	p0 =	sne.s32 s3, $0x3F;
	v23 =	vand.u32 $0x3F, v23;
	v20 =	vnsel vm3, $0x0, v20  }
0xbe: {  	v23 =	vbroadcast v23, $0x0;
	v20 =	vadd.f32 v20, v22  }
0xbf: {  	v21 =	vnsel vm0, $0x0, v21;
	v22 =	vor.u32 v10, v19  }
0xc0: {  	v24 =	vor.u32 v0, v23;
	v20 =	vadd.f32 v21, v20;
	v19 =	vmov v23;
	_ =	sdelay $0x1  }
0xc1: {  	v21 =	vor.u32 v1, v19;
	v20 =	vmul.f32 v20, v18;
	_ =	sdelay $0x1  }
0xc2: {  	v23 =	vor.u32 v2, v19;
	[tilespmem:v22+s14+$0x0] =	vst.idx.msk $0xffff, v20  }
0xc3: {  	v22 =	vld.idx.msk [tilespmem:v24+s1+$0x0], $0xffff  }
0xc4: {  	v24 =	vor.u32 v3, v19  }
0xc5: {  	v25 =	vld.idx.msk [tilespmem:v21+s1+$0x0], $0xffff;
	_ =	sdelay $0x1  }
0xc6: {  	v20 =	vld.idx.msk [tilespmem:v23+s1+$0x0], $0xffff  }
.Ltmp4:
0xc7: {  	(pc) =	sbr.rel @p0 .LBB2_6-.Ltmp4, $3  }
0xc8: {  	v22 =	vadd.f32 $0.0e+00, v22;
	v21 =	vld.idx.msk [tilespmem:v24+s1+$0x0], $0xffff;
	_ =	sdelay $0x1  }
0xc9: {  	v22 =	vnsel vm2, $0x0, v22;
	v24 =	vnsel vm1, $0x0, v25  }
0xca: {  	v23 =	vmov s3;
	s3 =	sadd.s32 $0x1, s3;
	v22 =	vadd.f32 v24, v22  }
0xcb: {  	v23 =	vand.u32 $0x3F, v23;
	v20 =	vnsel vm3, $0x0, v20  }
0xcc: {  	v23 =	vbroadcast v23, $0x0;
	v20 =	vadd.f32 v20, v22  }
0xcd: {  	v19 =	vor.u32 v10, v19;
	v21 =	vnsel vm0, $0x0, v21  }
0xce: {  	v22 =	vor.u32 v0, v23;
	v20 =	vadd.f32 v21, v20;
	_ =	sdelay $0x1  }
0xcf: {  	v21 =	vor.u32 v1, v23;
	v20 =	vmul.f32 v20, v18;
	_ =	sdelay $0x1  }
0xd0: {  	v24 =	vor.u32 v2, v23;
	[tilespmem:v19+s14+$0x0] =	vst.idx.msk $0xffff, v20  }
0xd1: {  	v19 =	vld.idx.msk [tilespmem:v22+s1+$0x0], $0xffff  }
0xd2: {  	v20 =	vor.u32 v3, v23  }
0xd3: {  	v21 =	vld.idx.msk [tilespmem:v21+s1+$0x0], $0xffff;
	_ =	sdelay $0x1  }
0xd4: {  	v22 =	vld.idx.msk [tilespmem:v24+s1+$0x0], $0xffff  }
0xd5: {  	v19 =	vadd.f32 $0.0e+00, v19  }
0xd6: {  	v20 =	vld.idx.msk [tilespmem:v20+s1+$0x0], $0xffff  }
0xd7: {  	v21 =	vnsel vm1, $0x0, v21;
	v19 =	vnsel vm2, $0x0, v19  }
0xd8: {  	v19 =	vadd.f32 v21, v19  }
0xd9: {  	v21 =	vnsel vm3, $0x0, v22  }
0xda: {  	v19 =	vadd.f32 v21, v19  }
0xdb: {  	v20 =	vnsel vm0, $0x0, v20;
	v21 =	vor.u32 v10, v23  }
0xdc: {  	v19 =	vadd.f32 v20, v19;
	_ =	sdelay $0x1  }
0xdd: {  	v18 =	vmul.f32 v19, v18  }
0xde: {  	s3 =	simm.s32 $0x0  }
0xdf: {  	[tilespmem:v21+s14+$0x0] =	vst.idx.msk $0xffff, v18;
	v18 =	vmov s3  }
0xe0: {  	v21 =	vld [tilespmem:$0x230];
	v18 =	vand.u32 $0x3F, v18  }
0xe1: {  	v19 =	vbroadcast v18, $0x0;
	_ =	sdelay $0x1  }
0xe2: {  	v18 =	vor.u32 v5, v19;
	_ =	sdelay $0x1  }
0xe3: {  	v20 =	vcvt.s32.f32 v21  }
0xe4: {  	v22 =	vor.u32 v6, v19  }
0xe5: {  	v20 =	vmax.f32 v20, $1.000000000e+00  }
0xe6: {  	(erf) = vrcp.f32 v20;
	v18 =	vld.idx.msk [tilespmem:v18+s1+$0x0], $0xffff;
	v20 =	vor.u32 v7, v19;
	_ =	sdelay $0x1  }
0xe7: {  	v23 =	vor.u32 v8, v19  }
0xe8: {  	v22 =	vld.idx.msk [tilespmem:v22+s1+$0x0], $0xffff;
	_ =	sdelay $0x1  }
0xe9: {  	v18 =	vadd.f32 $0.0e+00, v18;
	v20 =	vld.idx.msk [tilespmem:v20+s1+$0x0], $0xffff  }
0xea: {  	vm1 =	vgt.s32 v21, $0x1  }
0xeb: {  	vm2 =	vgt.s32 v21, $0x0;
	vm0 =	vgt.s32 v21, $0x3;
	vm3 =	vgt.s32 v21, $0x2;
	v21 =	vld.idx.msk [tilespmem:v23+s1+$0x0], $0xffff  }
0xec: {  	s31 =	simm.s32 $0x1;
	v22 =	vnsel vm1, $0x0, v22;
	v63 =	vnsel vm2, $0x0, v18  }
0xed: {  	s3 =	simm.s32 $0x2;
	v23 =	vmov s31;
	v22 =	vadd.f32 v22, v63;
	v18 =	vpop (erf)  }
.LBB2_8:
0xee: {  	p0 =	sne.s32 s3, $0x3F;
	v23 =	vand.u32 $0x3F, v23;
	v20 =	vnsel vm3, $0x0, v20  }
0xef: {  	v23 =	vbroadcast v23, $0x0;
	v20 =	vadd.f32 v20, v22  }
0xf0: {  	v21 =	vnsel vm0, $0x0, v21;
	v22 =	vor.u32 v11, v19  }
0xf1: {  	v24 =	vor.u32 v5, v23;
	v20 =	vadd.f32 v21, v20;
	v19 =	vmov v23;
	_ =	sdelay $0x1  }
0xf2: {  	v21 =	vor.u32 v6, v19;
	v20 =	vmul.f32 v20, v18;
	_ =	sdelay $0x1  }
0xf3: {  	v23 =	vor.u32 v7, v19;
	[tilespmem:v22+s14+$0x0] =	vst.idx.msk $0xffff, v20  }
0xf4: {  	v22 =	vld.idx.msk [tilespmem:v24+s1+$0x0], $0xffff  }
0xf5: {  	v24 =	vor.u32 v8, v19  }
0xf6: {  	v25 =	vld.idx.msk [tilespmem:v21+s1+$0x0], $0xffff;
	_ =	sdelay $0x1  }
0xf7: {  	v20 =	vld.idx.msk [tilespmem:v23+s1+$0x0], $0xffff  }
.Ltmp5:
0xf8: {  	(pc) =	sbr.rel @p0 .LBB2_8-.Ltmp5, $3  }
0xf9: {  	v22 =	vadd.f32 $0.0e+00, v22;
	v21 =	vld.idx.msk [tilespmem:v24+s1+$0x0], $0xffff;
	_ =	sdelay $0x1  }
0xfa: {  	v22 =	vnsel vm2, $0x0, v22;
	v24 =	vnsel vm1, $0x0, v25  }
0xfb: {  	v23 =	vmov s3;
	s3 =	sadd.s32 $0x1, s3;
	v22 =	vadd.f32 v24, v22  }
0xfc: {  	v23 =	vand.u32 $0x3F, v23;
	v20 =	vnsel vm3, $0x0, v20  }
0xfd: {  	v23 =	vbroadcast v23, $0x0;
	v20 =	vadd.f32 v20, v22  }
0xfe: {  	v19 =	vor.u32 v11, v19;
	v21 =	vnsel vm0, $0x0, v21  }
0xff: {  	v22 =	vor.u32 v5, v23;
	v20 =	vadd.f32 v21, v20;
	_ =	sdelay $0x1  }
0x100: {  	v21 =	vor.u32 v6, v23;
	v20 =	vmul.f32 v20, v18;
	_ =	sdelay $0x1  }
0x101: {  	v24 =	vor.u32 v7, v23;
	[tilespmem:v19+s14+$0x0] =	vst.idx.msk $0xffff, v20  }
0x102: {  	v19 =	vld.idx.msk [tilespmem:v22+s1+$0x0], $0xffff  }
0x103: {  	v20 =	vor.u32 v8, v23  }
0x104: {  	v21 =	vld.idx.msk [tilespmem:v21+s1+$0x0], $0xffff;
	_ =	sdelay $0x1  }
0x105: {  	v22 =	vld.idx.msk [tilespmem:v24+s1+$0x0], $0xffff  }
0x106: {  	v19 =	vadd.f32 $0.0e+00, v19  }
0x107: {  	v20 =	vld.idx.msk [tilespmem:v20+s1+$0x0], $0xffff  }
0x108: {  	v21 =	vnsel vm1, $0x0, v21;
	v19 =	vnsel vm2, $0x0, v19  }
0x109: {  	v19 =	vadd.f32 v21, v19  }
0x10a: {  	v21 =	vnsel vm3, $0x0, v22  }
0x10b: {  	v19 =	vadd.f32 v21, v19  }
0x10c: {  	v20 =	vnsel vm0, $0x0, v20;
	v21 =	vor.u32 v11, v23  }
0x10d: {  	v19 =	vadd.f32 v20, v19;
	_ =	sdelay $0x1  }
0x10e: {  	v18 =	vmul.f32 v19, v18;
	_ =	sdelay $0x1  }
0x10f: {  	s3 =	simm.s32 $0x100;
	[tilespmem:v21+s14+$0x0] =	vst.idx.msk $0xffff, v18  }
0x110: {  	[tilespmem:s1], [sflag:$0x3] =	stream.indirect.gather [hbm4b:s11+s7], $0x40, s3, s7, $0xb8;
	[tilespmem:$0x19690] =	vst v63  }
0x111: {  	_ =	swait.ge [sflag:s0], $0x2000  }
0x112: {  	s15 =	simm.s32 $0x0;
	[sflag:s0] =	ssyncset.done $0x0  }
0x113: {  	v18 =	vmov s15;
	[sflag:s0] =	ssyncadd.s32 $0xFFFFE000  }
0x114: {  	v18 =	vand.u32 $0x3F, v18;
	v21 =	vld [tilespmem:$0x240]  }
0x115: {  	v19 =	vbroadcast v18, $0x0;
	_ =	sdelay $0x1  }
0x116: {  	v18 =	vor.u32 v0, v19;
	_ =	sdelay $0x1  }
0x117: {  	v20 =	vcvt.s32.f32 v21  }
0x118: {  	v22 =	vor.u32 v1, v19  }
0x119: {  	v20 =	vmax.f32 v20, $1.000000000e+00  }
0x11a: {  	v18 =	vld.idx.msk [tilespmem:v18+s1+$0x0], $0xffff;
	(erf) = vrcp.f32 v20;
	v20 =	vor.u32 v2, v19;
	_ =	sdelay $0x1  }
0x11b: {  	v23 =	vor.u32 v3, v19  }
0x11c: {  	v22 =	vld.idx.msk [tilespmem:v22+s1+$0x0], $0xffff;
	_ =	sdelay $0x1  }
0x11d: {  	v18 =	vadd.f32 $0.0e+00, v18;
	v20 =	vld.idx.msk [tilespmem:v20+s1+$0x0], $0xffff  }
0x11e: {  	vm1 =	vgt.s32 v21, $0x1  }
0x11f: {  	vm2 =	vgt.s32 v21, $0x0;
	vm0 =	vgt.s32 v21, $0x3;
	vm3 =	vgt.s32 v21, $0x2;
	v21 =	vld.idx.msk [tilespmem:v23+s1+$0x0], $0xffff  }
0x120: {  	s31 =	simm.s32 $0x1;
	v22 =	vnsel vm1, $0x0, v22;
	v63 =	vnsel vm2, $0x0, v18  }
0x121: {  	s3 =	simm.s32 $0x2;
	v23 =	vmov s31;
	v22 =	vadd.f32 v22, v63;
	v18 =	vpop (erf)  }
.LBB2_10:
0x122: {  	p0 =	sne.s32 s3, $0x3F;
	v23 =	vand.u32 $0x3F, v23;
	v20 =	vnsel vm3, $0x0, v20  }
0x123: {  	v23 =	vbroadcast v23, $0x0;
	v20 =	vadd.f32 v20, v22  }
0x124: {  	v21 =	vnsel vm0, $0x0, v21;
	v22 =	vor.u32 v12, v19  }
0x125: {  	v24 =	vor.u32 v0, v23;
	v20 =	vadd.f32 v21, v20;
	v19 =	vmov v23;
	_ =	sdelay $0x1  }
0x126: {  	v21 =	vor.u32 v1, v19;
	v20 =	vmul.f32 v20, v18;
	_ =	sdelay $0x1  }
0x127: {  	v23 =	vor.u32 v2, v19;
	[tilespmem:v22+s14+$0x0] =	vst.idx.msk $0xffff, v20  }
0x128: {  	v22 =	vld.idx.msk [tilespmem:v24+s1+$0x0], $0xffff  }
0x129: {  	v24 =	vor.u32 v3, v19  }
0x12a: {  	v25 =	vld.idx.msk [tilespmem:v21+s1+$0x0], $0xffff;
	_ =	sdelay $0x1  }
0x12b: {  	v20 =	vld.idx.msk [tilespmem:v23+s1+$0x0], $0xffff  }
.Ltmp6:
0x12c: {  	(pc) =	sbr.rel @p0 .LBB2_10-.Ltmp6, $3  }
0x12d: {  	v22 =	vadd.f32 $0.0e+00, v22;
	v21 =	vld.idx.msk [tilespmem:v24+s1+$0x0], $0xffff;
	_ =	sdelay $0x1  }
0x12e: {  	v22 =	vnsel vm2, $0x0, v22;
	v24 =	vnsel vm1, $0x0, v25  }
0x12f: {  	v23 =	vmov s3;
	s3 =	sadd.s32 $0x1, s3;
	v22 =	vadd.f32 v24, v22  }
0x130: {  	v23 =	vand.u32 $0x3F, v23;
	v20 =	vnsel vm3, $0x0, v20  }
0x131: {  	v23 =	vbroadcast v23, $0x0;
	v20 =	vadd.f32 v20, v22  }
0x132: {  	v19 =	vor.u32 v12, v19;
	v21 =	vnsel vm0, $0x0, v21  }
0x133: {  	v22 =	vor.u32 v0, v23;
	v20 =	vadd.f32 v21, v20;
	_ =	sdelay $0x1  }
0x134: {  	v21 =	vor.u32 v1, v23;
	v20 =	vmul.f32 v20, v18;
	_ =	sdelay $0x1  }
0x135: {  	v24 =	vor.u32 v2, v23;
	[tilespmem:v19+s14+$0x0] =	vst.idx.msk $0xffff, v20  }
0x136: {  	v19 =	vld.idx.msk [tilespmem:v22+s1+$0x0], $0xffff  }
0x137: {  	v20 =	vor.u32 v3, v23  }
0x138: {  	v21 =	vld.idx.msk [tilespmem:v21+s1+$0x0], $0xffff;
	_ =	sdelay $0x1  }
0x139: {  	v22 =	vld.idx.msk [tilespmem:v24+s1+$0x0], $0xffff  }
0x13a: {  	v19 =	vadd.f32 $0.0e+00, v19  }
0x13b: {  	v20 =	vld.idx.msk [tilespmem:v20+s1+$0x0], $0xffff  }
0x13c: {  	v21 =	vnsel vm1, $0x0, v21;
	v19 =	vnsel vm2, $0x0, v19  }
0x13d: {  	v19 =	vadd.f32 v21, v19  }
0x13e: {  	v21 =	vnsel vm3, $0x0, v22  }
0x13f: {  	v19 =	vadd.f32 v21, v19  }
0x140: {  	v20 =	vnsel vm0, $0x0, v20;
	v21 =	vor.u32 v12, v23  }
0x141: {  	v19 =	vadd.f32 v20, v19;
	_ =	sdelay $0x1  }
0x142: {  	v18 =	vmul.f32 v19, v18  }
0x143: {  	s3 =	simm.s32 $0x0  }
0x144: {  	[tilespmem:v21+s14+$0x0] =	vst.idx.msk $0xffff, v18;
	v18 =	vmov s3  }
0x145: {  	v21 =	vld [tilespmem:$0x250];
	v18 =	vand.u32 $0x3F, v18  }
0x146: {  	v19 =	vbroadcast v18, $0x0;
	_ =	sdelay $0x1  }
0x147: {  	v18 =	vor.u32 v5, v19;
	_ =	sdelay $0x1  }
0x148: {  	v20 =	vcvt.s32.f32 v21  }
0x149: {  	v22 =	vor.u32 v6, v19  }
0x14a: {  	v20 =	vmax.f32 v20, $1.000000000e+00  }
0x14b: {  	(erf) = vrcp.f32 v20;
	v18 =	vld.idx.msk [tilespmem:v18+s1+$0x0], $0xffff;
	v20 =	vor.u32 v7, v19;
	_ =	sdelay $0x1  }
0x14c: {  	v23 =	vor.u32 v8, v19  }
0x14d: {  	v22 =	vld.idx.msk [tilespmem:v22+s1+$0x0], $0xffff;
	_ =	sdelay $0x1  }
0x14e: {  	v18 =	vadd.f32 $0.0e+00, v18;
	v20 =	vld.idx.msk [tilespmem:v20+s1+$0x0], $0xffff  }
0x14f: {  	vm1 =	vgt.s32 v21, $0x1  }
0x150: {  	vm2 =	vgt.s32 v21, $0x0;
	vm0 =	vgt.s32 v21, $0x3;
	vm3 =	vgt.s32 v21, $0x2;
	v21 =	vld.idx.msk [tilespmem:v23+s1+$0x0], $0xffff  }
0x151: {  	s31 =	simm.s32 $0x1;
	v22 =	vnsel vm1, $0x0, v22;
	v63 =	vnsel vm2, $0x0, v18  }
0x152: {  	s3 =	simm.s32 $0x2;
	v23 =	vmov s31;
	v22 =	vadd.f32 v22, v63;
	v18 =	vpop (erf)  }
.LBB2_12:
0x153: {  	p0 =	sne.s32 s3, $0x3F;
	v23 =	vand.u32 $0x3F, v23;
	v20 =	vnsel vm3, $0x0, v20  }
0x154: {  	v23 =	vbroadcast v23, $0x0;
	v20 =	vadd.f32 v20, v22  }
0x155: {  	v21 =	vnsel vm0, $0x0, v21;
	v22 =	vor.u32 v13, v19  }
0x156: {  	v24 =	vor.u32 v5, v23;
	v20 =	vadd.f32 v21, v20;
	v19 =	vmov v23;
	_ =	sdelay $0x1  }
0x157: {  	v21 =	vor.u32 v6, v19;
	v20 =	vmul.f32 v20, v18;
	_ =	sdelay $0x1  }
0x158: {  	v23 =	vor.u32 v7, v19;
	[tilespmem:v22+s14+$0x0] =	vst.idx.msk $0xffff, v20  }
0x159: {  	v22 =	vld.idx.msk [tilespmem:v24+s1+$0x0], $0xffff  }
0x15a: {  	v24 =	vor.u32 v8, v19  }
0x15b: {  	v25 =	vld.idx.msk [tilespmem:v21+s1+$0x0], $0xffff;
	_ =	sdelay $0x1  }
0x15c: {  	v20 =	vld.idx.msk [tilespmem:v23+s1+$0x0], $0xffff  }
.Ltmp7:
0x15d: {  	(pc) =	sbr.rel @p0 .LBB2_12-.Ltmp7, $3  }
0x15e: {  	v22 =	vadd.f32 $0.0e+00, v22;
	v21 =	vld.idx.msk [tilespmem:v24+s1+$0x0], $0xffff;
	_ =	sdelay $0x1  }
0x15f: {  	v22 =	vnsel vm2, $0x0, v22;
	v24 =	vnsel vm1, $0x0, v25  }
0x160: {  	v23 =	vmov s3;
	s3 =	sadd.s32 $0x1, s3;
	v22 =	vadd.f32 v24, v22  }
0x161: {  	v23 =	vand.u32 $0x3F, v23;
	v20 =	vnsel vm3, $0x0, v20  }
0x162: {  	v23 =	vbroadcast v23, $0x0;
	v20 =	vadd.f32 v20, v22  }
0x163: {  	v19 =	vor.u32 v13, v19;
	v21 =	vnsel vm0, $0x0, v21  }
0x164: {  	v22 =	vor.u32 v5, v23;
	v20 =	vadd.f32 v21, v20;
	_ =	sdelay $0x1  }
0x165: {  	v21 =	vor.u32 v6, v23;
	v20 =	vmul.f32 v20, v18;
	_ =	sdelay $0x1  }
0x166: {  	v24 =	vor.u32 v7, v23;
	[tilespmem:v19+s14+$0x0] =	vst.idx.msk $0xffff, v20  }
0x167: {  	v19 =	vld.idx.msk [tilespmem:v22+s1+$0x0], $0xffff  }
0x168: {  	v20 =	vor.u32 v8, v23  }
0x169: {  	v21 =	vld.idx.msk [tilespmem:v21+s1+$0x0], $0xffff;
	_ =	sdelay $0x1  }
0x16a: {  	v22 =	vld.idx.msk [tilespmem:v24+s1+$0x0], $0xffff  }
0x16b: {  	v19 =	vadd.f32 $0.0e+00, v19  }
0x16c: {  	v20 =	vld.idx.msk [tilespmem:v20+s1+$0x0], $0xffff  }
0x16d: {  	v21 =	vnsel vm1, $0x0, v21;
	v19 =	vnsel vm2, $0x0, v19  }
0x16e: {  	v19 =	vadd.f32 v21, v19  }
0x16f: {  	v21 =	vnsel vm3, $0x0, v22  }
0x170: {  	v19 =	vadd.f32 v21, v19  }
0x171: {  	v20 =	vnsel vm0, $0x0, v20;
	v21 =	vor.u32 v13, v23  }
0x172: {  	v19 =	vadd.f32 v20, v19;
	_ =	sdelay $0x1  }
0x173: {  	v18 =	vmul.f32 v19, v18;
	_ =	sdelay $0x1  }
0x174: {  	s3 =	simm.s32 $0x180;
	[tilespmem:v21+s14+$0x0] =	vst.idx.msk $0xffff, v18  }
0x175: {  	[tilespmem:s1], [sflag:$0x3] =	stream.indirect.gather [hbm4b:s11+s7], $0x40, s3, s7, $0xb8;
	[tilespmem:$0x19690] =	vst v63  }
0x176: {  	_ =	swait.ge [sflag:s0], $0x2000  }
0x177: {  	s15 =	simm.s32 $0x0;
	[sflag:s0] =	ssyncset.done $0x0  }
0x178: {  	v18 =	vmov s15;
	[sflag:s0] =	ssyncadd.s32 $0xFFFFE000  }
0x179: {  	v18 =	vand.u32 $0x3F, v18;
	v21 =	vld [tilespmem:$0x260]  }
0x17a: {  	v19 =	vbroadcast v18, $0x0;
	_ =	sdelay $0x1  }
0x17b: {  	v18 =	vor.u32 v0, v19;
	_ =	sdelay $0x1  }
0x17c: {  	v20 =	vcvt.s32.f32 v21  }
0x17d: {  	v22 =	vor.u32 v1, v19  }
0x17e: {  	v20 =	vmax.f32 v20, $1.000000000e+00  }
0x17f: {  	v18 =	vld.idx.msk [tilespmem:v18+s1+$0x0], $0xffff;
	(erf) = vrcp.f32 v20;
	v20 =	vor.u32 v2, v19;
	_ =	sdelay $0x1  }
0x180: {  	v23 =	vor.u32 v3, v19  }
0x181: {  	v22 =	vld.idx.msk [tilespmem:v22+s1+$0x0], $0xffff;
	_ =	sdelay $0x1  }
0x182: {  	v18 =	vadd.f32 $0.0e+00, v18;
	v20 =	vld.idx.msk [tilespmem:v20+s1+$0x0], $0xffff  }
0x183: {  	vm1 =	vgt.s32 v21, $0x1  }
0x184: {  	vm2 =	vgt.s32 v21, $0x0;
	vm0 =	vgt.s32 v21, $0x3;
	vm3 =	vgt.s32 v21, $0x2;
	v21 =	vld.idx.msk [tilespmem:v23+s1+$0x0], $0xffff  }
0x185: {  	s31 =	simm.s32 $0x1;
	v22 =	vnsel vm1, $0x0, v22;
	v63 =	vnsel vm2, $0x0, v18  }
0x186: {  	s3 =	simm.s32 $0x2;
	v23 =	vmov s31;
	v22 =	vadd.f32 v22, v63;
	v18 =	vpop (erf)  }
.LBB2_14:
0x187: {  	p0 =	sne.s32 s3, $0x3F;
	v23 =	vand.u32 $0x3F, v23;
	v20 =	vnsel vm3, $0x0, v20  }
0x188: {  	v23 =	vbroadcast v23, $0x0;
	v20 =	vadd.f32 v20, v22  }
0x189: {  	v21 =	vnsel vm0, $0x0, v21;
	v22 =	vor.u32 v14, v19  }
0x18a: {  	v24 =	vor.u32 v0, v23;
	v20 =	vadd.f32 v21, v20;
	v19 =	vmov v23;
	_ =	sdelay $0x1  }
0x18b: {  	v21 =	vor.u32 v1, v19;
	v20 =	vmul.f32 v20, v18;
	_ =	sdelay $0x1  }
0x18c: {  	v23 =	vor.u32 v2, v19;
	[tilespmem:v22+s14+$0x0] =	vst.idx.msk $0xffff, v20  }
0x18d: {  	v22 =	vld.idx.msk [tilespmem:v24+s1+$0x0], $0xffff  }
0x18e: {  	v24 =	vor.u32 v3, v19  }
0x18f: {  	v25 =	vld.idx.msk [tilespmem:v21+s1+$0x0], $0xffff;
	_ =	sdelay $0x1  }
0x190: {  	v20 =	vld.idx.msk [tilespmem:v23+s1+$0x0], $0xffff  }
.Ltmp8:
0x191: {  	(pc) =	sbr.rel @p0 .LBB2_14-.Ltmp8, $3  }
0x192: {  	v22 =	vadd.f32 $0.0e+00, v22;
	v21 =	vld.idx.msk [tilespmem:v24+s1+$0x0], $0xffff;
	_ =	sdelay $0x1  }
0x193: {  	v22 =	vnsel vm2, $0x0, v22;
	v24 =	vnsel vm1, $0x0, v25  }
0x194: {  	v23 =	vmov s3;
	s3 =	sadd.s32 $0x1, s3;
	v22 =	vadd.f32 v24, v22  }
0x195: {  	v23 =	vand.u32 $0x3F, v23;
	v20 =	vnsel vm3, $0x0, v20  }
0x196: {  	v23 =	vbroadcast v23, $0x0;
	v20 =	vadd.f32 v20, v22  }
0x197: {  	v19 =	vor.u32 v14, v19;
	v21 =	vnsel vm0, $0x0, v21  }
0x198: {  	v22 =	vor.u32 v0, v23;
	v20 =	vadd.f32 v21, v20;
	_ =	sdelay $0x1  }
0x199: {  	v21 =	vor.u32 v1, v23;
	v20 =	vmul.f32 v20, v18;
	_ =	sdelay $0x1  }
0x19a: {  	v24 =	vor.u32 v2, v23;
	[tilespmem:v19+s14+$0x0] =	vst.idx.msk $0xffff, v20  }
0x19b: {  	v19 =	vld.idx.msk [tilespmem:v22+s1+$0x0], $0xffff  }
0x19c: {  	v20 =	vor.u32 v3, v23  }
0x19d: {  	v21 =	vld.idx.msk [tilespmem:v21+s1+$0x0], $0xffff;
	_ =	sdelay $0x1  }
0x19e: {  	v22 =	vld.idx.msk [tilespmem:v24+s1+$0x0], $0xffff  }
0x19f: {  	v19 =	vadd.f32 $0.0e+00, v19  }
0x1a0: {  	v20 =	vld.idx.msk [tilespmem:v20+s1+$0x0], $0xffff  }
0x1a1: {  	v21 =	vnsel vm1, $0x0, v21;
	v19 =	vnsel vm2, $0x0, v19  }
0x1a2: {  	v19 =	vadd.f32 v21, v19  }
0x1a3: {  	v21 =	vnsel vm3, $0x0, v22  }
0x1a4: {  	v19 =	vadd.f32 v21, v19  }
0x1a5: {  	v20 =	vnsel vm0, $0x0, v20;
	v21 =	vor.u32 v14, v23  }
0x1a6: {  	v19 =	vadd.f32 v20, v19;
	_ =	sdelay $0x1  }
0x1a7: {  	v18 =	vmul.f32 v19, v18  }
0x1a8: {  	s5 =	simm.s32 $0x0  }
0x1a9: {  	[tilespmem:v21+s14+$0x0] =	vst.idx.msk $0xffff, v18;
	v18 =	vmov s5  }
0x1aa: {  	v21 =	vld [tilespmem:$0x270];
	v18 =	vand.u32 $0x3F, v18  }
0x1ab: {  	v19 =	vbroadcast v18, $0x0;
	_ =	sdelay $0x1  }
0x1ac: {  	v18 =	vor.u32 v5, v19;
	_ =	sdelay $0x1  }
0x1ad: {  	v20 =	vcvt.s32.f32 v21  }
0x1ae: {  	v22 =	vor.u32 v6, v19  }
0x1af: {  	v20 =	vmax.f32 v20, $1.000000000e+00  }
0x1b0: {  	(erf) = vrcp.f32 v20;
	v18 =	vld.idx.msk [tilespmem:v18+s1+$0x0], $0xffff;
	v20 =	vor.u32 v7, v19;
	_ =	sdelay $0x1  }
0x1b1: {  	v23 =	vor.u32 v8, v19  }
0x1b2: {  	v22 =	vld.idx.msk [tilespmem:v22+s1+$0x0], $0xffff;
	_ =	sdelay $0x1  }
0x1b3: {  	v18 =	vadd.f32 $0.0e+00, v18;
	v20 =	vld.idx.msk [tilespmem:v20+s1+$0x0], $0xffff  }
0x1b4: {  	vm1 =	vgt.s32 v21, $0x1  }
0x1b5: {  	vm2 =	vgt.s32 v21, $0x0;
	vm0 =	vgt.s32 v21, $0x3;
	vm3 =	vgt.s32 v21, $0x2;
	v21 =	vld.idx.msk [tilespmem:v23+s1+$0x0], $0xffff  }
0x1b6: {  	s3 =	simm.s32 $0x1;
	v22 =	vnsel vm1, $0x0, v22;
	v63 =	vnsel vm2, $0x0, v18  }
0x1b7: {  	v23 =	vmov s3;
	s3 =	simm.s32 $0x2;
	v22 =	vadd.f32 v22, v63;
	v18 =	vpop (erf)  }
.LBB2_16:
0x1b8: {  	p0 =	sne.s32 s3, $0x3F;
	v23 =	vand.u32 $0x3F, v23;
	v20 =	vnsel vm3, $0x0, v20  }
0x1b9: {  	v23 =	vbroadcast v23, $0x0;
	v20 =	vadd.f32 v20, v22  }
0x1ba: {  	v21 =	vnsel vm0, $0x0, v21;
	v22 =	vor.u32 v15, v19  }
0x1bb: {  	v24 =	vor.u32 v5, v23;
	v20 =	vadd.f32 v21, v20;
	v19 =	vmov v23;
	_ =	sdelay $0x1  }
0x1bc: {  	v21 =	vor.u32 v6, v19;
	v20 =	vmul.f32 v20, v18;
	_ =	sdelay $0x1  }
0x1bd: {  	v23 =	vor.u32 v7, v19;
	[tilespmem:v22+s14+$0x0] =	vst.idx.msk $0xffff, v20  }
0x1be: {  	v22 =	vld.idx.msk [tilespmem:v24+s1+$0x0], $0xffff  }
0x1bf: {  	v24 =	vor.u32 v8, v19  }
0x1c0: {  	v25 =	vld.idx.msk [tilespmem:v21+s1+$0x0], $0xffff;
	_ =	sdelay $0x1  }
0x1c1: {  	v20 =	vld.idx.msk [tilespmem:v23+s1+$0x0], $0xffff  }
.Ltmp9:
0x1c2: {  	(pc) =	sbr.rel @p0 .LBB2_16-.Ltmp9, $3  }
0x1c3: {  	v22 =	vadd.f32 $0.0e+00, v22;
	v21 =	vld.idx.msk [tilespmem:v24+s1+$0x0], $0xffff;
	_ =	sdelay $0x1  }
0x1c4: {  	v22 =	vnsel vm2, $0x0, v22;
	v24 =	vnsel vm1, $0x0, v25  }
0x1c5: {  	v23 =	vmov s3;
	s3 =	sadd.s32 $0x1, s3;
	v22 =	vadd.f32 v24, v22  }
0x1c6: {  	v23 =	vand.u32 $0x3F, v23;
	v20 =	vnsel vm3, $0x0, v20  }
0x1c7: {  	v23 =	vbroadcast v23, $0x0;
	v20 =	vadd.f32 v20, v22  }
0x1c8: {  	v19 =	vor.u32 v15, v19;
	v21 =	vnsel vm0, $0x0, v21  }
0x1c9: {  	v59 =	vor.u32 v5, v23;
	v20 =	vadd.f32 v21, v20;
	_ =	sdelay $0x1  }
0x1ca: {  	v60 =	vor.u32 v6, v23;
	v20 =	vmul.f32 v20, v18;
	_ =	sdelay $0x1  }
0x1cb: {  	v24 =	vor.u32 v7, v23;
	[tilespmem:v19+s14+$0x0] =	vst.idx.msk $0xffff, v20  }
0x1cc: {  	v19 =	vld.idx.msk [tilespmem:v59+s1+$0x0], $0xffff  }
0x1cd: {  	v20 =	vor.u32 v8, v23  }
0x1ce: {  	v21 =	vld.idx.msk [tilespmem:v60+s1+$0x0], $0xffff;
	_ =	sdelay $0x1  }
0x1cf: {  	v61 =	vld.idx.msk [tilespmem:v24+s1+$0x0], $0xffff  }
0x1d0: {  	v19 =	vadd.f32 $0.0e+00, v19  }
0x1d1: {  	v20 =	vld.idx.msk [tilespmem:v20+s1+$0x0], $0xffff  }
0x1d2: {  	v21 =	vnsel vm1, $0x0, v21;
	v19 =	vnsel vm2, $0x0, v19  }
0x1d3: {  	v19 =	vadd.f32 v21, v19  }
0x1d4: {  	v62 =	vnsel vm3, $0x0, v61  }
0x1d5: {  	v19 =	vadd.f32 v62, v19  }
0x1d6: {  	v63 =	vor.u32 v15, v23;
	v20 =	vnsel vm0, $0x0, v20  }
0x1d7: {  	v19 =	vadd.f32 v20, v19;
	_ =	sdelay $0x1  }
0x1d8: {  	v18 =	vmul.f32 v19, v18  }
0x1d9: {  	s6 =	simm.s32 $0x5E80  }
0x1da: {  	s31 =	simm.s32 $0x32;
	s8 =	simm.s32 $0x5EA3;
	s9 =	simm.s32 $0x0;
	v19 =	vimm.f32 $0.0e+00;
	[tilespmem:v63+s14+$0x0] =	vst.idx.msk $0xffff, v18;
	v18 =	vimm.f32 $0.0e+00  }
.LBB2_18:
0x1db: {  	_ =	swait.ge [sflag:s21], $0xC80  }
0x1dc: {  	[sflag:s21] =	ssyncset.done $0x0  }
0x1dd: {  	[sflag:s21] =	ssyncadd.s32 $0xFFFFF380  }
0x1de: {  	_ =	swait.ge [sflag:s21], $0x3E80  }
0x1df: {  	s3 =	sshll.u32 s9, $0x7;
	[sflag:s21] =	ssyncset.done $0x0  }
.Ltmp10:
0x1e0: {  	s3 =	sand.u32 $0x3FFFFF80, s3;
	[sflag:s21] =	ssyncadd.s32 $0xFFFFC180;
	(pc) =	sbr.rel .LBB2_19-.Ltmp10, $4  }
0x1e1: {  	v20 =	vld [tilespmem:s3+$0x2280]  }
0x1e2: {  	v21 =	vld [tilespmem:s3+$0x2290]  }
0x1e3: {  	s10 =	simm.s32 $0xFFFFFFC4;
	v22 =	vld [tilespmem:s3+$0x22A0]  }
0x1e4: {  	s11 =	simm.s32 $0xF7A0;
	s12 =	simm.s32 $0x11120;
	v24 =	vmov s6;
	s15 =	smov.u32 s5;
	v23 =	vld [tilespmem:s3+$0x22B0]  }
.LBB2_21:
0x1e5: {  	s10 =	sadd.s32 $0x4, s10  }
0x1e6: {  	p0 =	sne.s32 s10, $0x8C  }
.Ltmp11:
0x1e7: {  	_ = 	snop;
	(pc) =	sbr.rel @!p0 .LBB2_22-.Ltmp11, $2  }
0x1e8: {  	_ =	sdelay $0x2  }
0x1e9: {  	s15 =	sadd.s32 $0x1, s15;
	s11 =	sadd.s32 $0x40, s11;
	s12 =	sadd.s32 $0x140, s12  }
.LBB2_19:
0x1ea: {  	v25 =	vld [tilespmem:s11+$0xFFFFFFE0]  }
0x1eb: {  	v26 =	vld [tilespmem:s11+$0xFFFFFFF0];
	_ =	sdelay $0x1  }
0x1ec: {  	v27 =	vld [tilespmem:s11+$0x0];
	_ =	sdelay $0x1  }
0x1ed: {  	v28 =	vld [tilespmem:s11+$0x10]  }
0x1ee: {  	v25 =	vmul.f32 v25, v20;
	v26 =	vmul.f32 v26, v21;
	_ =	sdelay $0x1  }
0x1ef: {  	s7 =	sand.u32 $0xF, s15;
	v25 =	vadd.f32 v26, v25;
	v26 =	vmul.f32 v27, v22  }
0x1f0: {  	v27 =	vadd.s32 s7, v16  }
0x1f1: {  	v25 =	vadd.f32 v26, v25;
	v26 =	vmul.f32 v28, v23;
	_ =	sdelay $0x1  }
0x1f2: {  	v25 =	vadd.f32 v26, v25;
	_ =	sdelay $0x1  }
0x1f3: {  	[tilespmem:v27+s22+$0x0] =	vst.idx.msk $0xffff, v25  }
0x1f4: {  	v25 =	vld [tilespmem:s12+$0xFFFFFF60]  }
0x1f5: {  	v26 =	vld [tilespmem:s12+$0xFFFFFF70];
	_ =	sdelay $0x1  }
0x1f6: {  	v55 =	vld [tilespmem:s12+$0xFFFFFF80];
	_ =	sdelay $0x1  }
0x1f7: {  	v29 =	vld [tilespmem:s12+$0xFFFFFF90]  }
0x1f8: {  	v25 =	vmul.f32 v25, v20;
	v26 =	vmul.f32 v26, v21;
	_ =	sdelay $0x1  }
0x1f9: {  	v25 =	vadd.f32 v26, v25;
	v26 =	vmul.f32 v55, v22;
	_ =	sdelay $0x1  }
0x1fa: {  	v25 =	vadd.f32 v26, v25;
	v26 =	vmul.f32 v29, v23;
	_ =	sdelay $0x1  }
0x1fb: {  	v25 =	vadd.f32 v26, v25;
	_ =	sdelay $0x1  }
0x1fc: {  	[tilespmem:v27+s23+$0x0] =	vst.idx.msk $0xffff, v25  }
0x1fd: {  	v25 =	vld [tilespmem:s12+$0xFFFFFFA0]  }
0x1fe: {  	v26 =	vld [tilespmem:s12+$0xFFFFFFB0];
	_ =	sdelay $0x1  }
0x1ff: {  	v56 =	vld [tilespmem:s12+$0xFFFFFFC0];
	_ =	sdelay $0x1  }
0x200: {  	v57 =	vld [tilespmem:s12+$0xFFFFFFD0]  }
0x201: {  	v25 =	vmul.f32 v25, v20;
	v26 =	vmul.f32 v26, v21;
	_ =	sdelay $0x1  }
0x202: {  	v25 =	vadd.f32 v26, v25;
	v26 =	vmul.f32 v56, v22;
	_ =	sdelay $0x1  }
0x203: {  	v25 =	vadd.f32 v26, v25;
	v26 =	vmul.f32 v57, v23;
	_ =	sdelay $0x1  }
0x204: {  	v25 =	vadd.f32 v26, v25;
	_ =	sdelay $0x1  }
0x205: {  	[tilespmem:v27+s24+$0x0] =	vst.idx.msk $0xffff, v25  }
0x206: {  	v25 =	vld [tilespmem:s12+$0xFFFFFFE0]  }
0x207: {  	v26 =	vld [tilespmem:s12+$0xFFFFFFF0];
	_ =	sdelay $0x1  }
0x208: {  	v58 =	vld [tilespmem:s12+$0x0];
	_ =	sdelay $0x1  }
0x209: {  	v59 =	vld [tilespmem:s12+$0x10]  }
0x20a: {  	v25 =	vmul.f32 v25, v20;
	v26 =	vmul.f32 v26, v21;
	_ =	sdelay $0x1  }
0x20b: {  	v25 =	vadd.f32 v26, v25;
	v26 =	vmul.f32 v58, v22;
	_ =	sdelay $0x1  }
0x20c: {  	v25 =	vadd.f32 v26, v25;
	v26 =	vmul.f32 v59, v23;
	_ =	sdelay $0x1  }
0x20d: {  	v25 =	vadd.f32 v26, v25;
	_ =	sdelay $0x1  }
0x20e: {  	[tilespmem:v27+s26+$0x0] =	vst.idx.msk $0xffff, v25  }
0x20f: {  	v25 =	vld [tilespmem:s12+$0x20]  }
0x210: {  	v26 =	vld [tilespmem:s12+$0x30];
	_ =	sdelay $0x1  }
0x211: {  	v60 =	vld [tilespmem:s12+$0x40];
	_ =	sdelay $0x1  }
0x212: {  	v61 =	vld [tilespmem:s12+$0x50]  }
0x213: {  	v25 =	vmul.f32 v25, v20;
	v26 =	vmul.f32 v26, v21;
	_ =	sdelay $0x1  }
0x214: {  	v25 =	vadd.f32 v26, v25;
	v26 =	vmul.f32 v60, v22;
	_ =	sdelay $0x1  }
0x215: {  	v25 =	vadd.f32 v26, v25;
	v26 =	vmul.f32 v61, v23;
	_ =	sdelay $0x1  }
0x216: {  	v25 =	vadd.f32 v26, v25;
	_ =	sdelay $0x1  }
0x217: {  	[tilespmem:v27+s29+$0x0] =	vst.idx.msk $0xffff, v25  }
0x218: {  	v25 =	vld [tilespmem:s12+$0x60]  }
0x219: {  	v26 =	vld [tilespmem:s12+$0x70];
	_ =	sdelay $0x1  }
0x21a: {  	v62 =	vld [tilespmem:s12+$0x80];
	_ =	sdelay $0x1  }
0x21b: {  	v63 =	vld [tilespmem:s12+$0x90]  }
0x21c: {  	v25 =	vmul.f32 v25, v20;
	v26 =	vmul.f32 v26, v21;
	_ =	sdelay $0x1  }
0x21d: {  	v25 =	vadd.f32 v26, v25;
	v26 =	vmul.f32 v62, v22  }
0x21e: {  	p0 =	sne.s32 s7, $0xF  }
.Ltmp12:
0x21f: {  	v25 =	vadd.f32 v26, v25;
	v26 =	vmul.f32 v63, v23;
	(pc) =	sbr.rel @p0 .LBB2_21-.Ltmp12, $3  }
0x220: {  	_ = 	snop  }
0x221: {  	v25 =	vadd.f32 v26, v25;
	_ =	sdelay $0x1  }
0x222: {  	[tilespmem:v27+s16+$0x0] =	vst.idx.msk $0xffff, v25  }
0x223: {  	v25 =	vld [tilespmem:$0x18D80]  }
0x224: {  	v26 =	vld [tilespmem:$0x18D98]  }
0x225: {  	v27 =	vld [tilespmem:$0x18DB0]  }
0x226: {  	v28 =	vld [tilespmem:$0x18DC8]  }
0x227: {  	v29 =	vld [tilespmem:$0x18DE0]  }
0x228: {  	v30 =	vld [tilespmem:$0x18DF8]  }
0x229: {  	v31 =	vld [tilespmem:$0x18E10]  }
0x22a: {  	v32 =	vld [tilespmem:$0x18E28]  }
0x22b: {  	v33 =	vld [tilespmem:$0x18E40]  }
0x22c: {  	v34 =	vld [tilespmem:$0x18E58]  }
0x22d: {  	v35 =	vld [tilespmem:$0x18E70]  }
0x22e: {  	v36 =	vld [tilespmem:$0x18EA0];
	v25 =	vadd.f32 v26, v25  }
0x22f: {  	v37 =	vld [tilespmem:$0x18ED0]  }
0x230: {  	v45 =	vld [tilespmem:$0x18EE8];
	v25 =	vadd.f32 v27, v25  }
0x231: {  	v38 =	vld [tilespmem:$0x18F00]  }
0x232: {  	v46 =	vld [tilespmem:$0x18F18];
	v25 =	vadd.f32 v28, v25  }
0x233: {  	v39 =	vld [tilespmem:$0x18F30]  }
0x234: {  	v47 =	vld [tilespmem:$0x18F48];
	v25 =	vadd.f32 v29, v25  }
0x235: {  	v40 =	vld [tilespmem:$0x18F60]  }
0x236: {  	v48 =	vld [tilespmem:$0x18F78];
	v25 =	vadd.f32 v30, v25  }
0x237: {  	v41 =	vld [tilespmem:$0x18F90]  }
0x238: {  	v49 =	vld [tilespmem:$0x18FA8];
	v25 =	vadd.f32 v31, v25  }
0x239: {  	v42 =	vld [tilespmem:$0x18FC0]  }
0x23a: {  	v50 =	vld [tilespmem:$0x18FD8];
	v25 =	vadd.f32 v32, v25  }
0x23b: {  	v51 =	vld [tilespmem:$0x18FF0]  }
0x23c: {  	v52 =	vld [tilespmem:$0x19008];
	v25 =	vadd.f32 v33, v25  }
0x23d: {  	v26 =	vld [tilespmem:$0x18E88];
	v29 =	vadd.f32 v46, v38  }
0x23e: {  	v53 =	vld [tilespmem:$0x19020];
	v25 =	vadd.f32 v34, v25  }
0x23f: {  	v54 =	vld [tilespmem:$0x19038];
	v29 =	vadd.f32 v39, v29  }
0x240: {  	v55 =	vld [tilespmem:$0x19050];
	v25 =	vadd.f32 v35, v25  }
0x241: {  	v27 =	vld [tilespmem:$0x18EB8];
	v29 =	vadd.f32 v47, v29  }
0x242: {  	v56 =	vld [tilespmem:$0x19080];
	v25 =	vadd.f32 v26, v25  }
0x243: {  	v57 =	vld [tilespmem:$0x19098];
	v29 =	vadd.f32 v40, v29  }
0x244: {  	v58 =	vld [tilespmem:$0x190B0];
	v25 =	vadd.f32 v36, v25  }
0x245: {  	v59 =	vld [tilespmem:$0x190E0];
	v29 =	vadd.f32 v48, v29  }
0x246: {  	v60 =	vld [tilespmem:$0x190F8];
	v25 =	vadd.f32 v27, v25  }
0x247: {  	v61 =	vld [tilespmem:$0x19110];
	v29 =	vadd.f32 v41, v29  }
0x248: {  	v63 =	vld [tilespmem:$0x19128];
	v25 =	vadd.f32 v37, v25  }
0x249: {  	v29 =	vadd.f32 v49, v29;
	v27 =	vld [tilespmem:$0x190C8]  }
0x24a: {  	v43 =	vld [tilespmem:$0x19440];
	v62 =	vadd.f32 v57, v56;
	v25 =	vadd.f32 v45, v25  }
0x24b: {  	v56 =	vld [tilespmem:$0x19260];
	v29 =	vadd.f32 v42, v29  }
0x24c: {  	v57 =	vld [tilespmem:$0x19278];
	v28 =	vadd.f32 v58, v62;
	v25 =	vsub.f32 $0.0e+00, v25  }
0x24d: {  	v46 =	vld [tilespmem:$0x19158];
	v29 =	vadd.f32 v50, v29  }
0x24e: {  	v39 =	vld [tilespmem:$0x191D0];
	v27 =	vadd.f32 v27, v28;
	v49 =	vand.u32 $0x7FFFFFFF, v25  }
0x24f: {  	v47 =	vld [tilespmem:$0x19170];
	v29 =	vadd.f32 v51, v29;
	v42 =	vsub.f32 $0.0e+00, v49  }
0x250: {  	v26 =	vld [tilespmem:$0x19068];
	v27 =	vadd.f32 v59, v27  }
0x251: {  	v51 =	vld [tilespmem:$0x19200];
	v29 =	vadd.f32 v52, v29;
	v42 =	vmul.f32 $1.442695020e+00, v42  }
0x252: {  	v52 =	vld [tilespmem:$0x19218];
	v27 =	vadd.f32 v60, v27  }
0x253: {  	v45 =	vld [tilespmem:$0x19140];
	v29 =	vadd.f32 v53, v29;
	(erf) = vpow2.f32 v42  }
0x254: {  	v53 =	vld [tilespmem:$0x19230];
	v27 =	vadd.f32 v61, v27  }
0x255: {  	v48 =	vld [tilespmem:$0x19188];
	v29 =	vadd.f32 v54, v29  }
0x256: {  	v54 =	vld [tilespmem:$0x19248];
	v27 =	vadd.f32 v63, v27  }
0x257: {  	v41 =	vld [tilespmem:$0x191B8];
	v29 =	vadd.f32 v55, v29;
	v55 =	vadd.f32 v52, v51  }
0x258: {  	v35 =	vld [tilespmem:$0x191E8];
	v27 =	vadd.f32 v45, v27  }
0x259: {  	v50 =	vld [tilespmem:$0x191A0];
	v26 =	vadd.f32 v26, v29;
	v58 =	vadd.f32 v53, v55  }
0x25a: {  	v59 =	vld [tilespmem:$0x19290];
	v27 =	vadd.f32 v46, v27  }
0x25b: {  	v51 =	vld [tilespmem:$0x19320];
	v29 =	vadd.f32 v54, v58;
	v62 =	vand.u32 $0x7FFFFFFF, v26  }
0x25c: {  	v52 =	vld [tilespmem:$0x193C8];
	v36 =	vsub.f32 $0.0e+00, v62;
	v27 =	vadd.f32 v47, v27;
	v40 =	vpop (erf)  }
0x25d: {  	v60 =	vld [tilespmem:$0x192A8];
	v29 =	vadd.f32 v56, v29;
	v46 =	vadd.f32 $2.000000000e+00, v40  }
0x25e: {  	v36 =	vmul.f32 $1.442695020e+00, v36;
	v47 =	vld [tilespmem:$0x19380];
	v27 =	vadd.f32 v48, v27  }
0x25f: {  	v29 =	vadd.f32 v57, v29;
	v48 =	vld [tilespmem:$0x19398];
	(erf) = vrcp.f32 v46  }
0x260: {  	v61 =	vld [tilespmem:$0x192C0];
	v27 =	vadd.f32 v50, v27;
	(erf) = vpow2.f32 v36  }
0x261: {  	v29 =	vadd.f32 v59, v29;
	v50 =	vld [tilespmem:$0x193B0]  }
0x262: {  	v63 =	vld [tilespmem:$0x192D8];
	v27 =	vadd.f32 v41, v27  }
0x263: {  	v49 =	vld [tilespmem:$0x19308];
	v29 =	vadd.f32 v60, v29  }
0x264: {  	v45 =	vld [tilespmem:$0x192F0];
	v28 =	vadd.f32 v48, v47;
	v27 =	vadd.f32 v39, v27  }
0x265: {  	v54 =	vld [tilespmem:$0x193E0];
	v29 =	vadd.f32 v61, v29  }
0x266: {  	v53 =	vld [tilespmem:$0x19338];
	v28 =	vadd.f32 v50, v28;
	v27 =	vadd.f32 v35, v27  }
0x267: {  	v56 =	vld [tilespmem:$0x193F8];
	v29 =	vadd.f32 v63, v29  }
0x268: {  	v55 =	vld [tilespmem:$0x19350];
	v28 =	vadd.f32 v52, v28;
	v58 =	vand.u32 $0x7FFFFFFF, v27;
	v31 =	vpop (erf)  }
0x269: {  	v59 =	vld [tilespmem:$0x19410];
	v29 =	vadd.f32 v45, v29;
	v37 =	vsub.f32 $0.0e+00, v58;
	v41 =	vpop (erf)  }
0x26a: {  	v62 =	vld [tilespmem:$0x19500];
	v28 =	vadd.f32 v54, v28;
	v61 =	vadd.f32 $2.000000000e+00, v41  }
0x26b: {  	v60 =	vld [tilespmem:$0x19428];
	v29 =	vadd.f32 v49, v29;
	v37 =	vmul.f32 $1.442695020e+00, v37  }
0x26c: {  	v63 =	vld [tilespmem:$0x19518];
	v28 =	vadd.f32 v56, v28;
	(erf) = vrcp.f32 v61  }
0x26d: {  	v44 =	vld [tilespmem:$0x19530];
	v29 =	vadd.f32 v51, v29;
	(erf) = vpow2.f32 v37  }
0x26e: {  	v57 =	vld [tilespmem:$0x19368];
	v28 =	vadd.f32 v59, v28  }
0x26f: {  	v45 =	vld [tilespmem:$0x19458];
	v29 =	vadd.f32 v53, v29  }
0x270: {  	v46 =	vld [tilespmem:$0x19548];
	v28 =	vadd.f32 v60, v28  }
0x271: {  	v47 =	vld [tilespmem:$0x19470];
	v30 =	vadd.f32 v63, v62;
	v29 =	vadd.f32 v55, v29  }
0x272: {  	v48 =	vld [tilespmem:$0x19560];
	v36 =	vadd.f32 v43, v28  }
0x273: {  	v49 =	vld [tilespmem:$0x19488];
	v30 =	vadd.f32 v44, v30;
	v28 =	vadd.f32 v57, v29  }
0x274: {  	v51 =	vld [tilespmem:$0x19578];
	v50 =	vadd.f32 v45, v36  }
0x275: {  	v52 =	vld [tilespmem:$0x194A0];
	v30 =	vadd.f32 v46, v30;
	v53 =	vand.u32 $0x7FFFFFFF, v28;
	v32 =	vpop (erf)  }
0x276: {  	v54 =	vld [tilespmem:$0x19590];
	v37 =	vsub.f32 $0.0e+00, v53;
	v33 =	vadd.f32 v47, v50;
	v39 =	vpop (erf)  }
0x277: {  	v55 =	vld [tilespmem:$0x194B8];
	v30 =	vadd.f32 v48, v30;
	v56 =	vadd.f32 $2.000000000e+00, v39  }
0x278: {  	v57 =	vld [tilespmem:$0x195A8];
	v37 =	vmul.f32 $1.442695020e+00, v37;
	v29 =	vadd.f32 v49, v33  }
0x279: {  	v30 =	vadd.f32 v51, v30;
	v43 =	vld [tilespmem:$0x194D0];
	(erf) = vrcp.f32 v56  }
0x27a: {  	v58 =	vld [tilespmem:$0x195C0];
	v29 =	vadd.f32 v52, v29;
	(erf) = vpow2.f32 v37  }
0x27b: {  	v59 =	vld [tilespmem:$0x194E8];
	v30 =	vadd.f32 v54, v30  }
0x27c: {  	v60 =	vld [tilespmem:$0x195D8];
	v29 =	vadd.f32 v55, v29  }
0x27d: {  	v30 =	vadd.f32 v57, v30  }
0x27e: {  	v61 =	vld [tilespmem:$0x195F0];
	v29 =	vadd.f32 v43, v29  }
0x27f: {  	v30 =	vadd.f32 v58, v30  }
0x280: {  	v62 =	vld [tilespmem:$0x19608];
	v29 =	vadd.f32 v59, v29  }
0x281: {  	v30 =	vadd.f32 v60, v30  }
0x282: {  	v63 =	vld [tilespmem:$0x19620];
	v46 =	vand.u32 $0x7FFFFFFF, v29;
	v45 =	vpop (erf)  }
0x283: {  	v30 =	vadd.f32 v61, v30;
	v37 =	vsub.f32 $0.0e+00, v46;
	v47 =	vpop (erf)  }
0x284: {  	v56 =	vld [tilespmem:$0x19638];
	v57 =	vadd.f32 $2.000000000e+00, v47  }
0x285: {  	v30 =	vadd.f32 v62, v30;
	v58 =	vmul.f32 $1.442695020e+00, v37  }
0x286: {  	v59 =	vld [tilespmem:$0x19650];
	(erf) = vrcp.f32 v57  }
0x287: {  	v30 =	vadd.f32 v63, v30;
	(erf) = vpow2.f32 v58  }
0x288: {  	v60 =	vld [tilespmem:$0x19668]  }
0x289: {  	v30 =	vadd.f32 v56, v30;
	_ =	sdelay $0x1  }
0x28a: {  	v30 =	vadd.f32 v59, v30;
	_ =	sdelay $0x1  }
0x28b: {  	v30 =	vadd.f32 v60, v30;
	_ =	sdelay $0x1  }
0x28c: {  	v62 =	vand.u32 $0x7FFFFFFF, v30;
	v61 =	vpop (erf)  }
0x28d: {  	v35 =	vsub.f32 $0.0e+00, v62;
	v63 =	vpop (erf)  }
0x28e: {  	v48 =	vadd.f32 $2.000000000e+00, v63  }
0x28f: {  	v35 =	vmul.f32 $1.442695020e+00, v35  }
0x290: {  	(erf) = vrcp.f32 v48  }
0x291: {  	(erf) = vpow2.f32 v35;
	_ =	sdelay $0x3  }
0x292: {  	v31 =	vmul.f32 v31, v40;
	_ =	sdelay $0x1  }
0x293: {  	v49 =	vmul.f32 v31, v31;
	_ =	sdelay $0x1  }
0x294: {  	v50 =	vmul.f32 $1.111111120e-01, v49;
	v51 =	vpop (erf)  }
0x295: {  	v32 =	vmul.f32 v32, v41;
	v52 =	vpop (erf)  }
0x296: {  	v38 =	vadd.f32 $1.428571490e-01, v50;
	v53 =	vadd.f32 $2.000000000e+00, v52  }
0x297: {  	v54 =	vmul.f32 v32, v32  }
0x298: {  	v38 =	vmul.f32 v38, v49;
	(erf) = vrcp.f32 v53;
	_ =	sdelay $0x1  }
0x299: {  	v55 =	vmul.f32 $1.111111120e-01, v54;
	v38 =	vadd.f32 $2.000000030e-01, v38  }
0x29a: {  	v36 =	vmul.f32 v45, v39  }
0x29b: {  	v41 =	vadd.f32 $1.428571490e-01, v55;
	v38 =	vmul.f32 v38, v49  }
0x29c: {  	v39 =	vmul.f32 v36, v36;
	v33 =	vmul.f32 v61, v47  }
0x29d: {  	v25 =	vmax.f32 v25, $0.0e+00;
	v56 =	vmul.f32 v41, v54  }
0x29e: {  	v38 =	vadd.f32 $3.333333430e-01, v38;
	v58 =	vmul.f32 $1.111111120e-01, v39;
	v57 =	vmul.f32 v33, v33  }
0x29f: {  	v31 =	vadd.f32 v31, v31;
	v34 =	vadd.f32 $2.000000030e-01, v56;
	v37 =	vmul.f32 v51, v63  }
0x2a0: {  	v41 =	vadd.f32 $1.428571490e-01, v58;
	v35 =	vmul.f32 v38, v49;
	v44 =	vmul.f32 $1.111111120e-01, v57;
	v59 =	vpop (erf)  }
0x2a1: {  	v32 =	vadd.f32 v32, v32;
	v61 =	vmul.f32 v37, v37;
	v40 =	vmul.f32 v59, v52  }
0x2a2: {  	v34 =	vmul.f32 v34, v54;
	v41 =	vmul.f32 v41, v39;
	v35 =	vadd.f32 $1.000000000e+00, v35  }
0x2a3: {  	v60 =	vadd.f32 $1.428571490e-01, v44;
	v45 =	vmul.f32 $1.111111120e-01, v61;
	v62 =	vmul.f32 v40, v40  }
0x2a4: {  	v34 =	vadd.f32 $3.333333430e-01, v34;
	v41 =	vadd.f32 $2.000000030e-01, v41;
	v31 =	vmul.f32 v35, v31  }
0x2a5: {  	v35 =	vmul.f32 v60, v57;
	v45 =	vadd.f32 $1.428571490e-01, v45;
	v63 =	vmul.f32 $1.111111120e-01, v62  }
0x2a6: {  	v34 =	vmul.f32 v34, v54;
	v54 =	vadd.f32 v36, v36;
	v41 =	vmul.f32 v41, v39  }
0x2a7: {  	v35 =	vadd.f32 $2.000000030e-01, v35;
	v45 =	vmul.f32 v45, v61;
	v43 =	vadd.f32 $1.428571490e-01, v63  }
0x2a8: {  	v26 =	vmax.f32 v26, $0.0e+00;
	v34 =	vadd.f32 $1.000000000e+00, v34;
	v47 =	vadd.f32 $3.333333430e-01, v41  }
0x2a9: {  	v35 =	vmul.f32 v35, v57;
	v50 =	vadd.f32 $2.000000030e-01, v45;
	v48 =	vmul.f32 v43, v62  }
0x2aa: {  	v32 =	vmul.f32 v34, v32;
	v25 =	vadd.f32 v31, v25;
	v31 =	vmul.f32 v47, v39  }
0x2ab: {  	v49 =	vadd.f32 $3.333333430e-01, v35;
	v53 =	vmul.f32 v50, v61;
	v51 =	vadd.f32 $2.000000030e-01, v48  }
0x2ac: {  	v27 =	vmax.f32 v27, $0.0e+00;
	v26 =	vadd.f32 v32, v26;
	v31 =	vadd.f32 $1.000000000e+00, v31  }
0x2ad: {  	v52 =	vmul.f32 v49, v57;
	v34 =	vadd.f32 $3.333333430e-01, v53;
	v55 =	vmul.f32 v51, v62  }
0x2ae: {  	v33 =	vadd.f32 v33, v33;
	v25 =	vadd.f32 v26, v25;
	v31 =	vmul.f32 v31, v54  }
0x2af: {  	v32 =	vadd.f32 $1.000000000e+00, v52;
	v26 =	vmul.f32 v34, v61;
	v56 =	vadd.f32 $3.333333430e-01, v55  }
0x2b0: {  	v27 =	vadd.f32 v31, v27;
	v59 =	vadd.f32 v37, v37  }
0x2b1: {  	v57 =	vmul.f32 v32, v33;
	v26 =	vadd.f32 $1.000000000e+00, v26;
	v58 =	vmul.f32 v56, v62  }
0x2b2: {  	v28 =	vmax.f32 v28, $0.0e+00;
	v25 =	vadd.f32 v27, v25;
	v60 =	vadd.f32 v40, v40  }
0x2b3: {  	s3 =	sshra.s32 s10, $0x2;
	v27 =	vadd.f32 v57, v28;
	v26 =	vmul.f32 v26, v59;
	v61 =	vadd.f32 $1.000000000e+00, v58  }
0x2b4: {  	v29 =	vmax.f32 v29, $0.0e+00;
	v62 =	vld.idx.msk [tilespmem:v24+s3+$0x0 ss:$0x1], $0xffff  }
0x2b5: {  	v25 =	vadd.f32 v27, v25;
	v26 =	vadd.f32 v26, v29;
	v27 =	vmul.f32 v61, v60  }
0x2b6: {  	v63 =	vmax.f32 v30, $0.0e+00  }
0x2b7: {  	v25 =	vadd.f32 v26, v25;
	v26 =	vadd.f32 v27, v63;
	_ =	sdelay $0x1  }
0x2b8: {  	vm0 =	vne.s32 v62, $0x0;
	v25 =	vadd.f32 v26, v25  }
.Ltmp13:
0x2b9: {  	v26 =	vsel vm0, $0x3F800000, v17;
	(pc) =	sbr.rel .LBB2_21-.Ltmp13, $3  }
0x2ba: {  	v25 =	vmul.f32 v26, v25;
	_ =	sdelay $0x1  }
0x2bb: {  	v19 =	vadd.f32 v25, v19  }
0x2bc: {  	v18 =	vadd.f32 v26, v18  }
.LBB2_22:
0x2bd: {  	s10 =	sshll.u32 s9, $0x1;
	p0 =	seq.s32 s9, $0x3F  }
0x2be: {  	s3 =	sadd.s32 @!p0 $0x2, s10  }
0x2bf: {  	s7 =	smul.u32 @!p0 $0xE0, s3;
	_ =	sdelay $0x1  }
0x2c0: {  	s11 =	simm.s32 @!p0 $0x32;
	s3 =	sshll.u32 @!p0 s3, $0x8;
	s7 =	sshra.s32 @!p0 s7, $0x2  }
0x2c1: {  	s12 =	simm.s32 @!p0 $0xF780;
	s3 =	sand.u32 @!p0 $0x3FFFFF00, s3;
	s7 =	sadd.s32 @!p0 $0x4280, s7  }
0x2c2: {  	[tilespmem:s12], [sflag:$0x1] =	stream.indirect.gather @!p0 [hbm4b:s4+s11], $0x40, s7, s11, $0xb8;
	[tilespmem:$0x19690] =	vst v63  }
0x2c3: {  	s7 =	sadd.s32 @!p0 $0x7780, s3;
	s11 =	simm.s32 @!p0 $0x7D;
	s12 =	simm.s32 @!p0 $0x11080  }
0x2c4: {  	[tilespmem:s12], [sflag:$0x1] =	stream.indirect.gather @!p0 [hbm4b:s4+s11], $0x40, s7, s11, $0xb8;
	[tilespmem:$0x19690] =	vst v63  }
0x2c5: {  	s3 =	sadd.s32 @!p0 $0x7800, s3;
	s7 =	simm.s32 @!p0 $0x12FC0  }
0x2c6: {  	[tilespmem:s7], [sflag:$0x1] =	stream.indirect.gather @!p0 [hbm4b:s4+s11], $0x40, s3, s11, $0xb8;
	[tilespmem:$0x19690] =	vst v63  }
0x2c7: {  	_ =	swait.ge [sflag:s19], $0xC80  }
0x2c8: {  	[sflag:s19] =	ssyncset.done $0x0  }
0x2c9: {  	[sflag:s19] =	ssyncadd.s32 $0xFFFFF380  }
0x2ca: {  	s15 =	sshll.u32 s10, $0x6;
	_ =	swait.ge [sflag:s19], $0x3E80  }
0x2cb: {  	s3 =	sor.u32 $0x40, s15;
	[sflag:s19] =	ssyncset.done $0x0  }
.Ltmp14:
0x2cc: {  	s3 =	sand.u32 $0x3FFFFFC0, s3;
	[sflag:s19] =	ssyncadd.s32 $0xFFFFC180;
	(pc) =	sbr.rel .LBB2_23-.Ltmp14, $4  }
0x2cd: {  	v20 =	vld [tilespmem:s3+$0x2280]  }
0x2ce: {  	v21 =	vld [tilespmem:s3+$0x2290]  }
0x2cf: {  	s12 =	simm.s32 $0x10420;
	v22 =	vld [tilespmem:s3+$0x22A0]  }
0x2d0: {  	v24 =	vmov s8;
	s11 =	simm.s32 $0x0;
	s15 =	simm.s32 $0x14FA0;
	s7 =	smov.u32 s31;
	v23 =	vld [tilespmem:s3+$0x22B0]  }
.LBB2_25:
0x2d1: {  	s11 =	sadd.s32 $0x4, s11  }
0x2d2: {  	p1 =	sne.s32 s11, $0xC8  }
.Ltmp15:
0x2d3: {  	_ = 	snop;
	(pc) =	sbr.rel @!p1 .LBB2_26-.Ltmp15, $2  }
0x2d4: {  	_ =	sdelay $0x2  }
0x2d5: {  	s7 =	sadd.s32 $0x1, s7;
	s12 =	sadd.s32 $0x40, s12;
	s15 =	sadd.s32 $0x140, s15  }
.LBB2_23:
0x2d6: {  	v25 =	vld [tilespmem:s12+$0xFFFFFFE0]  }
0x2d7: {  	v26 =	vld [tilespmem:s12+$0xFFFFFFF0];
	_ =	sdelay $0x1  }
0x2d8: {  	v27 =	vld [tilespmem:s12+$0x0];
	_ =	sdelay $0x1  }
0x2d9: {  	v28 =	vld [tilespmem:s12+$0x10]  }
0x2da: {  	v25 =	vmul.f32 v25, v20;
	v26 =	vmul.f32 v26, v21;
	_ =	sdelay $0x1  }
0x2db: {  	s3 =	sand.u32 $0xF, s7;
	v25 =	vadd.f32 v26, v25;
	v26 =	vmul.f32 v27, v22  }
0x2dc: {  	v27 =	vadd.s32 s3, v16  }
0x2dd: {  	v25 =	vadd.f32 v26, v25;
	v26 =	vmul.f32 v28, v23;
	_ =	sdelay $0x1  }
0x2de: {  	v25 =	vadd.f32 v26, v25;
	_ =	sdelay $0x1  }
0x2df: {  	[tilespmem:v27+s22+$0x0] =	vst.idx.msk $0xffff, v25  }
0x2e0: {  	v25 =	vld [tilespmem:s15+$0xFFFFFF60]  }
0x2e1: {  	v26 =	vld [tilespmem:s15+$0xFFFFFF70];
	_ =	sdelay $0x1  }
0x2e2: {  	v55 =	vld [tilespmem:s15+$0xFFFFFF80];
	_ =	sdelay $0x1  }
0x2e3: {  	v29 =	vld [tilespmem:s15+$0xFFFFFF90]  }
0x2e4: {  	v25 =	vmul.f32 v25, v20;
	v26 =	vmul.f32 v26, v21;
	_ =	sdelay $0x1  }
0x2e5: {  	v25 =	vadd.f32 v26, v25;
	v26 =	vmul.f32 v55, v22;
	_ =	sdelay $0x1  }
0x2e6: {  	v25 =	vadd.f32 v26, v25;
	v26 =	vmul.f32 v29, v23;
	_ =	sdelay $0x1  }
0x2e7: {  	v25 =	vadd.f32 v26, v25;
	_ =	sdelay $0x1  }
0x2e8: {  	[tilespmem:v27+s23+$0x0] =	vst.idx.msk $0xffff, v25  }
0x2e9: {  	v25 =	vld [tilespmem:s15+$0xFFFFFFA0]  }
0x2ea: {  	v26 =	vld [tilespmem:s15+$0xFFFFFFB0];
	_ =	sdelay $0x1  }
0x2eb: {  	v56 =	vld [tilespmem:s15+$0xFFFFFFC0];
	_ =	sdelay $0x1  }
0x2ec: {  	v57 =	vld [tilespmem:s15+$0xFFFFFFD0]  }
0x2ed: {  	v25 =	vmul.f32 v25, v20;
	v26 =	vmul.f32 v26, v21;
	_ =	sdelay $0x1  }
0x2ee: {  	v25 =	vadd.f32 v26, v25;
	v26 =	vmul.f32 v56, v22;
	_ =	sdelay $0x1  }
0x2ef: {  	v25 =	vadd.f32 v26, v25;
	v26 =	vmul.f32 v57, v23;
	_ =	sdelay $0x1  }
0x2f0: {  	v25 =	vadd.f32 v26, v25;
	_ =	sdelay $0x1  }
0x2f1: {  	[tilespmem:v27+s24+$0x0] =	vst.idx.msk $0xffff, v25  }
0x2f2: {  	v25 =	vld [tilespmem:s15+$0xFFFFFFE0]  }
0x2f3: {  	v26 =	vld [tilespmem:s15+$0xFFFFFFF0];
	_ =	sdelay $0x1  }
0x2f4: {  	v58 =	vld [tilespmem:s15+$0x0];
	_ =	sdelay $0x1  }
0x2f5: {  	v59 =	vld [tilespmem:s15+$0x10]  }
0x2f6: {  	v25 =	vmul.f32 v25, v20;
	v26 =	vmul.f32 v26, v21;
	_ =	sdelay $0x1  }
0x2f7: {  	v25 =	vadd.f32 v26, v25;
	v26 =	vmul.f32 v58, v22;
	_ =	sdelay $0x1  }
0x2f8: {  	v25 =	vadd.f32 v26, v25;
	v26 =	vmul.f32 v59, v23;
	_ =	sdelay $0x1  }
0x2f9: {  	v25 =	vadd.f32 v26, v25;
	_ =	sdelay $0x1  }
0x2fa: {  	[tilespmem:v27+s26+$0x0] =	vst.idx.msk $0xffff, v25  }
0x2fb: {  	v25 =	vld [tilespmem:s15+$0x20]  }
0x2fc: {  	v26 =	vld [tilespmem:s15+$0x30];
	_ =	sdelay $0x1  }
0x2fd: {  	v60 =	vld [tilespmem:s15+$0x40];
	_ =	sdelay $0x1  }
0x2fe: {  	v61 =	vld [tilespmem:s15+$0x50]  }
0x2ff: {  	v25 =	vmul.f32 v25, v20;
	v26 =	vmul.f32 v26, v21;
	_ =	sdelay $0x1  }
0x300: {  	v25 =	vadd.f32 v26, v25;
	v26 =	vmul.f32 v60, v22;
	_ =	sdelay $0x1  }
0x301: {  	v25 =	vadd.f32 v26, v25;
	v26 =	vmul.f32 v61, v23;
	_ =	sdelay $0x1  }
0x302: {  	v25 =	vadd.f32 v26, v25;
	_ =	sdelay $0x1  }
0x303: {  	[tilespmem:v27+s29+$0x0] =	vst.idx.msk $0xffff, v25  }
0x304: {  	v25 =	vld [tilespmem:s15+$0x60]  }
0x305: {  	v26 =	vld [tilespmem:s15+$0x70];
	_ =	sdelay $0x1  }
0x306: {  	v62 =	vld [tilespmem:s15+$0x80];
	_ =	sdelay $0x1  }
0x307: {  	v63 =	vld [tilespmem:s15+$0x90]  }
0x308: {  	v25 =	vmul.f32 v25, v20;
	v26 =	vmul.f32 v26, v21;
	_ =	sdelay $0x1  }
0x309: {  	v25 =	vadd.f32 v26, v25;
	v26 =	vmul.f32 v62, v22  }
0x30a: {  	p1 =	sne.s32 s3, $0xF  }
.Ltmp16:
0x30b: {  	v25 =	vadd.f32 v26, v25;
	v26 =	vmul.f32 v63, v23;
	(pc) =	sbr.rel @p1 .LBB2_25-.Ltmp16, $3  }
0x30c: {  	_ = 	snop  }
0x30d: {  	v25 =	vadd.f32 v26, v25;
	_ =	sdelay $0x1  }
0x30e: {  	[tilespmem:v27+s16+$0x0] =	vst.idx.msk $0xffff, v25  }
0x30f: {  	v25 =	vld [tilespmem:$0x18D80]  }
0x310: {  	v26 =	vld [tilespmem:$0x18D98]  }
0x311: {  	v27 =	vld [tilespmem:$0x18DB0]  }
0x312: {  	v28 =	vld [tilespmem:$0x18DC8]  }
0x313: {  	v29 =	vld [tilespmem:$0x18DE0]  }
0x314: {  	v30 =	vld [tilespmem:$0x18DF8]  }
0x315: {  	v31 =	vld [tilespmem:$0x18E10]  }
0x316: {  	v32 =	vld [tilespmem:$0x18E28]  }
0x317: {  	v33 =	vld [tilespmem:$0x18E40]  }
0x318: {  	v34 =	vld [tilespmem:$0x18E58]  }
0x319: {  	v35 =	vld [tilespmem:$0x18E70]  }
0x31a: {  	v36 =	vld [tilespmem:$0x18EA0];
	v25 =	vadd.f32 v26, v25  }
0x31b: {  	v37 =	vld [tilespmem:$0x18ED0]  }
0x31c: {  	v45 =	vld [tilespmem:$0x18EE8];
	v25 =	vadd.f32 v27, v25  }
0x31d: {  	v38 =	vld [tilespmem:$0x18F00]  }
0x31e: {  	v46 =	vld [tilespmem:$0x18F18];
	v25 =	vadd.f32 v28, v25  }
0x31f: {  	v39 =	vld [tilespmem:$0x18F30]  }
0x320: {  	v47 =	vld [tilespmem:$0x18F48];
	v25 =	vadd.f32 v29, v25  }
0x321: {  	v40 =	vld [tilespmem:$0x18F60]  }
0x322: {  	v48 =	vld [tilespmem:$0x18F78];
	v25 =	vadd.f32 v30, v25  }
0x323: {  	v41 =	vld [tilespmem:$0x18F90]  }
0x324: {  	v49 =	vld [tilespmem:$0x18FA8];
	v25 =	vadd.f32 v31, v25  }
0x325: {  	v42 =	vld [tilespmem:$0x18FC0]  }
0x326: {  	v50 =	vld [tilespmem:$0x18FD8];
	v25 =	vadd.f32 v32, v25  }
0x327: {  	v51 =	vld [tilespmem:$0x18FF0]  }
0x328: {  	v52 =	vld [tilespmem:$0x19008];
	v25 =	vadd.f32 v33, v25  }
0x329: {  	v26 =	vld [tilespmem:$0x18E88];
	v29 =	vadd.f32 v46, v38  }
0x32a: {  	v53 =	vld [tilespmem:$0x19020];
	v25 =	vadd.f32 v34, v25  }
0x32b: {  	v54 =	vld [tilespmem:$0x19038];
	v29 =	vadd.f32 v39, v29  }
0x32c: {  	v55 =	vld [tilespmem:$0x19050];
	v25 =	vadd.f32 v35, v25  }
0x32d: {  	v27 =	vld [tilespmem:$0x18EB8];
	v29 =	vadd.f32 v47, v29  }
0x32e: {  	v56 =	vld [tilespmem:$0x19080];
	v25 =	vadd.f32 v26, v25  }
0x32f: {  	v57 =	vld [tilespmem:$0x19098];
	v29 =	vadd.f32 v40, v29  }
0x330: {  	v58 =	vld [tilespmem:$0x190B0];
	v25 =	vadd.f32 v36, v25  }
0x331: {  	v59 =	vld [tilespmem:$0x190E0];
	v29 =	vadd.f32 v48, v29  }
0x332: {  	v60 =	vld [tilespmem:$0x190F8];
	v25 =	vadd.f32 v27, v25  }
0x333: {  	v61 =	vld [tilespmem:$0x19110];
	v29 =	vadd.f32 v41, v29  }
0x334: {  	v63 =	vld [tilespmem:$0x19128];
	v25 =	vadd.f32 v37, v25  }
0x335: {  	v29 =	vadd.f32 v49, v29;
	v27 =	vld [tilespmem:$0x190C8]  }
0x336: {  	v43 =	vld [tilespmem:$0x19440];
	v62 =	vadd.f32 v57, v56;
	v25 =	vadd.f32 v45, v25  }
0x337: {  	v56 =	vld [tilespmem:$0x19260];
	v29 =	vadd.f32 v42, v29  }
0x338: {  	v57 =	vld [tilespmem:$0x19278];
	v28 =	vadd.f32 v58, v62;
	v25 =	vsub.f32 $0.0e+00, v25  }
0x339: {  	v46 =	vld [tilespmem:$0x19158];
	v29 =	vadd.f32 v50, v29  }
0x33a: {  	v39 =	vld [tilespmem:$0x191D0];
	v27 =	vadd.f32 v27, v28;
	v49 =	vand.u32 $0x7FFFFFFF, v25  }
0x33b: {  	v47 =	vld [tilespmem:$0x19170];
	v29 =	vadd.f32 v51, v29;
	v42 =	vsub.f32 $0.0e+00, v49  }
0x33c: {  	v26 =	vld [tilespmem:$0x19068];
	v27 =	vadd.f32 v59, v27  }
0x33d: {  	v51 =	vld [tilespmem:$0x19200];
	v29 =	vadd.f32 v52, v29;
	v42 =	vmul.f32 $1.442695020e+00, v42  }
0x33e: {  	v52 =	vld [tilespmem:$0x19218];
	v27 =	vadd.f32 v60, v27  }
0x33f: {  	v45 =	vld [tilespmem:$0x19140];
	v29 =	vadd.f32 v53, v29;
	(erf) = vpow2.f32 v42  }
0x340: {  	v53 =	vld [tilespmem:$0x19230];
	v27 =	vadd.f32 v61, v27  }
0x341: {  	v48 =	vld [tilespmem:$0x19188];
	v29 =	vadd.f32 v54, v29  }
0x342: {  	v54 =	vld [tilespmem:$0x19248];
	v27 =	vadd.f32 v63, v27  }
0x343: {  	v41 =	vld [tilespmem:$0x191B8];
	v29 =	vadd.f32 v55, v29;
	v55 =	vadd.f32 v52, v51  }
0x344: {  	v35 =	vld [tilespmem:$0x191E8];
	v27 =	vadd.f32 v45, v27  }
0x345: {  	v50 =	vld [tilespmem:$0x191A0];
	v26 =	vadd.f32 v26, v29;
	v58 =	vadd.f32 v53, v55  }
0x346: {  	v59 =	vld [tilespmem:$0x19290];
	v27 =	vadd.f32 v46, v27  }
0x347: {  	v51 =	vld [tilespmem:$0x19320];
	v29 =	vadd.f32 v54, v58;
	v62 =	vand.u32 $0x7FFFFFFF, v26  }
0x348: {  	v52 =	vld [tilespmem:$0x193C8];
	v36 =	vsub.f32 $0.0e+00, v62;
	v27 =	vadd.f32 v47, v27;
	v40 =	vpop (erf)  }
0x349: {  	v60 =	vld [tilespmem:$0x192A8];
	v29 =	vadd.f32 v56, v29;
	v46 =	vadd.f32 $2.000000000e+00, v40  }
0x34a: {  	v36 =	vmul.f32 $1.442695020e+00, v36;
	v47 =	vld [tilespmem:$0x19380];
	v27 =	vadd.f32 v48, v27  }
0x34b: {  	v29 =	vadd.f32 v57, v29;
	v48 =	vld [tilespmem:$0x19398];
	(erf) = vrcp.f32 v46  }
0x34c: {  	v61 =	vld [tilespmem:$0x192C0];
	v27 =	vadd.f32 v50, v27;
	(erf) = vpow2.f32 v36  }
0x34d: {  	v29 =	vadd.f32 v59, v29;
	v50 =	vld [tilespmem:$0x193B0]  }
0x34e: {  	v63 =	vld [tilespmem:$0x192D8];
	v27 =	vadd.f32 v41, v27  }
0x34f: {  	v49 =	vld [tilespmem:$0x19308];
	v29 =	vadd.f32 v60, v29  }
0x350: {  	v45 =	vld [tilespmem:$0x192F0];
	v28 =	vadd.f32 v48, v47;
	v27 =	vadd.f32 v39, v27  }
0x351: {  	v54 =	vld [tilespmem:$0x193E0];
	v29 =	vadd.f32 v61, v29  }
0x352: {  	v53 =	vld [tilespmem:$0x19338];
	v28 =	vadd.f32 v50, v28;
	v27 =	vadd.f32 v35, v27  }
0x353: {  	v56 =	vld [tilespmem:$0x193F8];
	v29 =	vadd.f32 v63, v29  }
0x354: {  	v55 =	vld [tilespmem:$0x19350];
	v28 =	vadd.f32 v52, v28;
	v58 =	vand.u32 $0x7FFFFFFF, v27;
	v31 =	vpop (erf)  }
0x355: {  	v59 =	vld [tilespmem:$0x19410];
	v29 =	vadd.f32 v45, v29;
	v37 =	vsub.f32 $0.0e+00, v58;
	v41 =	vpop (erf)  }
0x356: {  	v62 =	vld [tilespmem:$0x19500];
	v28 =	vadd.f32 v54, v28;
	v61 =	vadd.f32 $2.000000000e+00, v41  }
0x357: {  	v60 =	vld [tilespmem:$0x19428];
	v29 =	vadd.f32 v49, v29;
	v37 =	vmul.f32 $1.442695020e+00, v37  }
0x358: {  	v63 =	vld [tilespmem:$0x19518];
	v28 =	vadd.f32 v56, v28;
	(erf) = vrcp.f32 v61  }
0x359: {  	v44 =	vld [tilespmem:$0x19530];
	v29 =	vadd.f32 v51, v29;
	(erf) = vpow2.f32 v37  }
0x35a: {  	v57 =	vld [tilespmem:$0x19368];
	v28 =	vadd.f32 v59, v28  }
0x35b: {  	v45 =	vld [tilespmem:$0x19458];
	v29 =	vadd.f32 v53, v29  }
0x35c: {  	v46 =	vld [tilespmem:$0x19548];
	v28 =	vadd.f32 v60, v28  }
0x35d: {  	v47 =	vld [tilespmem:$0x19470];
	v30 =	vadd.f32 v63, v62;
	v29 =	vadd.f32 v55, v29  }
0x35e: {  	v48 =	vld [tilespmem:$0x19560];
	v36 =	vadd.f32 v43, v28  }
0x35f: {  	v49 =	vld [tilespmem:$0x19488];
	v30 =	vadd.f32 v44, v30;
	v28 =	vadd.f32 v57, v29  }
0x360: {  	v51 =	vld [tilespmem:$0x19578];
	v50 =	vadd.f32 v45, v36  }
0x361: {  	v52 =	vld [tilespmem:$0x194A0];
	v30 =	vadd.f32 v46, v30;
	v53 =	vand.u32 $0x7FFFFFFF, v28;
	v32 =	vpop (erf)  }
0x362: {  	v54 =	vld [tilespmem:$0x19590];
	v37 =	vsub.f32 $0.0e+00, v53;
	v33 =	vadd.f32 v47, v50;
	v39 =	vpop (erf)  }
0x363: {  	v55 =	vld [tilespmem:$0x194B8];
	v30 =	vadd.f32 v48, v30;
	v56 =	vadd.f32 $2.000000000e+00, v39  }
0x364: {  	v57 =	vld [tilespmem:$0x195A8];
	v37 =	vmul.f32 $1.442695020e+00, v37;
	v29 =	vadd.f32 v49, v33  }
0x365: {  	v30 =	vadd.f32 v51, v30;
	v43 =	vld [tilespmem:$0x194D0];
	(erf) = vrcp.f32 v56  }
0x366: {  	v58 =	vld [tilespmem:$0x195C0];
	v29 =	vadd.f32 v52, v29;
	(erf) = vpow2.f32 v37  }
0x367: {  	v59 =	vld [tilespmem:$0x194E8];
	v30 =	vadd.f32 v54, v30  }
0x368: {  	v60 =	vld [tilespmem:$0x195D8];
	v29 =	vadd.f32 v55, v29  }
0x369: {  	v30 =	vadd.f32 v57, v30  }
0x36a: {  	v61 =	vld [tilespmem:$0x195F0];
	v29 =	vadd.f32 v43, v29  }
0x36b: {  	v30 =	vadd.f32 v58, v30  }
0x36c: {  	v62 =	vld [tilespmem:$0x19608];
	v29 =	vadd.f32 v59, v29  }
0x36d: {  	v30 =	vadd.f32 v60, v30  }
0x36e: {  	v63 =	vld [tilespmem:$0x19620];
	v46 =	vand.u32 $0x7FFFFFFF, v29;
	v45 =	vpop (erf)  }
0x36f: {  	v30 =	vadd.f32 v61, v30;
	v37 =	vsub.f32 $0.0e+00, v46;
	v47 =	vpop (erf)  }
0x370: {  	v56 =	vld [tilespmem:$0x19638];
	v57 =	vadd.f32 $2.000000000e+00, v47  }
0x371: {  	v30 =	vadd.f32 v62, v30;
	v58 =	vmul.f32 $1.442695020e+00, v37  }
0x372: {  	v59 =	vld [tilespmem:$0x19650];
	(erf) = vrcp.f32 v57  }
0x373: {  	v30 =	vadd.f32 v63, v30;
	(erf) = vpow2.f32 v58  }
0x374: {  	v60 =	vld [tilespmem:$0x19668]  }
0x375: {  	v30 =	vadd.f32 v56, v30;
	_ =	sdelay $0x1  }
0x376: {  	v30 =	vadd.f32 v59, v30;
	_ =	sdelay $0x1  }
0x377: {  	v30 =	vadd.f32 v60, v30;
	_ =	sdelay $0x1  }
0x378: {  	v62 =	vand.u32 $0x7FFFFFFF, v30;
	v61 =	vpop (erf)  }
0x379: {  	v35 =	vsub.f32 $0.0e+00, v62;
	v63 =	vpop (erf)  }
0x37a: {  	v48 =	vadd.f32 $2.000000000e+00, v63  }
0x37b: {  	v35 =	vmul.f32 $1.442695020e+00, v35  }
0x37c: {  	(erf) = vrcp.f32 v48  }
0x37d: {  	(erf) = vpow2.f32 v35;
	_ =	sdelay $0x3  }
0x37e: {  	v31 =	vmul.f32 v31, v40;
	_ =	sdelay $0x1  }
0x37f: {  	v49 =	vmul.f32 v31, v31;
	_ =	sdelay $0x1  }
0x380: {  	v50 =	vmul.f32 $1.111111120e-01, v49;
	v51 =	vpop (erf)  }
0x381: {  	v32 =	vmul.f32 v32, v41;
	v52 =	vpop (erf)  }
0x382: {  	v38 =	vadd.f32 $1.428571490e-01, v50;
	v53 =	vadd.f32 $2.000000000e+00, v52  }
0x383: {  	v54 =	vmul.f32 v32, v32  }
0x384: {  	v38 =	vmul.f32 v38, v49;
	(erf) = vrcp.f32 v53;
	_ =	sdelay $0x1  }
0x385: {  	v55 =	vmul.f32 $1.111111120e-01, v54;
	v38 =	vadd.f32 $2.000000030e-01, v38  }
0x386: {  	v36 =	vmul.f32 v45, v39  }
0x387: {  	v41 =	vadd.f32 $1.428571490e-01, v55;
	v38 =	vmul.f32 v38, v49  }
0x388: {  	v39 =	vmul.f32 v36, v36;
	v33 =	vmul.f32 v61, v47  }
0x389: {  	v25 =	vmax.f32 v25, $0.0e+00;
	v56 =	vmul.f32 v41, v54  }
0x38a: {  	v38 =	vadd.f32 $3.333333430e-01, v38;
	v58 =	vmul.f32 $1.111111120e-01, v39;
	v57 =	vmul.f32 v33, v33  }
0x38b: {  	v31 =	vadd.f32 v31, v31;
	v34 =	vadd.f32 $2.000000030e-01, v56;
	v37 =	vmul.f32 v51, v63  }
0x38c: {  	v41 =	vadd.f32 $1.428571490e-01, v58;
	v35 =	vmul.f32 v38, v49;
	v44 =	vmul.f32 $1.111111120e-01, v57;
	v59 =	vpop (erf)  }
0x38d: {  	v32 =	vadd.f32 v32, v32;
	v61 =	vmul.f32 v37, v37;
	v40 =	vmul.f32 v59, v52  }
0x38e: {  	v34 =	vmul.f32 v34, v54;
	v41 =	vmul.f32 v41, v39;
	v35 =	vadd.f32 $1.000000000e+00, v35  }
0x38f: {  	v60 =	vadd.f32 $1.428571490e-01, v44;
	v45 =	vmul.f32 $1.111111120e-01, v61;
	v62 =	vmul.f32 v40, v40  }
0x390: {  	v34 =	vadd.f32 $3.333333430e-01, v34;
	v41 =	vadd.f32 $2.000000030e-01, v41;
	v31 =	vmul.f32 v35, v31  }
0x391: {  	v35 =	vmul.f32 v60, v57;
	v45 =	vadd.f32 $1.428571490e-01, v45;
	v63 =	vmul.f32 $1.111111120e-01, v62  }
0x392: {  	v34 =	vmul.f32 v34, v54;
	v54 =	vadd.f32 v36, v36;
	v41 =	vmul.f32 v41, v39  }
0x393: {  	v35 =	vadd.f32 $2.000000030e-01, v35;
	v45 =	vmul.f32 v45, v61;
	v43 =	vadd.f32 $1.428571490e-01, v63  }
0x394: {  	v26 =	vmax.f32 v26, $0.0e+00;
	v34 =	vadd.f32 $1.000000000e+00, v34;
	v47 =	vadd.f32 $3.333333430e-01, v41  }
0x395: {  	v35 =	vmul.f32 v35, v57;
	v50 =	vadd.f32 $2.000000030e-01, v45;
	v48 =	vmul.f32 v43, v62  }
0x396: {  	v32 =	vmul.f32 v34, v32;
	v25 =	vadd.f32 v31, v25;
	v31 =	vmul.f32 v47, v39  }
0x397: {  	v49 =	vadd.f32 $3.333333430e-01, v35;
	v53 =	vmul.f32 v50, v61;
	v51 =	vadd.f32 $2.000000030e-01, v48  }
0x398: {  	v27 =	vmax.f32 v27, $0.0e+00;
	v26 =	vadd.f32 v32, v26;
	v31 =	vadd.f32 $1.000000000e+00, v31  }
0x399: {  	v52 =	vmul.f32 v49, v57;
	v34 =	vadd.f32 $3.333333430e-01, v53;
	v55 =	vmul.f32 v51, v62  }
0x39a: {  	v33 =	vadd.f32 v33, v33;
	v25 =	vadd.f32 v26, v25;
	v31 =	vmul.f32 v31, v54  }
0x39b: {  	v32 =	vadd.f32 $1.000000000e+00, v52;
	v26 =	vmul.f32 v34, v61;
	v56 =	vadd.f32 $3.333333430e-01, v55  }
0x39c: {  	v27 =	vadd.f32 v31, v27;
	v59 =	vadd.f32 v37, v37  }
0x39d: {  	v57 =	vmul.f32 v32, v33;
	v26 =	vadd.f32 $1.000000000e+00, v26;
	v58 =	vmul.f32 v56, v62  }
0x39e: {  	v28 =	vmax.f32 v28, $0.0e+00;
	v25 =	vadd.f32 v27, v25;
	v60 =	vadd.f32 v40, v40  }
0x39f: {  	s3 =	sshra.s32 s11, $0x2;
	v27 =	vadd.f32 v57, v28;
	v26 =	vmul.f32 v26, v59;
	v61 =	vadd.f32 $1.000000000e+00, v58  }
0x3a0: {  	v29 =	vmax.f32 v29, $0.0e+00;
	v62 =	vld.idx.msk [tilespmem:v24+s3+$0x0 ss:$0x1], $0xffff  }
0x3a1: {  	v25 =	vadd.f32 v27, v25;
	v26 =	vadd.f32 v26, v29;
	v27 =	vmul.f32 v61, v60  }
0x3a2: {  	v63 =	vmax.f32 v30, $0.0e+00  }
0x3a3: {  	v25 =	vadd.f32 v26, v25;
	v26 =	vadd.f32 v27, v63;
	_ =	sdelay $0x1  }
0x3a4: {  	vm0 =	vne.s32 v62, $0x0;
	v25 =	vadd.f32 v26, v25  }
.Ltmp17:
0x3a5: {  	v26 =	vsel vm0, $0x3F800000, v17;
	(pc) =	sbr.rel .LBB2_25-.Ltmp17, $3  }
0x3a6: {  	v25 =	vmul.f32 v26, v25;
	_ =	sdelay $0x1  }
0x3a7: {  	v19 =	vadd.f32 v25, v19  }
0x3a8: {  	v18 =	vadd.f32 v26, v18  }
.LBB2_26:
.Ltmp18:
0x3a9: {  	(pc) =	sbr.rel @p0 .LBB2_28-.Ltmp18, $1  }
0x3aa: {  	_ =	sdelay $0x3  }
0x3ab: {  	s3 =	sadd.s32 $0x3, s10  }
0x3ac: {  	s7 =	smul.u32 $0xE0, s3;
	_ =	sdelay $0x1  }
0x3ad: {  	s7 =	sshra.s32 s7, $0x2  }
0x3ae: {  	s3 =	sshll.u32 s3, $0x8;
	s7 =	sadd.s32 $0x4280, s7  }
0x3af: {  	[tilespmem:s25], [sflag:$0x2] =	stream.indirect.gather [hbm4b:s4+s18], $0x40, s7, s18, $0xb8;
	[tilespmem:$0x19690] =	vst v63  }
.Ltmp19:
0x3b0: {  	s9 =	sadd.s32 $0x1, s9;
	s3 =	sand.u32 $0x3FFFFF00, s3;
	(pc) =	sbr.rel .LBB2_18-.Ltmp19, $4  }
0x3b1: {  	s5 =	sadd.s32 $0x64, s5;
	s6 =	sadd.s32 $0x64, s6;
	s15 =	sadd.s32 $0x7780, s3  }
0x3b2: {  	[tilespmem:s28], [sflag:$0x2] =	stream.indirect.gather [hbm4b:s4+s20], $0x40, s15, s20, $0xb8;
	[tilespmem:$0x19690] =	vst v63  }
0x3b3: {  	s31 =	sadd.s32 $0x64, s31;
	s8 =	sadd.s32 $0x64, s8;
	s3 =	sadd.s32 $0x7800, s3  }
0x3b4: {  	[tilespmem:s30], [sflag:$0x2] =	stream.indirect.gather [hbm4b:s4+s20], $0x40, s3, s20, $0xb8;
	[tilespmem:$0x19690] =	vst v63  }
.LBB2_29:
0x3b5: {  	_ =	sfence.sel $0x180000  }
0x3b6: {  	[bflag:$0x0] =	sbarrier.arrive $0xFFFF  }
0x3b7: {  	_ =	strace $0x90000047  }
0x3b8: {  	s0 =	stileid.u32;
	[bflag:$0x2] =	sbarrier.arrive $0xFFFF  }
0x3b9: {  	p0 =	sne.s32 s0, $0x0;
	s0 =	rddreg [dreg:$0x2]  }
0x3ba: {  	s0 =	sadd.s32 @!p0 $0x100000, s0  }
0x3bb: {  	[sflag:s0] =	ssyncadd.tile.s32 @!p0 $0x1;
	_ =	shalt  }
.Lfunc_end2:
_tile_overlayer_lowered:
.L_overlay_start_2:
0x3bc: {  	(tag) =	ssettag $0x2  }
0x3bd: {  	s0 =	rddreg [dreg:$0x0];
	s2 =	stileid.u32  }
0x3be: {  	s1 =	rddreg [dreg:$0x1];
	p0 =	sne.s32 s2, $0x0  }
0x3bf: {  	s3 =	rddreg [dreg:$0x2];
	[bflag:$0x3] =	sbarrier.arrive $0xFFFF;
	s2 =	simm.s32 @!p0 $0x1C04  }
0x3c0: {  	[timem:s3], [sflag:s2] =	dma.local @!p0 [hbm:s0], s1  }
0x3c1: {  	s0 =	simm.s32 @!p0 $0x4  }
0x3c2: {  	_ =	swait.ge @!p0 [sflag:s0], s1  }
0x3c3: {  	s1 =	ssub.s32 @!p0 $0x0, s1;
	[sflag:s0] =	ssyncset.done @!p0 $0x0  }
0x3c4: {  	[sflag:s0] =	ssyncadd.s32 @!p0 s1  }
0x3c5: {  	[bflag:$0x3] =	sbarrier.arrive $0xFFFF  }
0x3c6: {  	_ =	shalt  }

</sc_bundles>
